<compile_context>
chip_gen: v7x
topology: tpu7x:2x2x1
jax: 0.10.2.dev20260603
libtpu: 0.0.44.dev20260713+nightly
codegen_flags: <defaults>
</compile_context>

<pallas_src>
import functools

import jax
import jax.numpy as jnp
from jax import lax
from jax.experimental import pallas as pl
from jax.experimental.pallas import tpu as pltpu
from jax.experimental.pallas import tpu_sc as plsc

MIN_VAL = 0
MAX_VAL = 999999
OUTPUT_DIM = 64
BATCH = 16384
SLAB = 128
NBUF = 8

_KERNEL_CACHE = {}


def _make_gather_kernel(batch, vocab, dim):
    info = plsc.get_sparse_core_info()
    num_cores, num_subcores, lanes = (
        info.num_cores,
        info.num_subcores,
        info.num_lanes,
    )
    num_workers = num_cores * num_subcores
    b_per_w = batch // num_workers
    n_chunk = b_per_w // lanes
    tail_start = (vocab // SLAB) * SLAB
    last_full = tail_start - SLAB
    mesh = plsc.VectorSubcoreMesh(core_axis_name="c", subcore_axis_name="s")

    @functools.partial(
        pl.kernel,
        mesh=mesh,
        compiler_params=pltpu.CompilerParams(
            use_tc_tiling_on_sc=True, needs_layout_passes=False
        ),
        out_type=jax.ShapeDtypeStruct((batch, SLAB), jnp.float32),
        scratch_types=[
            pltpu.VMEM((b_per_w,), jnp.int32),
            *[pltpu.VMEM((dim, SLAB), jnp.float32) for _ in range(NBUF)],
            pltpu.VMEM((lanes, SLAB), jnp.float32),
            pltpu.VMEM((SLAB, SLAB), jnp.float32),
            *[pltpu.SemaphoreType.DMA for _ in range(NBUF)],
            pltpu.SemaphoreType.DMA,
            pltpu.SemaphoreType.DMA,
        ],
    )
    def gather_kernel(ints_hbm, tableT_hbm, tail_hbm, out_hbm, idx_v, *refs):
        slabs = refs[:NBUF]
        ring = refs[NBUF]
        tail_v = refs[NBUF + 1]
        slab_sems = refs[NBUF + 2 : 2 * NBUF + 2]
        out_sem = refs[2 * NBUF + 2]
        tail_sem = refs[2 * NBUF + 3]

        wid = lax.axis_index("s") * num_cores + lax.axis_index("c")
        base = wid * b_per_w
        cvecs = [lax.iota(jnp.int32, lanes) + g * lanes for g in range(dim // lanes)]

        pltpu.sync_copy(ints_hbm.at[pl.ds(base, b_per_w)], idx_v)
        pltpu.async_copy(tail_hbm, tail_v, tail_sem)
        for t in range(n_chunk):
            sl = pl.ds(t * lanes, lanes)
            idx_v[sl] = (
                jnp.minimum(jnp.maximum(idx_v[sl], MIN_VAL), MAX_VAL) - MIN_VAL
            )

        def slab_start(r):
            return pl.multiple_of(
                jnp.minimum(lax.bitwise_and(r, -SLAB), last_full), SLAB
            )

        def fire(vec, l):
            r = vec[l % lanes]
            pltpu.async_copy(
                tableT_hbm.at[:, pl.ds(slab_start(r), SLAB)],
                slabs[l % NBUF],
                slab_sems[l % NBUF],
            )

        def extract(vec, c, l):
            s = l % NBUF
            pltpu.make_async_copy(
                tableT_hbm.at[:, pl.ds(0, SLAB)], slabs[s], slab_sems[s]
            ).wait()
            r = vec[l]
            lr = jnp.minimum(r - slab_start(r), SLAB - 1)
            lr_splat = jnp.full((lanes,), lr, jnp.int32)
            row = ring.at[l]
            for g in range(dim // lanes):
                row[pl.ds(g * lanes, lanes)] = plsc.load_gather(
                    slabs[s], [cvecs[g], lr_splat]
                )
            pltpu.async_copy(
                ring.at[pl.ds(l, 1), :],
                out_hbm.at[pl.ds(base + c * lanes + l, 1)],
                out_sem,
            )

        def out_drain():
            pltpu.make_async_copy(
                tableT_hbm.at[pl.ds(0, 1), pl.ds(0, SLAB)],
                ring.at[pl.ds(0, 1), :],
                out_sem,
            ).wait()

        def chunk_body(c, _):
            @pl.when(c > 0)
            def _():
                for _i in range(lanes):
                    out_drain()

            vec = idx_v[pl.ds(c * lanes, lanes)]
            for l in range(min(NBUF, lanes)):
                fire(vec, l)
            for l in range(lanes - NBUF):
                extract(vec, c, l)
                fire(vec, l + NBUF)
            for l in range(max(lanes - NBUF, 0), lanes):
                extract(vec, c, l)
            return 0

        lax.fori_loop(0, n_chunk, chunk_body, 0)
        for _i in range(lanes):
            out_drain()

        pltpu.make_async_copy(tail_hbm, tail_v, tail_sem).wait()

        def fixup_body(c, _):
            vec = idx_v[pl.ds(c * lanes, lanes)]
            n_tail = plsc.all_reduce_population_count(vec >= tail_start)

            @pl.when(n_tail[0] > 0)
            def _():
                for l in range(lanes):
                    r = vec[l]

                    @pl.when(r >= tail_start)
                    def _():
                        lr_splat = jnp.full((lanes,), r - tail_start, jnp.int32)
                        row = ring.at[0]
                        for g in range(dim // lanes):
                            row[pl.ds(g * lanes, lanes)] = plsc.load_gather(
                                tail_v, [lr_splat, cvecs[g]]
                            )
                        pltpu.async_copy(
                            ring.at[pl.ds(0, 1), :],
                            out_hbm.at[pl.ds(base + c * lanes + l, 1)],
                            tail_sem,
                        )
                        pltpu.make_async_copy(
                            tableT_hbm.at[pl.ds(0, 1), pl.ds(0, SLAB)],
                            ring.at[pl.ds(0, 1), :],
                            tail_sem,
                        ).wait()

            return 0

        lax.fori_loop(0, n_chunk, fixup_body, 0)

    return gather_kernel


def kernel(ints, table):
    batch = ints.shape[0]
    vocab, dim = table.shape
    key = (batch, vocab, dim)
    if key not in _KERNEL_CACHE:
        _KERNEL_CACHE[key] = _make_gather_kernel(batch, vocab, dim)
    tail_start = (vocab // SLAB) * SLAB
    tail_pad = (
        jnp.zeros((SLAB, SLAB), jnp.float32)
        .at[: vocab - tail_start, :dim]
        .set(table[tail_start:])
    )
    out = _KERNEL_CACHE[key](ints.astype(jnp.int32), table.T, tail_pad)
    mask = jnp.ones((batch, 1), dtype=jnp.float32)
    return out[:, :dim][:, None, :], mask

# --- scband reference (transcript-rebuilt; emitter-appended) ---
"""Pipeline reference for scband-int-conditioner-24472723652691 (READ-ONLY COPY).

The authoritative reference and input builder live on the scoring server;
editing this copy changes nothing except your own understanding.
"""

import jax, jax.numpy as jnp
import numpy as np

MIN_VAL = 0
MAX_VAL = 999999
OUTPUT_DIM = 64
BATCH = 16384
VOCAB = MAX_VAL - MIN_VAL + 1

def setup_inputs(seed: int = 0) -> dict:
    key = jax.random.key(seed)
    k1, k2 = jax.random.split(key)
    ints = jax.random.randint(k1, (BATCH,), 0, 1000000, dtype=jnp.int64 if jax.config.jax_enable_x64 else jnp.int32)
    table = jax.random.normal(k2, (VOCAB, OUTPUT_DIM), dtype=jnp.float32)
    return {"ints": ints, "table": table}

def reference(ints, table):
    # ints = ints.clamp(min_val, max_val)
    idx = jnp.clip(ints, MIN_VAL, MAX_VAL) - MIN_VAL
    # int_embeds = self.int_embedder(ints).unsqueeze(1)
    int_embeds = jnp.take(table, idx, axis=0)[:, None, :]
    mask = jnp.ones((int_embeds.shape[0], 1), dtype=jnp.float32)
    return (int_embeds, mask)

if __name__ == "__main__":
    import jax
    _d = setup_inputs()
    print(jax.jit(kernel)(*tuple(_d.values())))

</pallas_src>

<mosaic_0001>
#map = affine_map<(d0, d1) -> (0)>
#map1 = affine_map<(d0, d1) -> (0, 0)>
module attributes {stable_mosaic.version = 14 : i64} {
  func.func @gather_kernel(%arg0: i32, %arg1: i32, %arg2: memref<16384xi32, #tpu.memory_space<hbm>>, %arg3: memref<64x1000000xf32, #tpu.memory_space<hbm>>, %arg4: memref<128x128xf32, #tpu.memory_space<hbm>>, %arg5: memref<16384x128xf32, #tpu.memory_space<hbm>>, %arg6: memref<512xi32, #tpu.memory_space<vmem>>, %arg7: memref<64x128xf32, #tpu.memory_space<vmem>>, %arg8: memref<64x128xf32, #tpu.memory_space<vmem>>, %arg9: memref<64x128xf32, #tpu.memory_space<vmem>>, %arg10: memref<64x128xf32, #tpu.memory_space<vmem>>, %arg11: memref<64x128xf32, #tpu.memory_space<vmem>>, %arg12: memref<64x128xf32, #tpu.memory_space<vmem>>, %arg13: memref<64x128xf32, #tpu.memory_space<vmem>>, %arg14: memref<64x128xf32, #tpu.memory_space<vmem>>, %arg15: memref<16x128xf32, #tpu.memory_space<vmem>>, %arg16: memref<128x128xf32, #tpu.memory_space<vmem>>, %arg17: memref<!tpu.dma_semaphore, #tpu.memory_space<semaphore_mem>>, %arg18: memref<!tpu.dma_semaphore, #tpu.memory_space<semaphore_mem>>, %arg19: memref<!tpu.dma_semaphore, #tpu.memory_space<semaphore_mem>>, %arg20: memref<!tpu.dma_semaphore, #tpu.memory_space<semaphore_mem>>, %arg21: memref<!tpu.dma_semaphore, #tpu.memory_space<semaphore_mem>>, %arg22: memref<!tpu.dma_semaphore, #tpu.memory_space<semaphore_mem>>, %arg23: memref<!tpu.dma_semaphore, #tpu.memory_space<semaphore_mem>>, %arg24: memref<!tpu.dma_semaphore, #tpu.memory_space<semaphore_mem>>, %arg25: memref<!tpu.dma_semaphore, #tpu.memory_space<semaphore_mem>>, %arg26: memref<!tpu.dma_semaphore, #tpu.memory_space<semaphore_mem>>) attributes {dimension_semantics = [#tpu.dimension_semantics<core_parallel>, #tpu.dimension_semantics<subcore_parallel>], iteration_bounds = array<i64: 2, 16>, scalar_prefetch = 0 : i64, scratch_operands = 21 : i64, tpu.core_type = #tpu.core_type<sc_vector_subcore>, window_params = [{transform_indices = #map}, {transform_indices = #map1}, {transform_indices = #map1}, {transform_indices = #map1}]} {
    %mul3A = arith.constant 2 : i32
    %mul3A_0 = arith.muli %arg1, %mul3A : i32
    %add3A = arith.addi %mul3A_0, %arg0 : i32
    %mul3A_1 = arith.constant 512 : i32
    %mul3A_2 = arith.muli %add3A, %mul3A_1 : i32
    %iota3A = tpu.iota {dimensions = array<i32: 0>} : vector<16xi32>
    %add3A_3 = arith.constant 0 : i32
    %add3A_4 = vector.broadcast %add3A_3 : i32 to vector<16xi32>
    %add3A_5 = arith.addi %iota3A, %add3A_4 : vector<16xi32>
    %iota3A_6 = tpu.iota {dimensions = array<i32: 0>} : vector<16xi32>
    %add3A_7 = arith.constant 16 : i32
    %add3A_8 = vector.broadcast %add3A_7 : i32 to vector<16xi32>
    %add3A_9 = arith.addi %iota3A_6, %add3A_8 : vector<16xi32>
    %iota3A_10 = tpu.iota {dimensions = array<i32: 0>} : vector<16xi32>
    %add3A_11 = arith.constant 32 : i32
    %add3A_12 = vector.broadcast %add3A_11 : i32 to vector<16xi32>
    %add3A_13 = arith.addi %iota3A_10, %add3A_12 : vector<16xi32>
    %iota3A_14 = tpu.iota {dimensions = array<i32: 0>} : vector<16xi32>
    %add3A_15 = arith.constant 48 : i32
    %add3A_16 = vector.broadcast %add3A_15 : i32 to vector<16xi32>
    %add3A_17 = arith.addi %iota3A_14, %add3A_16 : vector<16xi32>
    "tpu.region"() ({
      %run_scoped3A = tpu.sem_alloc : memref<!tpu.dma_semaphore, #tpu.memory_space<semaphore_mem>>
      %dma_start3A = tpu.memref_slice %arg2[%mul3A_2] : memref<16384xi32, #tpu.memory_space<hbm>> -> memref<512xi32, #tpu.memory_space<hbm>>
      %dma_start3A_633 = tpu.memref_slice %arg2[%mul3A_2] : memref<16384xi32, #tpu.memory_space<hbm>> -> memref<512xi32, #tpu.memory_space<hbm>>
      tpu.enqueue_dma source(%dma_start3A_633 : memref<512xi32, #tpu.memory_space<hbm>>) target(%arg6 : memref<512xi32, #tpu.memory_space<vmem>>) target_semaphore(%run_scoped3A : memref<!tpu.dma_semaphore, #tpu.memory_space<semaphore_mem>>)
      %dma_wait3A_634 = tpu.memref_slice %arg2[%mul3A_2] : memref<16384xi32, #tpu.memory_space<hbm>> -> memref<512xi32, #tpu.memory_space<hbm>>
      %dma_wait3A_635 = tpu.memref_slice %arg2[%mul3A_2] : memref<16384xi32, #tpu.memory_space<hbm>> -> memref<512xi32, #tpu.memory_space<hbm>>
      tpu.wait_dma2 semaphore(%run_scoped3A : memref<!tpu.dma_semaphore, #tpu.memory_space<semaphore_mem>>) src(%dma_wait3A_635 : memref<512xi32, #tpu.memory_space<hbm>>) dst(%arg6 : memref<512xi32, #tpu.memory_space<vmem>>)
      tpu.yield
    }) : () -> ()
    tpu.enqueue_dma source(%arg4 : memref<128x128xf32, #tpu.memory_space<hbm>>) target(%arg16 : memref<128x128xf32, #tpu.memory_space<vmem>>) target_semaphore(%arg26 : memref<!tpu.dma_semaphore, #tpu.memory_space<semaphore_mem>>)
    %get3A = arith.constant 0 : index
    %get3A_18 = tpu.vector_load %arg6[%get3A] {strides = array<i32>} : memref<512xi32, #tpu.memory_space<vmem>>, vector<16xi32>,
    %max3A = arith.constant 0 : i32
    %max3A_19 = vector.broadcast %max3A : i32 to vector<16xi32>
    %max3A_20 = arith.maxsi %get3A_18, %max3A_19 : vector<16xi32>
    %min3A = arith.constant 999999 : i32
    %min3A_21 = vector.broadcast %min3A : i32 to vector<16xi32>
    %min3A_22 = arith.minsi %max3A_20, %min3A_21 : vector<16xi32>
    %sub3A = arith.constant 0 : i32
    %sub3A_23 = vector.broadcast %sub3A : i32 to vector<16xi32>
    %sub3A_24 = arith.subi %min3A_22, %sub3A_23 : vector<16xi32>
    %swap3A = arith.constant 0 : index
    %swap3A_25 = tpu.vector_load %arg6[%swap3A] {strides = array<i32>} : memref<512xi32, #tpu.memory_space<vmem>>, vector<16xi32>,
    tpu.vector_store %arg6[%swap3A], %sub3A_24 {strides = array<i32>} : memref<512xi32, #tpu.memory_space<vmem>>, vector<16xi32>,
    %get3A_26 = arith.constant 16 : index
    %get3A_27 = tpu.vector_load %arg6[%get3A_26] {strides = array<i32>} : memref<512xi32, #tpu.memory_space<vmem>>, vector<16xi32>,
    %max3A_28 = arith.constant 0 : i32
    %max3A_29 = vector.broadcast %max3A_28 : i32 to vector<16xi32>
    %max3A_30 = arith.maxsi %get3A_27, %max3A_29 : vector<16xi32>
    %min3A_31 = arith.constant 999999 : i32
    %min3A_32 = vector.broadcast %min3A_31 : i32 to vector<16xi32>
    %min3A_33 = arith.minsi %max3A_30, %min3A_32 : vector<16xi32>
    %sub3A_34 = arith.constant 0 : i32
    %sub3A_35 = vector.broadcast %sub3A_34 : i32 to vector<16xi32>
    %sub3A_36 = arith.subi %min3A_33, %sub3A_35 : vector<16xi32>
    %swap3A_37 = arith.constant 16 : index
    %swap3A_38 = tpu.vector_load %arg6[%swap3A_37] {strides = array<i32>} : memref<512xi32, #tpu.memory_space<vmem>>, vector<16xi32>,
    tpu.vector_store %arg6[%swap3A_37], %sub3A_36 {strides = array<i32>} : memref<512xi32, #tpu.memory_space<vmem>>, vector<16xi32>,
    %get3A_39 = arith.constant 32 : index
    %get3A_40 = tpu.vector_load %arg6[%get3A_39] {strides = array<i32>} : memref<512xi32, #tpu.memory_space<vmem>>, vector<16xi32>,
    %max3A_41 = arith.constant 0 : i32
    %max3A_42 = vector.broadcast %max3A_41 : i32 to vector<16xi32>
    %max3A_43 = arith.maxsi %get3A_40, %max3A_42 : vector<16xi32>
    %min3A_44 = arith.constant 999999 : i32
    %min3A_45 = vector.broadcast %min3A_44 : i32 to vector<16xi32>
    %min3A_46 = arith.minsi %max3A_43, %min3A_45 : vector<16xi32>
    %sub3A_47 = arith.constant 0 : i32
    %sub3A_48 = vector.broadcast %sub3A_47 : i32 to vector<16xi32>
    %sub3A_49 = arith.subi %min3A_46, %sub3A_48 : vector<16xi32>
    %swap3A_50 = arith.constant 32 : index
    %swap3A_51 = tpu.vector_load %arg6[%swap3A_50] {strides = array<i32>} : memref<512xi32, #tpu.memory_space<vmem>>, vector<16xi32>,
    tpu.vector_store %arg6[%swap3A_50], %sub3A_49 {strides = array<i32>} : memref<512xi32, #tpu.memory_space<vmem>>, vector<16xi32>,
    %get3A_52 = arith.constant 48 : index
    %get3A_53 = tpu.vector_load %arg6[%get3A_52] {strides = array<i32>} : memref<512xi32, #tpu.memory_space<vmem>>, vector<16xi32>,
    %max3A_54 = arith.constant 0 : i32
    %max3A_55 = vector.broadcast %max3A_54 : i32 to vector<16xi32>
    %max3A_56 = arith.maxsi %get3A_53, %max3A_55 : vector<16xi32>
    %min3A_57 = arith.constant 999999 : i32
    %min3A_58 = vector.broadcast %min3A_57 : i32 to vector<16xi32>
    %min3A_59 = arith.minsi %max3A_56, %min3A_58 : vector<16xi32>
    %sub3A_60 = arith.constant 0 : i32
    %sub3A_61 = vector.broadcast %sub3A_60 : i32 to vector<16xi32>
    %sub3A_62 = arith.subi %min3A_59, %sub3A_61 : vector<16xi32>
    %swap3A_63 = arith.constant 48 : index
    %swap3A_64 = tpu.vector_load %arg6[%swap3A_63] {strides = array<i32>} : memref<512xi32, #tpu.memory_space<vmem>>, vector<16xi32>,
    tpu.vector_store %arg6[%swap3A_63], %sub3A_62 {strides = array<i32>} : memref<512xi32, #tpu.memory_space<vmem>>, vector<16xi32>,
    %get3A_65 = arith.constant 64 : index
    %get3A_66 = tpu.vector_load %arg6[%get3A_65] {strides = array<i32>} : memref<512xi32, #tpu.memory_space<vmem>>, vector<16xi32>,
    %max3A_67 = arith.constant 0 : i32
    %max3A_68 = vector.broadcast %max3A_67 : i32 to vector<16xi32>
    %max3A_69 = arith.maxsi %get3A_66, %max3A_68 : vector<16xi32>
    %min3A_70 = arith.constant 999999 : i32
    %min3A_71 = vector.broadcast %min3A_70 : i32 to vector<16xi32>
    %min3A_72 = arith.minsi %max3A_69, %min3A_71 : vector<16xi32>
    %sub3A_73 = arith.constant 0 : i32
    %sub3A_74 = vector.broadcast %sub3A_73 : i32 to vector<16xi32>
    %sub3A_75 = arith.subi %min3A_72, %sub3A_74 : vector<16xi32>
    %swap3A_76 = arith.constant 64 : index
    %swap3A_77 = tpu.vector_load %arg6[%swap3A_76] {strides = array<i32>} : memref<512xi32, #tpu.memory_space<vmem>>, vector<16xi32>,
    tpu.vector_store %arg6[%swap3A_76], %sub3A_75 {strides = array<i32>} : memref<512xi32, #tpu.memory_space<vmem>>, vector<16xi32>,
    %get3A_78 = arith.constant 80 : index
    %get3A_79 = tpu.vector_load %arg6[%get3A_78] {strides = array<i32>} : memref<512xi32, #tpu.memory_space<vmem>>, vector<16xi32>,
    %max3A_80 = arith.constant 0 : i32
    %max3A_81 = vector.broadcast %max3A_80 : i32 to vector<16xi32>
    %max3A_82 = arith.maxsi %get3A_79, %max3A_81 : vector<16xi32>
    %min3A_83 = arith.constant 999999 : i32
    %min3A_84 = vector.broadcast %min3A_83 : i32 to vector<16xi32>
    %min3A_85 = arith.minsi %max3A_82, %min3A_84 : vector<16xi32>
    %sub3A_86 = arith.constant 0 : i32
    %sub3A_87 = vector.broadcast %sub3A_86 : i32 to vector<16xi32>
    %sub3A_88 = arith.subi %min3A_85, %sub3A_87 : vector<16xi32>
    %swap3A_89 = arith.constant 80 : index
    %swap3A_90 = tpu.vector_load %arg6[%swap3A_89] {strides = array<i32>} : memref<512xi32, #tpu.memory_space<vmem>>, vector<16xi32>,
    tpu.vector_store %arg6[%swap3A_89], %sub3A_88 {strides = array<i32>} : memref<512xi32, #tpu.memory_space<vmem>>, vector<16xi32>,
    %get3A_91 = arith.constant 96 : index
    %get3A_92 = tpu.vector_load %arg6[%get3A_91] {strides = array<i32>} : memref<512xi32, #tpu.memory_space<vmem>>, vector<16xi32>,
    %max3A_93 = arith.constant 0 : i32
    %max3A_94 = vector.broadcast %max3A_93 : i32 to vector<16xi32>
    %max3A_95 = arith.maxsi %get3A_92, %max3A_94 : vector<16xi32>
    %min3A_96 = arith.constant 999999 : i32
    %min3A_97 = vector.broadcast %min3A_96 : i32 to vector<16xi32>
    %min3A_98 = arith.minsi %max3A_95, %min3A_97 : vector<16xi32>
    %sub3A_99 = arith.constant 0 : i32
    %sub3A_100 = vector.broadcast %sub3A_99 : i32 to vector<16xi32>
    %sub3A_101 = arith.subi %min3A_98, %sub3A_100 : vector<16xi32>
    %swap3A_102 = arith.constant 96 : index
    %swap3A_103 = tpu.vector_load %arg6[%swap3A_102] {strides = array<i32>} : memref<512xi32, #tpu.memory_space<vmem>>, vector<16xi32>,
    tpu.vector_store %arg6[%swap3A_102], %sub3A_101 {strides = array<i32>} : memref<512xi32, #tpu.memory_space<vmem>>, vector<16xi32>,
    %get3A_104 = arith.constant 112 : index
    %get3A_105 = tpu.vector_load %arg6[%get3A_104] {strides = array<i32>} : memref<512xi32, #tpu.memory_space<vmem>>, vector<16xi32>,
    %max3A_106 = arith.constant 0 : i32
    %max3A_107 = vector.broadcast %max3A_106 : i32 to vector<16xi32>
    %max3A_108 = arith.maxsi %get3A_105, %max3A_107 : vector<16xi32>
    %min3A_109 = arith.constant 999999 : i32
    %min3A_110 = vector.broadcast %min3A_109 : i32 to vector<16xi32>
    %min3A_111 = arith.minsi %max3A_108, %min3A_110 : vector<16xi32>
    %sub3A_112 = arith.constant 0 : i32
    %sub3A_113 = vector.broadcast %sub3A_112 : i32 to vector<16xi32>
    %sub3A_114 = arith.subi %min3A_111, %sub3A_113 : vector<16xi32>
    %swap3A_115 = arith.constant 112 : index
    %swap3A_116 = tpu.vector_load %arg6[%swap3A_115] {strides = array<i32>} : memref<512xi32, #tpu.memory_space<vmem>>, vector<16xi32>,
    tpu.vector_store %arg6[%swap3A_115], %sub3A_114 {strides = array<i32>} : memref<512xi32, #tpu.memory_space<vmem>>, vector<16xi32>,
    %get3A_117 = arith.constant 128 : index
    %get3A_118 = tpu.vector_load %arg6[%get3A_117] {strides = array<i32>} : memref<512xi32, #tpu.memory_space<vmem>>, vector<16xi32>,
    %max3A_119 = arith.constant 0 : i32
    %max3A_120 = vector.broadcast %max3A_119 : i32 to vector<16xi32>
    %max3A_121 = arith.maxsi %get3A_118, %max3A_120 : vector<16xi32>
    %min3A_122 = arith.constant 999999 : i32
    %min3A_123 = vector.broadcast %min3A_122 : i32 to vector<16xi32>
    %min3A_124 = arith.minsi %max3A_121, %min3A_123 : vector<16xi32>
    %sub3A_125 = arith.constant 0 : i32
    %sub3A_126 = vector.broadcast %sub3A_125 : i32 to vector<16xi32>
    %sub3A_127 = arith.subi %min3A_124, %sub3A_126 : vector<16xi32>
    %swap3A_128 = arith.constant 128 : index
    %swap3A_129 = tpu.vector_load %arg6[%swap3A_128] {strides = array<i32>} : memref<512xi32, #tpu.memory_space<vmem>>, vector<16xi32>,
    tpu.vector_store %arg6[%swap3A_128], %sub3A_127 {strides = array<i32>} : memref<512xi32, #tpu.memory_space<vmem>>, vector<16xi32>,
    %get3A_130 = arith.constant 144 : index
    %get3A_131 = tpu.vector_load %arg6[%get3A_130] {strides = array<i32>} : memref<512xi32, #tpu.memory_space<vmem>>, vector<16xi32>,
    %max3A_132 = arith.constant 0 : i32
    %max3A_133 = vector.broadcast %max3A_132 : i32 to vector<16xi32>
    %max3A_134 = arith.maxsi %get3A_131, %max3A_133 : vector<16xi32>
    %min3A_135 = arith.constant 999999 : i32
    %min3A_136 = vector.broadcast %min3A_135 : i32 to vector<16xi32>
    %min3A_137 = arith.minsi %max3A_134, %min3A_136 : vector<16xi32>
    %sub3A_138 = arith.constant 0 : i32
    %sub3A_139 = vector.broadcast %sub3A_138 : i32 to vector<16xi32>
    %sub3A_140 = arith.subi %min3A_137, %sub3A_139 : vector<16xi32>
    %swap3A_141 = arith.constant 144 : index
    %swap3A_142 = tpu.vector_load %arg6[%swap3A_141] {strides = array<i32>} : memref<512xi32, #tpu.memory_space<vmem>>, vector<16xi32>,
    tpu.vector_store %arg6[%swap3A_141], %sub3A_140 {strides = array<i32>} : memref<512xi32, #tpu.memory_space<vmem>>, vector<16xi32>,
    %get3A_143 = arith.constant 160 : index
    %get3A_144 = tpu.vector_load %arg6[%get3A_143] {strides = array<i32>} : memref<512xi32, #tpu.memory_space<vmem>>, vector<16xi32>,
    %max3A_145 = arith.constant 0 : i32
    %max3A_146 = vector.broadcast %max3A_145 : i32 to vector<16xi32>
    %max3A_147 = arith.maxsi %get3A_144, %max3A_146 : vector<16xi32>
    %min3A_148 = arith.constant 999999 : i32
    %min3A_149 = vector.broadcast %min3A_148 : i32 to vector<16xi32>
    %min3A_150 = arith.minsi %max3A_147, %min3A_149 : vector<16xi32>
    %sub3A_151 = arith.constant 0 : i32
    %sub3A_152 = vector.broadcast %sub3A_151 : i32 to vector<16xi32>
    %sub3A_153 = arith.subi %min3A_150, %sub3A_152 : vector<16xi32>
    %swap3A_154 = arith.constant 160 : index
    %swap3A_155 = tpu.vector_load %arg6[%swap3A_154] {strides = array<i32>} : memref<512xi32, #tpu.memory_space<vmem>>, vector<16xi32>,
    tpu.vector_store %arg6[%swap3A_154], %sub3A_153 {strides = array<i32>} : memref<512xi32, #tpu.memory_space<vmem>>, vector<16xi32>,
    %get3A_156 = arith.constant 176 : index
    %get3A_157 = tpu.vector_load %arg6[%get3A_156] {strides = array<i32>} : memref<512xi32, #tpu.memory_space<vmem>>, vector<16xi32>,
    %max3A_158 = arith.constant 0 : i32
    %max3A_159 = vector.broadcast %max3A_158 : i32 to vector<16xi32>
    %max3A_160 = arith.maxsi %get3A_157, %max3A_159 : vector<16xi32>
    %min3A_161 = arith.constant 999999 : i32
    %min3A_162 = vector.broadcast %min3A_161 : i32 to vector<16xi32>
    %min3A_163 = arith.minsi %max3A_160, %min3A_162 : vector<16xi32>
    %sub3A_164 = arith.constant 0 : i32
    %sub3A_165 = vector.broadcast %sub3A_164 : i32 to vector<16xi32>
    %sub3A_166 = arith.subi %min3A_163, %sub3A_165 : vector<16xi32>
    %swap3A_167 = arith.constant 176 : index
    %swap3A_168 = tpu.vector_load %arg6[%swap3A_167] {strides = array<i32>} : memref<512xi32, #tpu.memory_space<vmem>>, vector<16xi32>,
    tpu.vector_store %arg6[%swap3A_167], %sub3A_166 {strides = array<i32>} : memref<512xi32, #tpu.memory_space<vmem>>, vector<16xi32>,
    %get3A_169 = arith.constant 192 : index
    %get3A_170 = tpu.vector_load %arg6[%get3A_169] {strides = array<i32>} : memref<512xi32, #tpu.memory_space<vmem>>, vector<16xi32>,
    %max3A_171 = arith.constant 0 : i32
    %max3A_172 = vector.broadcast %max3A_171 : i32 to vector<16xi32>
    %max3A_173 = arith.maxsi %get3A_170, %max3A_172 : vector<16xi32>
    %min3A_174 = arith.constant 999999 : i32
    %min3A_175 = vector.broadcast %min3A_174 : i32 to vector<16xi32>
    %min3A_176 = arith.minsi %max3A_173, %min3A_175 : vector<16xi32>
    %sub3A_177 = arith.constant 0 : i32
    %sub3A_178 = vector.broadcast %sub3A_177 : i32 to vector<16xi32>
    %sub3A_179 = arith.subi %min3A_176, %sub3A_178 : vector<16xi32>
    %swap3A_180 = arith.constant 192 : index
    %swap3A_181 = tpu.vector_load %arg6[%swap3A_180] {strides = array<i32>} : memref<512xi32, #tpu.memory_space<vmem>>, vector<16xi32>,
    tpu.vector_store %arg6[%swap3A_180], %sub3A_179 {strides = array<i32>} : memref<512xi32, #tpu.memory_space<vmem>>, vector<16xi32>,
    %get3A_182 = arith.constant 208 : index
    %get3A_183 = tpu.vector_load %arg6[%get3A_182] {strides = array<i32>} : memref<512xi32, #tpu.memory_space<vmem>>, vector<16xi32>,
    %max3A_184 = arith.constant 0 : i32
    %max3A_185 = vector.broadcast %max3A_184 : i32 to vector<16xi32>
    %max3A_186 = arith.maxsi %get3A_183, %max3A_185 : vector<16xi32>
    %min3A_187 = arith.constant 999999 : i32
    %min3A_188 = vector.broadcast %min3A_187 : i32 to vector<16xi32>
    %min3A_189 = arith.minsi %max3A_186, %min3A_188 : vector<16xi32>
    %sub3A_190 = arith.constant 0 : i32
    %sub3A_191 = vector.broadcast %sub3A_190 : i32 to vector<16xi32>
    %sub3A_192 = arith.subi %min3A_189, %sub3A_191 : vector<16xi32>
    %swap3A_193 = arith.constant 208 : index
    %swap3A_194 = tpu.vector_load %arg6[%swap3A_193] {strides = array<i32>} : memref<512xi32, #tpu.memory_space<vmem>>, vector<16xi32>,
    tpu.vector_store %arg6[%swap3A_193], %sub3A_192 {strides = array<i32>} : memref<512xi32, #tpu.memory_space<vmem>>, vector<16xi32>,
    %get3A_195 = arith.constant 224 : index
    %get3A_196 = tpu.vector_load %arg6[%get3A_195] {strides = array<i32>} : memref<512xi32, #tpu.memory_space<vmem>>, vector<16xi32>,
    %max3A_197 = arith.constant 0 : i32
    %max3A_198 = vector.broadcast %max3A_197 : i32 to vector<16xi32>
    %max3A_199 = arith.maxsi %get3A_196, %max3A_198 : vector<16xi32>
    %min3A_200 = arith.constant 999999 : i32
    %min3A_201 = vector.broadcast %min3A_200 : i32 to vector<16xi32>
    %min3A_202 = arith.minsi %max3A_199, %min3A_201 : vector<16xi32>
    %sub3A_203 = arith.constant 0 : i32
    %sub3A_204 = vector.broadcast %sub3A_203 : i32 to vector<16xi32>
    %sub3A_205 = arith.subi %min3A_202, %sub3A_204 : vector<16xi32>
    %swap3A_206 = arith.constant 224 : index
    %swap3A_207 = tpu.vector_load %arg6[%swap3A_206] {strides = array<i32>} : memref<512xi32, #tpu.memory_space<vmem>>, vector<16xi32>,
    tpu.vector_store %arg6[%swap3A_206], %sub3A_205 {strides = array<i32>} : memref<512xi32, #tpu.memory_space<vmem>>, vector<16xi32>,
    %get3A_208 = arith.constant 240 : index
    %get3A_209 = tpu.vector_load %arg6[%get3A_208] {strides = array<i32>} : memref<512xi32, #tpu.memory_space<vmem>>, vector<16xi32>,
    %max3A_210 = arith.constant 0 : i32
    %max3A_211 = vector.broadcast %max3A_210 : i32 to vector<16xi32>
    %max3A_212 = arith.maxsi %get3A_209, %max3A_211 : vector<16xi32>
    %min3A_213 = arith.constant 999999 : i32
    %min3A_214 = vector.broadcast %min3A_213 : i32 to vector<16xi32>
    %min3A_215 = arith.minsi %max3A_212, %min3A_214 : vector<16xi32>
    %sub3A_216 = arith.constant 0 : i32
    %sub3A_217 = vector.broadcast %sub3A_216 : i32 to vector<16xi32>
    %sub3A_218 = arith.subi %min3A_215, %sub3A_217 : vector<16xi32>
    %swap3A_219 = arith.constant 240 : index
    %swap3A_220 = tpu.vector_load %arg6[%swap3A_219] {strides = array<i32>} : memref<512xi32, #tpu.memory_space<vmem>>, vector<16xi32>,
    tpu.vector_store %arg6[%swap3A_219], %sub3A_218 {strides = array<i32>} : memref<512xi32, #tpu.memory_space<vmem>>, vector<16xi32>,
    %get3A_221 = arith.constant 256 : index
    %get3A_222 = tpu.vector_load %arg6[%get3A_221] {strides = array<i32>} : memref<512xi32, #tpu.memory_space<vmem>>, vector<16xi32>,
    %max3A_223 = arith.constant 0 : i32
    %max3A_224 = vector.broadcast %max3A_223 : i32 to vector<16xi32>
    %max3A_225 = arith.maxsi %get3A_222, %max3A_224 : vector<16xi32>
    %min3A_226 = arith.constant 999999 : i32
    %min3A_227 = vector.broadcast %min3A_226 : i32 to vector<16xi32>
    %min3A_228 = arith.minsi %max3A_225, %min3A_227 : vector<16xi32>
    %sub3A_229 = arith.constant 0 : i32
    %sub3A_230 = vector.broadcast %sub3A_229 : i32 to vector<16xi32>
    %sub3A_231 = arith.subi %min3A_228, %sub3A_230 : vector<16xi32>
    %swap3A_232 = arith.constant 256 : index
    %swap3A_233 = tpu.vector_load %arg6[%swap3A_232] {strides = array<i32>} : memref<512xi32, #tpu.memory_space<vmem>>, vector<16xi32>,
    tpu.vector_store %arg6[%swap3A_232], %sub3A_231 {strides = array<i32>} : memref<512xi32, #tpu.memory_space<vmem>>, vector<16xi32>,
    %get3A_234 = arith.constant 272 : index
    %get3A_235 = tpu.vector_load %arg6[%get3A_234] {strides = array<i32>} : memref<512xi32, #tpu.memory_space<vmem>>, vector<16xi32>,
    %max3A_236 = arith.constant 0 : i32
    %max3A_237 = vector.broadcast %max3A_236 : i32 to vector<16xi32>
    %max3A_238 = arith.maxsi %get3A_235, %max3A_237 : vector<16xi32>
    %min3A_239 = arith.constant 999999 : i32
    %min3A_240 = vector.broadcast %min3A_239 : i32 to vector<16xi32>
    %min3A_241 = arith.minsi %max3A_238, %min3A_240 : vector<16xi32>
    %sub3A_242 = arith.constant 0 : i32
    %sub3A_243 = vector.broadcast %sub3A_242 : i32 to vector<16xi32>
    %sub3A_244 = arith.subi %min3A_241, %sub3A_243 : vector<16xi32>
    %swap3A_245 = arith.constant 272 : index
    %swap3A_246 = tpu.vector_load %arg6[%swap3A_245] {strides = array<i32>} : memref<512xi32, #tpu.memory_space<vmem>>, vector<16xi32>,
    tpu.vector_store %arg6[%swap3A_245], %sub3A_244 {strides = array<i32>} : memref<512xi32, #tpu.memory_space<vmem>>, vector<16xi32>,
    %get3A_247 = arith.constant 288 : index
    %get3A_248 = tpu.vector_load %arg6[%get3A_247] {strides = array<i32>} : memref<512xi32, #tpu.memory_space<vmem>>, vector<16xi32>,
    %max3A_249 = arith.constant 0 : i32
    %max3A_250 = vector.broadcast %max3A_249 : i32 to vector<16xi32>
    %max3A_251 = arith.maxsi %get3A_248, %max3A_250 : vector<16xi32>
    %min3A_252 = arith.constant 999999 : i32
    %min3A_253 = vector.broadcast %min3A_252 : i32 to vector<16xi32>
    %min3A_254 = arith.minsi %max3A_251, %min3A_253 : vector<16xi32>
    %sub3A_255 = arith.constant 0 : i32
    %sub3A_256 = vector.broadcast %sub3A_255 : i32 to vector<16xi32>
    %sub3A_257 = arith.subi %min3A_254, %sub3A_256 : vector<16xi32>
    %swap3A_258 = arith.constant 288 : index
    %swap3A_259 = tpu.vector_load %arg6[%swap3A_258] {strides = array<i32>} : memref<512xi32, #tpu.memory_space<vmem>>, vector<16xi32>,
    tpu.vector_store %arg6[%swap3A_258], %sub3A_257 {strides = array<i32>} : memref<512xi32, #tpu.memory_space<vmem>>, vector<16xi32>,
    %get3A_260 = arith.constant 304 : index
    %get3A_261 = tpu.vector_load %arg6[%get3A_260] {strides = array<i32>} : memref<512xi32, #tpu.memory_space<vmem>>, vector<16xi32>,
    %max3A_262 = arith.constant 0 : i32
    %max3A_263 = vector.broadcast %max3A_262 : i32 to vector<16xi32>
    %max3A_264 = arith.maxsi %get3A_261, %max3A_263 : vector<16xi32>
    %min3A_265 = arith.constant 999999 : i32
    %min3A_266 = vector.broadcast %min3A_265 : i32 to vector<16xi32>
    %min3A_267 = arith.minsi %max3A_264, %min3A_266 : vector<16xi32>
    %sub3A_268 = arith.constant 0 : i32
    %sub3A_269 = vector.broadcast %sub3A_268 : i32 to vector<16xi32>
    %sub3A_270 = arith.subi %min3A_267, %sub3A_269 : vector<16xi32>
    %swap3A_271 = arith.constant 304 : index
    %swap3A_272 = tpu.vector_load %arg6[%swap3A_271] {strides = array<i32>} : memref<512xi32, #tpu.memory_space<vmem>>, vector<16xi32>,
    tpu.vector_store %arg6[%swap3A_271], %sub3A_270 {strides = array<i32>} : memref<512xi32, #tpu.memory_space<vmem>>, vector<16xi32>,
    %get3A_273 = arith.constant 320 : index
    %get3A_274 = tpu.vector_load %arg6[%get3A_273] {strides = array<i32>} : memref<512xi32, #tpu.memory_space<vmem>>, vector<16xi32>,
    %max3A_275 = arith.constant 0 : i32
    %max3A_276 = vector.broadcast %max3A_275 : i32 to vector<16xi32>
    %max3A_277 = arith.maxsi %get3A_274, %max3A_276 : vector<16xi32>
    %min3A_278 = arith.constant 999999 : i32
    %min3A_279 = vector.broadcast %min3A_278 : i32 to vector<16xi32>
    %min3A_280 = arith.minsi %max3A_277, %min3A_279 : vector<16xi32>
    %sub3A_281 = arith.constant 0 : i32
    %sub3A_282 = vector.broadcast %sub3A_281 : i32 to vector<16xi32>
    %sub3A_283 = arith.subi %min3A_280, %sub3A_282 : vector<16xi32>
    %swap3A_284 = arith.constant 320 : index
    %swap3A_285 = tpu.vector_load %arg6[%swap3A_284] {strides = array<i32>} : memref<512xi32, #tpu.memory_space<vmem>>, vector<16xi32>,
    tpu.vector_store %arg6[%swap3A_284], %sub3A_283 {strides = array<i32>} : memref<512xi32, #tpu.memory_space<vmem>>, vector<16xi32>,
    %get3A_286 = arith.constant 336 : index
    %get3A_287 = tpu.vector_load %arg6[%get3A_286] {strides = array<i32>} : memref<512xi32, #tpu.memory_space<vmem>>, vector<16xi32>,
    %max3A_288 = arith.constant 0 : i32
    %max3A_289 = vector.broadcast %max3A_288 : i32 to vector<16xi32>
    %max3A_290 = arith.maxsi %get3A_287, %max3A_289 : vector<16xi32>
    %min3A_291 = arith.constant 999999 : i32
    %min3A_292 = vector.broadcast %min3A_291 : i32 to vector<16xi32>
    %min3A_293 = arith.minsi %max3A_290, %min3A_292 : vector<16xi32>
    %sub3A_294 = arith.constant 0 : i32
    %sub3A_295 = vector.broadcast %sub3A_294 : i32 to vector<16xi32>
    %sub3A_296 = arith.subi %min3A_293, %sub3A_295 : vector<16xi32>
    %swap3A_297 = arith.constant 336 : index
    %swap3A_298 = tpu.vector_load %arg6[%swap3A_297] {strides = array<i32>} : memref<512xi32, #tpu.memory_space<vmem>>, vector<16xi32>,
    tpu.vector_store %arg6[%swap3A_297], %sub3A_296 {strides = array<i32>} : memref<512xi32, #tpu.memory_space<vmem>>, vector<16xi32>,
    %get3A_299 = arith.constant 352 : index
    %get3A_300 = tpu.vector_load %arg6[%get3A_299] {strides = array<i32>} : memref<512xi32, #tpu.memory_space<vmem>>, vector<16xi32>,
    %max3A_301 = arith.constant 0 : i32
    %max3A_302 = vector.broadcast %max3A_301 : i32 to vector<16xi32>
    %max3A_303 = arith.maxsi %get3A_300, %max3A_302 : vector<16xi32>
    %min3A_304 = arith.constant 999999 : i32
    %min3A_305 = vector.broadcast %min3A_304 : i32 to vector<16xi32>
    %min3A_306 = arith.minsi %max3A_303, %min3A_305 : vector<16xi32>
    %sub3A_307 = arith.constant 0 : i32
    %sub3A_308 = vector.broadcast %sub3A_307 : i32 to vector<16xi32>
    %sub3A_309 = arith.subi %min3A_306, %sub3A_308 : vector<16xi32>
    %swap3A_310 = arith.constant 352 : index
    %swap3A_311 = tpu.vector_load %arg6[%swap3A_310] {strides = array<i32>} : memref<512xi32, #tpu.memory_space<vmem>>, vector<16xi32>,
    tpu.vector_store %arg6[%swap3A_310], %sub3A_309 {strides = array<i32>} : memref<512xi32, #tpu.memory_space<vmem>>, vector<16xi32>,
    %get3A_312 = arith.constant 368 : index
    %get3A_313 = tpu.vector_load %arg6[%get3A_312] {strides = array<i32>} : memref<512xi32, #tpu.memory_space<vmem>>, vector<16xi32>,
    %max3A_314 = arith.constant 0 : i32
    %max3A_315 = vector.broadcast %max3A_314 : i32 to vector<16xi32>
    %max3A_316 = arith.maxsi %get3A_313, %max3A_315 : vector<16xi32>
    %min3A_317 = arith.constant 999999 : i32
    %min3A_318 = vector.broadcast %min3A_317 : i32 to vector<16xi32>
    %min3A_319 = arith.minsi %max3A_316, %min3A_318 : vector<16xi32>
    %sub3A_320 = arith.constant 0 : i32
    %sub3A_321 = vector.broadcast %sub3A_320 : i32 to vector<16xi32>
    %sub3A_322 = arith.subi %min3A_319, %sub3A_321 : vector<16xi32>
    %swap3A_323 = arith.constant 368 : index
    %swap3A_324 = tpu.vector_load %arg6[%swap3A_323] {strides = array<i32>} : memref<512xi32, #tpu.memory_space<vmem>>, vector<16xi32>,
    tpu.vector_store %arg6[%swap3A_323], %sub3A_322 {strides = array<i32>} : memref<512xi32, #tpu.memory_space<vmem>>, vector<16xi32>,
    %get3A_325 = arith.constant 384 : index
    %get3A_326 = tpu.vector_load %arg6[%get3A_325] {strides = array<i32>} : memref<512xi32, #tpu.memory_space<vmem>>, vector<16xi32>,
    %max3A_327 = arith.constant 0 : i32
    %max3A_328 = vector.broadcast %max3A_327 : i32 to vector<16xi32>
    %max3A_329 = arith.maxsi %get3A_326, %max3A_328 : vector<16xi32>
    %min3A_330 = arith.constant 999999 : i32
    %min3A_331 = vector.broadcast %min3A_330 : i32 to vector<16xi32>
    %min3A_332 = arith.minsi %max3A_329, %min3A_331 : vector<16xi32>
    %sub3A_333 = arith.constant 0 : i32
    %sub3A_334 = vector.broadcast %sub3A_333 : i32 to vector<16xi32>
    %sub3A_335 = arith.subi %min3A_332, %sub3A_334 : vector<16xi32>
    %swap3A_336 = arith.constant 384 : index
    %swap3A_337 = tpu.vector_load %arg6[%swap3A_336] {strides = array<i32>} : memref<512xi32, #tpu.memory_space<vmem>>, vector<16xi32>,
    tpu.vector_store %arg6[%swap3A_336], %sub3A_335 {strides = array<i32>} : memref<512xi32, #tpu.memory_space<vmem>>, vector<16xi32>,
    %get3A_338 = arith.constant 400 : index
    %get3A_339 = tpu.vector_load %arg6[%get3A_338] {strides = array<i32>} : memref<512xi32, #tpu.memory_space<vmem>>, vector<16xi32>,
    %max3A_340 = arith.constant 0 : i32
    %max3A_341 = vector.broadcast %max3A_340 : i32 to vector<16xi32>
    %max3A_342 = arith.maxsi %get3A_339, %max3A_341 : vector<16xi32>
    %min3A_343 = arith.constant 999999 : i32
    %min3A_344 = vector.broadcast %min3A_343 : i32 to vector<16xi32>
    %min3A_345 = arith.minsi %max3A_342, %min3A_344 : vector<16xi32>
    %sub3A_346 = arith.constant 0 : i32
    %sub3A_347 = vector.broadcast %sub3A_346 : i32 to vector<16xi32>
    %sub3A_348 = arith.subi %min3A_345, %sub3A_347 : vector<16xi32>
    %swap3A_349 = arith.constant 400 : index
    %swap3A_350 = tpu.vector_load %arg6[%swap3A_349] {strides = array<i32>} : memref<512xi32, #tpu.memory_space<vmem>>, vector<16xi32>,
    tpu.vector_store %arg6[%swap3A_349], %sub3A_348 {strides = array<i32>} : memref<512xi32, #tpu.memory_space<vmem>>, vector<16xi32>,
    %get3A_351 = arith.constant 416 : index
    %get3A_352 = tpu.vector_load %arg6[%get3A_351] {strides = array<i32>} : memref<512xi32, #tpu.memory_space<vmem>>, vector<16xi32>,
    %max3A_353 = arith.constant 0 : i32
    %max3A_354 = vector.broadcast %max3A_353 : i32 to vector<16xi32>
    %max3A_355 = arith.maxsi %get3A_352, %max3A_354 : vector<16xi32>
    %min3A_356 = arith.constant 999999 : i32
    %min3A_357 = vector.broadcast %min3A_356 : i32 to vector<16xi32>
    %min3A_358 = arith.minsi %max3A_355, %min3A_357 : vector<16xi32>
    %sub3A_359 = arith.constant 0 : i32
    %sub3A_360 = vector.broadcast %sub3A_359 : i32 to vector<16xi32>
    %sub3A_361 = arith.subi %min3A_358, %sub3A_360 : vector<16xi32>
    %swap3A_362 = arith.constant 416 : index
    %swap3A_363 = tpu.vector_load %arg6[%swap3A_362] {strides = array<i32>} : memref<512xi32, #tpu.memory_space<vmem>>, vector<16xi32>,
    tpu.vector_store %arg6[%swap3A_362], %sub3A_361 {strides = array<i32>} : memref<512xi32, #tpu.memory_space<vmem>>, vector<16xi32>,
    %get3A_364 = arith.constant 432 : index
    %get3A_365 = tpu.vector_load %arg6[%get3A_364] {strides = array<i32>} : memref<512xi32, #tpu.memory_space<vmem>>, vector<16xi32>,
    %max3A_366 = arith.constant 0 : i32
    %max3A_367 = vector.broadcast %max3A_366 : i32 to vector<16xi32>
    %max3A_368 = arith.maxsi %get3A_365, %max3A_367 : vector<16xi32>
    %min3A_369 = arith.constant 999999 : i32
    %min3A_370 = vector.broadcast %min3A_369 : i32 to vector<16xi32>
    %min3A_371 = arith.minsi %max3A_368, %min3A_370 : vector<16xi32>
    %sub3A_372 = arith.constant 0 : i32
    %sub3A_373 = vector.broadcast %sub3A_372 : i32 to vector<16xi32>
    %sub3A_374 = arith.subi %min3A_371, %sub3A_373 : vector<16xi32>
    %swap3A_375 = arith.constant 432 : index
    %swap3A_376 = tpu.vector_load %arg6[%swap3A_375] {strides = array<i32>} : memref<512xi32, #tpu.memory_space<vmem>>, vector<16xi32>,
    tpu.vector_store %arg6[%swap3A_375], %sub3A_374 {strides = array<i32>} : memref<512xi32, #tpu.memory_space<vmem>>, vector<16xi32>,
    %get3A_377 = arith.constant 448 : index
    %get3A_378 = tpu.vector_load %arg6[%get3A_377] {strides = array<i32>} : memref<512xi32, #tpu.memory_space<vmem>>, vector<16xi32>,
    %max3A_379 = arith.constant 0 : i32
    %max3A_380 = vector.broadcast %max3A_379 : i32 to vector<16xi32>
    %max3A_381 = arith.maxsi %get3A_378, %max3A_380 : vector<16xi32>
    %min3A_382 = arith.constant 999999 : i32
    %min3A_383 = vector.broadcast %min3A_382 : i32 to vector<16xi32>
    %min3A_384 = arith.minsi %max3A_381, %min3A_383 : vector<16xi32>
    %sub3A_385 = arith.constant 0 : i32
    %sub3A_386 = vector.broadcast %sub3A_385 : i32 to vector<16xi32>
    %sub3A_387 = arith.subi %min3A_384, %sub3A_386 : vector<16xi32>
    %swap3A_388 = arith.constant 448 : index
    %swap3A_389 = tpu.vector_load %arg6[%swap3A_388] {strides = array<i32>} : memref<512xi32, #tpu.memory_space<vmem>>, vector<16xi32>,
    tpu.vector_store %arg6[%swap3A_388], %sub3A_387 {strides = array<i32>} : memref<512xi32, #tpu.memory_space<vmem>>, vector<16xi32>,
    %get3A_390 = arith.constant 464 : index
    %get3A_391 = tpu.vector_load %arg6[%get3A_390] {strides = array<i32>} : memref<512xi32, #tpu.memory_space<vmem>>, vector<16xi32>,
    %max3A_392 = arith.constant 0 : i32
    %max3A_393 = vector.broadcast %max3A_392 : i32 to vector<16xi32>
    %max3A_394 = arith.maxsi %get3A_391, %max3A_393 : vector<16xi32>
    %min3A_395 = arith.constant 999999 : i32
    %min3A_396 = vector.broadcast %min3A_395 : i32 to vector<16xi32>
    %min3A_397 = arith.minsi %max3A_394, %min3A_396 : vector<16xi32>
    %sub3A_398 = arith.constant 0 : i32
    %sub3A_399 = vector.broadcast %sub3A_398 : i32 to vector<16xi32>
    %sub3A_400 = arith.subi %min3A_397, %sub3A_399 : vector<16xi32>
    %swap3A_401 = arith.constant 464 : index
    %swap3A_402 = tpu.vector_load %arg6[%swap3A_401] {strides = array<i32>} : memref<512xi32, #tpu.memory_space<vmem>>, vector<16xi32>,
    tpu.vector_store %arg6[%swap3A_401], %sub3A_400 {strides = array<i32>} : memref<512xi32, #tpu.memory_space<vmem>>, vector<16xi32>,
    %get3A_403 = arith.constant 480 : index
    %get3A_404 = tpu.vector_load %arg6[%get3A_403] {strides = array<i32>} : memref<512xi32, #tpu.memory_space<vmem>>, vector<16xi32>,
    %max3A_405 = arith.constant 0 : i32
    %max3A_406 = vector.broadcast %max3A_405 : i32 to vector<16xi32>
    %max3A_407 = arith.maxsi %get3A_404, %max3A_406 : vector<16xi32>
    %min3A_408 = arith.constant 999999 : i32
    %min3A_409 = vector.broadcast %min3A_408 : i32 to vector<16xi32>
    %min3A_410 = arith.minsi %max3A_407, %min3A_409 : vector<16xi32>
    %sub3A_411 = arith.constant 0 : i32
    %sub3A_412 = vector.broadcast %sub3A_411 : i32 to vector<16xi32>
    %sub3A_413 = arith.subi %min3A_410, %sub3A_412 : vector<16xi32>
    %swap3A_414 = arith.constant 480 : index
    %swap3A_415 = tpu.vector_load %arg6[%swap3A_414] {strides = array<i32>} : memref<512xi32, #tpu.memory_space<vmem>>, vector<16xi32>,
    tpu.vector_store %arg6[%swap3A_414], %sub3A_413 {strides = array<i32>} : memref<512xi32, #tpu.memory_space<vmem>>, vector<16xi32>,
    %get3A_416 = arith.constant 496 : index
    %get3A_417 = tpu.vector_load %arg6[%get3A_416] {strides = array<i32>} : memref<512xi32, #tpu.memory_space<vmem>>, vector<16xi32>,
    %max3A_418 = arith.constant 0 : i32
    %max3A_419 = vector.broadcast %max3A_418 : i32 to vector<16xi32>
    %max3A_420 = arith.maxsi %get3A_417, %max3A_419 : vector<16xi32>
    %min3A_421 = arith.constant 999999 : i32
    %min3A_422 = vector.broadcast %min3A_421 : i32 to vector<16xi32>
    %min3A_423 = arith.minsi %max3A_420, %min3A_422 : vector<16xi32>
    %sub3A_424 = arith.constant 0 : i32
    %sub3A_425 = vector.broadcast %sub3A_424 : i32 to vector<16xi32>
    %sub3A_426 = arith.subi %min3A_423, %sub3A_425 : vector<16xi32>
    %swap3A_427 = arith.constant 496 : index
    %swap3A_428 = tpu.vector_load %arg6[%swap3A_427] {strides = array<i32>} : memref<512xi32, #tpu.memory_space<vmem>>, vector<16xi32>,
    tpu.vector_store %arg6[%swap3A_427], %sub3A_426 {strides = array<i32>} : memref<512xi32, #tpu.memory_space<vmem>>, vector<16xi32>,
    %scan3A = arith.constant 0 : i32
    %scan3A_429 = arith.constant 0 : i32
    %scan3A_430 = arith.constant 32 : i32
    %scan3A_431 = arith.addi %scan3A_429, %scan3A_430 : i32
    %scan3A_432 = arith.constant 1 : i32
    %scan3A_433 = scf.for %scan3A_633 = %scan3A_429 to %scan3A_431 step %scan3A_432 iter_args(%scan3A_634 = %scan3A) -> (i32)  : i32 {
      %gt3A = arith.constant 0 : i32
      %gt3A_635 = arith.cmpi sgt, %scan3A_633, %gt3A : i32
      %convert_element_type3A = arith.extui %gt3A_635 : i1 to i32
      %cond3A = arith.constant 0 : i32
      %cond3A_636 = arith.cmpi ne, %convert_element_type3A, %cond3A : i32
      scf.if %cond3A_636 {
        %dma_wait3A_1771 = arith.constant 0 : i32
        %dma_wait3A_1772 = arith.constant 0 : i32
        %dma_wait3A_1773 = tpu.memref_slice %arg15[%dma_wait3A_1771, %dma_wait3A_1772] : memref<16x128xf32, #tpu.memory_space<vmem>> -> memref<1x128xf32, #tpu.memory_space<vmem>>
        %dma_wait3A_1774 = arith.constant 0 : i32
        %dma_wait3A_1775 = arith.constant 0 : i32
        %dma_wait3A_1776 = tpu.memref_slice %arg3[%dma_wait3A_1774, %dma_wait3A_1775] : memref<64x1000000xf32, #tpu.memory_space<hbm>> -> memref<1x128xf32, #tpu.memory_space<hbm>>
        %dma_wait3A_1777 = arith.constant 0 : i32
        %dma_wait3A_1778 = arith.constant 0 : i32
        %dma_wait3A_1779 = tpu.memref_slice %arg15[%dma_wait3A_1777, %dma_wait3A_1778] : memref<16x128xf32, #tpu.memory_space<vmem>> -> memref<1x128xf32, #tpu.memory_space<vmem>>
        %dma_wait3A_1780 = arith.constant 0 : i32
        %dma_wait3A_1781 = arith.constant 0 : i32
        %dma_wait3A_1782 = tpu.memref_slice %arg3[%dma_wait3A_1780, %dma_wait3A_1781] : memref<64x1000000xf32, #tpu.memory_space<hbm>> -> memref<1x128xf32, #tpu.memory_space<hbm>>
        tpu.wait_dma2 semaphore(%arg25 : memref<!tpu.dma_semaphore, #tpu.memory_space<semaphore_mem>>) src(%dma_wait3A_1782 : memref<1x128xf32, #tpu.memory_space<hbm>>) dst(%dma_wait3A_1779 : memref<1x128xf32, #tpu.memory_space<vmem>>)
        %dma_wait3A_1783 = arith.constant 0 : i32
        %dma_wait3A_1784 = arith.constant 0 : i32
        %dma_wait3A_1785 = tpu.memref_slice %arg15[%dma_wait3A_1783, %dma_wait3A_1784] : memref<16x128xf32, #tpu.memory_space<vmem>> -> memref<1x128xf32, #tpu.memory_space<vmem>>
        %dma_wait3A_1786 = arith.constant 0 : i32
        %dma_wait3A_1787 = arith.constant 0 : i32
        %dma_wait3A_1788 = tpu.memref_slice %arg3[%dma_wait3A_1786, %dma_wait3A_1787] : memref<64x1000000xf32, #tpu.memory_space<hbm>> -> memref<1x128xf32, #tpu.memory_space<hbm>>
        %dma_wait3A_1789 = arith.constant 0 : i32
        %dma_wait3A_1790 = arith.constant 0 : i32
        %dma_wait3A_1791 = tpu.memref_slice %arg15[%dma_wait3A_1789, %dma_wait3A_1790] : memref<16x128xf32, #tpu.memory_space<vmem>> -> memref<1x128xf32, #tpu.memory_space<vmem>>
        %dma_wait3A_1792 = arith.constant 0 : i32
        %dma_wait3A_1793 = arith.constant 0 : i32
        %dma_wait3A_1794 = tpu.memref_slice %arg3[%dma_wait3A_1792, %dma_wait3A_1793] : memref<64x1000000xf32, #tpu.memory_space<hbm>> -> memref<1x128xf32, #tpu.memory_space<hbm>>
        tpu.wait_dma2 semaphore(%arg25 : memref<!tpu.dma_semaphore, #tpu.memory_space<semaphore_mem>>) src(%dma_wait3A_1794 : memref<1x128xf32, #tpu.memory_space<hbm>>) dst(%dma_wait3A_1791 : memref<1x128xf32, #tpu.memory_space<vmem>>)
        %dma_wait3A_1795 = arith.constant 0 : i32
        %dma_wait3A_1796 = arith.constant 0 : i32
        %dma_wait3A_1797 = tpu.memref_slice %arg15[%dma_wait3A_1795, %dma_wait3A_1796] : memref<16x128xf32, #tpu.memory_space<vmem>> -> memref<1x128xf32, #tpu.memory_space<vmem>>
        %dma_wait3A_1798 = arith.constant 0 : i32
        %dma_wait3A_1799 = arith.constant 0 : i32
        %dma_wait3A_1800 = tpu.memref_slice %arg3[%dma_wait3A_1798, %dma_wait3A_1799] : memref<64x1000000xf32, #tpu.memory_space<hbm>> -> memref<1x128xf32, #tpu.memory_space<hbm>>
        %dma_wait3A_1801 = arith.constant 0 : i32
        %dma_wait3A_1802 = arith.constant 0 : i32
        %dma_wait3A_1803 = tpu.memref_slice %arg15[%dma_wait3A_1801, %dma_wait3A_1802] : memref<16x128xf32, #tpu.memory_space<vmem>> -> memref<1x128xf32, #tpu.memory_space<vmem>>
        %dma_wait3A_1804 = arith.constant 0 : i32
        %dma_wait3A_1805 = arith.constant 0 : i32
        %dma_wait3A_1806 = tpu.memref_slice %arg3[%dma_wait3A_1804, %dma_wait3A_1805] : memref<64x1000000xf32, #tpu.memory_space<hbm>> -> memref<1x128xf32, #tpu.memory_space<hbm>>
        tpu.wait_dma2 semaphore(%arg25 : memref<!tpu.dma_semaphore, #tpu.memory_space<semaphore_mem>>) src(%dma_wait3A_1806 : memref<1x128xf32, #tpu.memory_space<hbm>>) dst(%dma_wait3A_1803 : memref<1x128xf32, #tpu.memory_space<vmem>>)
        %dma_wait3A_1807 = arith.constant 0 : i32
        %dma_wait3A_1808 = arith.constant 0 : i32
        %dma_wait3A_1809 = tpu.memref_slice %arg15[%dma_wait3A_1807, %dma_wait3A_1808] : memref<16x128xf32, #tpu.memory_space<vmem>> -> memref<1x128xf32, #tpu.memory_space<vmem>>
        %dma_wait3A_1810 = arith.constant 0 : i32
        %dma_wait3A_1811 = arith.constant 0 : i32
        %dma_wait3A_1812 = tpu.memref_slice %arg3[%dma_wait3A_1810, %dma_wait3A_1811] : memref<64x1000000xf32, #tpu.memory_space<hbm>> -> memref<1x128xf32, #tpu.memory_space<hbm>>
        %dma_wait3A_1813 = arith.constant 0 : i32
        %dma_wait3A_1814 = arith.constant 0 : i32
        %dma_wait3A_1815 = tpu.memref_slice %arg15[%dma_wait3A_1813, %dma_wait3A_1814] : memref<16x128xf32, #tpu.memory_space<vmem>> -> memref<1x128xf32, #tpu.memory_space<vmem>>
        %dma_wait3A_1816 = arith.constant 0 : i32
        %dma_wait3A_1817 = arith.constant 0 : i32
        %dma_wait3A_1818 = tpu.memref_slice %arg3[%dma_wait3A_1816, %dma_wait3A_1817] : memref<64x1000000xf32, #tpu.memory_space<hbm>> -> memref<1x128xf32, #tpu.memory_space<hbm>>
        tpu.wait_dma2 semaphore(%arg25 : memref<!tpu.dma_semaphore, #tpu.memory_space<semaphore_mem>>) src(%dma_wait3A_1818 : memref<1x128xf32, #tpu.memory_space<hbm>>) dst(%dma_wait3A_1815 : memref<1x128xf32, #tpu.memory_space<vmem>>)
        %dma_wait3A_1819 = arith.constant 0 : i32
        %dma_wait3A_1820 = arith.constant 0 : i32
        %dma_wait3A_1821 = tpu.memref_slice %arg15[%dma_wait3A_1819, %dma_wait3A_1820] : memref<16x128xf32, #tpu.memory_space<vmem>> -> memref<1x128xf32, #tpu.memory_space<vmem>>
        %dma_wait3A_1822 = arith.constant 0 : i32
        %dma_wait3A_1823 = arith.constant 0 : i32
        %dma_wait3A_1824 = tpu.memref_slice %arg3[%dma_wait3A_1822, %dma_wait3A_1823] : memref<64x1000000xf32, #tpu.memory_space<hbm>> -> memref<1x128xf32, #tpu.memory_space<hbm>>
        %dma_wait3A_1825 = arith.constant 0 : i32
        %dma_wait3A_1826 = arith.constant 0 : i32
        %dma_wait3A_1827 = tpu.memref_slice %arg15[%dma_wait3A_1825, %dma_wait3A_1826] : memref<16x128xf32, #tpu.memory_space<vmem>> -> memref<1x128xf32, #tpu.memory_space<vmem>>
        %dma_wait3A_1828 = arith.constant 0 : i32
        %dma_wait3A_1829 = arith.constant 0 : i32
        %dma_wait3A_1830 = tpu.memref_slice %arg3[%dma_wait3A_1828, %dma_wait3A_1829] : memref<64x1000000xf32, #tpu.memory_space<hbm>> -> memref<1x128xf32, #tpu.memory_space<hbm>>
        tpu.wait_dma2 semaphore(%arg25 : memref<!tpu.dma_semaphore, #tpu.memory_space<semaphore_mem>>) src(%dma_wait3A_1830 : memref<1x128xf32, #tpu.memory_space<hbm>>) dst(%dma_wait3A_1827 : memref<1x128xf32, #tpu.memory_space<vmem>>)
        %dma_wait3A_1831 = arith.constant 0 : i32
        %dma_wait3A_1832 = arith.constant 0 : i32
        %dma_wait3A_1833 = tpu.memref_slice %arg15[%dma_wait3A_1831, %dma_wait3A_1832] : memref<16x128xf32, #tpu.memory_space<vmem>> -> memref<1x128xf32, #tpu.memory_space<vmem>>
        %dma_wait3A_1834 = arith.constant 0 : i32
        %dma_wait3A_1835 = arith.constant 0 : i32
        %dma_wait3A_1836 = tpu.memref_slice %arg3[%dma_wait3A_1834, %dma_wait3A_1835] : memref<64x1000000xf32, #tpu.memory_space<hbm>> -> memref<1x128xf32, #tpu.memory_space<hbm>>
        %dma_wait3A_1837 = arith.constant 0 : i32
        %dma_wait3A_1838 = arith.constant 0 : i32
        %dma_wait3A_1839 = tpu.memref_slice %arg15[%dma_wait3A_1837, %dma_wait3A_1838] : memref<16x128xf32, #tpu.memory_space<vmem>> -> memref<1x128xf32, #tpu.memory_space<vmem>>
        %dma_wait3A_1840 = arith.constant 0 : i32
        %dma_wait3A_1841 = arith.constant 0 : i32
        %dma_wait3A_1842 = tpu.memref_slice %arg3[%dma_wait3A_1840, %dma_wait3A_1841] : memref<64x1000000xf32, #tpu.memory_space<hbm>> -> memref<1x128xf32, #tpu.memory_space<hbm>>
        tpu.wait_dma2 semaphore(%arg25 : memref<!tpu.dma_semaphore, #tpu.memory_space<semaphore_mem>>) src(%dma_wait3A_1842 : memref<1x128xf32, #tpu.memory_space<hbm>>) dst(%dma_wait3A_1839 : memref<1x128xf32, #tpu.memory_space<vmem>>)
        %dma_wait3A_1843 = arith.constant 0 : i32
        %dma_wait3A_1844 = arith.constant 0 : i32
        %dma_wait3A_1845 = tpu.memref_slice %arg15[%dma_wait3A_1843, %dma_wait3A_1844] : memref<16x128xf32, #tpu.memory_space<vmem>> -> memref<1x128xf32, #tpu.memory_space<vmem>>
        %dma_wait3A_1846 = arith.constant 0 : i32
        %dma_wait3A_1847 = arith.constant 0 : i32
        %dma_wait3A_1848 = tpu.memref_slice %arg3[%dma_wait3A_1846, %dma_wait3A_1847] : memref<64x1000000xf32, #tpu.memory_space<hbm>> -> memref<1x128xf32, #tpu.memory_space<hbm>>
        %dma_wait3A_1849 = arith.constant 0 : i32
        %dma_wait3A_1850 = arith.constant 0 : i32
        %dma_wait3A_1851 = tpu.memref_slice %arg15[%dma_wait3A_1849, %dma_wait3A_1850] : memref<16x128xf32, #tpu.memory_space<vmem>> -> memref<1x128xf32, #tpu.memory_space<vmem>>
        %dma_wait3A_1852 = arith.constant 0 : i32
        %dma_wait3A_1853 = arith.constant 0 : i32
        %dma_wait3A_1854 = tpu.memref_slice %arg3[%dma_wait3A_1852, %dma_wait3A_1853] : memref<64x1000000xf32, #tpu.memory_space<hbm>> -> memref<1x128xf32, #tpu.memory_space<hbm>>
        tpu.wait_dma2 semaphore(%arg25 : memref<!tpu.dma_semaphore, #tpu.memory_space<semaphore_mem>>) src(%dma_wait3A_1854 : memref<1x128xf32, #tpu.memory_space<hbm>>) dst(%dma_wait3A_1851 : memref<1x128xf32, #tpu.memory_space<vmem>>)
        %dma_wait3A_1855 = arith.constant 0 : i32
        %dma_wait3A_1856 = arith.constant 0 : i32
        %dma_wait3A_1857 = tpu.memref_slice %arg15[%dma_wait3A_1855, %dma_wait3A_1856] : memref<16x128xf32, #tpu.memory_space<vmem>> -> memref<1x128xf32, #tpu.memory_space<vmem>>
        %dma_wait3A_1858 = arith.constant 0 : i32
        %dma_wait3A_1859 = arith.constant 0 : i32
        %dma_wait3A_1860 = tpu.memref_slice %arg3[%dma_wait3A_1858, %dma_wait3A_1859] : memref<64x1000000xf32, #tpu.memory_space<hbm>> -> memref<1x128xf32, #tpu.memory_space<hbm>>
        %dma_wait3A_1861 = arith.constant 0 : i32
        %dma_wait3A_1862 = arith.constant 0 : i32
        %dma_wait3A_1863 = tpu.memref_slice %arg15[%dma_wait3A_1861, %dma_wait3A_1862] : memref<16x128xf32, #tpu.memory_space<vmem>> -> memref<1x128xf32, #tpu.memory_space<vmem>>
        %dma_wait3A_1864 = arith.constant 0 : i32
        %dma_wait3A_1865 = arith.constant 0 : i32
        %dma_wait3A_1866 = tpu.memref_slice %arg3[%dma_wait3A_1864, %dma_wait3A_1865] : memref<64x1000000xf32, #tpu.memory_space<hbm>> -> memref<1x128xf32, #tpu.memory_space<hbm>>
        tpu.wait_dma2 semaphore(%arg25 : memref<!tpu.dma_semaphore, #tpu.memory_space<semaphore_mem>>) src(%dma_wait3A_1866 : memref<1x128xf32, #tpu.memory_space<hbm>>) dst(%dma_wait3A_1863 : memref<1x128xf32, #tpu.memory_space<vmem>>)
        %dma_wait3A_1867 = arith.constant 0 : i32
        %dma_wait3A_1868 = arith.constant 0 : i32
        %dma_wait3A_1869 = tpu.memref_slice %arg15[%dma_wait3A_1867, %dma_wait3A_1868] : memref<16x128xf32, #tpu.memory_space<vmem>> -> memref<1x128xf32, #tpu.memory_space<vmem>>
        %dma_wait3A_1870 = arith.constant 0 : i32
        %dma_wait3A_1871 = arith.constant 0 : i32
        %dma_wait3A_1872 = tpu.memref_slice %arg3[%dma_wait3A_1870, %dma_wait3A_1871] : memref<64x1000000xf32, #tpu.memory_space<hbm>> -> memref<1x128xf32, #tpu.memory_space<hbm>>
        %dma_wait3A_1873 = arith.constant 0 : i32
        %dma_wait3A_1874 = arith.constant 0 : i32
        %dma_wait3A_1875 = tpu.memref_slice %arg15[%dma_wait3A_1873, %dma_wait3A_1874] : memref<16x128xf32, #tpu.memory_space<vmem>> -> memref<1x128xf32, #tpu.memory_space<vmem>>
        %dma_wait3A_1876 = arith.constant 0 : i32
        %dma_wait3A_1877 = arith.constant 0 : i32
        %dma_wait3A_1878 = tpu.memref_slice %arg3[%dma_wait3A_1876, %dma_wait3A_1877] : memref<64x1000000xf32, #tpu.memory_space<hbm>> -> memref<1x128xf32, #tpu.memory_space<hbm>>
        tpu.wait_dma2 semaphore(%arg25 : memref<!tpu.dma_semaphore, #tpu.memory_space<semaphore_mem>>) src(%dma_wait3A_1878 : memref<1x128xf32, #tpu.memory_space<hbm>>) dst(%dma_wait3A_1875 : memref<1x128xf32, #tpu.memory_space<vmem>>)
        %dma_wait3A_1879 = arith.constant 0 : i32
        %dma_wait3A_1880 = arith.constant 0 : i32
        %dma_wait3A_1881 = tpu.memref_slice %arg15[%dma_wait3A_1879, %dma_wait3A_1880] : memref<16x128xf32, #tpu.memory_space<vmem>> -> memref<1x128xf32, #tpu.memory_space<vmem>>
        %dma_wait3A_1882 = arith.constant 0 : i32
        %dma_wait3A_1883 = arith.constant 0 : i32
        %dma_wait3A_1884 = tpu.memref_slice %arg3[%dma_wait3A_1882, %dma_wait3A_1883] : memref<64x1000000xf32, #tpu.memory_space<hbm>> -> memref<1x128xf32, #tpu.memory_space<hbm>>
        %dma_wait3A_1885 = arith.constant 0 : i32
        %dma_wait3A_1886 = arith.constant 0 : i32
        %dma_wait3A_1887 = tpu.memref_slice %arg15[%dma_wait3A_1885, %dma_wait3A_1886] : memref<16x128xf32, #tpu.memory_space<vmem>> -> memref<1x128xf32, #tpu.memory_space<vmem>>
        %dma_wait3A_1888 = arith.constant 0 : i32
        %dma_wait3A_1889 = arith.constant 0 : i32
        %dma_wait3A_1890 = tpu.memref_slice %arg3[%dma_wait3A_1888, %dma_wait3A_1889] : memref<64x1000000xf32, #tpu.memory_space<hbm>> -> memref<1x128xf32, #tpu.memory_space<hbm>>
        tpu.wait_dma2 semaphore(%arg25 : memref<!tpu.dma_semaphore, #tpu.memory_space<semaphore_mem>>) src(%dma_wait3A_1890 : memref<1x128xf32, #tpu.memory_space<hbm>>) dst(%dma_wait3A_1887 : memref<1x128xf32, #tpu.memory_space<vmem>>)
        %dma_wait3A_1891 = arith.constant 0 : i32
        %dma_wait3A_1892 = arith.constant 0 : i32
        %dma_wait3A_1893 = tpu.memref_slice %arg15[%dma_wait3A_1891, %dma_wait3A_1892] : memref<16x128xf32, #tpu.memory_space<vmem>> -> memref<1x128xf32, #tpu.memory_space<vmem>>
        %dma_wait3A_1894 = arith.constant 0 : i32
        %dma_wait3A_1895 = arith.constant 0 : i32
        %dma_wait3A_1896 = tpu.memref_slice %arg3[%dma_wait3A_1894, %dma_wait3A_1895] : memref<64x1000000xf32, #tpu.memory_space<hbm>> -> memref<1x128xf32, #tpu.memory_space<hbm>>
        %dma_wait3A_1897 = arith.constant 0 : i32
        %dma_wait3A_1898 = arith.constant 0 : i32
        %dma_wait3A_1899 = tpu.memref_slice %arg15[%dma_wait3A_1897, %dma_wait3A_1898] : memref<16x128xf32, #tpu.memory_space<vmem>> -> memref<1x128xf32, #tpu.memory_space<vmem>>
        %dma_wait3A_1900 = arith.constant 0 : i32
        %dma_wait3A_1901 = arith.constant 0 : i32
        %dma_wait3A_1902 = tpu.memref_slice %arg3[%dma_wait3A_1900, %dma_wait3A_1901] : memref<64x1000000xf32, #tpu.memory_space<hbm>> -> memref<1x128xf32, #tpu.memory_space<hbm>>
        tpu.wait_dma2 semaphore(%arg25 : memref<!tpu.dma_semaphore, #tpu.memory_space<semaphore_mem>>) src(%dma_wait3A_1902 : memref<1x128xf32, #tpu.memory_space<hbm>>) dst(%dma_wait3A_1899 : memref<1x128xf32, #tpu.memory_space<vmem>>)
        %dma_wait3A_1903 = arith.constant 0 : i32
        %dma_wait3A_1904 = arith.constant 0 : i32
        %dma_wait3A_1905 = tpu.memref_slice %arg15[%dma_wait3A_1903, %dma_wait3A_1904] : memref<16x128xf32, #tpu.memory_space<vmem>> -> memref<1x128xf32, #tpu.memory_space<vmem>>
        %dma_wait3A_1906 = arith.constant 0 : i32
        %dma_wait3A_1907 = arith.constant 0 : i32
        %dma_wait3A_1908 = tpu.memref_slice %arg3[%dma_wait3A_1906, %dma_wait3A_1907] : memref<64x1000000xf32, #tpu.memory_space<hbm>> -> memref<1x128xf32, #tpu.memory_space<hbm>>
        %dma_wait3A_1909 = arith.constant 0 : i32
        %dma_wait3A_1910 = arith.constant 0 : i32
        %dma_wait3A_1911 = tpu.memref_slice %arg15[%dma_wait3A_1909, %dma_wait3A_1910] : memref<16x128xf32, #tpu.memory_space<vmem>> -> memref<1x128xf32, #tpu.memory_space<vmem>>
        %dma_wait3A_1912 = arith.constant 0 : i32
        %dma_wait3A_1913 = arith.constant 0 : i32
        %dma_wait3A_1914 = tpu.memref_slice %arg3[%dma_wait3A_1912, %dma_wait3A_1913] : memref<64x1000000xf32, #tpu.memory_space<hbm>> -> memref<1x128xf32, #tpu.memory_space<hbm>>
        tpu.wait_dma2 semaphore(%arg25 : memref<!tpu.dma_semaphore, #tpu.memory_space<semaphore_mem>>) src(%dma_wait3A_1914 : memref<1x128xf32, #tpu.memory_space<hbm>>) dst(%dma_wait3A_1911 : memref<1x128xf32, #tpu.memory_space<vmem>>)
        %dma_wait3A_1915 = arith.constant 0 : i32
        %dma_wait3A_1916 = arith.constant 0 : i32
        %dma_wait3A_1917 = tpu.memref_slice %arg15[%dma_wait3A_1915, %dma_wait3A_1916] : memref<16x128xf32, #tpu.memory_space<vmem>> -> memref<1x128xf32, #tpu.memory_space<vmem>>
        %dma_wait3A_1918 = arith.constant 0 : i32
        %dma_wait3A_1919 = arith.constant 0 : i32
        %dma_wait3A_1920 = tpu.memref_slice %arg3[%dma_wait3A_1918, %dma_wait3A_1919] : memref<64x1000000xf32, #tpu.memory_space<hbm>> -> memref<1x128xf32, #tpu.memory_space<hbm>>
        %dma_wait3A_1921 = arith.constant 0 : i32
        %dma_wait3A_1922 = arith.constant 0 : i32
        %dma_wait3A_1923 = tpu.memref_slice %arg15[%dma_wait3A_1921, %dma_wait3A_1922] : memref<16x128xf32, #tpu.memory_space<vmem>> -> memref<1x128xf32, #tpu.memory_space<vmem>>
        %dma_wait3A_1924 = arith.constant 0 : i32
        %dma_wait3A_1925 = arith.constant 0 : i32
        %dma_wait3A_1926 = tpu.memref_slice %arg3[%dma_wait3A_1924, %dma_wait3A_1925] : memref<64x1000000xf32, #tpu.memory_space<hbm>> -> memref<1x128xf32, #tpu.memory_space<hbm>>
        tpu.wait_dma2 semaphore(%arg25 : memref<!tpu.dma_semaphore, #tpu.memory_space<semaphore_mem>>) src(%dma_wait3A_1926 : memref<1x128xf32, #tpu.memory_space<hbm>>) dst(%dma_wait3A_1923 : memref<1x128xf32, #tpu.memory_space<vmem>>)
        %dma_wait3A_1927 = arith.constant 0 : i32
        %dma_wait3A_1928 = arith.constant 0 : i32
        %dma_wait3A_1929 = tpu.memref_slice %arg15[%dma_wait3A_1927, %dma_wait3A_1928] : memref<16x128xf32, #tpu.memory_space<vmem>> -> memref<1x128xf32, #tpu.memory_space<vmem>>
        %dma_wait3A_1930 = arith.constant 0 : i32
        %dma_wait3A_1931 = arith.constant 0 : i32
        %dma_wait3A_1932 = tpu.memref_slice %arg3[%dma_wait3A_1930, %dma_wait3A_1931] : memref<64x1000000xf32, #tpu.memory_space<hbm>> -> memref<1x128xf32, #tpu.memory_space<hbm>>
        %dma_wait3A_1933 = arith.constant 0 : i32
        %dma_wait3A_1934 = arith.constant 0 : i32
        %dma_wait3A_1935 = tpu.memref_slice %arg15[%dma_wait3A_1933, %dma_wait3A_1934] : memref<16x128xf32, #tpu.memory_space<vmem>> -> memref<1x128xf32, #tpu.memory_space<vmem>>
        %dma_wait3A_1936 = arith.constant 0 : i32
        %dma_wait3A_1937 = arith.constant 0 : i32
        %dma_wait3A_1938 = tpu.memref_slice %arg3[%dma_wait3A_1936, %dma_wait3A_1937] : memref<64x1000000xf32, #tpu.memory_space<hbm>> -> memref<1x128xf32, #tpu.memory_space<hbm>>
        tpu.wait_dma2 semaphore(%arg25 : memref<!tpu.dma_semaphore, #tpu.memory_space<semaphore_mem>>) src(%dma_wait3A_1938 : memref<1x128xf32, #tpu.memory_space<hbm>>) dst(%dma_wait3A_1935 : memref<1x128xf32, #tpu.memory_space<vmem>>)
        %dma_wait3A_1939 = arith.constant 0 : i32
        %dma_wait3A_1940 = arith.constant 0 : i32
        %dma_wait3A_1941 = tpu.memref_slice %arg15[%dma_wait3A_1939, %dma_wait3A_1940] : memref<16x128xf32, #tpu.memory_space<vmem>> -> memref<1x128xf32, #tpu.memory_space<vmem>>
        %dma_wait3A_1942 = arith.constant 0 : i32
        %dma_wait3A_1943 = arith.constant 0 : i32
        %dma_wait3A_1944 = tpu.memref_slice %arg3[%dma_wait3A_1942, %dma_wait3A_1943] : memref<64x1000000xf32, #tpu.memory_space<hbm>> -> memref<1x128xf32, #tpu.memory_space<hbm>>
        %dma_wait3A_1945 = arith.constant 0 : i32
        %dma_wait3A_1946 = arith.constant 0 : i32
        %dma_wait3A_1947 = tpu.memref_slice %arg15[%dma_wait3A_1945, %dma_wait3A_1946] : memref<16x128xf32, #tpu.memory_space<vmem>> -> memref<1x128xf32, #tpu.memory_space<vmem>>
        %dma_wait3A_1948 = arith.constant 0 : i32
        %dma_wait3A_1949 = arith.constant 0 : i32
        %dma_wait3A_1950 = tpu.memref_slice %arg3[%dma_wait3A_1948, %dma_wait3A_1949] : memref<64x1000000xf32, #tpu.memory_space<hbm>> -> memref<1x128xf32, #tpu.memory_space<hbm>>
        tpu.wait_dma2 semaphore(%arg25 : memref<!tpu.dma_semaphore, #tpu.memory_space<semaphore_mem>>) src(%dma_wait3A_1950 : memref<1x128xf32, #tpu.memory_space<hbm>>) dst(%dma_wait3A_1947 : memref<1x128xf32, #tpu.memory_space<vmem>>)
        %dma_wait3A_1951 = arith.constant 0 : i32
        %dma_wait3A_1952 = arith.constant 0 : i32
        %dma_wait3A_1953 = tpu.memref_slice %arg15[%dma_wait3A_1951, %dma_wait3A_1952] : memref<16x128xf32, #tpu.memory_space<vmem>> -> memref<1x128xf32, #tpu.memory_space<vmem>>
        %dma_wait3A_1954 = arith.constant 0 : i32
        %dma_wait3A_1955 = arith.constant 0 : i32
        %dma_wait3A_1956 = tpu.memref_slice %arg3[%dma_wait3A_1954, %dma_wait3A_1955] : memref<64x1000000xf32, #tpu.memory_space<hbm>> -> memref<1x128xf32, #tpu.memory_space<hbm>>
        %dma_wait3A_1957 = arith.constant 0 : i32
        %dma_wait3A_1958 = arith.constant 0 : i32
        %dma_wait3A_1959 = tpu.memref_slice %arg15[%dma_wait3A_1957, %dma_wait3A_1958] : memref<16x128xf32, #tpu.memory_space<vmem>> -> memref<1x128xf32, #tpu.memory_space<vmem>>
        %dma_wait3A_1960 = arith.constant 0 : i32
        %dma_wait3A_1961 = arith.constant 0 : i32
        %dma_wait3A_1962 = tpu.memref_slice %arg3[%dma_wait3A_1960, %dma_wait3A_1961] : memref<64x1000000xf32, #tpu.memory_space<hbm>> -> memref<1x128xf32, #tpu.memory_space<hbm>>
        tpu.wait_dma2 semaphore(%arg25 : memref<!tpu.dma_semaphore, #tpu.memory_space<semaphore_mem>>) src(%dma_wait3A_1962 : memref<1x128xf32, #tpu.memory_space<hbm>>) dst(%dma_wait3A_1959 : memref<1x128xf32, #tpu.memory_space<vmem>>)
      } else {
      }
      %mul3A_637 = arith.constant 16 : i32
      %mul3A_638 = arith.muli %scan3A_633, %mul3A_637 : i32
      %get3A_639 = arith.index_cast %mul3A_638 : i32 to index
      %get3A_640 = tpu.vector_load %arg6[%get3A_639] {strides = array<i32>} : memref<512xi32, #tpu.memory_space<vmem>>, vector<16xi32>,
      %slice3A = vector.extract_strided_slice %get3A_640 {offsets = [0], sizes = [1], strides = [1]} : vector<16xi32> to vector<1xi32>
      %squeeze3A = vector.extract %slice3A[0] : i32 from vector<1xi32>
      %and3A = arith.constant -128 : i32
      %and3A_641 = arith.andi %squeeze3A, %and3A : i32
      %min3A_642 = arith.constant 999808 : i32
      %min3A_643 = arith.minsi %and3A_641, %min3A_642 : i32
      %multiple_of3A = tpu.assume_multiple %min3A_643, 128 : i32
      %dma_start3A = arith.constant 0 : i32
      %dma_start3A_644 = tpu.memref_slice %arg3[%dma_start3A, %multiple_of3A] : memref<64x1000000xf32, #tpu.memory_space<hbm>> -> memref<64x128xf32, #tpu.memory_space<hbm>>
      %dma_start3A_645 = arith.constant 0 : i32
      %dma_start3A_646 = tpu.memref_slice %arg3[%dma_start3A_645, %multiple_of3A] : memref<64x1000000xf32, #tpu.memory_space<hbm>> -> memref<64x128xf32, #tpu.memory_space<hbm>>
      tpu.enqueue_dma source(%dma_start3A_646 : memref<64x128xf32, #tpu.memory_space<hbm>>) target(%arg7 : memref<64x128xf32, #tpu.memory_space<vmem>>) target_semaphore(%arg17 : memref<!tpu.dma_semaphore, #tpu.memory_space<semaphore_mem>>)
      %slice3A_647 = vector.extract_strided_slice %get3A_640 {offsets = [1], sizes = [1], strides = [1]} : vector<16xi32> to vector<1xi32>
      %squeeze3A_648 = vector.extract %slice3A_647[0] : i32 from vector<1xi32>
      %and3A_649 = arith.constant -128 : i32
      %and3A_650 = arith.andi %squeeze3A_648, %and3A_649 : i32
      %min3A_651 = arith.constant 999808 : i32
      %min3A_652 = arith.minsi %and3A_650, %min3A_651 : i32
      %multiple_of3A_653 = tpu.assume_multiple %min3A_652, 128 : i32
      %dma_start3A_654 = arith.constant 0 : i32
      %dma_start3A_655 = tpu.memref_slice %arg3[%dma_start3A_654, %multiple_of3A_653] : memref<64x1000000xf32, #tpu.memory_space<hbm>> -> memref<64x128xf32, #tpu.memory_space<hbm>>
      %dma_start3A_656 = arith.constant 0 : i32
      %dma_start3A_657 = tpu.memref_slice %arg3[%dma_start3A_656, %multiple_of3A_653] : memref<64x1000000xf32, #tpu.memory_space<hbm>> -> memref<64x128xf32, #tpu.memory_space<hbm>>
      tpu.enqueue_dma source(%dma_start3A_657 : memref<64x128xf32, #tpu.memory_space<hbm>>) target(%arg8 : memref<64x128xf32, #tpu.memory_space<vmem>>) target_semaphore(%arg18 : memref<!tpu.dma_semaphore, #tpu.memory_space<semaphore_mem>>)
      %slice3A_658 = vector.extract_strided_slice %get3A_640 {offsets = [2], sizes = [1], strides = [1]} : vector<16xi32> to vector<1xi32>
      %squeeze3A_659 = vector.extract %slice3A_658[0] : i32 from vector<1xi32>
      %and3A_660 = arith.constant -128 : i32
      %and3A_661 = arith.andi %squeeze3A_659, %and3A_660 : i32
      %min3A_662 = arith.constant 999808 : i32
      %min3A_663 = arith.minsi %and3A_661, %min3A_662 : i32
      %multiple_of3A_664 = tpu.assume_multiple %min3A_663, 128 : i32
      %dma_start3A_665 = arith.constant 0 : i32
      %dma_start3A_666 = tpu.memref_slice %arg3[%dma_start3A_665, %multiple_of3A_664] : memref<64x1000000xf32, #tpu.memory_space<hbm>> -> memref<64x128xf32, #tpu.memory_space<hbm>>
      %dma_start3A_667 = arith.constant 0 : i32
      %dma_start3A_668 = tpu.memref_slice %arg3[%dma_start3A_667, %multiple_of3A_664] : memref<64x1000000xf32, #tpu.memory_space<hbm>> -> memref<64x128xf32, #tpu.memory_space<hbm>>
      tpu.enqueue_dma source(%dma_start3A_668 : memref<64x128xf32, #tpu.memory_space<hbm>>) target(%arg9 : memref<64x128xf32, #tpu.memory_space<vmem>>) target_semaphore(%arg19 : memref<!tpu.dma_semaphore, #tpu.memory_space<semaphore_mem>>)
      %slice3A_669 = vector.extract_strided_slice %get3A_640 {offsets = [3], sizes = [1], strides = [1]} : vector<16xi32> to vector<1xi32>
      %squeeze3A_670 = vector.extract %slice3A_669[0] : i32 from vector<1xi32>
      %and3A_671 = arith.constant -128 : i32
      %and3A_672 = arith.andi %squeeze3A_670, %and3A_671 : i32
      %min3A_673 = arith.constant 999808 : i32
      %min3A_674 = arith.minsi %and3A_672, %min3A_673 : i32
      %multiple_of3A_675 = tpu.assume_multiple %min3A_674, 128 : i32
      %dma_start3A_676 = arith.constant 0 : i32
      %dma_start3A_677 = tpu.memref_slice %arg3[%dma_start3A_676, %multiple_of3A_675] : memref<64x1000000xf32, #tpu.memory_space<hbm>> -> memref<64x128xf32, #tpu.memory_space<hbm>>
      %dma_start3A_678 = arith.constant 0 : i32
      %dma_start3A_679 = tpu.memref_slice %arg3[%dma_start3A_678, %multiple_of3A_675] : memref<64x1000000xf32, #tpu.memory_space<hbm>> -> memref<64x128xf32, #tpu.memory_space<hbm>>
      tpu.enqueue_dma source(%dma_start3A_679 : memref<64x128xf32, #tpu.memory_space<hbm>>) target(%arg10 : memref<64x128xf32, #tpu.memory_space<vmem>>) target_semaphore(%arg20 : memref<!tpu.dma_semaphore, #tpu.memory_space<semaphore_mem>>)
      %slice3A_680 = vector.extract_strided_slice %get3A_640 {offsets = [4], sizes = [1], strides = [1]} : vector<16xi32> to vector<1xi32>
      %squeeze3A_681 = vector.extract %slice3A_680[0] : i32 from vector<1xi32>
      %and3A_682 = arith.constant -128 : i32
      %and3A_683 = arith.andi %squeeze3A_681, %and3A_682 : i32
      %min3A_684 = arith.constant 999808 : i32
      %min3A_685 = arith.minsi %and3A_683, %min3A_684 : i32
      %multiple_of3A_686 = tpu.assume_multiple %min3A_685, 128 : i32
      %dma_start3A_687 = arith.constant 0 : i32
      %dma_start3A_688 = tpu.memref_slice %arg3[%dma_start3A_687, %multiple_of3A_686] : memref<64x1000000xf32, #tpu.memory_space<hbm>> -> memref<64x128xf32, #tpu.memory_space<hbm>>
      %dma_start3A_689 = arith.constant 0 : i32
      %dma_start3A_690 = tpu.memref_slice %arg3[%dma_start3A_689, %multiple_of3A_686] : memref<64x1000000xf32, #tpu.memory_space<hbm>> -> memref<64x128xf32, #tpu.memory_space<hbm>>
      tpu.enqueue_dma source(%dma_start3A_690 : memref<64x128xf32, #tpu.memory_space<hbm>>) target(%arg11 : memref<64x128xf32, #tpu.memory_space<vmem>>) target_semaphore(%arg21 : memref<!tpu.dma_semaphore, #tpu.memory_space<semaphore_mem>>)
      %slice3A_691 = vector.extract_strided_slice %get3A_640 {offsets = [5], sizes = [1], strides = [1]} : vector<16xi32> to vector<1xi32>
      %squeeze3A_692 = vector.extract %slice3A_691[0] : i32 from vector<1xi32>
      %and3A_693 = arith.constant -128 : i32
      %and3A_694 = arith.andi %squeeze3A_692, %and3A_693 : i32
      %min3A_695 = arith.constant 999808 : i32
      %min3A_696 = arith.minsi %and3A_694, %min3A_695 : i32
      %multiple_of3A_697 = tpu.assume_multiple %min3A_696, 128 : i32
      %dma_start3A_698 = arith.constant 0 : i32
      %dma_start3A_699 = tpu.memref_slice %arg3[%dma_start3A_698, %multiple_of3A_697] : memref<64x1000000xf32, #tpu.memory_space<hbm>> -> memref<64x128xf32, #tpu.memory_space<hbm>>
      %dma_start3A_700 = arith.constant 0 : i32
      %dma_start3A_701 = tpu.memref_slice %arg3[%dma_start3A_700, %multiple_of3A_697] : memref<64x1000000xf32, #tpu.memory_space<hbm>> -> memref<64x128xf32, #tpu.memory_space<hbm>>
      tpu.enqueue_dma source(%dma_start3A_701 : memref<64x128xf32, #tpu.memory_space<hbm>>) target(%arg12 : memref<64x128xf32, #tpu.memory_space<vmem>>) target_semaphore(%arg22 : memref<!tpu.dma_semaphore, #tpu.memory_space<semaphore_mem>>)
      %slice3A_702 = vector.extract_strided_slice %get3A_640 {offsets = [6], sizes = [1], strides = [1]} : vector<16xi32> to vector<1xi32>
      %squeeze3A_703 = vector.extract %slice3A_702[0] : i32 from vector<1xi32>
      %and3A_704 = arith.constant -128 : i32
      %and3A_705 = arith.andi %squeeze3A_703, %and3A_704 : i32
      %min3A_706 = arith.constant 999808 : i32
      %min3A_707 = arith.minsi %and3A_705, %min3A_706 : i32
      %multiple_of3A_708 = tpu.assume_multiple %min3A_707, 128 : i32
      %dma_start3A_709 = arith.constant 0 : i32
      %dma_start3A_710 = tpu.memref_slice %arg3[%dma_start3A_709, %multiple_of3A_708] : memref<64x1000000xf32, #tpu.memory_space<hbm>> -> memref<64x128xf32, #tpu.memory_space<hbm>>
      %dma_start3A_711 = arith.constant 0 : i32
      %dma_start3A_712 = tpu.memref_slice %arg3[%dma_start3A_711, %multiple_of3A_708] : memref<64x1000000xf32, #tpu.memory_space<hbm>> -> memref<64x128xf32, #tpu.memory_space<hbm>>
      tpu.enqueue_dma source(%dma_start3A_712 : memref<64x128xf32, #tpu.memory_space<hbm>>) target(%arg13 : memref<64x128xf32, #tpu.memory_space<vmem>>) target_semaphore(%arg23 : memref<!tpu.dma_semaphore, #tpu.memory_space<semaphore_mem>>)
      %slice3A_713 = vector.extract_strided_slice %get3A_640 {offsets = [7], sizes = [1], strides = [1]} : vector<16xi32> to vector<1xi32>
      %squeeze3A_714 = vector.extract %slice3A_713[0] : i32 from vector<1xi32>
      %and3A_715 = arith.constant -128 : i32
      %and3A_716 = arith.andi %squeeze3A_714, %and3A_715 : i32
      %min3A_717 = arith.constant 999808 : i32
      %min3A_718 = arith.minsi %and3A_716, %min3A_717 : i32
      %multiple_of3A_719 = tpu.assume_multiple %min3A_718, 128 : i32
      %dma_start3A_720 = arith.constant 0 : i32
      %dma_start3A_721 = tpu.memref_slice %arg3[%dma_start3A_720, %multiple_of3A_719] : memref<64x1000000xf32, #tpu.memory_space<hbm>> -> memref<64x128xf32, #tpu.memory_space<hbm>>
      %dma_start3A_722 = arith.constant 0 : i32
      %dma_start3A_723 = tpu.memref_slice %arg3[%dma_start3A_722, %multiple_of3A_719] : memref<64x1000000xf32, #tpu.memory_space<hbm>> -> memref<64x128xf32, #tpu.memory_space<hbm>>
      tpu.enqueue_dma source(%dma_start3A_723 : memref<64x128xf32, #tpu.memory_space<hbm>>) target(%arg14 : memref<64x128xf32, #tpu.memory_space<vmem>>) target_semaphore(%arg24 : memref<!tpu.dma_semaphore, #tpu.memory_space<semaphore_mem>>)
      %dma_wait3A_724 = arith.constant 0 : i32
      %dma_wait3A_725 = arith.constant 0 : i32
      %dma_wait3A_726 = tpu.memref_slice %arg3[%dma_wait3A_724, %dma_wait3A_725] : memref<64x1000000xf32, #tpu.memory_space<hbm>> -> memref<64x128xf32, #tpu.memory_space<hbm>>
      %dma_wait3A_727 = arith.constant 0 : i32
      %dma_wait3A_728 = arith.constant 0 : i32
      %dma_wait3A_729 = tpu.memref_slice %arg3[%dma_wait3A_727, %dma_wait3A_728] : memref<64x1000000xf32, #tpu.memory_space<hbm>> -> memref<64x128xf32, #tpu.memory_space<hbm>>
      tpu.wait_dma2 semaphore(%arg17 : memref<!tpu.dma_semaphore, #tpu.memory_space<semaphore_mem>>) src(%dma_wait3A_729 : memref<64x128xf32, #tpu.memory_space<hbm>>) dst(%arg7 : memref<64x128xf32, #tpu.memory_space<vmem>>)
      %slice3A_730 = vector.extract_strided_slice %get3A_640 {offsets = [0], sizes = [1], strides = [1]} : vector<16xi32> to vector<1xi32>
      %squeeze3A_731 = vector.extract %slice3A_730[0] : i32 from vector<1xi32>
      %and3A_732 = arith.constant -128 : i32
      %and3A_733 = arith.andi %squeeze3A_731, %and3A_732 : i32
      %min3A_734 = arith.constant 999808 : i32
      %min3A_735 = arith.minsi %and3A_733, %min3A_734 : i32
      %multiple_of3A_736 = tpu.assume_multiple %min3A_735, 128 : i32
      %sub3A_737 = arith.subi %squeeze3A_731, %multiple_of3A_736 : i32
      %min3A_738 = arith.constant 127 : i32
      %min3A_739 = arith.minsi %sub3A_737, %min3A_738 : i32
      %broadcast_in_dim3A = vector.broadcast %min3A_739 : i32 to vector<16xi32>
      %gather3A = tpu.vector_load_idx %arg7[%add3A_5, %broadcast_in_dim3A] : memref<64x128xf32, #tpu.memory_space<vmem>>[vector<16xi32>, vector<16xi32>], vector<16xf32>,
      %swap3A_740 = arith.constant 0 : i32
      %swap3A_741 = arith.constant 0 : i32
      %swap3A_742 = tpu.memref_slice %arg15[%swap3A_740, %swap3A_741] : memref<16x128xf32, #tpu.memory_space<vmem>> -> memref<1x128xf32, #tpu.memory_space<vmem>>
      %swap3A_743 = tpu.memref_squeeze %swap3A_742 : memref<1x128xf32, #tpu.memory_space<vmem>> -> memref<128xf32, #tpu.memory_space<vmem>>
      %swap3A_744 = arith.constant 0 : index
      %swap3A_745 = tpu.vector_load %swap3A_743[%swap3A_744] {strides = array<i32>} : memref<128xf32, #tpu.memory_space<vmem>>, vector<16xf32>,
      tpu.vector_store %swap3A_743[%swap3A_744], %gather3A {strides = array<i32>} : memref<128xf32, #tpu.memory_space<vmem>>, vector<16xf32>,
      %gather3A_746 = tpu.vector_load_idx %arg7[%add3A_9, %broadcast_in_dim3A] : memref<64x128xf32, #tpu.memory_space<vmem>>[vector<16xi32>, vector<16xi32>], vector<16xf32>,
      %swap3A_747 = arith.constant 0 : i32
      %swap3A_748 = arith.constant 0 : i32
      %swap3A_749 = tpu.memref_slice %arg15[%swap3A_747, %swap3A_748] : memref<16x128xf32, #tpu.memory_space<vmem>> -> memref<1x128xf32, #tpu.memory_space<vmem>>
      %swap3A_750 = tpu.memref_squeeze %swap3A_749 : memref<1x128xf32, #tpu.memory_space<vmem>> -> memref<128xf32, #tpu.memory_space<vmem>>
      %swap3A_751 = arith.constant 16 : index
      %swap3A_752 = tpu.vector_load %swap3A_750[%swap3A_751] {strides = array<i32>} : memref<128xf32, #tpu.memory_space<vmem>>, vector<16xf32>,
      tpu.vector_store %swap3A_750[%swap3A_751], %gather3A_746 {strides = array<i32>} : memref<128xf32, #tpu.memory_space<vmem>>, vector<16xf32>,
      %gather3A_753 = tpu.vector_load_idx %arg7[%add3A_13, %broadcast_in_dim3A] : memref<64x128xf32, #tpu.memory_space<vmem>>[vector<16xi32>, vector<16xi32>], vector<16xf32>,
      %swap3A_754 = arith.constant 0 : i32
      %swap3A_755 = arith.constant 0 : i32
      %swap3A_756 = tpu.memref_slice %arg15[%swap3A_754, %swap3A_755] : memref<16x128xf32, #tpu.memory_space<vmem>> -> memref<1x128xf32, #tpu.memory_space<vmem>>
      %swap3A_757 = tpu.memref_squeeze %swap3A_756 : memref<1x128xf32, #tpu.memory_space<vmem>> -> memref<128xf32, #tpu.memory_space<vmem>>
      %swap3A_758 = arith.constant 32 : index
      %swap3A_759 = tpu.vector_load %swap3A_757[%swap3A_758] {strides = array<i32>} : memref<128xf32, #tpu.memory_space<vmem>>, vector<16xf32>,
      tpu.vector_store %swap3A_757[%swap3A_758], %gather3A_753 {strides = array<i32>} : memref<128xf32, #tpu.memory_space<vmem>>, vector<16xf32>,
      %gather3A_760 = tpu.vector_load_idx %arg7[%add3A_17, %broadcast_in_dim3A] : memref<64x128xf32, #tpu.memory_space<vmem>>[vector<16xi32>, vector<16xi32>], vector<16xf32>,
      %swap3A_761 = arith.constant 0 : i32
      %swap3A_762 = arith.constant 0 : i32
      %swap3A_763 = tpu.memref_slice %arg15[%swap3A_761, %swap3A_762] : memref<16x128xf32, #tpu.memory_space<vmem>> -> memref<1x128xf32, #tpu.memory_space<vmem>>
      %swap3A_764 = tpu.memref_squeeze %swap3A_763 : memref<1x128xf32, #tpu.memory_space<vmem>> -> memref<128xf32, #tpu.memory_space<vmem>>
      %swap3A_765 = arith.constant 48 : index
      %swap3A_766 = tpu.vector_load %swap3A_764[%swap3A_765] {strides = array<i32>} : memref<128xf32, #tpu.memory_space<vmem>>, vector<16xf32>,
      tpu.vector_store %swap3A_764[%swap3A_765], %gather3A_760 {strides = array<i32>} : memref<128xf32, #tpu.memory_space<vmem>>, vector<16xf32>,
      %mul3A_767 = arith.constant 16 : i32
      %mul3A_768 = arith.muli %scan3A_633, %mul3A_767 : i32
      %add3A_769 = arith.addi %mul3A_2, %mul3A_768 : i32
      %add3A_770 = arith.constant 0 : i32
      %add3A_771 = arith.addi %add3A_769, %add3A_770 : i32
      %dma_start3A_772 = arith.constant 0 : i32
      %dma_start3A_773 = arith.constant 0 : i32
      %dma_start3A_774 = tpu.memref_slice %arg15[%dma_start3A_772, %dma_start3A_773] : memref<16x128xf32, #tpu.memory_space<vmem>> -> memref<1x128xf32, #tpu.memory_space<vmem>>
      %dma_start3A_775 = arith.constant 0 : i32
      %dma_start3A_776 = tpu.memref_slice %arg5[%add3A_771, %dma_start3A_775] : memref<16384x128xf32, #tpu.memory_space<hbm>> -> memref<1x128xf32, #tpu.memory_space<hbm>>
      %dma_start3A_777 = arith.constant 0 : i32
      %dma_start3A_778 = tpu.memref_slice %arg5[%add3A_771, %dma_start3A_777] : memref<16384x128xf32, #tpu.memory_space<hbm>> -> memref<1x128xf32, #tpu.memory_space<hbm>>
      %dma_start3A_779 = arith.constant 0 : i32
      %dma_start3A_780 = arith.constant 0 : i32
      %dma_start3A_781 = tpu.memref_slice %arg15[%dma_start3A_779, %dma_start3A_780] : memref<16x128xf32, #tpu.memory_space<vmem>> -> memref<1x128xf32, #tpu.memory_space<vmem>>
      tpu.enqueue_dma source(%dma_start3A_781 : memref<1x128xf32, #tpu.memory_space<vmem>>) target(%dma_start3A_778 : memref<1x128xf32, #tpu.memory_space<hbm>>) target_semaphore(%arg25 : memref<!tpu.dma_semaphore, #tpu.memory_space<semaphore_mem>>)
      %slice3A_782 = vector.extract_strided_slice %get3A_640 {offsets = [8], sizes = [1], strides = [1]} : vector<16xi32> to vector<1xi32>
      %squeeze3A_783 = vector.extract %slice3A_782[0] : i32 from vector<1xi32>
      %and3A_784 = arith.constant -128 : i32
      %and3A_785 = arith.andi %squeeze3A_783, %and3A_784 : i32
      %min3A_786 = arith.constant 999808 : i32
      %min3A_787 = arith.minsi %and3A_785, %min3A_786 : i32
      %multiple_of3A_788 = tpu.assume_multiple %min3A_787, 128 : i32
      %dma_start3A_789 = arith.constant 0 : i32
      %dma_start3A_790 = tpu.memref_slice %arg3[%dma_start3A_789, %multiple_of3A_788] : memref<64x1000000xf32, #tpu.memory_space<hbm>> -> memref<64x128xf32, #tpu.memory_space<hbm>>
      %dma_start3A_791 = arith.constant 0 : i32
      %dma_start3A_792 = tpu.memref_slice %arg3[%dma_start3A_791, %multiple_of3A_788] : memref<64x1000000xf32, #tpu.memory_space<hbm>> -> memref<64x128xf32, #tpu.memory_space<hbm>>
      tpu.enqueue_dma source(%dma_start3A_792 : memref<64x128xf32, #tpu.memory_space<hbm>>) target(%arg7 : memref<64x128xf32, #tpu.memory_space<vmem>>) target_semaphore(%arg17 : memref<!tpu.dma_semaphore, #tpu.memory_space<semaphore_mem>>)
      %dma_wait3A_793 = arith.constant 0 : i32
      %dma_wait3A_794 = arith.constant 0 : i32
      %dma_wait3A_795 = tpu.memref_slice %arg3[%dma_wait3A_793, %dma_wait3A_794] : memref<64x1000000xf32, #tpu.memory_space<hbm>> -> memref<64x128xf32, #tpu.memory_space<hbm>>
      %dma_wait3A_796 = arith.constant 0 : i32
      %dma_wait3A_797 = arith.constant 0 : i32
      %dma_wait3A_798 = tpu.memref_slice %arg3[%dma_wait3A_796, %dma_wait3A_797] : memref<64x1000000xf32, #tpu.memory_space<hbm>> -> memref<64x128xf32, #tpu.memory_space<hbm>>
      tpu.wait_dma2 semaphore(%arg18 : memref<!tpu.dma_semaphore, #tpu.memory_space<semaphore_mem>>) src(%dma_wait3A_798 : memref<64x128xf32, #tpu.memory_space<hbm>>) dst(%arg8 : memref<64x128xf32, #tpu.memory_space<vmem>>)
      %slice3A_799 = vector.extract_strided_slice %get3A_640 {offsets = [1], sizes = [1], strides = [1]} : vector<16xi32> to vector<1xi32>
      %squeeze3A_800 = vector.extract %slice3A_799[0] : i32 from vector<1xi32>
      %and3A_801 = arith.constant -128 : i32
      %and3A_802 = arith.andi %squeeze3A_800, %and3A_801 : i32
      %min3A_803 = arith.constant 999808 : i32
      %min3A_804 = arith.minsi %and3A_802, %min3A_803 : i32
      %multiple_of3A_805 = tpu.assume_multiple %min3A_804, 128 : i32
      %sub3A_806 = arith.subi %squeeze3A_800, %multiple_of3A_805 : i32
      %min3A_807 = arith.constant 127 : i32
      %min3A_808 = arith.minsi %sub3A_806, %min3A_807 : i32
      %broadcast_in_dim3A_809 = vector.broadcast %min3A_808 : i32 to vector<16xi32>
      %gather3A_810 = tpu.vector_load_idx %arg8[%add3A_5, %broadcast_in_dim3A_809] : memref<64x128xf32, #tpu.memory_space<vmem>>[vector<16xi32>, vector<16xi32>], vector<16xf32>,
      %swap3A_811 = arith.constant 1 : i32
      %swap3A_812 = arith.constant 0 : i32
      %swap3A_813 = tpu.memref_slice %arg15[%swap3A_811, %swap3A_812] : memref<16x128xf32, #tpu.memory_space<vmem>> -> memref<1x128xf32, #tpu.memory_space<vmem>>
      %swap3A_814 = tpu.memref_squeeze %swap3A_813 : memref<1x128xf32, #tpu.memory_space<vmem>> -> memref<128xf32, #tpu.memory_space<vmem>>
      %swap3A_815 = arith.constant 0 : index
      %swap3A_816 = tpu.vector_load %swap3A_814[%swap3A_815] {strides = array<i32>} : memref<128xf32, #tpu.memory_space<vmem>>, vector<16xf32>,
      tpu.vector_store %swap3A_814[%swap3A_815], %gather3A_810 {strides = array<i32>} : memref<128xf32, #tpu.memory_space<vmem>>, vector<16xf32>,
      %gather3A_817 = tpu.vector_load_idx %arg8[%add3A_9, %broadcast_in_dim3A_809] : memref<64x128xf32, #tpu.memory_space<vmem>>[vector<16xi32>, vector<16xi32>], vector<16xf32>,
      %swap3A_818 = arith.constant 1 : i32
      %swap3A_819 = arith.constant 0 : i32
      %swap3A_820 = tpu.memref_slice %arg15[%swap3A_818, %swap3A_819] : memref<16x128xf32, #tpu.memory_space<vmem>> -> memref<1x128xf32, #tpu.memory_space<vmem>>
      %swap3A_821 = tpu.memref_squeeze %swap3A_820 : memref<1x128xf32, #tpu.memory_space<vmem>> -> memref<128xf32, #tpu.memory_space<vmem>>
      %swap3A_822 = arith.constant 16 : index
      %swap3A_823 = tpu.vector_load %swap3A_821[%swap3A_822] {strides = array<i32>} : memref<128xf32, #tpu.memory_space<vmem>>, vector<16xf32>,
      tpu.vector_store %swap3A_821[%swap3A_822], %gather3A_817 {strides = array<i32>} : memref<128xf32, #tpu.memory_space<vmem>>, vector<16xf32>,
      %gather3A_824 = tpu.vector_load_idx %arg8[%add3A_13, %broadcast_in_dim3A_809] : memref<64x128xf32, #tpu.memory_space<vmem>>[vector<16xi32>, vector<16xi32>], vector<16xf32>,
      %swap3A_825 = arith.constant 1 : i32
      %swap3A_826 = arith.constant 0 : i32
      %swap3A_827 = tpu.memref_slice %arg15[%swap3A_825, %swap3A_826] : memref<16x128xf32, #tpu.memory_space<vmem>> -> memref<1x128xf32, #tpu.memory_space<vmem>>
      %swap3A_828 = tpu.memref_squeeze %swap3A_827 : memref<1x128xf32, #tpu.memory_space<vmem>> -> memref<128xf32, #tpu.memory_space<vmem>>
      %swap3A_829 = arith.constant 32 : index
      %swap3A_830 = tpu.vector_load %swap3A_828[%swap3A_829] {strides = array<i32>} : memref<128xf32, #tpu.memory_space<vmem>>, vector<16xf32>,
      tpu.vector_store %swap3A_828[%swap3A_829], %gather3A_824 {strides = array<i32>} : memref<128xf32, #tpu.memory_space<vmem>>, vector<16xf32>,
      %gather3A_831 = tpu.vector_load_idx %arg8[%add3A_17, %broadcast_in_dim3A_809] : memref<64x128xf32, #tpu.memory_space<vmem>>[vector<16xi32>, vector<16xi32>], vector<16xf32>,
      %swap3A_832 = arith.constant 1 : i32
      %swap3A_833 = arith.constant 0 : i32
      %swap3A_834 = tpu.memref_slice %arg15[%swap3A_832, %swap3A_833] : memref<16x128xf32, #tpu.memory_space<vmem>> -> memref<1x128xf32, #tpu.memory_space<vmem>>
      %swap3A_835 = tpu.memref_squeeze %swap3A_834 : memref<1x128xf32, #tpu.memory_space<vmem>> -> memref<128xf32, #tpu.memory_space<vmem>>
      %swap3A_836 = arith.constant 48 : index
      %swap3A_837 = tpu.vector_load %swap3A_835[%swap3A_836] {strides = array<i32>} : memref<128xf32, #tpu.memory_space<vmem>>, vector<16xf32>,
      tpu.vector_store %swap3A_835[%swap3A_836], %gather3A_831 {strides = array<i32>} : memref<128xf32, #tpu.memory_space<vmem>>, vector<16xf32>,
      %mul3A_838 = arith.constant 16 : i32
      %mul3A_839 = arith.muli %scan3A_633, %mul3A_838 : i32
      %add3A_840 = arith.addi %mul3A_2, %mul3A_839 : i32
      %add3A_841 = arith.constant 1 : i32
      %add3A_842 = arith.addi %add3A_840, %add3A_841 : i32
      %dma_start3A_843 = arith.constant 1 : i32
      %dma_start3A_844 = arith.constant 0 : i32
      %dma_start3A_845 = tpu.memref_slice %arg15[%dma_start3A_843, %dma_start3A_844] : memref<16x128xf32, #tpu.memory_space<vmem>> -> memref<1x128xf32, #tpu.memory_space<vmem>>
      %dma_start3A_846 = arith.constant 0 : i32
      %dma_start3A_847 = tpu.memref_slice %arg5[%add3A_842, %dma_start3A_846] : memref<16384x128xf32, #tpu.memory_space<hbm>> -> memref<1x128xf32, #tpu.memory_space<hbm>>
      %dma_start3A_848 = arith.constant 0 : i32
      %dma_start3A_849 = tpu.memref_slice %arg5[%add3A_842, %dma_start3A_848] : memref<16384x128xf32, #tpu.memory_space<hbm>> -> memref<1x128xf32, #tpu.memory_space<hbm>>
      %dma_start3A_850 = arith.constant 1 : i32
      %dma_start3A_851 = arith.constant 0 : i32
      %dma_start3A_852 = tpu.memref_slice %arg15[%dma_start3A_850, %dma_start3A_851] : memref<16x128xf32, #tpu.memory_space<vmem>> -> memref<1x128xf32, #tpu.memory_space<vmem>>
      tpu.enqueue_dma source(%dma_start3A_852 : memref<1x128xf32, #tpu.memory_space<vmem>>) target(%dma_start3A_849 : memref<1x128xf32, #tpu.memory_space<hbm>>) target_semaphore(%arg25 : memref<!tpu.dma_semaphore, #tpu.memory_space<semaphore_mem>>)
      %slice3A_853 = vector.extract_strided_slice %get3A_640 {offsets = [9], sizes = [1], strides = [1]} : vector<16xi32> to vector<1xi32>
      %squeeze3A_854 = vector.extract %slice3A_853[0] : i32 from vector<1xi32>
      %and3A_855 = arith.constant -128 : i32
      %and3A_856 = arith.andi %squeeze3A_854, %and3A_855 : i32
      %min3A_857 = arith.constant 999808 : i32
      %min3A_858 = arith.minsi %and3A_856, %min3A_857 : i32
      %multiple_of3A_859 = tpu.assume_multiple %min3A_858, 128 : i32
      %dma_start3A_860 = arith.constant 0 : i32
      %dma_start3A_861 = tpu.memref_slice %arg3[%dma_start3A_860, %multiple_of3A_859] : memref<64x1000000xf32, #tpu.memory_space<hbm>> -> memref<64x128xf32, #tpu.memory_space<hbm>>
      %dma_start3A_862 = arith.constant 0 : i32
      %dma_start3A_863 = tpu.memref_slice %arg3[%dma_start3A_862, %multiple_of3A_859] : memref<64x1000000xf32, #tpu.memory_space<hbm>> -> memref<64x128xf32, #tpu.memory_space<hbm>>
      tpu.enqueue_dma source(%dma_start3A_863 : memref<64x128xf32, #tpu.memory_space<hbm>>) target(%arg8 : memref<64x128xf32, #tpu.memory_space<vmem>>) target_semaphore(%arg18 : memref<!tpu.dma_semaphore, #tpu.memory_space<semaphore_mem>>)
      %dma_wait3A_864 = arith.constant 0 : i32
      %dma_wait3A_865 = arith.constant 0 : i32
      %dma_wait3A_866 = tpu.memref_slice %arg3[%dma_wait3A_864, %dma_wait3A_865] : memref<64x1000000xf32, #tpu.memory_space<hbm>> -> memref<64x128xf32, #tpu.memory_space<hbm>>
      %dma_wait3A_867 = arith.constant 0 : i32
      %dma_wait3A_868 = arith.constant 0 : i32
      %dma_wait3A_869 = tpu.memref_slice %arg3[%dma_wait3A_867, %dma_wait3A_868] : memref<64x1000000xf32, #tpu.memory_space<hbm>> -> memref<64x128xf32, #tpu.memory_space<hbm>>
      tpu.wait_dma2 semaphore(%arg19 : memref<!tpu.dma_semaphore, #tpu.memory_space<semaphore_mem>>) src(%dma_wait3A_869 : memref<64x128xf32, #tpu.memory_space<hbm>>) dst(%arg9 : memref<64x128xf32, #tpu.memory_space<vmem>>)
      %slice3A_870 = vector.extract_strided_slice %get3A_640 {offsets = [2], sizes = [1], strides = [1]} : vector<16xi32> to vector<1xi32>
      %squeeze3A_871 = vector.extract %slice3A_870[0] : i32 from vector<1xi32>
      %and3A_872 = arith.constant -128 : i32
      %and3A_873 = arith.andi %squeeze3A_871, %and3A_872 : i32
      %min3A_874 = arith.constant 999808 : i32
      %min3A_875 = arith.minsi %and3A_873, %min3A_874 : i32
      %multiple_of3A_876 = tpu.assume_multiple %min3A_875, 128 : i32
      %sub3A_877 = arith.subi %squeeze3A_871, %multiple_of3A_876 : i32
      %min3A_878 = arith.constant 127 : i32
      %min3A_879 = arith.minsi %sub3A_877, %min3A_878 : i32
      %broadcast_in_dim3A_880 = vector.broadcast %min3A_879 : i32 to vector<16xi32>
      %gather3A_881 = tpu.vector_load_idx %arg9[%add3A_5, %broadcast_in_dim3A_880] : memref<64x128xf32, #tpu.memory_space<vmem>>[vector<16xi32>, vector<16xi32>], vector<16xf32>,
      %swap3A_882 = arith.constant 2 : i32
      %swap3A_883 = arith.constant 0 : i32
      %swap3A_884 = tpu.memref_slice %arg15[%swap3A_882, %swap3A_883] : memref<16x128xf32, #tpu.memory_space<vmem>> -> memref<1x128xf32, #tpu.memory_space<vmem>>
      %swap3A_885 = tpu.memref_squeeze %swap3A_884 : memref<1x128xf32, #tpu.memory_space<vmem>> -> memref<128xf32, #tpu.memory_space<vmem>>
      %swap3A_886 = arith.constant 0 : index
      %swap3A_887 = tpu.vector_load %swap3A_885[%swap3A_886] {strides = array<i32>} : memref<128xf32, #tpu.memory_space<vmem>>, vector<16xf32>,
      tpu.vector_store %swap3A_885[%swap3A_886], %gather3A_881 {strides = array<i32>} : memref<128xf32, #tpu.memory_space<vmem>>, vector<16xf32>,
      %gather3A_888 = tpu.vector_load_idx %arg9[%add3A_9, %broadcast_in_dim3A_880] : memref<64x128xf32, #tpu.memory_space<vmem>>[vector<16xi32>, vector<16xi32>], vector<16xf32>,
      %swap3A_889 = arith.constant 2 : i32
      %swap3A_890 = arith.constant 0 : i32
      %swap3A_891 = tpu.memref_slice %arg15[%swap3A_889, %swap3A_890] : memref<16x128xf32, #tpu.memory_space<vmem>> -> memref<1x128xf32, #tpu.memory_space<vmem>>
      %swap3A_892 = tpu.memref_squeeze %swap3A_891 : memref<1x128xf32, #tpu.memory_space<vmem>> -> memref<128xf32, #tpu.memory_space<vmem>>
      %swap3A_893 = arith.constant 16 : index
      %swap3A_894 = tpu.vector_load %swap3A_892[%swap3A_893] {strides = array<i32>} : memref<128xf32, #tpu.memory_space<vmem>>, vector<16xf32>,
      tpu.vector_store %swap3A_892[%swap3A_893], %gather3A_888 {strides = array<i32>} : memref<128xf32, #tpu.memory_space<vmem>>, vector<16xf32>,
      %gather3A_895 = tpu.vector_load_idx %arg9[%add3A_13, %broadcast_in_dim3A_880] : memref<64x128xf32, #tpu.memory_space<vmem>>[vector<16xi32>, vector<16xi32>], vector<16xf32>,
      %swap3A_896 = arith.constant 2 : i32
      %swap3A_897 = arith.constant 0 : i32
      %swap3A_898 = tpu.memref_slice %arg15[%swap3A_896, %swap3A_897] : memref<16x128xf32, #tpu.memory_space<vmem>> -> memref<1x128xf32, #tpu.memory_space<vmem>>
      %swap3A_899 = tpu.memref_squeeze %swap3A_898 : memref<1x128xf32, #tpu.memory_space<vmem>> -> memref<128xf32, #tpu.memory_space<vmem>>
      %swap3A_900 = arith.constant 32 : index
      %swap3A_901 = tpu.vector_load %swap3A_899[%swap3A_900] {strides = array<i32>} : memref<128xf32, #tpu.memory_space<vmem>>, vector<16xf32>,
      tpu.vector_store %swap3A_899[%swap3A_900], %gather3A_895 {strides = array<i32>} : memref<128xf32, #tpu.memory_space<vmem>>, vector<16xf32>,
      %gather3A_902 = tpu.vector_load_idx %arg9[%add3A_17, %broadcast_in_dim3A_880] : memref<64x128xf32, #tpu.memory_space<vmem>>[vector<16xi32>, vector<16xi32>], vector<16xf32>,
      %swap3A_903 = arith.constant 2 : i32
      %swap3A_904 = arith.constant 0 : i32
      %swap3A_905 = tpu.memref_slice %arg15[%swap3A_903, %swap3A_904] : memref<16x128xf32, #tpu.memory_space<vmem>> -> memref<1x128xf32, #tpu.memory_space<vmem>>
      %swap3A_906 = tpu.memref_squeeze %swap3A_905 : memref<1x128xf32, #tpu.memory_space<vmem>> -> memref<128xf32, #tpu.memory_space<vmem>>
      %swap3A_907 = arith.constant 48 : index
      %swap3A_908 = tpu.vector_load %swap3A_906[%swap3A_907] {strides = array<i32>} : memref<128xf32, #tpu.memory_space<vmem>>, vector<16xf32>,
      tpu.vector_store %swap3A_906[%swap3A_907], %gather3A_902 {strides = array<i32>} : memref<128xf32, #tpu.memory_space<vmem>>, vector<16xf32>,
      %mul3A_909 = arith.constant 16 : i32
      %mul3A_910 = arith.muli %scan3A_633, %mul3A_909 : i32
      %add3A_911 = arith.addi %mul3A_2, %mul3A_910 : i32
      %add3A_912 = arith.constant 2 : i32
      %add3A_913 = arith.addi %add3A_911, %add3A_912 : i32
      %dma_start3A_914 = arith.constant 2 : i32
      %dma_start3A_915 = arith.constant 0 : i32
      %dma_start3A_916 = tpu.memref_slice %arg15[%dma_start3A_914, %dma_start3A_915] : memref<16x128xf32, #tpu.memory_space<vmem>> -> memref<1x128xf32, #tpu.memory_space<vmem>>
      %dma_start3A_917 = arith.constant 0 : i32
      %dma_start3A_918 = tpu.memref_slice %arg5[%add3A_913, %dma_start3A_917] : memref<16384x128xf32, #tpu.memory_space<hbm>> -> memref<1x128xf32, #tpu.memory_space<hbm>>
      %dma_start3A_919 = arith.constant 0 : i32
      %dma_start3A_920 = tpu.memref_slice %arg5[%add3A_913, %dma_start3A_919] : memref<16384x128xf32, #tpu.memory_space<hbm>> -> memref<1x128xf32, #tpu.memory_space<hbm>>
      %dma_start3A_921 = arith.constant 2 : i32
      %dma_start3A_922 = arith.constant 0 : i32
      %dma_start3A_923 = tpu.memref_slice %arg15[%dma_start3A_921, %dma_start3A_922] : memref<16x128xf32, #tpu.memory_space<vmem>> -> memref<1x128xf32, #tpu.memory_space<vmem>>
      tpu.enqueue_dma source(%dma_start3A_923 : memref<1x128xf32, #tpu.memory_space<vmem>>) target(%dma_start3A_920 : memref<1x128xf32, #tpu.memory_space<hbm>>) target_semaphore(%arg25 : memref<!tpu.dma_semaphore, #tpu.memory_space<semaphore_mem>>)
      %slice3A_924 = vector.extract_strided_slice %get3A_640 {offsets = [10], sizes = [1], strides = [1]} : vector<16xi32> to vector<1xi32>
      %squeeze3A_925 = vector.extract %slice3A_924[0] : i32 from vector<1xi32>
      %and3A_926 = arith.constant -128 : i32
      %and3A_927 = arith.andi %squeeze3A_925, %and3A_926 : i32
      %min3A_928 = arith.constant 999808 : i32
      %min3A_929 = arith.minsi %and3A_927, %min3A_928 : i32
      %multiple_of3A_930 = tpu.assume_multiple %min3A_929, 128 : i32
      %dma_start3A_931 = arith.constant 0 : i32
      %dma_start3A_932 = tpu.memref_slice %arg3[%dma_start3A_931, %multiple_of3A_930] : memref<64x1000000xf32, #tpu.memory_space<hbm>> -> memref<64x128xf32, #tpu.memory_space<hbm>>
      %dma_start3A_933 = arith.constant 0 : i32
      %dma_start3A_934 = tpu.memref_slice %arg3[%dma_start3A_933, %multiple_of3A_930] : memref<64x1000000xf32, #tpu.memory_space<hbm>> -> memref<64x128xf32, #tpu.memory_space<hbm>>
      tpu.enqueue_dma source(%dma_start3A_934 : memref<64x128xf32, #tpu.memory_space<hbm>>) target(%arg9 : memref<64x128xf32, #tpu.memory_space<vmem>>) target_semaphore(%arg19 : memref<!tpu.dma_semaphore, #tpu.memory_space<semaphore_mem>>)
      %dma_wait3A_935 = arith.constant 0 : i32
      %dma_wait3A_936 = arith.constant 0 : i32
      %dma_wait3A_937 = tpu.memref_slice %arg3[%dma_wait3A_935, %dma_wait3A_936] : memref<64x1000000xf32, #tpu.memory_space<hbm>> -> memref<64x128xf32, #tpu.memory_space<hbm>>
      %dma_wait3A_938 = arith.constant 0 : i32
      %dma_wait3A_939 = arith.constant 0 : i32
      %dma_wait3A_940 = tpu.memref_slice %arg3[%dma_wait3A_938, %dma_wait3A_939] : memref<64x1000000xf32, #tpu.memory_space<hbm>> -> memref<64x128xf32, #tpu.memory_space<hbm>>
      tpu.wait_dma2 semaphore(%arg20 : memref<!tpu.dma_semaphore, #tpu.memory_space<semaphore_mem>>) src(%dma_wait3A_940 : memref<64x128xf32, #tpu.memory_space<hbm>>) dst(%arg10 : memref<64x128xf32, #tpu.memory_space<vmem>>)
      %slice3A_941 = vector.extract_strided_slice %get3A_640 {offsets = [3], sizes = [1], strides = [1]} : vector<16xi32> to vector<1xi32>
      %squeeze3A_942 = vector.extract %slice3A_941[0] : i32 from vector<1xi32>
      %and3A_943 = arith.constant -128 : i32
      %and3A_944 = arith.andi %squeeze3A_942, %and3A_943 : i32
      %min3A_945 = arith.constant 999808 : i32
      %min3A_946 = arith.minsi %and3A_944, %min3A_945 : i32
      %multiple_of3A_947 = tpu.assume_multiple %min3A_946, 128 : i32
      %sub3A_948 = arith.subi %squeeze3A_942, %multiple_of3A_947 : i32
      %min3A_949 = arith.constant 127 : i32
      %min3A_950 = arith.minsi %sub3A_948, %min3A_949 : i32
      %broadcast_in_dim3A_951 = vector.broadcast %min3A_950 : i32 to vector<16xi32>
      %gather3A_952 = tpu.vector_load_idx %arg10[%add3A_5, %broadcast_in_dim3A_951] : memref<64x128xf32, #tpu.memory_space<vmem>>[vector<16xi32>, vector<16xi32>], vector<16xf32>,
      %swap3A_953 = arith.constant 3 : i32
      %swap3A_954 = arith.constant 0 : i32
      %swap3A_955 = tpu.memref_slice %arg15[%swap3A_953, %swap3A_954] : memref<16x128xf32, #tpu.memory_space<vmem>> -> memref<1x128xf32, #tpu.memory_space<vmem>>
      %swap3A_956 = tpu.memref_squeeze %swap3A_955 : memref<1x128xf32, #tpu.memory_space<vmem>> -> memref<128xf32, #tpu.memory_space<vmem>>
      %swap3A_957 = arith.constant 0 : index
      %swap3A_958 = tpu.vector_load %swap3A_956[%swap3A_957] {strides = array<i32>} : memref<128xf32, #tpu.memory_space<vmem>>, vector<16xf32>,
      tpu.vector_store %swap3A_956[%swap3A_957], %gather3A_952 {strides = array<i32>} : memref<128xf32, #tpu.memory_space<vmem>>, vector<16xf32>,
      %gather3A_959 = tpu.vector_load_idx %arg10[%add3A_9, %broadcast_in_dim3A_951] : memref<64x128xf32, #tpu.memory_space<vmem>>[vector<16xi32>, vector<16xi32>], vector<16xf32>,
      %swap3A_960 = arith.constant 3 : i32
      %swap3A_961 = arith.constant 0 : i32
      %swap3A_962 = tpu.memref_slice %arg15[%swap3A_960, %swap3A_961] : memref<16x128xf32, #tpu.memory_space<vmem>> -> memref<1x128xf32, #tpu.memory_space<vmem>>
      %swap3A_963 = tpu.memref_squeeze %swap3A_962 : memref<1x128xf32, #tpu.memory_space<vmem>> -> memref<128xf32, #tpu.memory_space<vmem>>
      %swap3A_964 = arith.constant 16 : index
      %swap3A_965 = tpu.vector_load %swap3A_963[%swap3A_964] {strides = array<i32>} : memref<128xf32, #tpu.memory_space<vmem>>, vector<16xf32>,
      tpu.vector_store %swap3A_963[%swap3A_964], %gather3A_959 {strides = array<i32>} : memref<128xf32, #tpu.memory_space<vmem>>, vector<16xf32>,
      %gather3A_966 = tpu.vector_load_idx %arg10[%add3A_13, %broadcast_in_dim3A_951] : memref<64x128xf32, #tpu.memory_space<vmem>>[vector<16xi32>, vector<16xi32>], vector<16xf32>,
      %swap3A_967 = arith.constant 3 : i32
      %swap3A_968 = arith.constant 0 : i32
      %swap3A_969 = tpu.memref_slice %arg15[%swap3A_967, %swap3A_968] : memref<16x128xf32, #tpu.memory_space<vmem>> -> memref<1x128xf32, #tpu.memory_space<vmem>>
      %swap3A_970 = tpu.memref_squeeze %swap3A_969 : memref<1x128xf32, #tpu.memory_space<vmem>> -> memref<128xf32, #tpu.memory_space<vmem>>
      %swap3A_971 = arith.constant 32 : index
      %swap3A_972 = tpu.vector_load %swap3A_970[%swap3A_971] {strides = array<i32>} : memref<128xf32, #tpu.memory_space<vmem>>, vector<16xf32>,
      tpu.vector_store %swap3A_970[%swap3A_971], %gather3A_966 {strides = array<i32>} : memref<128xf32, #tpu.memory_space<vmem>>, vector<16xf32>,
      %gather3A_973 = tpu.vector_load_idx %arg10[%add3A_17, %broadcast_in_dim3A_951] : memref<64x128xf32, #tpu.memory_space<vmem>>[vector<16xi32>, vector<16xi32>], vector<16xf32>,
      %swap3A_974 = arith.constant 3 : i32
      %swap3A_975 = arith.constant 0 : i32
      %swap3A_976 = tpu.memref_slice %arg15[%swap3A_974, %swap3A_975] : memref<16x128xf32, #tpu.memory_space<vmem>> -> memref<1x128xf32, #tpu.memory_space<vmem>>
      %swap3A_977 = tpu.memref_squeeze %swap3A_976 : memref<1x128xf32, #tpu.memory_space<vmem>> -> memref<128xf32, #tpu.memory_space<vmem>>
      %swap3A_978 = arith.constant 48 : index
      %swap3A_979 = tpu.vector_load %swap3A_977[%swap3A_978] {strides = array<i32>} : memref<128xf32, #tpu.memory_space<vmem>>, vector<16xf32>,
      tpu.vector_store %swap3A_977[%swap3A_978], %gather3A_973 {strides = array<i32>} : memref<128xf32, #tpu.memory_space<vmem>>, vector<16xf32>,
      %mul3A_980 = arith.constant 16 : i32
      %mul3A_981 = arith.muli %scan3A_633, %mul3A_980 : i32
      %add3A_982 = arith.addi %mul3A_2, %mul3A_981 : i32
      %add3A_983 = arith.constant 3 : i32
      %add3A_984 = arith.addi %add3A_982, %add3A_983 : i32
      %dma_start3A_985 = arith.constant 3 : i32
      %dma_start3A_986 = arith.constant 0 : i32
      %dma_start3A_987 = tpu.memref_slice %arg15[%dma_start3A_985, %dma_start3A_986] : memref<16x128xf32, #tpu.memory_space<vmem>> -> memref<1x128xf32, #tpu.memory_space<vmem>>
      %dma_start3A_988 = arith.constant 0 : i32
      %dma_start3A_989 = tpu.memref_slice %arg5[%add3A_984, %dma_start3A_988] : memref<16384x128xf32, #tpu.memory_space<hbm>> -> memref<1x128xf32, #tpu.memory_space<hbm>>
      %dma_start3A_990 = arith.constant 0 : i32
      %dma_start3A_991 = tpu.memref_slice %arg5[%add3A_984, %dma_start3A_990] : memref<16384x128xf32, #tpu.memory_space<hbm>> -> memref<1x128xf32, #tpu.memory_space<hbm>>
      %dma_start3A_992 = arith.constant 3 : i32
      %dma_start3A_993 = arith.constant 0 : i32
      %dma_start3A_994 = tpu.memref_slice %arg15[%dma_start3A_992, %dma_start3A_993] : memref<16x128xf32, #tpu.memory_space<vmem>> -> memref<1x128xf32, #tpu.memory_space<vmem>>
      tpu.enqueue_dma source(%dma_start3A_994 : memref<1x128xf32, #tpu.memory_space<vmem>>) target(%dma_start3A_991 : memref<1x128xf32, #tpu.memory_space<hbm>>) target_semaphore(%arg25 : memref<!tpu.dma_semaphore, #tpu.memory_space<semaphore_mem>>)
      %slice3A_995 = vector.extract_strided_slice %get3A_640 {offsets = [11], sizes = [1], strides = [1]} : vector<16xi32> to vector<1xi32>
      %squeeze3A_996 = vector.extract %slice3A_995[0] : i32 from vector<1xi32>
      %and3A_997 = arith.constant -128 : i32
      %and3A_998 = arith.andi %squeeze3A_996, %and3A_997 : i32
      %min3A_999 = arith.constant 999808 : i32
      %min3A_1000 = arith.minsi %and3A_998, %min3A_999 : i32
      %multiple_of3A_1001 = tpu.assume_multiple %min3A_1000, 128 : i32
      %dma_start3A_1002 = arith.constant 0 : i32
      %dma_start3A_1003 = tpu.memref_slice %arg3[%dma_start3A_1002, %multiple_of3A_1001] : memref<64x1000000xf32, #tpu.memory_space<hbm>> -> memref<64x128xf32, #tpu.memory_space<hbm>>
      %dma_start3A_1004 = arith.constant 0 : i32
      %dma_start3A_1005 = tpu.memref_slice %arg3[%dma_start3A_1004, %multiple_of3A_1001] : memref<64x1000000xf32, #tpu.memory_space<hbm>> -> memref<64x128xf32, #tpu.memory_space<hbm>>
      tpu.enqueue_dma source(%dma_start3A_1005 : memref<64x128xf32, #tpu.memory_space<hbm>>) target(%arg10 : memref<64x128xf32, #tpu.memory_space<vmem>>) target_semaphore(%arg20 : memref<!tpu.dma_semaphore, #tpu.memory_space<semaphore_mem>>)
      %dma_wait3A_1006 = arith.constant 0 : i32
      %dma_wait3A_1007 = arith.constant 0 : i32
      %dma_wait3A_1008 = tpu.memref_slice %arg3[%dma_wait3A_1006, %dma_wait3A_1007] : memref<64x1000000xf32, #tpu.memory_space<hbm>> -> memref<64x128xf32, #tpu.memory_space<hbm>>
      %dma_wait3A_1009 = arith.constant 0 : i32
      %dma_wait3A_1010 = arith.constant 0 : i32
      %dma_wait3A_1011 = tpu.memref_slice %arg3[%dma_wait3A_1009, %dma_wait3A_1010] : memref<64x1000000xf32, #tpu.memory_space<hbm>> -> memref<64x128xf32, #tpu.memory_space<hbm>>
      tpu.wait_dma2 semaphore(%arg21 : memref<!tpu.dma_semaphore, #tpu.memory_space<semaphore_mem>>) src(%dma_wait3A_1011 : memref<64x128xf32, #tpu.memory_space<hbm>>) dst(%arg11 : memref<64x128xf32, #tpu.memory_space<vmem>>)
      %slice3A_1012 = vector.extract_strided_slice %get3A_640 {offsets = [4], sizes = [1], strides = [1]} : vector<16xi32> to vector<1xi32>
      %squeeze3A_1013 = vector.extract %slice3A_1012[0] : i32 from vector<1xi32>
      %and3A_1014 = arith.constant -128 : i32
      %and3A_1015 = arith.andi %squeeze3A_1013, %and3A_1014 : i32
      %min3A_1016 = arith.constant 999808 : i32
      %min3A_1017 = arith.minsi %and3A_1015, %min3A_1016 : i32
      %multiple_of3A_1018 = tpu.assume_multiple %min3A_1017, 128 : i32
      %sub3A_1019 = arith.subi %squeeze3A_1013, %multiple_of3A_1018 : i32
      %min3A_1020 = arith.constant 127 : i32
      %min3A_1021 = arith.minsi %sub3A_1019, %min3A_1020 : i32
      %broadcast_in_dim3A_1022 = vector.broadcast %min3A_1021 : i32 to vector<16xi32>
      %gather3A_1023 = tpu.vector_load_idx %arg11[%add3A_5, %broadcast_in_dim3A_1022] : memref<64x128xf32, #tpu.memory_space<vmem>>[vector<16xi32>, vector<16xi32>], vector<16xf32>,
      %swap3A_1024 = arith.constant 4 : i32
      %swap3A_1025 = arith.constant 0 : i32
      %swap3A_1026 = tpu.memref_slice %arg15[%swap3A_1024, %swap3A_1025] : memref<16x128xf32, #tpu.memory_space<vmem>> -> memref<1x128xf32, #tpu.memory_space<vmem>>
      %swap3A_1027 = tpu.memref_squeeze %swap3A_1026 : memref<1x128xf32, #tpu.memory_space<vmem>> -> memref<128xf32, #tpu.memory_space<vmem>>
      %swap3A_1028 = arith.constant 0 : index
      %swap3A_1029 = tpu.vector_load %swap3A_1027[%swap3A_1028] {strides = array<i32>} : memref<128xf32, #tpu.memory_space<vmem>>, vector<16xf32>,
      tpu.vector_store %swap3A_1027[%swap3A_1028], %gather3A_1023 {strides = array<i32>} : memref<128xf32, #tpu.memory_space<vmem>>, vector<16xf32>,
      %gather3A_1030 = tpu.vector_load_idx %arg11[%add3A_9, %broadcast_in_dim3A_1022] : memref<64x128xf32, #tpu.memory_space<vmem>>[vector<16xi32>, vector<16xi32>], vector<16xf32>,
      %swap3A_1031 = arith.constant 4 : i32
      %swap3A_1032 = arith.constant 0 : i32
      %swap3A_1033 = tpu.memref_slice %arg15[%swap3A_1031, %swap3A_1032] : memref<16x128xf32, #tpu.memory_space<vmem>> -> memref<1x128xf32, #tpu.memory_space<vmem>>
      %swap3A_1034 = tpu.memref_squeeze %swap3A_1033 : memref<1x128xf32, #tpu.memory_space<vmem>> -> memref<128xf32, #tpu.memory_space<vmem>>
      %swap3A_1035 = arith.constant 16 : index
      %swap3A_1036 = tpu.vector_load %swap3A_1034[%swap3A_1035] {strides = array<i32>} : memref<128xf32, #tpu.memory_space<vmem>>, vector<16xf32>,
      tpu.vector_store %swap3A_1034[%swap3A_1035], %gather3A_1030 {strides = array<i32>} : memref<128xf32, #tpu.memory_space<vmem>>, vector<16xf32>,
      %gather3A_1037 = tpu.vector_load_idx %arg11[%add3A_13, %broadcast_in_dim3A_1022] : memref<64x128xf32, #tpu.memory_space<vmem>>[vector<16xi32>, vector<16xi32>], vector<16xf32>,
      %swap3A_1038 = arith.constant 4 : i32
      %swap3A_1039 = arith.constant 0 : i32
      %swap3A_1040 = tpu.memref_slice %arg15[%swap3A_1038, %swap3A_1039] : memref<16x128xf32, #tpu.memory_space<vmem>> -> memref<1x128xf32, #tpu.memory_space<vmem>>
      %swap3A_1041 = tpu.memref_squeeze %swap3A_1040 : memref<1x128xf32, #tpu.memory_space<vmem>> -> memref<128xf32, #tpu.memory_space<vmem>>
      %swap3A_1042 = arith.constant 32 : index
      %swap3A_1043 = tpu.vector_load %swap3A_1041[%swap3A_1042] {strides = array<i32>} : memref<128xf32, #tpu.memory_space<vmem>>, vector<16xf32>,
      tpu.vector_store %swap3A_1041[%swap3A_1042], %gather3A_1037 {strides = array<i32>} : memref<128xf32, #tpu.memory_space<vmem>>, vector<16xf32>,
      %gather3A_1044 = tpu.vector_load_idx %arg11[%add3A_17, %broadcast_in_dim3A_1022] : memref<64x128xf32, #tpu.memory_space<vmem>>[vector<16xi32>, vector<16xi32>], vector<16xf32>,
      %swap3A_1045 = arith.constant 4 : i32
      %swap3A_1046 = arith.constant 0 : i32
      %swap3A_1047 = tpu.memref_slice %arg15[%swap3A_1045, %swap3A_1046] : memref<16x128xf32, #tpu.memory_space<vmem>> -> memref<1x128xf32, #tpu.memory_space<vmem>>
      %swap3A_1048 = tpu.memref_squeeze %swap3A_1047 : memref<1x128xf32, #tpu.memory_space<vmem>> -> memref<128xf32, #tpu.memory_space<vmem>>
      %swap3A_1049 = arith.constant 48 : index
      %swap3A_1050 = tpu.vector_load %swap3A_1048[%swap3A_1049] {strides = array<i32>} : memref<128xf32, #tpu.memory_space<vmem>>, vector<16xf32>,
      tpu.vector_store %swap3A_1048[%swap3A_1049], %gather3A_1044 {strides = array<i32>} : memref<128xf32, #tpu.memory_space<vmem>>, vector<16xf32>,
      %mul3A_1051 = arith.constant 16 : i32
      %mul3A_1052 = arith.muli %scan3A_633, %mul3A_1051 : i32
      %add3A_1053 = arith.addi %mul3A_2, %mul3A_1052 : i32
      %add3A_1054 = arith.constant 4 : i32
      %add3A_1055 = arith.addi %add3A_1053, %add3A_1054 : i32
      %dma_start3A_1056 = arith.constant 4 : i32
      %dma_start3A_1057 = arith.constant 0 : i32
      %dma_start3A_1058 = tpu.memref_slice %arg15[%dma_start3A_1056, %dma_start3A_1057] : memref<16x128xf32, #tpu.memory_space<vmem>> -> memref<1x128xf32, #tpu.memory_space<vmem>>
      %dma_start3A_1059 = arith.constant 0 : i32
      %dma_start3A_1060 = tpu.memref_slice %arg5[%add3A_1055, %dma_start3A_1059] : memref<16384x128xf32, #tpu.memory_space<hbm>> -> memref<1x128xf32, #tpu.memory_space<hbm>>
      %dma_start3A_1061 = arith.constant 0 : i32
      %dma_start3A_1062 = tpu.memref_slice %arg5[%add3A_1055, %dma_start3A_1061] : memref<16384x128xf32, #tpu.memory_space<hbm>> -> memref<1x128xf32, #tpu.memory_space<hbm>>
      %dma_start3A_1063 = arith.constant 4 : i32
      %dma_start3A_1064 = arith.constant 0 : i32
      %dma_start3A_1065 = tpu.memref_slice %arg15[%dma_start3A_1063, %dma_start3A_1064] : memref<16x128xf32, #tpu.memory_space<vmem>> -> memref<1x128xf32, #tpu.memory_space<vmem>>
      tpu.enqueue_dma source(%dma_start3A_1065 : memref<1x128xf32, #tpu.memory_space<vmem>>) target(%dma_start3A_1062 : memref<1x128xf32, #tpu.memory_space<hbm>>) target_semaphore(%arg25 : memref<!tpu.dma_semaphore, #tpu.memory_space<semaphore_mem>>)
      %slice3A_1066 = vector.extract_strided_slice %get3A_640 {offsets = [12], sizes = [1], strides = [1]} : vector<16xi32> to vector<1xi32>
      %squeeze3A_1067 = vector.extract %slice3A_1066[0] : i32 from vector<1xi32>
      %and3A_1068 = arith.constant -128 : i32
      %and3A_1069 = arith.andi %squeeze3A_1067, %and3A_1068 : i32
      %min3A_1070 = arith.constant 999808 : i32
      %min3A_1071 = arith.minsi %and3A_1069, %min3A_1070 : i32
      %multiple_of3A_1072 = tpu.assume_multiple %min3A_1071, 128 : i32
      %dma_start3A_1073 = arith.constant 0 : i32
      %dma_start3A_1074 = tpu.memref_slice %arg3[%dma_start3A_1073, %multiple_of3A_1072] : memref<64x1000000xf32, #tpu.memory_space<hbm>> -> memref<64x128xf32, #tpu.memory_space<hbm>>
      %dma_start3A_1075 = arith.constant 0 : i32
      %dma_start3A_1076 = tpu.memref_slice %arg3[%dma_start3A_1075, %multiple_of3A_1072] : memref<64x1000000xf32, #tpu.memory_space<hbm>> -> memref<64x128xf32, #tpu.memory_space<hbm>>
      tpu.enqueue_dma source(%dma_start3A_1076 : memref<64x128xf32, #tpu.memory_space<hbm>>) target(%arg11 : memref<64x128xf32, #tpu.memory_space<vmem>>) target_semaphore(%arg21 : memref<!tpu.dma_semaphore, #tpu.memory_space<semaphore_mem>>)
      %dma_wait3A_1077 = arith.constant 0 : i32
      %dma_wait3A_1078 = arith.constant 0 : i32
      %dma_wait3A_1079 = tpu.memref_slice %arg3[%dma_wait3A_1077, %dma_wait3A_1078] : memref<64x1000000xf32, #tpu.memory_space<hbm>> -> memref<64x128xf32, #tpu.memory_space<hbm>>
      %dma_wait3A_1080 = arith.constant 0 : i32
      %dma_wait3A_1081 = arith.constant 0 : i32
      %dma_wait3A_1082 = tpu.memref_slice %arg3[%dma_wait3A_1080, %dma_wait3A_1081] : memref<64x1000000xf32, #tpu.memory_space<hbm>> -> memref<64x128xf32, #tpu.memory_space<hbm>>
      tpu.wait_dma2 semaphore(%arg22 : memref<!tpu.dma_semaphore, #tpu.memory_space<semaphore_mem>>) src(%dma_wait3A_1082 : memref<64x128xf32, #tpu.memory_space<hbm>>) dst(%arg12 : memref<64x128xf32, #tpu.memory_space<vmem>>)
      %slice3A_1083 = vector.extract_strided_slice %get3A_640 {offsets = [5], sizes = [1], strides = [1]} : vector<16xi32> to vector<1xi32>
      %squeeze3A_1084 = vector.extract %slice3A_1083[0] : i32 from vector<1xi32>
      %and3A_1085 = arith.constant -128 : i32
      %and3A_1086 = arith.andi %squeeze3A_1084, %and3A_1085 : i32
      %min3A_1087 = arith.constant 999808 : i32
      %min3A_1088 = arith.minsi %and3A_1086, %min3A_1087 : i32
      %multiple_of3A_1089 = tpu.assume_multiple %min3A_1088, 128 : i32
      %sub3A_1090 = arith.subi %squeeze3A_1084, %multiple_of3A_1089 : i32
      %min3A_1091 = arith.constant 127 : i32
      %min3A_1092 = arith.minsi %sub3A_1090, %min3A_1091 : i32
      %broadcast_in_dim3A_1093 = vector.broadcast %min3A_1092 : i32 to vector<16xi32>
      %gather3A_1094 = tpu.vector_load_idx %arg12[%add3A_5, %broadcast_in_dim3A_1093] : memref<64x128xf32, #tpu.memory_space<vmem>>[vector<16xi32>, vector<16xi32>], vector<16xf32>,
      %swap3A_1095 = arith.constant 5 : i32
      %swap3A_1096 = arith.constant 0 : i32
      %swap3A_1097 = tpu.memref_slice %arg15[%swap3A_1095, %swap3A_1096] : memref<16x128xf32, #tpu.memory_space<vmem>> -> memref<1x128xf32, #tpu.memory_space<vmem>>
      %swap3A_1098 = tpu.memref_squeeze %swap3A_1097 : memref<1x128xf32, #tpu.memory_space<vmem>> -> memref<128xf32, #tpu.memory_space<vmem>>
      %swap3A_1099 = arith.constant 0 : index
      %swap3A_1100 = tpu.vector_load %swap3A_1098[%swap3A_1099] {strides = array<i32>} : memref<128xf32, #tpu.memory_space<vmem>>, vector<16xf32>,
      tpu.vector_store %swap3A_1098[%swap3A_1099], %gather3A_1094 {strides = array<i32>} : memref<128xf32, #tpu.memory_space<vmem>>, vector<16xf32>,
      %gather3A_1101 = tpu.vector_load_idx %arg12[%add3A_9, %broadcast_in_dim3A_1093] : memref<64x128xf32, #tpu.memory_space<vmem>>[vector<16xi32>, vector<16xi32>], vector<16xf32>,
      %swap3A_1102 = arith.constant 5 : i32
      %swap3A_1103 = arith.constant 0 : i32
      %swap3A_1104 = tpu.memref_slice %arg15[%swap3A_1102, %swap3A_1103] : memref<16x128xf32, #tpu.memory_space<vmem>> -> memref<1x128xf32, #tpu.memory_space<vmem>>
      %swap3A_1105 = tpu.memref_squeeze %swap3A_1104 : memref<1x128xf32, #tpu.memory_space<vmem>> -> memref<128xf32, #tpu.memory_space<vmem>>
      %swap3A_1106 = arith.constant 16 : index
      %swap3A_1107 = tpu.vector_load %swap3A_1105[%swap3A_1106] {strides = array<i32>} : memref<128xf32, #tpu.memory_space<vmem>>, vector<16xf32>,
      tpu.vector_store %swap3A_1105[%swap3A_1106], %gather3A_1101 {strides = array<i32>} : memref<128xf32, #tpu.memory_space<vmem>>, vector<16xf32>,
      %gather3A_1108 = tpu.vector_load_idx %arg12[%add3A_13, %broadcast_in_dim3A_1093] : memref<64x128xf32, #tpu.memory_space<vmem>>[vector<16xi32>, vector<16xi32>], vector<16xf32>,
      %swap3A_1109 = arith.constant 5 : i32
      %swap3A_1110 = arith.constant 0 : i32
      %swap3A_1111 = tpu.memref_slice %arg15[%swap3A_1109, %swap3A_1110] : memref<16x128xf32, #tpu.memory_space<vmem>> -> memref<1x128xf32, #tpu.memory_space<vmem>>
      %swap3A_1112 = tpu.memref_squeeze %swap3A_1111 : memref<1x128xf32, #tpu.memory_space<vmem>> -> memref<128xf32, #tpu.memory_space<vmem>>
      %swap3A_1113 = arith.constant 32 : index
      %swap3A_1114 = tpu.vector_load %swap3A_1112[%swap3A_1113] {strides = array<i32>} : memref<128xf32, #tpu.memory_space<vmem>>, vector<16xf32>,
      tpu.vector_store %swap3A_1112[%swap3A_1113], %gather3A_1108 {strides = array<i32>} : memref<128xf32, #tpu.memory_space<vmem>>, vector<16xf32>,
      %gather3A_1115 = tpu.vector_load_idx %arg12[%add3A_17, %broadcast_in_dim3A_1093] : memref<64x128xf32, #tpu.memory_space<vmem>>[vector<16xi32>, vector<16xi32>], vector<16xf32>,
      %swap3A_1116 = arith.constant 5 : i32
      %swap3A_1117 = arith.constant 0 : i32
      %swap3A_1118 = tpu.memref_slice %arg15[%swap3A_1116, %swap3A_1117] : memref<16x128xf32, #tpu.memory_space<vmem>> -> memref<1x128xf32, #tpu.memory_space<vmem>>
      %swap3A_1119 = tpu.memref_squeeze %swap3A_1118 : memref<1x128xf32, #tpu.memory_space<vmem>> -> memref<128xf32, #tpu.memory_space<vmem>>
      %swap3A_1120 = arith.constant 48 : index
      %swap3A_1121 = tpu.vector_load %swap3A_1119[%swap3A_1120] {strides = array<i32>} : memref<128xf32, #tpu.memory_space<vmem>>, vector<16xf32>,
      tpu.vector_store %swap3A_1119[%swap3A_1120], %gather3A_1115 {strides = array<i32>} : memref<128xf32, #tpu.memory_space<vmem>>, vector<16xf32>,
      %mul3A_1122 = arith.constant 16 : i32
      %mul3A_1123 = arith.muli %scan3A_633, %mul3A_1122 : i32
      %add3A_1124 = arith.addi %mul3A_2, %mul3A_1123 : i32
      %add3A_1125 = arith.constant 5 : i32
      %add3A_1126 = arith.addi %add3A_1124, %add3A_1125 : i32
      %dma_start3A_1127 = arith.constant 5 : i32
      %dma_start3A_1128 = arith.constant 0 : i32
      %dma_start3A_1129 = tpu.memref_slice %arg15[%dma_start3A_1127, %dma_start3A_1128] : memref<16x128xf32, #tpu.memory_space<vmem>> -> memref<1x128xf32, #tpu.memory_space<vmem>>
      %dma_start3A_1130 = arith.constant 0 : i32
      %dma_start3A_1131 = tpu.memref_slice %arg5[%add3A_1126, %dma_start3A_1130] : memref<16384x128xf32, #tpu.memory_space<hbm>> -> memref<1x128xf32, #tpu.memory_space<hbm>>
      %dma_start3A_1132 = arith.constant 0 : i32
      %dma_start3A_1133 = tpu.memref_slice %arg5[%add3A_1126, %dma_start3A_1132] : memref<16384x128xf32, #tpu.memory_space<hbm>> -> memref<1x128xf32, #tpu.memory_space<hbm>>
      %dma_start3A_1134 = arith.constant 5 : i32
      %dma_start3A_1135 = arith.constant 0 : i32
      %dma_start3A_1136 = tpu.memref_slice %arg15[%dma_start3A_1134, %dma_start3A_1135] : memref<16x128xf32, #tpu.memory_space<vmem>> -> memref<1x128xf32, #tpu.memory_space<vmem>>
      tpu.enqueue_dma source(%dma_start3A_1136 : memref<1x128xf32, #tpu.memory_space<vmem>>) target(%dma_start3A_1133 : memref<1x128xf32, #tpu.memory_space<hbm>>) target_semaphore(%arg25 : memref<!tpu.dma_semaphore, #tpu.memory_space<semaphore_mem>>)
      %slice3A_1137 = vector.extract_strided_slice %get3A_640 {offsets = [13], sizes = [1], strides = [1]} : vector<16xi32> to vector<1xi32>
      %squeeze3A_1138 = vector.extract %slice3A_1137[0] : i32 from vector<1xi32>
      %and3A_1139 = arith.constant -128 : i32
      %and3A_1140 = arith.andi %squeeze3A_1138, %and3A_1139 : i32
      %min3A_1141 = arith.constant 999808 : i32
      %min3A_1142 = arith.minsi %and3A_1140, %min3A_1141 : i32
      %multiple_of3A_1143 = tpu.assume_multiple %min3A_1142, 128 : i32
      %dma_start3A_1144 = arith.constant 0 : i32
      %dma_start3A_1145 = tpu.memref_slice %arg3[%dma_start3A_1144, %multiple_of3A_1143] : memref<64x1000000xf32, #tpu.memory_space<hbm>> -> memref<64x128xf32, #tpu.memory_space<hbm>>
      %dma_start3A_1146 = arith.constant 0 : i32
      %dma_start3A_1147 = tpu.memref_slice %arg3[%dma_start3A_1146, %multiple_of3A_1143] : memref<64x1000000xf32, #tpu.memory_space<hbm>> -> memref<64x128xf32, #tpu.memory_space<hbm>>
      tpu.enqueue_dma source(%dma_start3A_1147 : memref<64x128xf32, #tpu.memory_space<hbm>>) target(%arg12 : memref<64x128xf32, #tpu.memory_space<vmem>>) target_semaphore(%arg22 : memref<!tpu.dma_semaphore, #tpu.memory_space<semaphore_mem>>)
      %dma_wait3A_1148 = arith.constant 0 : i32
      %dma_wait3A_1149 = arith.constant 0 : i32
      %dma_wait3A_1150 = tpu.memref_slice %arg3[%dma_wait3A_1148, %dma_wait3A_1149] : memref<64x1000000xf32, #tpu.memory_space<hbm>> -> memref<64x128xf32, #tpu.memory_space<hbm>>
      %dma_wait3A_1151 = arith.constant 0 : i32
      %dma_wait3A_1152 = arith.constant 0 : i32
      %dma_wait3A_1153 = tpu.memref_slice %arg3[%dma_wait3A_1151, %dma_wait3A_1152] : memref<64x1000000xf32, #tpu.memory_space<hbm>> -> memref<64x128xf32, #tpu.memory_space<hbm>>
      tpu.wait_dma2 semaphore(%arg23 : memref<!tpu.dma_semaphore, #tpu.memory_space<semaphore_mem>>) src(%dma_wait3A_1153 : memref<64x128xf32, #tpu.memory_space<hbm>>) dst(%arg13 : memref<64x128xf32, #tpu.memory_space<vmem>>)
      %slice3A_1154 = vector.extract_strided_slice %get3A_640 {offsets = [6], sizes = [1], strides = [1]} : vector<16xi32> to vector<1xi32>
      %squeeze3A_1155 = vector.extract %slice3A_1154[0] : i32 from vector<1xi32>
      %and3A_1156 = arith.constant -128 : i32
      %and3A_1157 = arith.andi %squeeze3A_1155, %and3A_1156 : i32
      %min3A_1158 = arith.constant 999808 : i32
      %min3A_1159 = arith.minsi %and3A_1157, %min3A_1158 : i32
      %multiple_of3A_1160 = tpu.assume_multiple %min3A_1159, 128 : i32
      %sub3A_1161 = arith.subi %squeeze3A_1155, %multiple_of3A_1160 : i32
      %min3A_1162 = arith.constant 127 : i32
      %min3A_1163 = arith.minsi %sub3A_1161, %min3A_1162 : i32
      %broadcast_in_dim3A_1164 = vector.broadcast %min3A_1163 : i32 to vector<16xi32>
      %gather3A_1165 = tpu.vector_load_idx %arg13[%add3A_5, %broadcast_in_dim3A_1164] : memref<64x128xf32, #tpu.memory_space<vmem>>[vector<16xi32>, vector<16xi32>], vector<16xf32>,
      %swap3A_1166 = arith.constant 6 : i32
      %swap3A_1167 = arith.constant 0 : i32
      %swap3A_1168 = tpu.memref_slice %arg15[%swap3A_1166, %swap3A_1167] : memref<16x128xf32, #tpu.memory_space<vmem>> -> memref<1x128xf32, #tpu.memory_space<vmem>>
      %swap3A_1169 = tpu.memref_squeeze %swap3A_1168 : memref<1x128xf32, #tpu.memory_space<vmem>> -> memref<128xf32, #tpu.memory_space<vmem>>
      %swap3A_1170 = arith.constant 0 : index
      %swap3A_1171 = tpu.vector_load %swap3A_1169[%swap3A_1170] {strides = array<i32>} : memref<128xf32, #tpu.memory_space<vmem>>, vector<16xf32>,
      tpu.vector_store %swap3A_1169[%swap3A_1170], %gather3A_1165 {strides = array<i32>} : memref<128xf32, #tpu.memory_space<vmem>>, vector<16xf32>,
      %gather3A_1172 = tpu.vector_load_idx %arg13[%add3A_9, %broadcast_in_dim3A_1164] : memref<64x128xf32, #tpu.memory_space<vmem>>[vector<16xi32>, vector<16xi32>], vector<16xf32>,
      %swap3A_1173 = arith.constant 6 : i32
      %swap3A_1174 = arith.constant 0 : i32
      %swap3A_1175 = tpu.memref_slice %arg15[%swap3A_1173, %swap3A_1174] : memref<16x128xf32, #tpu.memory_space<vmem>> -> memref<1x128xf32, #tpu.memory_space<vmem>>
      %swap3A_1176 = tpu.memref_squeeze %swap3A_1175 : memref<1x128xf32, #tpu.memory_space<vmem>> -> memref<128xf32, #tpu.memory_space<vmem>>
      %swap3A_1177 = arith.constant 16 : index
      %swap3A_1178 = tpu.vector_load %swap3A_1176[%swap3A_1177] {strides = array<i32>} : memref<128xf32, #tpu.memory_space<vmem>>, vector<16xf32>,
      tpu.vector_store %swap3A_1176[%swap3A_1177], %gather3A_1172 {strides = array<i32>} : memref<128xf32, #tpu.memory_space<vmem>>, vector<16xf32>,
      %gather3A_1179 = tpu.vector_load_idx %arg13[%add3A_13, %broadcast_in_dim3A_1164] : memref<64x128xf32, #tpu.memory_space<vmem>>[vector<16xi32>, vector<16xi32>], vector<16xf32>,
      %swap3A_1180 = arith.constant 6 : i32
      %swap3A_1181 = arith.constant 0 : i32
      %swap3A_1182 = tpu.memref_slice %arg15[%swap3A_1180, %swap3A_1181] : memref<16x128xf32, #tpu.memory_space<vmem>> -> memref<1x128xf32, #tpu.memory_space<vmem>>
      %swap3A_1183 = tpu.memref_squeeze %swap3A_1182 : memref<1x128xf32, #tpu.memory_space<vmem>> -> memref<128xf32, #tpu.memory_space<vmem>>
      %swap3A_1184 = arith.constant 32 : index
      %swap3A_1185 = tpu.vector_load %swap3A_1183[%swap3A_1184] {strides = array<i32>} : memref<128xf32, #tpu.memory_space<vmem>>, vector<16xf32>,
      tpu.vector_store %swap3A_1183[%swap3A_1184], %gather3A_1179 {strides = array<i32>} : memref<128xf32, #tpu.memory_space<vmem>>, vector<16xf32>,
      %gather3A_1186 = tpu.vector_load_idx %arg13[%add3A_17, %broadcast_in_dim3A_1164] : memref<64x128xf32, #tpu.memory_space<vmem>>[vector<16xi32>, vector<16xi32>], vector<16xf32>,
      %swap3A_1187 = arith.constant 6 : i32
      %swap3A_1188 = arith.constant 0 : i32
      %swap3A_1189 = tpu.memref_slice %arg15[%swap3A_1187, %swap3A_1188] : memref<16x128xf32, #tpu.memory_space<vmem>> -> memref<1x128xf32, #tpu.memory_space<vmem>>
      %swap3A_1190 = tpu.memref_squeeze %swap3A_1189 : memref<1x128xf32, #tpu.memory_space<vmem>> -> memref<128xf32, #tpu.memory_space<vmem>>
      %swap3A_1191 = arith.constant 48 : index
      %swap3A_1192 = tpu.vector_load %swap3A_1190[%swap3A_1191] {strides = array<i32>} : memref<128xf32, #tpu.memory_space<vmem>>, vector<16xf32>,
      tpu.vector_store %swap3A_1190[%swap3A_1191], %gather3A_1186 {strides = array<i32>} : memref<128xf32, #tpu.memory_space<vmem>>, vector<16xf32>,
      %mul3A_1193 = arith.constant 16 : i32
      %mul3A_1194 = arith.muli %scan3A_633, %mul3A_1193 : i32
      %add3A_1195 = arith.addi %mul3A_2, %mul3A_1194 : i32
      %add3A_1196 = arith.constant 6 : i32
      %add3A_1197 = arith.addi %add3A_1195, %add3A_1196 : i32
      %dma_start3A_1198 = arith.constant 6 : i32
      %dma_start3A_1199 = arith.constant 0 : i32
      %dma_start3A_1200 = tpu.memref_slice %arg15[%dma_start3A_1198, %dma_start3A_1199] : memref<16x128xf32, #tpu.memory_space<vmem>> -> memref<1x128xf32, #tpu.memory_space<vmem>>
      %dma_start3A_1201 = arith.constant 0 : i32
      %dma_start3A_1202 = tpu.memref_slice %arg5[%add3A_1197, %dma_start3A_1201] : memref<16384x128xf32, #tpu.memory_space<hbm>> -> memref<1x128xf32, #tpu.memory_space<hbm>>
      %dma_start3A_1203 = arith.constant 0 : i32
      %dma_start3A_1204 = tpu.memref_slice %arg5[%add3A_1197, %dma_start3A_1203] : memref<16384x128xf32, #tpu.memory_space<hbm>> -> memref<1x128xf32, #tpu.memory_space<hbm>>
      %dma_start3A_1205 = arith.constant 6 : i32
      %dma_start3A_1206 = arith.constant 0 : i32
      %dma_start3A_1207 = tpu.memref_slice %arg15[%dma_start3A_1205, %dma_start3A_1206] : memref<16x128xf32, #tpu.memory_space<vmem>> -> memref<1x128xf32, #tpu.memory_space<vmem>>
      tpu.enqueue_dma source(%dma_start3A_1207 : memref<1x128xf32, #tpu.memory_space<vmem>>) target(%dma_start3A_1204 : memref<1x128xf32, #tpu.memory_space<hbm>>) target_semaphore(%arg25 : memref<!tpu.dma_semaphore, #tpu.memory_space<semaphore_mem>>)
      %slice3A_1208 = vector.extract_strided_slice %get3A_640 {offsets = [14], sizes = [1], strides = [1]} : vector<16xi32> to vector<1xi32>
      %squeeze3A_1209 = vector.extract %slice3A_1208[0] : i32 from vector<1xi32>
      %and3A_1210 = arith.constant -128 : i32
      %and3A_1211 = arith.andi %squeeze3A_1209, %and3A_1210 : i32
      %min3A_1212 = arith.constant 999808 : i32
      %min3A_1213 = arith.minsi %and3A_1211, %min3A_1212 : i32
      %multiple_of3A_1214 = tpu.assume_multiple %min3A_1213, 128 : i32
      %dma_start3A_1215 = arith.constant 0 : i32
      %dma_start3A_1216 = tpu.memref_slice %arg3[%dma_start3A_1215, %multiple_of3A_1214] : memref<64x1000000xf32, #tpu.memory_space<hbm>> -> memref<64x128xf32, #tpu.memory_space<hbm>>
      %dma_start3A_1217 = arith.constant 0 : i32
      %dma_start3A_1218 = tpu.memref_slice %arg3[%dma_start3A_1217, %multiple_of3A_1214] : memref<64x1000000xf32, #tpu.memory_space<hbm>> -> memref<64x128xf32, #tpu.memory_space<hbm>>
      tpu.enqueue_dma source(%dma_start3A_1218 : memref<64x128xf32, #tpu.memory_space<hbm>>) target(%arg13 : memref<64x128xf32, #tpu.memory_space<vmem>>) target_semaphore(%arg23 : memref<!tpu.dma_semaphore, #tpu.memory_space<semaphore_mem>>)
      %dma_wait3A_1219 = arith.constant 0 : i32
      %dma_wait3A_1220 = arith.constant 0 : i32
      %dma_wait3A_1221 = tpu.memref_slice %arg3[%dma_wait3A_1219, %dma_wait3A_1220] : memref<64x1000000xf32, #tpu.memory_space<hbm>> -> memref<64x128xf32, #tpu.memory_space<hbm>>
      %dma_wait3A_1222 = arith.constant 0 : i32
      %dma_wait3A_1223 = arith.constant 0 : i32
      %dma_wait3A_1224 = tpu.memref_slice %arg3[%dma_wait3A_1222, %dma_wait3A_1223] : memref<64x1000000xf32, #tpu.memory_space<hbm>> -> memref<64x128xf32, #tpu.memory_space<hbm>>
      tpu.wait_dma2 semaphore(%arg24 : memref<!tpu.dma_semaphore, #tpu.memory_space<semaphore_mem>>) src(%dma_wait3A_1224 : memref<64x128xf32, #tpu.memory_space<hbm>>) dst(%arg14 : memref<64x128xf32, #tpu.memory_space<vmem>>)
      %slice3A_1225 = vector.extract_strided_slice %get3A_640 {offsets = [7], sizes = [1], strides = [1]} : vector<16xi32> to vector<1xi32>
      %squeeze3A_1226 = vector.extract %slice3A_1225[0] : i32 from vector<1xi32>
      %and3A_1227 = arith.constant -128 : i32
      %and3A_1228 = arith.andi %squeeze3A_1226, %and3A_1227 : i32
      %min3A_1229 = arith.constant 999808 : i32
      %min3A_1230 = arith.minsi %and3A_1228, %min3A_1229 : i32
      %multiple_of3A_1231 = tpu.assume_multiple %min3A_1230, 128 : i32
      %sub3A_1232 = arith.subi %squeeze3A_1226, %multiple_of3A_1231 : i32
      %min3A_1233 = arith.constant 127 : i32
      %min3A_1234 = arith.minsi %sub3A_1232, %min3A_1233 : i32
      %broadcast_in_dim3A_1235 = vector.broadcast %min3A_1234 : i32 to vector<16xi32>
      %gather3A_1236 = tpu.vector_load_idx %arg14[%add3A_5, %broadcast_in_dim3A_1235] : memref<64x128xf32, #tpu.memory_space<vmem>>[vector<16xi32>, vector<16xi32>], vector<16xf32>,
      %swap3A_1237 = arith.constant 7 : i32
      %swap3A_1238 = arith.constant 0 : i32
      %swap3A_1239 = tpu.memref_slice %arg15[%swap3A_1237, %swap3A_1238] : memref<16x128xf32, #tpu.memory_space<vmem>> -> memref<1x128xf32, #tpu.memory_space<vmem>>
      %swap3A_1240 = tpu.memref_squeeze %swap3A_1239 : memref<1x128xf32, #tpu.memory_space<vmem>> -> memref<128xf32, #tpu.memory_space<vmem>>
      %swap3A_1241 = arith.constant 0 : index
      %swap3A_1242 = tpu.vector_load %swap3A_1240[%swap3A_1241] {strides = array<i32>} : memref<128xf32, #tpu.memory_space<vmem>>, vector<16xf32>,
      tpu.vector_store %swap3A_1240[%swap3A_1241], %gather3A_1236 {strides = array<i32>} : memref<128xf32, #tpu.memory_space<vmem>>, vector<16xf32>,
      %gather3A_1243 = tpu.vector_load_idx %arg14[%add3A_9, %broadcast_in_dim3A_1235] : memref<64x128xf32, #tpu.memory_space<vmem>>[vector<16xi32>, vector<16xi32>], vector<16xf32>,
      %swap3A_1244 = arith.constant 7 : i32
      %swap3A_1245 = arith.constant 0 : i32
      %swap3A_1246 = tpu.memref_slice %arg15[%swap3A_1244, %swap3A_1245] : memref<16x128xf32, #tpu.memory_space<vmem>> -> memref<1x128xf32, #tpu.memory_space<vmem>>
      %swap3A_1247 = tpu.memref_squeeze %swap3A_1246 : memref<1x128xf32, #tpu.memory_space<vmem>> -> memref<128xf32, #tpu.memory_space<vmem>>
      %swap3A_1248 = arith.constant 16 : index
      %swap3A_1249 = tpu.vector_load %swap3A_1247[%swap3A_1248] {strides = array<i32>} : memref<128xf32, #tpu.memory_space<vmem>>, vector<16xf32>,
      tpu.vector_store %swap3A_1247[%swap3A_1248], %gather3A_1243 {strides = array<i32>} : memref<128xf32, #tpu.memory_space<vmem>>, vector<16xf32>,
      %gather3A_1250 = tpu.vector_load_idx %arg14[%add3A_13, %broadcast_in_dim3A_1235] : memref<64x128xf32, #tpu.memory_space<vmem>>[vector<16xi32>, vector<16xi32>], vector<16xf32>,
      %swap3A_1251 = arith.constant 7 : i32
      %swap3A_1252 = arith.constant 0 : i32
      %swap3A_1253 = tpu.memref_slice %arg15[%swap3A_1251, %swap3A_1252] : memref<16x128xf32, #tpu.memory_space<vmem>> -> memref<1x128xf32, #tpu.memory_space<vmem>>
      %swap3A_1254 = tpu.memref_squeeze %swap3A_1253 : memref<1x128xf32, #tpu.memory_space<vmem>> -> memref<128xf32, #tpu.memory_space<vmem>>
      %swap3A_1255 = arith.constant 32 : index
      %swap3A_1256 = tpu.vector_load %swap3A_1254[%swap3A_1255] {strides = array<i32>} : memref<128xf32, #tpu.memory_space<vmem>>, vector<16xf32>,
      tpu.vector_store %swap3A_1254[%swap3A_1255], %gather3A_1250 {strides = array<i32>} : memref<128xf32, #tpu.memory_space<vmem>>, vector<16xf32>,
      %gather3A_1257 = tpu.vector_load_idx %arg14[%add3A_17, %broadcast_in_dim3A_1235] : memref<64x128xf32, #tpu.memory_space<vmem>>[vector<16xi32>, vector<16xi32>], vector<16xf32>,
      %swap3A_1258 = arith.constant 7 : i32
      %swap3A_1259 = arith.constant 0 : i32
      %swap3A_1260 = tpu.memref_slice %arg15[%swap3A_1258, %swap3A_1259] : memref<16x128xf32, #tpu.memory_space<vmem>> -> memref<1x128xf32, #tpu.memory_space<vmem>>
      %swap3A_1261 = tpu.memref_squeeze %swap3A_1260 : memref<1x128xf32, #tpu.memory_space<vmem>> -> memref<128xf32, #tpu.memory_space<vmem>>
      %swap3A_1262 = arith.constant 48 : index
      %swap3A_1263 = tpu.vector_load %swap3A_1261[%swap3A_1262] {strides = array<i32>} : memref<128xf32, #tpu.memory_space<vmem>>, vector<16xf32>,
      tpu.vector_store %swap3A_1261[%swap3A_1262], %gather3A_1257 {strides = array<i32>} : memref<128xf32, #tpu.memory_space<vmem>>, vector<16xf32>,
      %mul3A_1264 = arith.constant 16 : i32
      %mul3A_1265 = arith.muli %scan3A_633, %mul3A_1264 : i32
      %add3A_1266 = arith.addi %mul3A_2, %mul3A_1265 : i32
      %add3A_1267 = arith.constant 7 : i32
      %add3A_1268 = arith.addi %add3A_1266, %add3A_1267 : i32
      %dma_start3A_1269 = arith.constant 7 : i32
      %dma_start3A_1270 = arith.constant 0 : i32
      %dma_start3A_1271 = tpu.memref_slice %arg15[%dma_start3A_1269, %dma_start3A_1270] : memref<16x128xf32, #tpu.memory_space<vmem>> -> memref<1x128xf32, #tpu.memory_space<vmem>>
      %dma_start3A_1272 = arith.constant 0 : i32
      %dma_start3A_1273 = tpu.memref_slice %arg5[%add3A_1268, %dma_start3A_1272] : memref<16384x128xf32, #tpu.memory_space<hbm>> -> memref<1x128xf32, #tpu.memory_space<hbm>>
      %dma_start3A_1274 = arith.constant 0 : i32
      %dma_start3A_1275 = tpu.memref_slice %arg5[%add3A_1268, %dma_start3A_1274] : memref<16384x128xf32, #tpu.memory_space<hbm>> -> memref<1x128xf32, #tpu.memory_space<hbm>>
      %dma_start3A_1276 = arith.constant 7 : i32
      %dma_start3A_1277 = arith.constant 0 : i32
      %dma_start3A_1278 = tpu.memref_slice %arg15[%dma_start3A_1276, %dma_start3A_1277] : memref<16x128xf32, #tpu.memory_space<vmem>> -> memref<1x128xf32, #tpu.memory_space<vmem>>
      tpu.enqueue_dma source(%dma_start3A_1278 : memref<1x128xf32, #tpu.memory_space<vmem>>) target(%dma_start3A_1275 : memref<1x128xf32, #tpu.memory_space<hbm>>) target_semaphore(%arg25 : memref<!tpu.dma_semaphore, #tpu.memory_space<semaphore_mem>>)
      %slice3A_1279 = vector.extract_strided_slice %get3A_640 {offsets = [15], sizes = [1], strides = [1]} : vector<16xi32> to vector<1xi32>
      %squeeze3A_1280 = vector.extract %slice3A_1279[0] : i32 from vector<1xi32>
      %and3A_1281 = arith.constant -128 : i32
      %and3A_1282 = arith.andi %squeeze3A_1280, %and3A_1281 : i32
      %min3A_1283 = arith.constant 999808 : i32
      %min3A_1284 = arith.minsi %and3A_1282, %min3A_1283 : i32
      %multiple_of3A_1285 = tpu.assume_multiple %min3A_1284, 128 : i32
      %dma_start3A_1286 = arith.constant 0 : i32
      %dma_start3A_1287 = tpu.memref_slice %arg3[%dma_start3A_1286, %multiple_of3A_1285] : memref<64x1000000xf32, #tpu.memory_space<hbm>> -> memref<64x128xf32, #tpu.memory_space<hbm>>
      %dma_start3A_1288 = arith.constant 0 : i32
      %dma_start3A_1289 = tpu.memref_slice %arg3[%dma_start3A_1288, %multiple_of3A_1285] : memref<64x1000000xf32, #tpu.memory_space<hbm>> -> memref<64x128xf32, #tpu.memory_space<hbm>>
      tpu.enqueue_dma source(%dma_start3A_1289 : memref<64x128xf32, #tpu.memory_space<hbm>>) target(%arg14 : memref<64x128xf32, #tpu.memory_space<vmem>>) target_semaphore(%arg24 : memref<!tpu.dma_semaphore, #tpu.memory_space<semaphore_mem>>)
      %dma_wait3A_1290 = arith.constant 0 : i32
      %dma_wait3A_1291 = arith.constant 0 : i32
      %dma_wait3A_1292 = tpu.memref_slice %arg3[%dma_wait3A_1290, %dma_wait3A_1291] : memref<64x1000000xf32, #tpu.memory_space<hbm>> -> memref<64x128xf32, #tpu.memory_space<hbm>>
      %dma_wait3A_1293 = arith.constant 0 : i32
      %dma_wait3A_1294 = arith.constant 0 : i32
      %dma_wait3A_1295 = tpu.memref_slice %arg3[%dma_wait3A_1293, %dma_wait3A_1294] : memref<64x1000000xf32, #tpu.memory_space<hbm>> -> memref<64x128xf32, #tpu.memory_space<hbm>>
      tpu.wait_dma2 semaphore(%arg17 : memref<!tpu.dma_semaphore, #tpu.memory_space<semaphore_mem>>) src(%dma_wait3A_1295 : memref<64x128xf32, #tpu.memory_space<hbm>>) dst(%arg7 : memref<64x128xf32, #tpu.memory_space<vmem>>)
      %slice3A_1296 = vector.extract_strided_slice %get3A_640 {offsets = [8], sizes = [1], strides = [1]} : vector<16xi32> to vector<1xi32>
      %squeeze3A_1297 = vector.extract %slice3A_1296[0] : i32 from vector<1xi32>
      %and3A_1298 = arith.constant -128 : i32
      %and3A_1299 = arith.andi %squeeze3A_1297, %and3A_1298 : i32
      %min3A_1300 = arith.constant 999808 : i32
      %min3A_1301 = arith.minsi %and3A_1299, %min3A_1300 : i32
      %multiple_of3A_1302 = tpu.assume_multiple %min3A_1301, 128 : i32
      %sub3A_1303 = arith.subi %squeeze3A_1297, %multiple_of3A_1302 : i32
      %min3A_1304 = arith.constant 127 : i32
      %min3A_1305 = arith.minsi %sub3A_1303, %min3A_1304 : i32
      %broadcast_in_dim3A_1306 = vector.broadcast %min3A_1305 : i32 to vector<16xi32>
      %gather3A_1307 = tpu.vector_load_idx %arg7[%add3A_5, %broadcast_in_dim3A_1306] : memref<64x128xf32, #tpu.memory_space<vmem>>[vector<16xi32>, vector<16xi32>], vector<16xf32>,
      %swap3A_1308 = arith.constant 8 : i32
      %swap3A_1309 = arith.constant 0 : i32
      %swap3A_1310 = tpu.memref_slice %arg15[%swap3A_1308, %swap3A_1309] : memref<16x128xf32, #tpu.memory_space<vmem>> -> memref<1x128xf32, #tpu.memory_space<vmem>>
      %swap3A_1311 = tpu.memref_squeeze %swap3A_1310 : memref<1x128xf32, #tpu.memory_space<vmem>> -> memref<128xf32, #tpu.memory_space<vmem>>
      %swap3A_1312 = arith.constant 0 : index
      %swap3A_1313 = tpu.vector_load %swap3A_1311[%swap3A_1312] {strides = array<i32>} : memref<128xf32, #tpu.memory_space<vmem>>, vector<16xf32>,
      tpu.vector_store %swap3A_1311[%swap3A_1312], %gather3A_1307 {strides = array<i32>} : memref<128xf32, #tpu.memory_space<vmem>>, vector<16xf32>,
      %gather3A_1314 = tpu.vector_load_idx %arg7[%add3A_9, %broadcast_in_dim3A_1306] : memref<64x128xf32, #tpu.memory_space<vmem>>[vector<16xi32>, vector<16xi32>], vector<16xf32>,
      %swap3A_1315 = arith.constant 8 : i32
      %swap3A_1316 = arith.constant 0 : i32
      %swap3A_1317 = tpu.memref_slice %arg15[%swap3A_1315, %swap3A_1316] : memref<16x128xf32, #tpu.memory_space<vmem>> -> memref<1x128xf32, #tpu.memory_space<vmem>>
      %swap3A_1318 = tpu.memref_squeeze %swap3A_1317 : memref<1x128xf32, #tpu.memory_space<vmem>> -> memref<128xf32, #tpu.memory_space<vmem>>
      %swap3A_1319 = arith.constant 16 : index
      %swap3A_1320 = tpu.vector_load %swap3A_1318[%swap3A_1319] {strides = array<i32>} : memref<128xf32, #tpu.memory_space<vmem>>, vector<16xf32>,
      tpu.vector_store %swap3A_1318[%swap3A_1319], %gather3A_1314 {strides = array<i32>} : memref<128xf32, #tpu.memory_space<vmem>>, vector<16xf32>,
      %gather3A_1321 = tpu.vector_load_idx %arg7[%add3A_13, %broadcast_in_dim3A_1306] : memref<64x128xf32, #tpu.memory_space<vmem>>[vector<16xi32>, vector<16xi32>], vector<16xf32>,
      %swap3A_1322 = arith.constant 8 : i32
      %swap3A_1323 = arith.constant 0 : i32
      %swap3A_1324 = tpu.memref_slice %arg15[%swap3A_1322, %swap3A_1323] : memref<16x128xf32, #tpu.memory_space<vmem>> -> memref<1x128xf32, #tpu.memory_space<vmem>>
      %swap3A_1325 = tpu.memref_squeeze %swap3A_1324 : memref<1x128xf32, #tpu.memory_space<vmem>> -> memref<128xf32, #tpu.memory_space<vmem>>
      %swap3A_1326 = arith.constant 32 : index
      %swap3A_1327 = tpu.vector_load %swap3A_1325[%swap3A_1326] {strides = array<i32>} : memref<128xf32, #tpu.memory_space<vmem>>, vector<16xf32>,
      tpu.vector_store %swap3A_1325[%swap3A_1326], %gather3A_1321 {strides = array<i32>} : memref<128xf32, #tpu.memory_space<vmem>>, vector<16xf32>,
      %gather3A_1328 = tpu.vector_load_idx %arg7[%add3A_17, %broadcast_in_dim3A_1306] : memref<64x128xf32, #tpu.memory_space<vmem>>[vector<16xi32>, vector<16xi32>], vector<16xf32>,
      %swap3A_1329 = arith.constant 8 : i32
      %swap3A_1330 = arith.constant 0 : i32
      %swap3A_1331 = tpu.memref_slice %arg15[%swap3A_1329, %swap3A_1330] : memref<16x128xf32, #tpu.memory_space<vmem>> -> memref<1x128xf32, #tpu.memory_space<vmem>>
      %swap3A_1332 = tpu.memref_squeeze %swap3A_1331 : memref<1x128xf32, #tpu.memory_space<vmem>> -> memref<128xf32, #tpu.memory_space<vmem>>
      %swap3A_1333 = arith.constant 48 : index
      %swap3A_1334 = tpu.vector_load %swap3A_1332[%swap3A_1333] {strides = array<i32>} : memref<128xf32, #tpu.memory_space<vmem>>, vector<16xf32>,
      tpu.vector_store %swap3A_1332[%swap3A_1333], %gather3A_1328 {strides = array<i32>} : memref<128xf32, #tpu.memory_space<vmem>>, vector<16xf32>,
      %mul3A_1335 = arith.constant 16 : i32
      %mul3A_1336 = arith.muli %scan3A_633, %mul3A_1335 : i32
      %add3A_1337 = arith.addi %mul3A_2, %mul3A_1336 : i32
      %add3A_1338 = arith.constant 8 : i32
      %add3A_1339 = arith.addi %add3A_1337, %add3A_1338 : i32
      %dma_start3A_1340 = arith.constant 8 : i32
      %dma_start3A_1341 = arith.constant 0 : i32
      %dma_start3A_1342 = tpu.memref_slice %arg15[%dma_start3A_1340, %dma_start3A_1341] : memref<16x128xf32, #tpu.memory_space<vmem>> -> memref<1x128xf32, #tpu.memory_space<vmem>>
      %dma_start3A_1343 = arith.constant 0 : i32
      %dma_start3A_1344 = tpu.memref_slice %arg5[%add3A_1339, %dma_start3A_1343] : memref<16384x128xf32, #tpu.memory_space<hbm>> -> memref<1x128xf32, #tpu.memory_space<hbm>>
      %dma_start3A_1345 = arith.constant 0 : i32
      %dma_start3A_1346 = tpu.memref_slice %arg5[%add3A_1339, %dma_start3A_1345] : memref<16384x128xf32, #tpu.memory_space<hbm>> -> memref<1x128xf32, #tpu.memory_space<hbm>>
      %dma_start3A_1347 = arith.constant 8 : i32
      %dma_start3A_1348 = arith.constant 0 : i32
      %dma_start3A_1349 = tpu.memref_slice %arg15[%dma_start3A_1347, %dma_start3A_1348] : memref<16x128xf32, #tpu.memory_space<vmem>> -> memref<1x128xf32, #tpu.memory_space<vmem>>
      tpu.enqueue_dma source(%dma_start3A_1349 : memref<1x128xf32, #tpu.memory_space<vmem>>) target(%dma_start3A_1346 : memref<1x128xf32, #tpu.memory_space<hbm>>) target_semaphore(%arg25 : memref<!tpu.dma_semaphore, #tpu.memory_space<semaphore_mem>>)
      %dma_wait3A_1350 = arith.constant 0 : i32
      %dma_wait3A_1351 = arith.constant 0 : i32
      %dma_wait3A_1352 = tpu.memref_slice %arg3[%dma_wait3A_1350, %dma_wait3A_1351] : memref<64x1000000xf32, #tpu.memory_space<hbm>> -> memref<64x128xf32, #tpu.memory_space<hbm>>
      %dma_wait3A_1353 = arith.constant 0 : i32
      %dma_wait3A_1354 = arith.constant 0 : i32
      %dma_wait3A_1355 = tpu.memref_slice %arg3[%dma_wait3A_1353, %dma_wait3A_1354] : memref<64x1000000xf32, #tpu.memory_space<hbm>> -> memref<64x128xf32, #tpu.memory_space<hbm>>
      tpu.wait_dma2 semaphore(%arg18 : memref<!tpu.dma_semaphore, #tpu.memory_space<semaphore_mem>>) src(%dma_wait3A_1355 : memref<64x128xf32, #tpu.memory_space<hbm>>) dst(%arg8 : memref<64x128xf32, #tpu.memory_space<vmem>>)
      %slice3A_1356 = vector.extract_strided_slice %get3A_640 {offsets = [9], sizes = [1], strides = [1]} : vector<16xi32> to vector<1xi32>
      %squeeze3A_1357 = vector.extract %slice3A_1356[0] : i32 from vector<1xi32>
      %and3A_1358 = arith.constant -128 : i32
      %and3A_1359 = arith.andi %squeeze3A_1357, %and3A_1358 : i32
      %min3A_1360 = arith.constant 999808 : i32
      %min3A_1361 = arith.minsi %and3A_1359, %min3A_1360 : i32
      %multiple_of3A_1362 = tpu.assume_multiple %min3A_1361, 128 : i32
      %sub3A_1363 = arith.subi %squeeze3A_1357, %multiple_of3A_1362 : i32
      %min3A_1364 = arith.constant 127 : i32
      %min3A_1365 = arith.minsi %sub3A_1363, %min3A_1364 : i32
      %broadcast_in_dim3A_1366 = vector.broadcast %min3A_1365 : i32 to vector<16xi32>
      %gather3A_1367 = tpu.vector_load_idx %arg8[%add3A_5, %broadcast_in_dim3A_1366] : memref<64x128xf32, #tpu.memory_space<vmem>>[vector<16xi32>, vector<16xi32>], vector<16xf32>,
      %swap3A_1368 = arith.constant 9 : i32
      %swap3A_1369 = arith.constant 0 : i32
      %swap3A_1370 = tpu.memref_slice %arg15[%swap3A_1368, %swap3A_1369] : memref<16x128xf32, #tpu.memory_space<vmem>> -> memref<1x128xf32, #tpu.memory_space<vmem>>
      %swap3A_1371 = tpu.memref_squeeze %swap3A_1370 : memref<1x128xf32, #tpu.memory_space<vmem>> -> memref<128xf32, #tpu.memory_space<vmem>>
      %swap3A_1372 = arith.constant 0 : index
      %swap3A_1373 = tpu.vector_load %swap3A_1371[%swap3A_1372] {strides = array<i32>} : memref<128xf32, #tpu.memory_space<vmem>>, vector<16xf32>,
      tpu.vector_store %swap3A_1371[%swap3A_1372], %gather3A_1367 {strides = array<i32>} : memref<128xf32, #tpu.memory_space<vmem>>, vector<16xf32>,
      %gather3A_1374 = tpu.vector_load_idx %arg8[%add3A_9, %broadcast_in_dim3A_1366] : memref<64x128xf32, #tpu.memory_space<vmem>>[vector<16xi32>, vector<16xi32>], vector<16xf32>,
      %swap3A_1375 = arith.constant 9 : i32
      %swap3A_1376 = arith.constant 0 : i32
      %swap3A_1377 = tpu.memref_slice %arg15[%swap3A_1375, %swap3A_1376] : memref<16x128xf32, #tpu.memory_space<vmem>> -> memref<1x128xf32, #tpu.memory_space<vmem>>
      %swap3A_1378 = tpu.memref_squeeze %swap3A_1377 : memref<1x128xf32, #tpu.memory_space<vmem>> -> memref<128xf32, #tpu.memory_space<vmem>>
      %swap3A_1379 = arith.constant 16 : index
      %swap3A_1380 = tpu.vector_load %swap3A_1378[%swap3A_1379] {strides = array<i32>} : memref<128xf32, #tpu.memory_space<vmem>>, vector<16xf32>,
      tpu.vector_store %swap3A_1378[%swap3A_1379], %gather3A_1374 {strides = array<i32>} : memref<128xf32, #tpu.memory_space<vmem>>, vector<16xf32>,
      %gather3A_1381 = tpu.vector_load_idx %arg8[%add3A_13, %broadcast_in_dim3A_1366] : memref<64x128xf32, #tpu.memory_space<vmem>>[vector<16xi32>, vector<16xi32>], vector<16xf32>,
      %swap3A_1382 = arith.constant 9 : i32
      %swap3A_1383 = arith.constant 0 : i32
      %swap3A_1384 = tpu.memref_slice %arg15[%swap3A_1382, %swap3A_1383] : memref<16x128xf32, #tpu.memory_space<vmem>> -> memref<1x128xf32, #tpu.memory_space<vmem>>
      %swap3A_1385 = tpu.memref_squeeze %swap3A_1384 : memref<1x128xf32, #tpu.memory_space<vmem>> -> memref<128xf32, #tpu.memory_space<vmem>>
      %swap3A_1386 = arith.constant 32 : index
      %swap3A_1387 = tpu.vector_load %swap3A_1385[%swap3A_1386] {strides = array<i32>} : memref<128xf32, #tpu.memory_space<vmem>>, vector<16xf32>,
      tpu.vector_store %swap3A_1385[%swap3A_1386], %gather3A_1381 {strides = array<i32>} : memref<128xf32, #tpu.memory_space<vmem>>, vector<16xf32>,
      %gather3A_1388 = tpu.vector_load_idx %arg8[%add3A_17, %broadcast_in_dim3A_1366] : memref<64x128xf32, #tpu.memory_space<vmem>>[vector<16xi32>, vector<16xi32>], vector<16xf32>,
      %swap3A_1389 = arith.constant 9 : i32
      %swap3A_1390 = arith.constant 0 : i32
      %swap3A_1391 = tpu.memref_slice %arg15[%swap3A_1389, %swap3A_1390] : memref<16x128xf32, #tpu.memory_space<vmem>> -> memref<1x128xf32, #tpu.memory_space<vmem>>
      %swap3A_1392 = tpu.memref_squeeze %swap3A_1391 : memref<1x128xf32, #tpu.memory_space<vmem>> -> memref<128xf32, #tpu.memory_space<vmem>>
      %swap3A_1393 = arith.constant 48 : index
      %swap3A_1394 = tpu.vector_load %swap3A_1392[%swap3A_1393] {strides = array<i32>} : memref<128xf32, #tpu.memory_space<vmem>>, vector<16xf32>,
      tpu.vector_store %swap3A_1392[%swap3A_1393], %gather3A_1388 {strides = array<i32>} : memref<128xf32, #tpu.memory_space<vmem>>, vector<16xf32>,
      %mul3A_1395 = arith.constant 16 : i32
      %mul3A_1396 = arith.muli %scan3A_633, %mul3A_1395 : i32
      %add3A_1397 = arith.addi %mul3A_2, %mul3A_1396 : i32
      %add3A_1398 = arith.constant 9 : i32
      %add3A_1399 = arith.addi %add3A_1397, %add3A_1398 : i32
      %dma_start3A_1400 = arith.constant 9 : i32
      %dma_start3A_1401 = arith.constant 0 : i32
      %dma_start3A_1402 = tpu.memref_slice %arg15[%dma_start3A_1400, %dma_start3A_1401] : memref<16x128xf32, #tpu.memory_space<vmem>> -> memref<1x128xf32, #tpu.memory_space<vmem>>
      %dma_start3A_1403 = arith.constant 0 : i32
      %dma_start3A_1404 = tpu.memref_slice %arg5[%add3A_1399, %dma_start3A_1403] : memref<16384x128xf32, #tpu.memory_space<hbm>> -> memref<1x128xf32, #tpu.memory_space<hbm>>
      %dma_start3A_1405 = arith.constant 0 : i32
      %dma_start3A_1406 = tpu.memref_slice %arg5[%add3A_1399, %dma_start3A_1405] : memref<16384x128xf32, #tpu.memory_space<hbm>> -> memref<1x128xf32, #tpu.memory_space<hbm>>
      %dma_start3A_1407 = arith.constant 9 : i32
      %dma_start3A_1408 = arith.constant 0 : i32
      %dma_start3A_1409 = tpu.memref_slice %arg15[%dma_start3A_1407, %dma_start3A_1408] : memref<16x128xf32, #tpu.memory_space<vmem>> -> memref<1x128xf32, #tpu.memory_space<vmem>>
      tpu.enqueue_dma source(%dma_start3A_1409 : memref<1x128xf32, #tpu.memory_space<vmem>>) target(%dma_start3A_1406 : memref<1x128xf32, #tpu.memory_space<hbm>>) target_semaphore(%arg25 : memref<!tpu.dma_semaphore, #tpu.memory_space<semaphore_mem>>)
      %dma_wait3A_1410 = arith.constant 0 : i32
      %dma_wait3A_1411 = arith.constant 0 : i32
      %dma_wait3A_1412 = tpu.memref_slice %arg3[%dma_wait3A_1410, %dma_wait3A_1411] : memref<64x1000000xf32, #tpu.memory_space<hbm>> -> memref<64x128xf32, #tpu.memory_space<hbm>>
      %dma_wait3A_1413 = arith.constant 0 : i32
      %dma_wait3A_1414 = arith.constant 0 : i32
      %dma_wait3A_1415 = tpu.memref_slice %arg3[%dma_wait3A_1413, %dma_wait3A_1414] : memref<64x1000000xf32, #tpu.memory_space<hbm>> -> memref<64x128xf32, #tpu.memory_space<hbm>>
      tpu.wait_dma2 semaphore(%arg19 : memref<!tpu.dma_semaphore, #tpu.memory_space<semaphore_mem>>) src(%dma_wait3A_1415 : memref<64x128xf32, #tpu.memory_space<hbm>>) dst(%arg9 : memref<64x128xf32, #tpu.memory_space<vmem>>)
      %slice3A_1416 = vector.extract_strided_slice %get3A_640 {offsets = [10], sizes = [1], strides = [1]} : vector<16xi32> to vector<1xi32>
      %squeeze3A_1417 = vector.extract %slice3A_1416[0] : i32 from vector<1xi32>
      %and3A_1418 = arith.constant -128 : i32
      %and3A_1419 = arith.andi %squeeze3A_1417, %and3A_1418 : i32
      %min3A_1420 = arith.constant 999808 : i32
      %min3A_1421 = arith.minsi %and3A_1419, %min3A_1420 : i32
      %multiple_of3A_1422 = tpu.assume_multiple %min3A_1421, 128 : i32
      %sub3A_1423 = arith.subi %squeeze3A_1417, %multiple_of3A_1422 : i32
      %min3A_1424 = arith.constant 127 : i32
      %min3A_1425 = arith.minsi %sub3A_1423, %min3A_1424 : i32
      %broadcast_in_dim3A_1426 = vector.broadcast %min3A_1425 : i32 to vector<16xi32>
      %gather3A_1427 = tpu.vector_load_idx %arg9[%add3A_5, %broadcast_in_dim3A_1426] : memref<64x128xf32, #tpu.memory_space<vmem>>[vector<16xi32>, vector<16xi32>], vector<16xf32>,
      %swap3A_1428 = arith.constant 10 : i32
      %swap3A_1429 = arith.constant 0 : i32
      %swap3A_1430 = tpu.memref_slice %arg15[%swap3A_1428, %swap3A_1429] : memref<16x128xf32, #tpu.memory_space<vmem>> -> memref<1x128xf32, #tpu.memory_space<vmem>>
      %swap3A_1431 = tpu.memref_squeeze %swap3A_1430 : memref<1x128xf32, #tpu.memory_space<vmem>> -> memref<128xf32, #tpu.memory_space<vmem>>
      %swap3A_1432 = arith.constant 0 : index
      %swap3A_1433 = tpu.vector_load %swap3A_1431[%swap3A_1432] {strides = array<i32>} : memref<128xf32, #tpu.memory_space<vmem>>, vector<16xf32>,
      tpu.vector_store %swap3A_1431[%swap3A_1432], %gather3A_1427 {strides = array<i32>} : memref<128xf32, #tpu.memory_space<vmem>>, vector<16xf32>,
      %gather3A_1434 = tpu.vector_load_idx %arg9[%add3A_9, %broadcast_in_dim3A_1426] : memref<64x128xf32, #tpu.memory_space<vmem>>[vector<16xi32>, vector<16xi32>], vector<16xf32>,
      %swap3A_1435 = arith.constant 10 : i32
      %swap3A_1436 = arith.constant 0 : i32
      %swap3A_1437 = tpu.memref_slice %arg15[%swap3A_1435, %swap3A_1436] : memref<16x128xf32, #tpu.memory_space<vmem>> -> memref<1x128xf32, #tpu.memory_space<vmem>>
      %swap3A_1438 = tpu.memref_squeeze %swap3A_1437 : memref<1x128xf32, #tpu.memory_space<vmem>> -> memref<128xf32, #tpu.memory_space<vmem>>
      %swap3A_1439 = arith.constant 16 : index
      %swap3A_1440 = tpu.vector_load %swap3A_1438[%swap3A_1439] {strides = array<i32>} : memref<128xf32, #tpu.memory_space<vmem>>, vector<16xf32>,
      tpu.vector_store %swap3A_1438[%swap3A_1439], %gather3A_1434 {strides = array<i32>} : memref<128xf32, #tpu.memory_space<vmem>>, vector<16xf32>,
      %gather3A_1441 = tpu.vector_load_idx %arg9[%add3A_13, %broadcast_in_dim3A_1426] : memref<64x128xf32, #tpu.memory_space<vmem>>[vector<16xi32>, vector<16xi32>], vector<16xf32>,
      %swap3A_1442 = arith.constant 10 : i32
      %swap3A_1443 = arith.constant 0 : i32
      %swap3A_1444 = tpu.memref_slice %arg15[%swap3A_1442, %swap3A_1443] : memref<16x128xf32, #tpu.memory_space<vmem>> -> memref<1x128xf32, #tpu.memory_space<vmem>>
      %swap3A_1445 = tpu.memref_squeeze %swap3A_1444 : memref<1x128xf32, #tpu.memory_space<vmem>> -> memref<128xf32, #tpu.memory_space<vmem>>
      %swap3A_1446 = arith.constant 32 : index
      %swap3A_1447 = tpu.vector_load %swap3A_1445[%swap3A_1446] {strides = array<i32>} : memref<128xf32, #tpu.memory_space<vmem>>, vector<16xf32>,
      tpu.vector_store %swap3A_1445[%swap3A_1446], %gather3A_1441 {strides = array<i32>} : memref<128xf32, #tpu.memory_space<vmem>>, vector<16xf32>,
      %gather3A_1448 = tpu.vector_load_idx %arg9[%add3A_17, %broadcast_in_dim3A_1426] : memref<64x128xf32, #tpu.memory_space<vmem>>[vector<16xi32>, vector<16xi32>], vector<16xf32>,
      %swap3A_1449 = arith.constant 10 : i32
      %swap3A_1450 = arith.constant 0 : i32
      %swap3A_1451 = tpu.memref_slice %arg15[%swap3A_1449, %swap3A_1450] : memref<16x128xf32, #tpu.memory_space<vmem>> -> memref<1x128xf32, #tpu.memory_space<vmem>>
      %swap3A_1452 = tpu.memref_squeeze %swap3A_1451 : memref<1x128xf32, #tpu.memory_space<vmem>> -> memref<128xf32, #tpu.memory_space<vmem>>
      %swap3A_1453 = arith.constant 48 : index
      %swap3A_1454 = tpu.vector_load %swap3A_1452[%swap3A_1453] {strides = array<i32>} : memref<128xf32, #tpu.memory_space<vmem>>, vector<16xf32>,
      tpu.vector_store %swap3A_1452[%swap3A_1453], %gather3A_1448 {strides = array<i32>} : memref<128xf32, #tpu.memory_space<vmem>>, vector<16xf32>,
      %mul3A_1455 = arith.constant 16 : i32
      %mul3A_1456 = arith.muli %scan3A_633, %mul3A_1455 : i32
      %add3A_1457 = arith.addi %mul3A_2, %mul3A_1456 : i32
      %add3A_1458 = arith.constant 10 : i32
      %add3A_1459 = arith.addi %add3A_1457, %add3A_1458 : i32
      %dma_start3A_1460 = arith.constant 10 : i32
      %dma_start3A_1461 = arith.constant 0 : i32
      %dma_start3A_1462 = tpu.memref_slice %arg15[%dma_start3A_1460, %dma_start3A_1461] : memref<16x128xf32, #tpu.memory_space<vmem>> -> memref<1x128xf32, #tpu.memory_space<vmem>>
      %dma_start3A_1463 = arith.constant 0 : i32
      %dma_start3A_1464 = tpu.memref_slice %arg5[%add3A_1459, %dma_start3A_1463] : memref<16384x128xf32, #tpu.memory_space<hbm>> -> memref<1x128xf32, #tpu.memory_space<hbm>>
      %dma_start3A_1465 = arith.constant 0 : i32
      %dma_start3A_1466 = tpu.memref_slice %arg5[%add3A_1459, %dma_start3A_1465] : memref<16384x128xf32, #tpu.memory_space<hbm>> -> memref<1x128xf32, #tpu.memory_space<hbm>>
      %dma_start3A_1467 = arith.constant 10 : i32
      %dma_start3A_1468 = arith.constant 0 : i32
      %dma_start3A_1469 = tpu.memref_slice %arg15[%dma_start3A_1467, %dma_start3A_1468] : memref<16x128xf32, #tpu.memory_space<vmem>> -> memref<1x128xf32, #tpu.memory_space<vmem>>
      tpu.enqueue_dma source(%dma_start3A_1469 : memref<1x128xf32, #tpu.memory_space<vmem>>) target(%dma_start3A_1466 : memref<1x128xf32, #tpu.memory_space<hbm>>) target_semaphore(%arg25 : memref<!tpu.dma_semaphore, #tpu.memory_space<semaphore_mem>>)
      %dma_wait3A_1470 = arith.constant 0 : i32
      %dma_wait3A_1471 = arith.constant 0 : i32
      %dma_wait3A_1472 = tpu.memref_slice %arg3[%dma_wait3A_1470, %dma_wait3A_1471] : memref<64x1000000xf32, #tpu.memory_space<hbm>> -> memref<64x128xf32, #tpu.memory_space<hbm>>
      %dma_wait3A_1473 = arith.constant 0 : i32
      %dma_wait3A_1474 = arith.constant 0 : i32
      %dma_wait3A_1475 = tpu.memref_slice %arg3[%dma_wait3A_1473, %dma_wait3A_1474] : memref<64x1000000xf32, #tpu.memory_space<hbm>> -> memref<64x128xf32, #tpu.memory_space<hbm>>
      tpu.wait_dma2 semaphore(%arg20 : memref<!tpu.dma_semaphore, #tpu.memory_space<semaphore_mem>>) src(%dma_wait3A_1475 : memref<64x128xf32, #tpu.memory_space<hbm>>) dst(%arg10 : memref<64x128xf32, #tpu.memory_space<vmem>>)
      %slice3A_1476 = vector.extract_strided_slice %get3A_640 {offsets = [11], sizes = [1], strides = [1]} : vector<16xi32> to vector<1xi32>
      %squeeze3A_1477 = vector.extract %slice3A_1476[0] : i32 from vector<1xi32>
      %and3A_1478 = arith.constant -128 : i32
      %and3A_1479 = arith.andi %squeeze3A_1477, %and3A_1478 : i32
      %min3A_1480 = arith.constant 999808 : i32
      %min3A_1481 = arith.minsi %and3A_1479, %min3A_1480 : i32
      %multiple_of3A_1482 = tpu.assume_multiple %min3A_1481, 128 : i32
      %sub3A_1483 = arith.subi %squeeze3A_1477, %multiple_of3A_1482 : i32
      %min3A_1484 = arith.constant 127 : i32
      %min3A_1485 = arith.minsi %sub3A_1483, %min3A_1484 : i32
      %broadcast_in_dim3A_1486 = vector.broadcast %min3A_1485 : i32 to vector<16xi32>
      %gather3A_1487 = tpu.vector_load_idx %arg10[%add3A_5, %broadcast_in_dim3A_1486] : memref<64x128xf32, #tpu.memory_space<vmem>>[vector<16xi32>, vector<16xi32>], vector<16xf32>,
      %swap3A_1488 = arith.constant 11 : i32
      %swap3A_1489 = arith.constant 0 : i32
      %swap3A_1490 = tpu.memref_slice %arg15[%swap3A_1488, %swap3A_1489] : memref<16x128xf32, #tpu.memory_space<vmem>> -> memref<1x128xf32, #tpu.memory_space<vmem>>
      %swap3A_1491 = tpu.memref_squeeze %swap3A_1490 : memref<1x128xf32, #tpu.memory_space<vmem>> -> memref<128xf32, #tpu.memory_space<vmem>>
      %swap3A_1492 = arith.constant 0 : index
      %swap3A_1493 = tpu.vector_load %swap3A_1491[%swap3A_1492] {strides = array<i32>} : memref<128xf32, #tpu.memory_space<vmem>>, vector<16xf32>,
      tpu.vector_store %swap3A_1491[%swap3A_1492], %gather3A_1487 {strides = array<i32>} : memref<128xf32, #tpu.memory_space<vmem>>, vector<16xf32>,
      %gather3A_1494 = tpu.vector_load_idx %arg10[%add3A_9, %broadcast_in_dim3A_1486] : memref<64x128xf32, #tpu.memory_space<vmem>>[vector<16xi32>, vector<16xi32>], vector<16xf32>,
      %swap3A_1495 = arith.constant 11 : i32
      %swap3A_1496 = arith.constant 0 : i32
      %swap3A_1497 = tpu.memref_slice %arg15[%swap3A_1495, %swap3A_1496] : memref<16x128xf32, #tpu.memory_space<vmem>> -> memref<1x128xf32, #tpu.memory_space<vmem>>
      %swap3A_1498 = tpu.memref_squeeze %swap3A_1497 : memref<1x128xf32, #tpu.memory_space<vmem>> -> memref<128xf32, #tpu.memory_space<vmem>>
      %swap3A_1499 = arith.constant 16 : index
      %swap3A_1500 = tpu.vector_load %swap3A_1498[%swap3A_1499] {strides = array<i32>} : memref<128xf32, #tpu.memory_space<vmem>>, vector<16xf32>,
      tpu.vector_store %swap3A_1498[%swap3A_1499], %gather3A_1494 {strides = array<i32>} : memref<128xf32, #tpu.memory_space<vmem>>, vector<16xf32>,
      %gather3A_1501 = tpu.vector_load_idx %arg10[%add3A_13, %broadcast_in_dim3A_1486] : memref<64x128xf32, #tpu.memory_space<vmem>>[vector<16xi32>, vector<16xi32>], vector<16xf32>,
      %swap3A_1502 = arith.constant 11 : i32
      %swap3A_1503 = arith.constant 0 : i32
      %swap3A_1504 = tpu.memref_slice %arg15[%swap3A_1502, %swap3A_1503] : memref<16x128xf32, #tpu.memory_space<vmem>> -> memref<1x128xf32, #tpu.memory_space<vmem>>
      %swap3A_1505 = tpu.memref_squeeze %swap3A_1504 : memref<1x128xf32, #tpu.memory_space<vmem>> -> memref<128xf32, #tpu.memory_space<vmem>>
      %swap3A_1506 = arith.constant 32 : index
      %swap3A_1507 = tpu.vector_load %swap3A_1505[%swap3A_1506] {strides = array<i32>} : memref<128xf32, #tpu.memory_space<vmem>>, vector<16xf32>,
      tpu.vector_store %swap3A_1505[%swap3A_1506], %gather3A_1501 {strides = array<i32>} : memref<128xf32, #tpu.memory_space<vmem>>, vector<16xf32>,
      %gather3A_1508 = tpu.vector_load_idx %arg10[%add3A_17, %broadcast_in_dim3A_1486] : memref<64x128xf32, #tpu.memory_space<vmem>>[vector<16xi32>, vector<16xi32>], vector<16xf32>,
      %swap3A_1509 = arith.constant 11 : i32
      %swap3A_1510 = arith.constant 0 : i32
      %swap3A_1511 = tpu.memref_slice %arg15[%swap3A_1509, %swap3A_1510] : memref<16x128xf32, #tpu.memory_space<vmem>> -> memref<1x128xf32, #tpu.memory_space<vmem>>
      %swap3A_1512 = tpu.memref_squeeze %swap3A_1511 : memref<1x128xf32, #tpu.memory_space<vmem>> -> memref<128xf32, #tpu.memory_space<vmem>>
      %swap3A_1513 = arith.constant 48 : index
      %swap3A_1514 = tpu.vector_load %swap3A_1512[%swap3A_1513] {strides = array<i32>} : memref<128xf32, #tpu.memory_space<vmem>>, vector<16xf32>,
      tpu.vector_store %swap3A_1512[%swap3A_1513], %gather3A_1508 {strides = array<i32>} : memref<128xf32, #tpu.memory_space<vmem>>, vector<16xf32>,
      %mul3A_1515 = arith.constant 16 : i32
      %mul3A_1516 = arith.muli %scan3A_633, %mul3A_1515 : i32
      %add3A_1517 = arith.addi %mul3A_2, %mul3A_1516 : i32
      %add3A_1518 = arith.constant 11 : i32
      %add3A_1519 = arith.addi %add3A_1517, %add3A_1518 : i32
      %dma_start3A_1520 = arith.constant 11 : i32
      %dma_start3A_1521 = arith.constant 0 : i32
      %dma_start3A_1522 = tpu.memref_slice %arg15[%dma_start3A_1520, %dma_start3A_1521] : memref<16x128xf32, #tpu.memory_space<vmem>> -> memref<1x128xf32, #tpu.memory_space<vmem>>
      %dma_start3A_1523 = arith.constant 0 : i32
      %dma_start3A_1524 = tpu.memref_slice %arg5[%add3A_1519, %dma_start3A_1523] : memref<16384x128xf32, #tpu.memory_space<hbm>> -> memref<1x128xf32, #tpu.memory_space<hbm>>
      %dma_start3A_1525 = arith.constant 0 : i32
      %dma_start3A_1526 = tpu.memref_slice %arg5[%add3A_1519, %dma_start3A_1525] : memref<16384x128xf32, #tpu.memory_space<hbm>> -> memref<1x128xf32, #tpu.memory_space<hbm>>
      %dma_start3A_1527 = arith.constant 11 : i32
      %dma_start3A_1528 = arith.constant 0 : i32
      %dma_start3A_1529 = tpu.memref_slice %arg15[%dma_start3A_1527, %dma_start3A_1528] : memref<16x128xf32, #tpu.memory_space<vmem>> -> memref<1x128xf32, #tpu.memory_space<vmem>>
      tpu.enqueue_dma source(%dma_start3A_1529 : memref<1x128xf32, #tpu.memory_space<vmem>>) target(%dma_start3A_1526 : memref<1x128xf32, #tpu.memory_space<hbm>>) target_semaphore(%arg25 : memref<!tpu.dma_semaphore, #tpu.memory_space<semaphore_mem>>)
      %dma_wait3A_1530 = arith.constant 0 : i32
      %dma_wait3A_1531 = arith.constant 0 : i32
      %dma_wait3A_1532 = tpu.memref_slice %arg3[%dma_wait3A_1530, %dma_wait3A_1531] : memref<64x1000000xf32, #tpu.memory_space<hbm>> -> memref<64x128xf32, #tpu.memory_space<hbm>>
      %dma_wait3A_1533 = arith.constant 0 : i32
      %dma_wait3A_1534 = arith.constant 0 : i32
      %dma_wait3A_1535 = tpu.memref_slice %arg3[%dma_wait3A_1533, %dma_wait3A_1534] : memref<64x1000000xf32, #tpu.memory_space<hbm>> -> memref<64x128xf32, #tpu.memory_space<hbm>>
      tpu.wait_dma2 semaphore(%arg21 : memref<!tpu.dma_semaphore, #tpu.memory_space<semaphore_mem>>) src(%dma_wait3A_1535 : memref<64x128xf32, #tpu.memory_space<hbm>>) dst(%arg11 : memref<64x128xf32, #tpu.memory_space<vmem>>)
      %slice3A_1536 = vector.extract_strided_slice %get3A_640 {offsets = [12], sizes = [1], strides = [1]} : vector<16xi32> to vector<1xi32>
      %squeeze3A_1537 = vector.extract %slice3A_1536[0] : i32 from vector<1xi32>
      %and3A_1538 = arith.constant -128 : i32
      %and3A_1539 = arith.andi %squeeze3A_1537, %and3A_1538 : i32
      %min3A_1540 = arith.constant 999808 : i32
      %min3A_1541 = arith.minsi %and3A_1539, %min3A_1540 : i32
      %multiple_of3A_1542 = tpu.assume_multiple %min3A_1541, 128 : i32
      %sub3A_1543 = arith.subi %squeeze3A_1537, %multiple_of3A_1542 : i32
      %min3A_1544 = arith.constant 127 : i32
      %min3A_1545 = arith.minsi %sub3A_1543, %min3A_1544 : i32
      %broadcast_in_dim3A_1546 = vector.broadcast %min3A_1545 : i32 to vector<16xi32>
      %gather3A_1547 = tpu.vector_load_idx %arg11[%add3A_5, %broadcast_in_dim3A_1546] : memref<64x128xf32, #tpu.memory_space<vmem>>[vector<16xi32>, vector<16xi32>], vector<16xf32>,
      %swap3A_1548 = arith.constant 12 : i32
      %swap3A_1549 = arith.constant 0 : i32
      %swap3A_1550 = tpu.memref_slice %arg15[%swap3A_1548, %swap3A_1549] : memref<16x128xf32, #tpu.memory_space<vmem>> -> memref<1x128xf32, #tpu.memory_space<vmem>>
      %swap3A_1551 = tpu.memref_squeeze %swap3A_1550 : memref<1x128xf32, #tpu.memory_space<vmem>> -> memref<128xf32, #tpu.memory_space<vmem>>
      %swap3A_1552 = arith.constant 0 : index
      %swap3A_1553 = tpu.vector_load %swap3A_1551[%swap3A_1552] {strides = array<i32>} : memref<128xf32, #tpu.memory_space<vmem>>, vector<16xf32>,
      tpu.vector_store %swap3A_1551[%swap3A_1552], %gather3A_1547 {strides = array<i32>} : memref<128xf32, #tpu.memory_space<vmem>>, vector<16xf32>,
      %gather3A_1554 = tpu.vector_load_idx %arg11[%add3A_9, %broadcast_in_dim3A_1546] : memref<64x128xf32, #tpu.memory_space<vmem>>[vector<16xi32>, vector<16xi32>], vector<16xf32>,
      %swap3A_1555 = arith.constant 12 : i32
      %swap3A_1556 = arith.constant 0 : i32
      %swap3A_1557 = tpu.memref_slice %arg15[%swap3A_1555, %swap3A_1556] : memref<16x128xf32, #tpu.memory_space<vmem>> -> memref<1x128xf32, #tpu.memory_space<vmem>>
      %swap3A_1558 = tpu.memref_squeeze %swap3A_1557 : memref<1x128xf32, #tpu.memory_space<vmem>> -> memref<128xf32, #tpu.memory_space<vmem>>
      %swap3A_1559 = arith.constant 16 : index
      %swap3A_1560 = tpu.vector_load %swap3A_1558[%swap3A_1559] {strides = array<i32>} : memref<128xf32, #tpu.memory_space<vmem>>, vector<16xf32>,
      tpu.vector_store %swap3A_1558[%swap3A_1559], %gather3A_1554 {strides = array<i32>} : memref<128xf32, #tpu.memory_space<vmem>>, vector<16xf32>,
      %gather3A_1561 = tpu.vector_load_idx %arg11[%add3A_13, %broadcast_in_dim3A_1546] : memref<64x128xf32, #tpu.memory_space<vmem>>[vector<16xi32>, vector<16xi32>], vector<16xf32>,
      %swap3A_1562 = arith.constant 12 : i32
      %swap3A_1563 = arith.constant 0 : i32
      %swap3A_1564 = tpu.memref_slice %arg15[%swap3A_1562, %swap3A_1563] : memref<16x128xf32, #tpu.memory_space<vmem>> -> memref<1x128xf32, #tpu.memory_space<vmem>>
      %swap3A_1565 = tpu.memref_squeeze %swap3A_1564 : memref<1x128xf32, #tpu.memory_space<vmem>> -> memref<128xf32, #tpu.memory_space<vmem>>
      %swap3A_1566 = arith.constant 32 : index
      %swap3A_1567 = tpu.vector_load %swap3A_1565[%swap3A_1566] {strides = array<i32>} : memref<128xf32, #tpu.memory_space<vmem>>, vector<16xf32>,
      tpu.vector_store %swap3A_1565[%swap3A_1566], %gather3A_1561 {strides = array<i32>} : memref<128xf32, #tpu.memory_space<vmem>>, vector<16xf32>,
      %gather3A_1568 = tpu.vector_load_idx %arg11[%add3A_17, %broadcast_in_dim3A_1546] : memref<64x128xf32, #tpu.memory_space<vmem>>[vector<16xi32>, vector<16xi32>], vector<16xf32>,
      %swap3A_1569 = arith.constant 12 : i32
      %swap3A_1570 = arith.constant 0 : i32
      %swap3A_1571 = tpu.memref_slice %arg15[%swap3A_1569, %swap3A_1570] : memref<16x128xf32, #tpu.memory_space<vmem>> -> memref<1x128xf32, #tpu.memory_space<vmem>>
      %swap3A_1572 = tpu.memref_squeeze %swap3A_1571 : memref<1x128xf32, #tpu.memory_space<vmem>> -> memref<128xf32, #tpu.memory_space<vmem>>
      %swap3A_1573 = arith.constant 48 : index
      %swap3A_1574 = tpu.vector_load %swap3A_1572[%swap3A_1573] {strides = array<i32>} : memref<128xf32, #tpu.memory_space<vmem>>, vector<16xf32>,
      tpu.vector_store %swap3A_1572[%swap3A_1573], %gather3A_1568 {strides = array<i32>} : memref<128xf32, #tpu.memory_space<vmem>>, vector<16xf32>,
      %mul3A_1575 = arith.constant 16 : i32
      %mul3A_1576 = arith.muli %scan3A_633, %mul3A_1575 : i32
      %add3A_1577 = arith.addi %mul3A_2, %mul3A_1576 : i32
      %add3A_1578 = arith.constant 12 : i32
      %add3A_1579 = arith.addi %add3A_1577, %add3A_1578 : i32
      %dma_start3A_1580 = arith.constant 12 : i32
      %dma_start3A_1581 = arith.constant 0 : i32
      %dma_start3A_1582 = tpu.memref_slice %arg15[%dma_start3A_1580, %dma_start3A_1581] : memref<16x128xf32, #tpu.memory_space<vmem>> -> memref<1x128xf32, #tpu.memory_space<vmem>>
      %dma_start3A_1583 = arith.constant 0 : i32
      %dma_start3A_1584 = tpu.memref_slice %arg5[%add3A_1579, %dma_start3A_1583] : memref<16384x128xf32, #tpu.memory_space<hbm>> -> memref<1x128xf32, #tpu.memory_space<hbm>>
      %dma_start3A_1585 = arith.constant 0 : i32
      %dma_start3A_1586 = tpu.memref_slice %arg5[%add3A_1579, %dma_start3A_1585] : memref<16384x128xf32, #tpu.memory_space<hbm>> -> memref<1x128xf32, #tpu.memory_space<hbm>>
      %dma_start3A_1587 = arith.constant 12 : i32
      %dma_start3A_1588 = arith.constant 0 : i32
      %dma_start3A_1589 = tpu.memref_slice %arg15[%dma_start3A_1587, %dma_start3A_1588] : memref<16x128xf32, #tpu.memory_space<vmem>> -> memref<1x128xf32, #tpu.memory_space<vmem>>
      tpu.enqueue_dma source(%dma_start3A_1589 : memref<1x128xf32, #tpu.memory_space<vmem>>) target(%dma_start3A_1586 : memref<1x128xf32, #tpu.memory_space<hbm>>) target_semaphore(%arg25 : memref<!tpu.dma_semaphore, #tpu.memory_space<semaphore_mem>>)
      %dma_wait3A_1590 = arith.constant 0 : i32
      %dma_wait3A_1591 = arith.constant 0 : i32
      %dma_wait3A_1592 = tpu.memref_slice %arg3[%dma_wait3A_1590, %dma_wait3A_1591] : memref<64x1000000xf32, #tpu.memory_space<hbm>> -> memref<64x128xf32, #tpu.memory_space<hbm>>
      %dma_wait3A_1593 = arith.constant 0 : i32
      %dma_wait3A_1594 = arith.constant 0 : i32
      %dma_wait3A_1595 = tpu.memref_slice %arg3[%dma_wait3A_1593, %dma_wait3A_1594] : memref<64x1000000xf32, #tpu.memory_space<hbm>> -> memref<64x128xf32, #tpu.memory_space<hbm>>
      tpu.wait_dma2 semaphore(%arg22 : memref<!tpu.dma_semaphore, #tpu.memory_space<semaphore_mem>>) src(%dma_wait3A_1595 : memref<64x128xf32, #tpu.memory_space<hbm>>) dst(%arg12 : memref<64x128xf32, #tpu.memory_space<vmem>>)
      %slice3A_1596 = vector.extract_strided_slice %get3A_640 {offsets = [13], sizes = [1], strides = [1]} : vector<16xi32> to vector<1xi32>
      %squeeze3A_1597 = vector.extract %slice3A_1596[0] : i32 from vector<1xi32>
      %and3A_1598 = arith.constant -128 : i32
      %and3A_1599 = arith.andi %squeeze3A_1597, %and3A_1598 : i32
      %min3A_1600 = arith.constant 999808 : i32
      %min3A_1601 = arith.minsi %and3A_1599, %min3A_1600 : i32
      %multiple_of3A_1602 = tpu.assume_multiple %min3A_1601, 128 : i32
      %sub3A_1603 = arith.subi %squeeze3A_1597, %multiple_of3A_1602 : i32
      %min3A_1604 = arith.constant 127 : i32
      %min3A_1605 = arith.minsi %sub3A_1603, %min3A_1604 : i32
      %broadcast_in_dim3A_1606 = vector.broadcast %min3A_1605 : i32 to vector<16xi32>
      %gather3A_1607 = tpu.vector_load_idx %arg12[%add3A_5, %broadcast_in_dim3A_1606] : memref<64x128xf32, #tpu.memory_space<vmem>>[vector<16xi32>, vector<16xi32>], vector<16xf32>,
      %swap3A_1608 = arith.constant 13 : i32
      %swap3A_1609 = arith.constant 0 : i32
      %swap3A_1610 = tpu.memref_slice %arg15[%swap3A_1608, %swap3A_1609] : memref<16x128xf32, #tpu.memory_space<vmem>> -> memref<1x128xf32, #tpu.memory_space<vmem>>
      %swap3A_1611 = tpu.memref_squeeze %swap3A_1610 : memref<1x128xf32, #tpu.memory_space<vmem>> -> memref<128xf32, #tpu.memory_space<vmem>>
      %swap3A_1612 = arith.constant 0 : index
      %swap3A_1613 = tpu.vector_load %swap3A_1611[%swap3A_1612] {strides = array<i32>} : memref<128xf32, #tpu.memory_space<vmem>>, vector<16xf32>,
      tpu.vector_store %swap3A_1611[%swap3A_1612], %gather3A_1607 {strides = array<i32>} : memref<128xf32, #tpu.memory_space<vmem>>, vector<16xf32>,
      %gather3A_1614 = tpu.vector_load_idx %arg12[%add3A_9, %broadcast_in_dim3A_1606] : memref<64x128xf32, #tpu.memory_space<vmem>>[vector<16xi32>, vector<16xi32>], vector<16xf32>,
      %swap3A_1615 = arith.constant 13 : i32
      %swap3A_1616 = arith.constant 0 : i32
      %swap3A_1617 = tpu.memref_slice %arg15[%swap3A_1615, %swap3A_1616] : memref<16x128xf32, #tpu.memory_space<vmem>> -> memref<1x128xf32, #tpu.memory_space<vmem>>
      %swap3A_1618 = tpu.memref_squeeze %swap3A_1617 : memref<1x128xf32, #tpu.memory_space<vmem>> -> memref<128xf32, #tpu.memory_space<vmem>>
      %swap3A_1619 = arith.constant 16 : index
      %swap3A_1620 = tpu.vector_load %swap3A_1618[%swap3A_1619] {strides = array<i32>} : memref<128xf32, #tpu.memory_space<vmem>>, vector<16xf32>,
      tpu.vector_store %swap3A_1618[%swap3A_1619], %gather3A_1614 {strides = array<i32>} : memref<128xf32, #tpu.memory_space<vmem>>, vector<16xf32>,
      %gather3A_1621 = tpu.vector_load_idx %arg12[%add3A_13, %broadcast_in_dim3A_1606] : memref<64x128xf32, #tpu.memory_space<vmem>>[vector<16xi32>, vector<16xi32>], vector<16xf32>,
      %swap3A_1622 = arith.constant 13 : i32
      %swap3A_1623 = arith.constant 0 : i32
      %swap3A_1624 = tpu.memref_slice %arg15[%swap3A_1622, %swap3A_1623] : memref<16x128xf32, #tpu.memory_space<vmem>> -> memref<1x128xf32, #tpu.memory_space<vmem>>
      %swap3A_1625 = tpu.memref_squeeze %swap3A_1624 : memref<1x128xf32, #tpu.memory_space<vmem>> -> memref<128xf32, #tpu.memory_space<vmem>>
      %swap3A_1626 = arith.constant 32 : index
      %swap3A_1627 = tpu.vector_load %swap3A_1625[%swap3A_1626] {strides = array<i32>} : memref<128xf32, #tpu.memory_space<vmem>>, vector<16xf32>,
      tpu.vector_store %swap3A_1625[%swap3A_1626], %gather3A_1621 {strides = array<i32>} : memref<128xf32, #tpu.memory_space<vmem>>, vector<16xf32>,
      %gather3A_1628 = tpu.vector_load_idx %arg12[%add3A_17, %broadcast_in_dim3A_1606] : memref<64x128xf32, #tpu.memory_space<vmem>>[vector<16xi32>, vector<16xi32>], vector<16xf32>,
      %swap3A_1629 = arith.constant 13 : i32
      %swap3A_1630 = arith.constant 0 : i32
      %swap3A_1631 = tpu.memref_slice %arg15[%swap3A_1629, %swap3A_1630] : memref<16x128xf32, #tpu.memory_space<vmem>> -> memref<1x128xf32, #tpu.memory_space<vmem>>
      %swap3A_1632 = tpu.memref_squeeze %swap3A_1631 : memref<1x128xf32, #tpu.memory_space<vmem>> -> memref<128xf32, #tpu.memory_space<vmem>>
      %swap3A_1633 = arith.constant 48 : index
      %swap3A_1634 = tpu.vector_load %swap3A_1632[%swap3A_1633] {strides = array<i32>} : memref<128xf32, #tpu.memory_space<vmem>>, vector<16xf32>,
      tpu.vector_store %swap3A_1632[%swap3A_1633], %gather3A_1628 {strides = array<i32>} : memref<128xf32, #tpu.memory_space<vmem>>, vector<16xf32>,
      %mul3A_1635 = arith.constant 16 : i32
      %mul3A_1636 = arith.muli %scan3A_633, %mul3A_1635 : i32
      %add3A_1637 = arith.addi %mul3A_2, %mul3A_1636 : i32
      %add3A_1638 = arith.constant 13 : i32
      %add3A_1639 = arith.addi %add3A_1637, %add3A_1638 : i32
      %dma_start3A_1640 = arith.constant 13 : i32
      %dma_start3A_1641 = arith.constant 0 : i32
      %dma_start3A_1642 = tpu.memref_slice %arg15[%dma_start3A_1640, %dma_start3A_1641] : memref<16x128xf32, #tpu.memory_space<vmem>> -> memref<1x128xf32, #tpu.memory_space<vmem>>
      %dma_start3A_1643 = arith.constant 0 : i32
      %dma_start3A_1644 = tpu.memref_slice %arg5[%add3A_1639, %dma_start3A_1643] : memref<16384x128xf32, #tpu.memory_space<hbm>> -> memref<1x128xf32, #tpu.memory_space<hbm>>
      %dma_start3A_1645 = arith.constant 0 : i32
      %dma_start3A_1646 = tpu.memref_slice %arg5[%add3A_1639, %dma_start3A_1645] : memref<16384x128xf32, #tpu.memory_space<hbm>> -> memref<1x128xf32, #tpu.memory_space<hbm>>
      %dma_start3A_1647 = arith.constant 13 : i32
      %dma_start3A_1648 = arith.constant 0 : i32
      %dma_start3A_1649 = tpu.memref_slice %arg15[%dma_start3A_1647, %dma_start3A_1648] : memref<16x128xf32, #tpu.memory_space<vmem>> -> memref<1x128xf32, #tpu.memory_space<vmem>>
      tpu.enqueue_dma source(%dma_start3A_1649 : memref<1x128xf32, #tpu.memory_space<vmem>>) target(%dma_start3A_1646 : memref<1x128xf32, #tpu.memory_space<hbm>>) target_semaphore(%arg25 : memref<!tpu.dma_semaphore, #tpu.memory_space<semaphore_mem>>)
      %dma_wait3A_1650 = arith.constant 0 : i32
      %dma_wait3A_1651 = arith.constant 0 : i32
      %dma_wait3A_1652 = tpu.memref_slice %arg3[%dma_wait3A_1650, %dma_wait3A_1651] : memref<64x1000000xf32, #tpu.memory_space<hbm>> -> memref<64x128xf32, #tpu.memory_space<hbm>>
      %dma_wait3A_1653 = arith.constant 0 : i32
      %dma_wait3A_1654 = arith.constant 0 : i32
      %dma_wait3A_1655 = tpu.memref_slice %arg3[%dma_wait3A_1653, %dma_wait3A_1654] : memref<64x1000000xf32, #tpu.memory_space<hbm>> -> memref<64x128xf32, #tpu.memory_space<hbm>>
      tpu.wait_dma2 semaphore(%arg23 : memref<!tpu.dma_semaphore, #tpu.memory_space<semaphore_mem>>) src(%dma_wait3A_1655 : memref<64x128xf32, #tpu.memory_space<hbm>>) dst(%arg13 : memref<64x128xf32, #tpu.memory_space<vmem>>)
      %slice3A_1656 = vector.extract_strided_slice %get3A_640 {offsets = [14], sizes = [1], strides = [1]} : vector<16xi32> to vector<1xi32>
      %squeeze3A_1657 = vector.extract %slice3A_1656[0] : i32 from vector<1xi32>
      %and3A_1658 = arith.constant -128 : i32
      %and3A_1659 = arith.andi %squeeze3A_1657, %and3A_1658 : i32
      %min3A_1660 = arith.constant 999808 : i32
      %min3A_1661 = arith.minsi %and3A_1659, %min3A_1660 : i32
      %multiple_of3A_1662 = tpu.assume_multiple %min3A_1661, 128 : i32
      %sub3A_1663 = arith.subi %squeeze3A_1657, %multiple_of3A_1662 : i32
      %min3A_1664 = arith.constant 127 : i32
      %min3A_1665 = arith.minsi %sub3A_1663, %min3A_1664 : i32
      %broadcast_in_dim3A_1666 = vector.broadcast %min3A_1665 : i32 to vector<16xi32>
      %gather3A_1667 = tpu.vector_load_idx %arg13[%add3A_5, %broadcast_in_dim3A_1666] : memref<64x128xf32, #tpu.memory_space<vmem>>[vector<16xi32>, vector<16xi32>], vector<16xf32>,
      %swap3A_1668 = arith.constant 14 : i32
      %swap3A_1669 = arith.constant 0 : i32
      %swap3A_1670 = tpu.memref_slice %arg15[%swap3A_1668, %swap3A_1669] : memref<16x128xf32, #tpu.memory_space<vmem>> -> memref<1x128xf32, #tpu.memory_space<vmem>>
      %swap3A_1671 = tpu.memref_squeeze %swap3A_1670 : memref<1x128xf32, #tpu.memory_space<vmem>> -> memref<128xf32, #tpu.memory_space<vmem>>
      %swap3A_1672 = arith.constant 0 : index
      %swap3A_1673 = tpu.vector_load %swap3A_1671[%swap3A_1672] {strides = array<i32>} : memref<128xf32, #tpu.memory_space<vmem>>, vector<16xf32>,
      tpu.vector_store %swap3A_1671[%swap3A_1672], %gather3A_1667 {strides = array<i32>} : memref<128xf32, #tpu.memory_space<vmem>>, vector<16xf32>,
      %gather3A_1674 = tpu.vector_load_idx %arg13[%add3A_9, %broadcast_in_dim3A_1666] : memref<64x128xf32, #tpu.memory_space<vmem>>[vector<16xi32>, vector<16xi32>], vector<16xf32>,
      %swap3A_1675 = arith.constant 14 : i32
      %swap3A_1676 = arith.constant 0 : i32
      %swap3A_1677 = tpu.memref_slice %arg15[%swap3A_1675, %swap3A_1676] : memref<16x128xf32, #tpu.memory_space<vmem>> -> memref<1x128xf32, #tpu.memory_space<vmem>>
      %swap3A_1678 = tpu.memref_squeeze %swap3A_1677 : memref<1x128xf32, #tpu.memory_space<vmem>> -> memref<128xf32, #tpu.memory_space<vmem>>
      %swap3A_1679 = arith.constant 16 : index
      %swap3A_1680 = tpu.vector_load %swap3A_1678[%swap3A_1679] {strides = array<i32>} : memref<128xf32, #tpu.memory_space<vmem>>, vector<16xf32>,
      tpu.vector_store %swap3A_1678[%swap3A_1679], %gather3A_1674 {strides = array<i32>} : memref<128xf32, #tpu.memory_space<vmem>>, vector<16xf32>,
      %gather3A_1681 = tpu.vector_load_idx %arg13[%add3A_13, %broadcast_in_dim3A_1666] : memref<64x128xf32, #tpu.memory_space<vmem>>[vector<16xi32>, vector<16xi32>], vector<16xf32>,
      %swap3A_1682 = arith.constant 14 : i32
      %swap3A_1683 = arith.constant 0 : i32
      %swap3A_1684 = tpu.memref_slice %arg15[%swap3A_1682, %swap3A_1683] : memref<16x128xf32, #tpu.memory_space<vmem>> -> memref<1x128xf32, #tpu.memory_space<vmem>>
      %swap3A_1685 = tpu.memref_squeeze %swap3A_1684 : memref<1x128xf32, #tpu.memory_space<vmem>> -> memref<128xf32, #tpu.memory_space<vmem>>
      %swap3A_1686 = arith.constant 32 : index
      %swap3A_1687 = tpu.vector_load %swap3A_1685[%swap3A_1686] {strides = array<i32>} : memref<128xf32, #tpu.memory_space<vmem>>, vector<16xf32>,
      tpu.vector_store %swap3A_1685[%swap3A_1686], %gather3A_1681 {strides = array<i32>} : memref<128xf32, #tpu.memory_space<vmem>>, vector<16xf32>,
      %gather3A_1688 = tpu.vector_load_idx %arg13[%add3A_17, %broadcast_in_dim3A_1666] : memref<64x128xf32, #tpu.memory_space<vmem>>[vector<16xi32>, vector<16xi32>], vector<16xf32>,
      %swap3A_1689 = arith.constant 14 : i32
      %swap3A_1690 = arith.constant 0 : i32
      %swap3A_1691 = tpu.memref_slice %arg15[%swap3A_1689, %swap3A_1690] : memref<16x128xf32, #tpu.memory_space<vmem>> -> memref<1x128xf32, #tpu.memory_space<vmem>>
      %swap3A_1692 = tpu.memref_squeeze %swap3A_1691 : memref<1x128xf32, #tpu.memory_space<vmem>> -> memref<128xf32, #tpu.memory_space<vmem>>
      %swap3A_1693 = arith.constant 48 : index
      %swap3A_1694 = tpu.vector_load %swap3A_1692[%swap3A_1693] {strides = array<i32>} : memref<128xf32, #tpu.memory_space<vmem>>, vector<16xf32>,
      tpu.vector_store %swap3A_1692[%swap3A_1693], %gather3A_1688 {strides = array<i32>} : memref<128xf32, #tpu.memory_space<vmem>>, vector<16xf32>,
      %mul3A_1695 = arith.constant 16 : i32
      %mul3A_1696 = arith.muli %scan3A_633, %mul3A_1695 : i32
      %add3A_1697 = arith.addi %mul3A_2, %mul3A_1696 : i32
      %add3A_1698 = arith.constant 14 : i32
      %add3A_1699 = arith.addi %add3A_1697, %add3A_1698 : i32
      %dma_start3A_1700 = arith.constant 14 : i32
      %dma_start3A_1701 = arith.constant 0 : i32
      %dma_start3A_1702 = tpu.memref_slice %arg15[%dma_start3A_1700, %dma_start3A_1701] : memref<16x128xf32, #tpu.memory_space<vmem>> -> memref<1x128xf32, #tpu.memory_space<vmem>>
      %dma_start3A_1703 = arith.constant 0 : i32
      %dma_start3A_1704 = tpu.memref_slice %arg5[%add3A_1699, %dma_start3A_1703] : memref<16384x128xf32, #tpu.memory_space<hbm>> -> memref<1x128xf32, #tpu.memory_space<hbm>>
      %dma_start3A_1705 = arith.constant 0 : i32
      %dma_start3A_1706 = tpu.memref_slice %arg5[%add3A_1699, %dma_start3A_1705] : memref<16384x128xf32, #tpu.memory_space<hbm>> -> memref<1x128xf32, #tpu.memory_space<hbm>>
      %dma_start3A_1707 = arith.constant 14 : i32
      %dma_start3A_1708 = arith.constant 0 : i32
      %dma_start3A_1709 = tpu.memref_slice %arg15[%dma_start3A_1707, %dma_start3A_1708] : memref<16x128xf32, #tpu.memory_space<vmem>> -> memref<1x128xf32, #tpu.memory_space<vmem>>
      tpu.enqueue_dma source(%dma_start3A_1709 : memref<1x128xf32, #tpu.memory_space<vmem>>) target(%dma_start3A_1706 : memref<1x128xf32, #tpu.memory_space<hbm>>) target_semaphore(%arg25 : memref<!tpu.dma_semaphore, #tpu.memory_space<semaphore_mem>>)
      %dma_wait3A_1710 = arith.constant 0 : i32
      %dma_wait3A_1711 = arith.constant 0 : i32
      %dma_wait3A_1712 = tpu.memref_slice %arg3[%dma_wait3A_1710, %dma_wait3A_1711] : memref<64x1000000xf32, #tpu.memory_space<hbm>> -> memref<64x128xf32, #tpu.memory_space<hbm>>
      %dma_wait3A_1713 = arith.constant 0 : i32
      %dma_wait3A_1714 = arith.constant 0 : i32
      %dma_wait3A_1715 = tpu.memref_slice %arg3[%dma_wait3A_1713, %dma_wait3A_1714] : memref<64x1000000xf32, #tpu.memory_space<hbm>> -> memref<64x128xf32, #tpu.memory_space<hbm>>
      tpu.wait_dma2 semaphore(%arg24 : memref<!tpu.dma_semaphore, #tpu.memory_space<semaphore_mem>>) src(%dma_wait3A_1715 : memref<64x128xf32, #tpu.memory_space<hbm>>) dst(%arg14 : memref<64x128xf32, #tpu.memory_space<vmem>>)
      %slice3A_1716 = vector.extract_strided_slice %get3A_640 {offsets = [15], sizes = [1], strides = [1]} : vector<16xi32> to vector<1xi32>
      %squeeze3A_1717 = vector.extract %slice3A_1716[0] : i32 from vector<1xi32>
      %and3A_1718 = arith.constant -128 : i32
      %and3A_1719 = arith.andi %squeeze3A_1717, %and3A_1718 : i32
      %min3A_1720 = arith.constant 999808 : i32
      %min3A_1721 = arith.minsi %and3A_1719, %min3A_1720 : i32
      %multiple_of3A_1722 = tpu.assume_multiple %min3A_1721, 128 : i32
      %sub3A_1723 = arith.subi %squeeze3A_1717, %multiple_of3A_1722 : i32
      %min3A_1724 = arith.constant 127 : i32
      %min3A_1725 = arith.minsi %sub3A_1723, %min3A_1724 : i32
      %broadcast_in_dim3A_1726 = vector.broadcast %min3A_1725 : i32 to vector<16xi32>
      %gather3A_1727 = tpu.vector_load_idx %arg14[%add3A_5, %broadcast_in_dim3A_1726] : memref<64x128xf32, #tpu.memory_space<vmem>>[vector<16xi32>, vector<16xi32>], vector<16xf32>,
      %swap3A_1728 = arith.constant 15 : i32
      %swap3A_1729 = arith.constant 0 : i32
      %swap3A_1730 = tpu.memref_slice %arg15[%swap3A_1728, %swap3A_1729] : memref<16x128xf32, #tpu.memory_space<vmem>> -> memref<1x128xf32, #tpu.memory_space<vmem>>
      %swap3A_1731 = tpu.memref_squeeze %swap3A_1730 : memref<1x128xf32, #tpu.memory_space<vmem>> -> memref<128xf32, #tpu.memory_space<vmem>>
      %swap3A_1732 = arith.constant 0 : index
      %swap3A_1733 = tpu.vector_load %swap3A_1731[%swap3A_1732] {strides = array<i32>} : memref<128xf32, #tpu.memory_space<vmem>>, vector<16xf32>,
      tpu.vector_store %swap3A_1731[%swap3A_1732], %gather3A_1727 {strides = array<i32>} : memref<128xf32, #tpu.memory_space<vmem>>, vector<16xf32>,
      %gather3A_1734 = tpu.vector_load_idx %arg14[%add3A_9, %broadcast_in_dim3A_1726] : memref<64x128xf32, #tpu.memory_space<vmem>>[vector<16xi32>, vector<16xi32>], vector<16xf32>,
      %swap3A_1735 = arith.constant 15 : i32
      %swap3A_1736 = arith.constant 0 : i32
      %swap3A_1737 = tpu.memref_slice %arg15[%swap3A_1735, %swap3A_1736] : memref<16x128xf32, #tpu.memory_space<vmem>> -> memref<1x128xf32, #tpu.memory_space<vmem>>
      %swap3A_1738 = tpu.memref_squeeze %swap3A_1737 : memref<1x128xf32, #tpu.memory_space<vmem>> -> memref<128xf32, #tpu.memory_space<vmem>>
      %swap3A_1739 = arith.constant 16 : index
      %swap3A_1740 = tpu.vector_load %swap3A_1738[%swap3A_1739] {strides = array<i32>} : memref<128xf32, #tpu.memory_space<vmem>>, vector<16xf32>,
      tpu.vector_store %swap3A_1738[%swap3A_1739], %gather3A_1734 {strides = array<i32>} : memref<128xf32, #tpu.memory_space<vmem>>, vector<16xf32>,
      %gather3A_1741 = tpu.vector_load_idx %arg14[%add3A_13, %broadcast_in_dim3A_1726] : memref<64x128xf32, #tpu.memory_space<vmem>>[vector<16xi32>, vector<16xi32>], vector<16xf32>,
      %swap3A_1742 = arith.constant 15 : i32
      %swap3A_1743 = arith.constant 0 : i32
      %swap3A_1744 = tpu.memref_slice %arg15[%swap3A_1742, %swap3A_1743] : memref<16x128xf32, #tpu.memory_space<vmem>> -> memref<1x128xf32, #tpu.memory_space<vmem>>
      %swap3A_1745 = tpu.memref_squeeze %swap3A_1744 : memref<1x128xf32, #tpu.memory_space<vmem>> -> memref<128xf32, #tpu.memory_space<vmem>>
      %swap3A_1746 = arith.constant 32 : index
      %swap3A_1747 = tpu.vector_load %swap3A_1745[%swap3A_1746] {strides = array<i32>} : memref<128xf32, #tpu.memory_space<vmem>>, vector<16xf32>,
      tpu.vector_store %swap3A_1745[%swap3A_1746], %gather3A_1741 {strides = array<i32>} : memref<128xf32, #tpu.memory_space<vmem>>, vector<16xf32>,
      %gather3A_1748 = tpu.vector_load_idx %arg14[%add3A_17, %broadcast_in_dim3A_1726] : memref<64x128xf32, #tpu.memory_space<vmem>>[vector<16xi32>, vector<16xi32>], vector<16xf32>,
      %swap3A_1749 = arith.constant 15 : i32
      %swap3A_1750 = arith.constant 0 : i32
      %swap3A_1751 = tpu.memref_slice %arg15[%swap3A_1749, %swap3A_1750] : memref<16x128xf32, #tpu.memory_space<vmem>> -> memref<1x128xf32, #tpu.memory_space<vmem>>
      %swap3A_1752 = tpu.memref_squeeze %swap3A_1751 : memref<1x128xf32, #tpu.memory_space<vmem>> -> memref<128xf32, #tpu.memory_space<vmem>>
      %swap3A_1753 = arith.constant 48 : index
      %swap3A_1754 = tpu.vector_load %swap3A_1752[%swap3A_1753] {strides = array<i32>} : memref<128xf32, #tpu.memory_space<vmem>>, vector<16xf32>,
      tpu.vector_store %swap3A_1752[%swap3A_1753], %gather3A_1748 {strides = array<i32>} : memref<128xf32, #tpu.memory_space<vmem>>, vector<16xf32>,
      %mul3A_1755 = arith.constant 16 : i32
      %mul3A_1756 = arith.muli %scan3A_633, %mul3A_1755 : i32
      %add3A_1757 = arith.addi %mul3A_2, %mul3A_1756 : i32
      %add3A_1758 = arith.constant 15 : i32
      %add3A_1759 = arith.addi %add3A_1757, %add3A_1758 : i32
      %dma_start3A_1760 = arith.constant 15 : i32
      %dma_start3A_1761 = arith.constant 0 : i32
      %dma_start3A_1762 = tpu.memref_slice %arg15[%dma_start3A_1760, %dma_start3A_1761] : memref<16x128xf32, #tpu.memory_space<vmem>> -> memref<1x128xf32, #tpu.memory_space<vmem>>
      %dma_start3A_1763 = arith.constant 0 : i32
      %dma_start3A_1764 = tpu.memref_slice %arg5[%add3A_1759, %dma_start3A_1763] : memref<16384x128xf32, #tpu.memory_space<hbm>> -> memref<1x128xf32, #tpu.memory_space<hbm>>
      %dma_start3A_1765 = arith.constant 0 : i32
      %dma_start3A_1766 = tpu.memref_slice %arg5[%add3A_1759, %dma_start3A_1765] : memref<16384x128xf32, #tpu.memory_space<hbm>> -> memref<1x128xf32, #tpu.memory_space<hbm>>
      %dma_start3A_1767 = arith.constant 15 : i32
      %dma_start3A_1768 = arith.constant 0 : i32
      %dma_start3A_1769 = tpu.memref_slice %arg15[%dma_start3A_1767, %dma_start3A_1768] : memref<16x128xf32, #tpu.memory_space<vmem>> -> memref<1x128xf32, #tpu.memory_space<vmem>>
      tpu.enqueue_dma source(%dma_start3A_1769 : memref<1x128xf32, #tpu.memory_space<vmem>>) target(%dma_start3A_1766 : memref<1x128xf32, #tpu.memory_space<hbm>>) target_semaphore(%arg25 : memref<!tpu.dma_semaphore, #tpu.memory_space<semaphore_mem>>)
      %scan3A_1770 = arith.constant 0 : i32
      scf.yield %scan3A_1770 : i32
    }
    %scan3A_434 = arith.constant 32 : i32
    %dma_wait3A = arith.constant 0 : i32
    %dma_wait3A_435 = arith.constant 0 : i32
    %dma_wait3A_436 = tpu.memref_slice %arg15[%dma_wait3A, %dma_wait3A_435] : memref<16x128xf32, #tpu.memory_space<vmem>> -> memref<1x128xf32, #tpu.memory_space<vmem>>
    %dma_wait3A_437 = arith.constant 0 : i32
    %dma_wait3A_438 = arith.constant 0 : i32
    %dma_wait3A_439 = tpu.memref_slice %arg3[%dma_wait3A_437, %dma_wait3A_438] : memref<64x1000000xf32, #tpu.memory_space<hbm>> -> memref<1x128xf32, #tpu.memory_space<hbm>>
    %dma_wait3A_440 = arith.constant 0 : i32
    %dma_wait3A_441 = arith.constant 0 : i32
    %dma_wait3A_442 = tpu.memref_slice %arg15[%dma_wait3A_440, %dma_wait3A_441] : memref<16x128xf32, #tpu.memory_space<vmem>> -> memref<1x128xf32, #tpu.memory_space<vmem>>
    %dma_wait3A_443 = arith.constant 0 : i32
    %dma_wait3A_444 = arith.constant 0 : i32
    %dma_wait3A_445 = tpu.memref_slice %arg3[%dma_wait3A_443, %dma_wait3A_444] : memref<64x1000000xf32, #tpu.memory_space<hbm>> -> memref<1x128xf32, #tpu.memory_space<hbm>>
    tpu.wait_dma2 semaphore(%arg25 : memref<!tpu.dma_semaphore, #tpu.memory_space<semaphore_mem>>) src(%dma_wait3A_445 : memref<1x128xf32, #tpu.memory_space<hbm>>) dst(%dma_wait3A_442 : memref<1x128xf32, #tpu.memory_space<vmem>>)
    %dma_wait3A_446 = arith.constant 0 : i32
    %dma_wait3A_447 = arith.constant 0 : i32
    %dma_wait3A_448 = tpu.memref_slice %arg15[%dma_wait3A_446, %dma_wait3A_447] : memref<16x128xf32, #tpu.memory_space<vmem>> -> memref<1x128xf32, #tpu.memory_space<vmem>>
    %dma_wait3A_449 = arith.constant 0 : i32
    %dma_wait3A_450 = arith.constant 0 : i32
    %dma_wait3A_451 = tpu.memref_slice %arg3[%dma_wait3A_449, %dma_wait3A_450] : memref<64x1000000xf32, #tpu.memory_space<hbm>> -> memref<1x128xf32, #tpu.memory_space<hbm>>
    %dma_wait3A_452 = arith.constant 0 : i32
    %dma_wait3A_453 = arith.constant 0 : i32
    %dma_wait3A_454 = tpu.memref_slice %arg15[%dma_wait3A_452, %dma_wait3A_453] : memref<16x128xf32, #tpu.memory_space<vmem>> -> memref<1x128xf32, #tpu.memory_space<vmem>>
    %dma_wait3A_455 = arith.constant 0 : i32
    %dma_wait3A_456 = arith.constant 0 : i32
    %dma_wait3A_457 = tpu.memref_slice %arg3[%dma_wait3A_455, %dma_wait3A_456] : memref<64x1000000xf32, #tpu.memory_space<hbm>> -> memref<1x128xf32, #tpu.memory_space<hbm>>
    tpu.wait_dma2 semaphore(%arg25 : memref<!tpu.dma_semaphore, #tpu.memory_space<semaphore_mem>>) src(%dma_wait3A_457 : memref<1x128xf32, #tpu.memory_space<hbm>>) dst(%dma_wait3A_454 : memref<1x128xf32, #tpu.memory_space<vmem>>)
    %dma_wait3A_458 = arith.constant 0 : i32
    %dma_wait3A_459 = arith.constant 0 : i32
    %dma_wait3A_460 = tpu.memref_slice %arg15[%dma_wait3A_458, %dma_wait3A_459] : memref<16x128xf32, #tpu.memory_space<vmem>> -> memref<1x128xf32, #tpu.memory_space<vmem>>
    %dma_wait3A_461 = arith.constant 0 : i32
    %dma_wait3A_462 = arith.constant 0 : i32
    %dma_wait3A_463 = tpu.memref_slice %arg3[%dma_wait3A_461, %dma_wait3A_462] : memref<64x1000000xf32, #tpu.memory_space<hbm>> -> memref<1x128xf32, #tpu.memory_space<hbm>>
    %dma_wait3A_464 = arith.constant 0 : i32
    %dma_wait3A_465 = arith.constant 0 : i32
    %dma_wait3A_466 = tpu.memref_slice %arg15[%dma_wait3A_464, %dma_wait3A_465] : memref<16x128xf32, #tpu.memory_space<vmem>> -> memref<1x128xf32, #tpu.memory_space<vmem>>
    %dma_wait3A_467 = arith.constant 0 : i32
    %dma_wait3A_468 = arith.constant 0 : i32
    %dma_wait3A_469 = tpu.memref_slice %arg3[%dma_wait3A_467, %dma_wait3A_468] : memref<64x1000000xf32, #tpu.memory_space<hbm>> -> memref<1x128xf32, #tpu.memory_space<hbm>>
    tpu.wait_dma2 semaphore(%arg25 : memref<!tpu.dma_semaphore, #tpu.memory_space<semaphore_mem>>) src(%dma_wait3A_469 : memref<1x128xf32, #tpu.memory_space<hbm>>) dst(%dma_wait3A_466 : memref<1x128xf32, #tpu.memory_space<vmem>>)
    %dma_wait3A_470 = arith.constant 0 : i32
    %dma_wait3A_471 = arith.constant 0 : i32
    %dma_wait3A_472 = tpu.memref_slice %arg15[%dma_wait3A_470, %dma_wait3A_471] : memref<16x128xf32, #tpu.memory_space<vmem>> -> memref<1x128xf32, #tpu.memory_space<vmem>>
    %dma_wait3A_473 = arith.constant 0 : i32
    %dma_wait3A_474 = arith.constant 0 : i32
    %dma_wait3A_475 = tpu.memref_slice %arg3[%dma_wait3A_473, %dma_wait3A_474] : memref<64x1000000xf32, #tpu.memory_space<hbm>> -> memref<1x128xf32, #tpu.memory_space<hbm>>
    %dma_wait3A_476 = arith.constant 0 : i32
    %dma_wait3A_477 = arith.constant 0 : i32
    %dma_wait3A_478 = tpu.memref_slice %arg15[%dma_wait3A_476, %dma_wait3A_477] : memref<16x128xf32, #tpu.memory_space<vmem>> -> memref<1x128xf32, #tpu.memory_space<vmem>>
    %dma_wait3A_479 = arith.constant 0 : i32
    %dma_wait3A_480 = arith.constant 0 : i32
    %dma_wait3A_481 = tpu.memref_slice %arg3[%dma_wait3A_479, %dma_wait3A_480] : memref<64x1000000xf32, #tpu.memory_space<hbm>> -> memref<1x128xf32, #tpu.memory_space<hbm>>
    tpu.wait_dma2 semaphore(%arg25 : memref<!tpu.dma_semaphore, #tpu.memory_space<semaphore_mem>>) src(%dma_wait3A_481 : memref<1x128xf32, #tpu.memory_space<hbm>>) dst(%dma_wait3A_478 : memref<1x128xf32, #tpu.memory_space<vmem>>)
    %dma_wait3A_482 = arith.constant 0 : i32
    %dma_wait3A_483 = arith.constant 0 : i32
    %dma_wait3A_484 = tpu.memref_slice %arg15[%dma_wait3A_482, %dma_wait3A_483] : memref<16x128xf32, #tpu.memory_space<vmem>> -> memref<1x128xf32, #tpu.memory_space<vmem>>
    %dma_wait3A_485 = arith.constant 0 : i32
    %dma_wait3A_486 = arith.constant 0 : i32
    %dma_wait3A_487 = tpu.memref_slice %arg3[%dma_wait3A_485, %dma_wait3A_486] : memref<64x1000000xf32, #tpu.memory_space<hbm>> -> memref<1x128xf32, #tpu.memory_space<hbm>>
    %dma_wait3A_488 = arith.constant 0 : i32
    %dma_wait3A_489 = arith.constant 0 : i32
    %dma_wait3A_490 = tpu.memref_slice %arg15[%dma_wait3A_488, %dma_wait3A_489] : memref<16x128xf32, #tpu.memory_space<vmem>> -> memref<1x128xf32, #tpu.memory_space<vmem>>
    %dma_wait3A_491 = arith.constant 0 : i32
    %dma_wait3A_492 = arith.constant 0 : i32
    %dma_wait3A_493 = tpu.memref_slice %arg3[%dma_wait3A_491, %dma_wait3A_492] : memref<64x1000000xf32, #tpu.memory_space<hbm>> -> memref<1x128xf32, #tpu.memory_space<hbm>>
    tpu.wait_dma2 semaphore(%arg25 : memref<!tpu.dma_semaphore, #tpu.memory_space<semaphore_mem>>) src(%dma_wait3A_493 : memref<1x128xf32, #tpu.memory_space<hbm>>) dst(%dma_wait3A_490 : memref<1x128xf32, #tpu.memory_space<vmem>>)
    %dma_wait3A_494 = arith.constant 0 : i32
    %dma_wait3A_495 = arith.constant 0 : i32
    %dma_wait3A_496 = tpu.memref_slice %arg15[%dma_wait3A_494, %dma_wait3A_495] : memref<16x128xf32, #tpu.memory_space<vmem>> -> memref<1x128xf32, #tpu.memory_space<vmem>>
    %dma_wait3A_497 = arith.constant 0 : i32
    %dma_wait3A_498 = arith.constant 0 : i32
    %dma_wait3A_499 = tpu.memref_slice %arg3[%dma_wait3A_497, %dma_wait3A_498] : memref<64x1000000xf32, #tpu.memory_space<hbm>> -> memref<1x128xf32, #tpu.memory_space<hbm>>
    %dma_wait3A_500 = arith.constant 0 : i32
    %dma_wait3A_501 = arith.constant 0 : i32
    %dma_wait3A_502 = tpu.memref_slice %arg15[%dma_wait3A_500, %dma_wait3A_501] : memref<16x128xf32, #tpu.memory_space<vmem>> -> memref<1x128xf32, #tpu.memory_space<vmem>>
    %dma_wait3A_503 = arith.constant 0 : i32
    %dma_wait3A_504 = arith.constant 0 : i32
    %dma_wait3A_505 = tpu.memref_slice %arg3[%dma_wait3A_503, %dma_wait3A_504] : memref<64x1000000xf32, #tpu.memory_space<hbm>> -> memref<1x128xf32, #tpu.memory_space<hbm>>
    tpu.wait_dma2 semaphore(%arg25 : memref<!tpu.dma_semaphore, #tpu.memory_space<semaphore_mem>>) src(%dma_wait3A_505 : memref<1x128xf32, #tpu.memory_space<hbm>>) dst(%dma_wait3A_502 : memref<1x128xf32, #tpu.memory_space<vmem>>)
    %dma_wait3A_506 = arith.constant 0 : i32
    %dma_wait3A_507 = arith.constant 0 : i32
    %dma_wait3A_508 = tpu.memref_slice %arg15[%dma_wait3A_506, %dma_wait3A_507] : memref<16x128xf32, #tpu.memory_space<vmem>> -> memref<1x128xf32, #tpu.memory_space<vmem>>
    %dma_wait3A_509 = arith.constant 0 : i32
    %dma_wait3A_510 = arith.constant 0 : i32
    %dma_wait3A_511 = tpu.memref_slice %arg3[%dma_wait3A_509, %dma_wait3A_510] : memref<64x1000000xf32, #tpu.memory_space<hbm>> -> memref<1x128xf32, #tpu.memory_space<hbm>>
    %dma_wait3A_512 = arith.constant 0 : i32
    %dma_wait3A_513 = arith.constant 0 : i32
    %dma_wait3A_514 = tpu.memref_slice %arg15[%dma_wait3A_512, %dma_wait3A_513] : memref<16x128xf32, #tpu.memory_space<vmem>> -> memref<1x128xf32, #tpu.memory_space<vmem>>
    %dma_wait3A_515 = arith.constant 0 : i32
    %dma_wait3A_516 = arith.constant 0 : i32
    %dma_wait3A_517 = tpu.memref_slice %arg3[%dma_wait3A_515, %dma_wait3A_516] : memref<64x1000000xf32, #tpu.memory_space<hbm>> -> memref<1x128xf32, #tpu.memory_space<hbm>>
    tpu.wait_dma2 semaphore(%arg25 : memref<!tpu.dma_semaphore, #tpu.memory_space<semaphore_mem>>) src(%dma_wait3A_517 : memref<1x128xf32, #tpu.memory_space<hbm>>) dst(%dma_wait3A_514 : memref<1x128xf32, #tpu.memory_space<vmem>>)
    %dma_wait3A_518 = arith.constant 0 : i32
    %dma_wait3A_519 = arith.constant 0 : i32
    %dma_wait3A_520 = tpu.memref_slice %arg15[%dma_wait3A_518, %dma_wait3A_519] : memref<16x128xf32, #tpu.memory_space<vmem>> -> memref<1x128xf32, #tpu.memory_space<vmem>>
    %dma_wait3A_521 = arith.constant 0 : i32
    %dma_wait3A_522 = arith.constant 0 : i32
    %dma_wait3A_523 = tpu.memref_slice %arg3[%dma_wait3A_521, %dma_wait3A_522] : memref<64x1000000xf32, #tpu.memory_space<hbm>> -> memref<1x128xf32, #tpu.memory_space<hbm>>
    %dma_wait3A_524 = arith.constant 0 : i32
    %dma_wait3A_525 = arith.constant 0 : i32
    %dma_wait3A_526 = tpu.memref_slice %arg15[%dma_wait3A_524, %dma_wait3A_525] : memref<16x128xf32, #tpu.memory_space<vmem>> -> memref<1x128xf32, #tpu.memory_space<vmem>>
    %dma_wait3A_527 = arith.constant 0 : i32
    %dma_wait3A_528 = arith.constant 0 : i32
    %dma_wait3A_529 = tpu.memref_slice %arg3[%dma_wait3A_527, %dma_wait3A_528] : memref<64x1000000xf32, #tpu.memory_space<hbm>> -> memref<1x128xf32, #tpu.memory_space<hbm>>
    tpu.wait_dma2 semaphore(%arg25 : memref<!tpu.dma_semaphore, #tpu.memory_space<semaphore_mem>>) src(%dma_wait3A_529 : memref<1x128xf32, #tpu.memory_space<hbm>>) dst(%dma_wait3A_526 : memref<1x128xf32, #tpu.memory_space<vmem>>)
    %dma_wait3A_530 = arith.constant 0 : i32
    %dma_wait3A_531 = arith.constant 0 : i32
    %dma_wait3A_532 = tpu.memref_slice %arg15[%dma_wait3A_530, %dma_wait3A_531] : memref<16x128xf32, #tpu.memory_space<vmem>> -> memref<1x128xf32, #tpu.memory_space<vmem>>
    %dma_wait3A_533 = arith.constant 0 : i32
    %dma_wait3A_534 = arith.constant 0 : i32
    %dma_wait3A_535 = tpu.memref_slice %arg3[%dma_wait3A_533, %dma_wait3A_534] : memref<64x1000000xf32, #tpu.memory_space<hbm>> -> memref<1x128xf32, #tpu.memory_space<hbm>>
    %dma_wait3A_536 = arith.constant 0 : i32
    %dma_wait3A_537 = arith.constant 0 : i32
    %dma_wait3A_538 = tpu.memref_slice %arg15[%dma_wait3A_536, %dma_wait3A_537] : memref<16x128xf32, #tpu.memory_space<vmem>> -> memref<1x128xf32, #tpu.memory_space<vmem>>
    %dma_wait3A_539 = arith.constant 0 : i32
    %dma_wait3A_540 = arith.constant 0 : i32
    %dma_wait3A_541 = tpu.memref_slice %arg3[%dma_wait3A_539, %dma_wait3A_540] : memref<64x1000000xf32, #tpu.memory_space<hbm>> -> memref<1x128xf32, #tpu.memory_space<hbm>>
    tpu.wait_dma2 semaphore(%arg25 : memref<!tpu.dma_semaphore, #tpu.memory_space<semaphore_mem>>) src(%dma_wait3A_541 : memref<1x128xf32, #tpu.memory_space<hbm>>) dst(%dma_wait3A_538 : memref<1x128xf32, #tpu.memory_space<vmem>>)
    %dma_wait3A_542 = arith.constant 0 : i32
    %dma_wait3A_543 = arith.constant 0 : i32
    %dma_wait3A_544 = tpu.memref_slice %arg15[%dma_wait3A_542, %dma_wait3A_543] : memref<16x128xf32, #tpu.memory_space<vmem>> -> memref<1x128xf32, #tpu.memory_space<vmem>>
    %dma_wait3A_545 = arith.constant 0 : i32
    %dma_wait3A_546 = arith.constant 0 : i32
    %dma_wait3A_547 = tpu.memref_slice %arg3[%dma_wait3A_545, %dma_wait3A_546] : memref<64x1000000xf32, #tpu.memory_space<hbm>> -> memref<1x128xf32, #tpu.memory_space<hbm>>
    %dma_wait3A_548 = arith.constant 0 : i32
    %dma_wait3A_549 = arith.constant 0 : i32
    %dma_wait3A_550 = tpu.memref_slice %arg15[%dma_wait3A_548, %dma_wait3A_549] : memref<16x128xf32, #tpu.memory_space<vmem>> -> memref<1x128xf32, #tpu.memory_space<vmem>>
    %dma_wait3A_551 = arith.constant 0 : i32
    %dma_wait3A_552 = arith.constant 0 : i32
    %dma_wait3A_553 = tpu.memref_slice %arg3[%dma_wait3A_551, %dma_wait3A_552] : memref<64x1000000xf32, #tpu.memory_space<hbm>> -> memref<1x128xf32, #tpu.memory_space<hbm>>
    tpu.wait_dma2 semaphore(%arg25 : memref<!tpu.dma_semaphore, #tpu.memory_space<semaphore_mem>>) src(%dma_wait3A_553 : memref<1x128xf32, #tpu.memory_space<hbm>>) dst(%dma_wait3A_550 : memref<1x128xf32, #tpu.memory_space<vmem>>)
    %dma_wait3A_554 = arith.constant 0 : i32
    %dma_wait3A_555 = arith.constant 0 : i32
    %dma_wait3A_556 = tpu.memref_slice %arg15[%dma_wait3A_554, %dma_wait3A_555] : memref<16x128xf32, #tpu.memory_space<vmem>> -> memref<1x128xf32, #tpu.memory_space<vmem>>
    %dma_wait3A_557 = arith.constant 0 : i32
    %dma_wait3A_558 = arith.constant 0 : i32
    %dma_wait3A_559 = tpu.memref_slice %arg3[%dma_wait3A_557, %dma_wait3A_558] : memref<64x1000000xf32, #tpu.memory_space<hbm>> -> memref<1x128xf32, #tpu.memory_space<hbm>>
    %dma_wait3A_560 = arith.constant 0 : i32
    %dma_wait3A_561 = arith.constant 0 : i32
    %dma_wait3A_562 = tpu.memref_slice %arg15[%dma_wait3A_560, %dma_wait3A_561] : memref<16x128xf32, #tpu.memory_space<vmem>> -> memref<1x128xf32, #tpu.memory_space<vmem>>
    %dma_wait3A_563 = arith.constant 0 : i32
    %dma_wait3A_564 = arith.constant 0 : i32
    %dma_wait3A_565 = tpu.memref_slice %arg3[%dma_wait3A_563, %dma_wait3A_564] : memref<64x1000000xf32, #tpu.memory_space<hbm>> -> memref<1x128xf32, #tpu.memory_space<hbm>>
    tpu.wait_dma2 semaphore(%arg25 : memref<!tpu.dma_semaphore, #tpu.memory_space<semaphore_mem>>) src(%dma_wait3A_565 : memref<1x128xf32, #tpu.memory_space<hbm>>) dst(%dma_wait3A_562 : memref<1x128xf32, #tpu.memory_space<vmem>>)
    %dma_wait3A_566 = arith.constant 0 : i32
    %dma_wait3A_567 = arith.constant 0 : i32
    %dma_wait3A_568 = tpu.memref_slice %arg15[%dma_wait3A_566, %dma_wait3A_567] : memref<16x128xf32, #tpu.memory_space<vmem>> -> memref<1x128xf32, #tpu.memory_space<vmem>>
    %dma_wait3A_569 = arith.constant 0 : i32
    %dma_wait3A_570 = arith.constant 0 : i32
    %dma_wait3A_571 = tpu.memref_slice %arg3[%dma_wait3A_569, %dma_wait3A_570] : memref<64x1000000xf32, #tpu.memory_space<hbm>> -> memref<1x128xf32, #tpu.memory_space<hbm>>
    %dma_wait3A_572 = arith.constant 0 : i32
    %dma_wait3A_573 = arith.constant 0 : i32
    %dma_wait3A_574 = tpu.memref_slice %arg15[%dma_wait3A_572, %dma_wait3A_573] : memref<16x128xf32, #tpu.memory_space<vmem>> -> memref<1x128xf32, #tpu.memory_space<vmem>>
    %dma_wait3A_575 = arith.constant 0 : i32
    %dma_wait3A_576 = arith.constant 0 : i32
    %dma_wait3A_577 = tpu.memref_slice %arg3[%dma_wait3A_575, %dma_wait3A_576] : memref<64x1000000xf32, #tpu.memory_space<hbm>> -> memref<1x128xf32, #tpu.memory_space<hbm>>
    tpu.wait_dma2 semaphore(%arg25 : memref<!tpu.dma_semaphore, #tpu.memory_space<semaphore_mem>>) src(%dma_wait3A_577 : memref<1x128xf32, #tpu.memory_space<hbm>>) dst(%dma_wait3A_574 : memref<1x128xf32, #tpu.memory_space<vmem>>)
    %dma_wait3A_578 = arith.constant 0 : i32
    %dma_wait3A_579 = arith.constant 0 : i32
    %dma_wait3A_580 = tpu.memref_slice %arg15[%dma_wait3A_578, %dma_wait3A_579] : memref<16x128xf32, #tpu.memory_space<vmem>> -> memref<1x128xf32, #tpu.memory_space<vmem>>
    %dma_wait3A_581 = arith.constant 0 : i32
    %dma_wait3A_582 = arith.constant 0 : i32
    %dma_wait3A_583 = tpu.memref_slice %arg3[%dma_wait3A_581, %dma_wait3A_582] : memref<64x1000000xf32, #tpu.memory_space<hbm>> -> memref<1x128xf32, #tpu.memory_space<hbm>>
    %dma_wait3A_584 = arith.constant 0 : i32
    %dma_wait3A_585 = arith.constant 0 : i32
    %dma_wait3A_586 = tpu.memref_slice %arg15[%dma_wait3A_584, %dma_wait3A_585] : memref<16x128xf32, #tpu.memory_space<vmem>> -> memref<1x128xf32, #tpu.memory_space<vmem>>
    %dma_wait3A_587 = arith.constant 0 : i32
    %dma_wait3A_588 = arith.constant 0 : i32
    %dma_wait3A_589 = tpu.memref_slice %arg3[%dma_wait3A_587, %dma_wait3A_588] : memref<64x1000000xf32, #tpu.memory_space<hbm>> -> memref<1x128xf32, #tpu.memory_space<hbm>>
    tpu.wait_dma2 semaphore(%arg25 : memref<!tpu.dma_semaphore, #tpu.memory_space<semaphore_mem>>) src(%dma_wait3A_589 : memref<1x128xf32, #tpu.memory_space<hbm>>) dst(%dma_wait3A_586 : memref<1x128xf32, #tpu.memory_space<vmem>>)
    %dma_wait3A_590 = arith.constant 0 : i32
    %dma_wait3A_591 = arith.constant 0 : i32
    %dma_wait3A_592 = tpu.memref_slice %arg15[%dma_wait3A_590, %dma_wait3A_591] : memref<16x128xf32, #tpu.memory_space<vmem>> -> memref<1x128xf32, #tpu.memory_space<vmem>>
    %dma_wait3A_593 = arith.constant 0 : i32
    %dma_wait3A_594 = arith.constant 0 : i32
    %dma_wait3A_595 = tpu.memref_slice %arg3[%dma_wait3A_593, %dma_wait3A_594] : memref<64x1000000xf32, #tpu.memory_space<hbm>> -> memref<1x128xf32, #tpu.memory_space<hbm>>
    %dma_wait3A_596 = arith.constant 0 : i32
    %dma_wait3A_597 = arith.constant 0 : i32
    %dma_wait3A_598 = tpu.memref_slice %arg15[%dma_wait3A_596, %dma_wait3A_597] : memref<16x128xf32, #tpu.memory_space<vmem>> -> memref<1x128xf32, #tpu.memory_space<vmem>>
    %dma_wait3A_599 = arith.constant 0 : i32
    %dma_wait3A_600 = arith.constant 0 : i32
    %dma_wait3A_601 = tpu.memref_slice %arg3[%dma_wait3A_599, %dma_wait3A_600] : memref<64x1000000xf32, #tpu.memory_space<hbm>> -> memref<1x128xf32, #tpu.memory_space<hbm>>
    tpu.wait_dma2 semaphore(%arg25 : memref<!tpu.dma_semaphore, #tpu.memory_space<semaphore_mem>>) src(%dma_wait3A_601 : memref<1x128xf32, #tpu.memory_space<hbm>>) dst(%dma_wait3A_598 : memref<1x128xf32, #tpu.memory_space<vmem>>)
    %dma_wait3A_602 = arith.constant 0 : i32
    %dma_wait3A_603 = arith.constant 0 : i32
    %dma_wait3A_604 = tpu.memref_slice %arg15[%dma_wait3A_602, %dma_wait3A_603] : memref<16x128xf32, #tpu.memory_space<vmem>> -> memref<1x128xf32, #tpu.memory_space<vmem>>
    %dma_wait3A_605 = arith.constant 0 : i32
    %dma_wait3A_606 = arith.constant 0 : i32
    %dma_wait3A_607 = tpu.memref_slice %arg3[%dma_wait3A_605, %dma_wait3A_606] : memref<64x1000000xf32, #tpu.memory_space<hbm>> -> memref<1x128xf32, #tpu.memory_space<hbm>>
    %dma_wait3A_608 = arith.constant 0 : i32
    %dma_wait3A_609 = arith.constant 0 : i32
    %dma_wait3A_610 = tpu.memref_slice %arg15[%dma_wait3A_608, %dma_wait3A_609] : memref<16x128xf32, #tpu.memory_space<vmem>> -> memref<1x128xf32, #tpu.memory_space<vmem>>
    %dma_wait3A_611 = arith.constant 0 : i32
    %dma_wait3A_612 = arith.constant 0 : i32
    %dma_wait3A_613 = tpu.memref_slice %arg3[%dma_wait3A_611, %dma_wait3A_612] : memref<64x1000000xf32, #tpu.memory_space<hbm>> -> memref<1x128xf32, #tpu.memory_space<hbm>>
    tpu.wait_dma2 semaphore(%arg25 : memref<!tpu.dma_semaphore, #tpu.memory_space<semaphore_mem>>) src(%dma_wait3A_613 : memref<1x128xf32, #tpu.memory_space<hbm>>) dst(%dma_wait3A_610 : memref<1x128xf32, #tpu.memory_space<vmem>>)
    %dma_wait3A_614 = arith.constant 0 : i32
    %dma_wait3A_615 = arith.constant 0 : i32
    %dma_wait3A_616 = tpu.memref_slice %arg15[%dma_wait3A_614, %dma_wait3A_615] : memref<16x128xf32, #tpu.memory_space<vmem>> -> memref<1x128xf32, #tpu.memory_space<vmem>>
    %dma_wait3A_617 = arith.constant 0 : i32
    %dma_wait3A_618 = arith.constant 0 : i32
    %dma_wait3A_619 = tpu.memref_slice %arg3[%dma_wait3A_617, %dma_wait3A_618] : memref<64x1000000xf32, #tpu.memory_space<hbm>> -> memref<1x128xf32, #tpu.memory_space<hbm>>
    %dma_wait3A_620 = arith.constant 0 : i32
    %dma_wait3A_621 = arith.constant 0 : i32
    %dma_wait3A_622 = tpu.memref_slice %arg15[%dma_wait3A_620, %dma_wait3A_621] : memref<16x128xf32, #tpu.memory_space<vmem>> -> memref<1x128xf32, #tpu.memory_space<vmem>>
    %dma_wait3A_623 = arith.constant 0 : i32
    %dma_wait3A_624 = arith.constant 0 : i32
    %dma_wait3A_625 = tpu.memref_slice %arg3[%dma_wait3A_623, %dma_wait3A_624] : memref<64x1000000xf32, #tpu.memory_space<hbm>> -> memref<1x128xf32, #tpu.memory_space<hbm>>
    tpu.wait_dma2 semaphore(%arg25 : memref<!tpu.dma_semaphore, #tpu.memory_space<semaphore_mem>>) src(%dma_wait3A_625 : memref<1x128xf32, #tpu.memory_space<hbm>>) dst(%dma_wait3A_622 : memref<1x128xf32, #tpu.memory_space<vmem>>)
    tpu.wait_dma2 semaphore(%arg26 : memref<!tpu.dma_semaphore, #tpu.memory_space<semaphore_mem>>) src(%arg4 : memref<128x128xf32, #tpu.memory_space<hbm>>) dst(%arg16 : memref<128x128xf32, #tpu.memory_space<vmem>>)
    %scan3A_626 = arith.constant 0 : i32
    %scan3A_627 = arith.constant 0 : i32
    %scan3A_628 = arith.constant 32 : i32
    %scan3A_629 = arith.addi %scan3A_627, %scan3A_628 : i32
    %scan3A_630 = arith.constant 1 : i32
    %scan3A_631 = scf.for %scan3A_633 = %scan3A_627 to %scan3A_629 step %scan3A_630 iter_args(%scan3A_634 = %scan3A_626) -> (i32)  : i32 {
      %mul3A_635 = arith.constant 16 : i32
      %mul3A_636 = arith.muli %scan3A_633, %mul3A_635 : i32
      %get3A_637 = arith.index_cast %mul3A_636 : i32 to index
      %get3A_638 = tpu.vector_load %arg6[%get3A_637] {strides = array<i32>} : memref<512xi32, #tpu.memory_space<vmem>>, vector<16xi32>,
      %ge3A = arith.constant 999936 : i32
      %ge3A_639 = vector.broadcast %ge3A : i32 to vector<16xi32>
      %ge3A_640 = arith.cmpi sge, %get3A_638, %ge3A_639 : vector<16xi32>
      %all_reduce_population_count3A = tpu.all_reduce %ge3A_640 {dim = 0 : i64, kind = #tpu.reduction_kind<sum>} : vector<16xi1> -> vector<16xi32>
      %slice3A = vector.extract_strided_slice %all_reduce_population_count3A {offsets = [0], sizes = [1], strides = [1]} : vector<16xi32> to vector<1xi32>
      %squeeze3A = vector.extract %slice3A[0] : i32 from vector<1xi32>
      %gt3A = arith.constant 0 : i32
      %gt3A_641 = arith.cmpi sgt, %squeeze3A, %gt3A : i32
      %convert_element_type3A = arith.extui %gt3A_641 : i1 to i32
      %cond3A = arith.constant 0 : i32
      %cond3A_642 = arith.cmpi ne, %convert_element_type3A, %cond3A : i32
      scf.if %cond3A_642 {
        %slice3A_644 = vector.extract_strided_slice %get3A_638 {offsets = [0], sizes = [1], strides = [1]} : vector<16xi32> to vector<1xi32>
        %squeeze3A_645 = vector.extract %slice3A_644[0] : i32 from vector<1xi32>
        %ge3A_646 = arith.constant 999936 : i32
        %ge3A_647 = arith.cmpi sge, %squeeze3A_645, %ge3A_646 : i32
        %convert_element_type3A_648 = arith.extui %ge3A_647 : i1 to i32
        %cond3A_649 = arith.constant 0 : i32
        %cond3A_650 = arith.cmpi ne, %convert_element_type3A_648, %cond3A_649 : i32
        scf.if %cond3A_650 {
          %sub3A_756 = arith.constant 999936 : i32
          %sub3A_757 = arith.subi %squeeze3A_645, %sub3A_756 : i32
          %broadcast_in_dim3A = vector.broadcast %sub3A_757 : i32 to vector<16xi32>
          %gather3A = tpu.vector_load_idx %arg16[%broadcast_in_dim3A, %add3A_5] : memref<128x128xf32, #tpu.memory_space<vmem>>[vector<16xi32>, vector<16xi32>], vector<16xf32>,
          %swap3A_758 = arith.constant 0 : i32
          %swap3A_759 = arith.constant 0 : i32
          %swap3A_760 = tpu.memref_slice %arg15[%swap3A_758, %swap3A_759] : memref<16x128xf32, #tpu.memory_space<vmem>> -> memref<1x128xf32, #tpu.memory_space<vmem>>
          %swap3A_761 = tpu.memref_squeeze %swap3A_760 : memref<1x128xf32, #tpu.memory_space<vmem>> -> memref<128xf32, #tpu.memory_space<vmem>>
          %swap3A_762 = arith.constant 0 : index
          %swap3A_763 = tpu.vector_load %swap3A_761[%swap3A_762] {strides = array<i32>} : memref<128xf32, #tpu.memory_space<vmem>>, vector<16xf32>,
          tpu.vector_store %swap3A_761[%swap3A_762], %gather3A {strides = array<i32>} : memref<128xf32, #tpu.memory_space<vmem>>, vector<16xf32>,
          %gather3A_764 = tpu.vector_load_idx %arg16[%broadcast_in_dim3A, %add3A_9] : memref<128x128xf32, #tpu.memory_space<vmem>>[vector<16xi32>, vector<16xi32>], vector<16xf32>,
          %swap3A_765 = arith.constant 0 : i32
          %swap3A_766 = arith.constant 0 : i32
          %swap3A_767 = tpu.memref_slice %arg15[%swap3A_765, %swap3A_766] : memref<16x128xf32, #tpu.memory_space<vmem>> -> memref<1x128xf32, #tpu.memory_space<vmem>>
          %swap3A_768 = tpu.memref_squeeze %swap3A_767 : memref<1x128xf32, #tpu.memory_space<vmem>> -> memref<128xf32, #tpu.memory_space<vmem>>
          %swap3A_769 = arith.constant 16 : index
          %swap3A_770 = tpu.vector_load %swap3A_768[%swap3A_769] {strides = array<i32>} : memref<128xf32, #tpu.memory_space<vmem>>, vector<16xf32>,
          tpu.vector_store %swap3A_768[%swap3A_769], %gather3A_764 {strides = array<i32>} : memref<128xf32, #tpu.memory_space<vmem>>, vector<16xf32>,
          %gather3A_771 = tpu.vector_load_idx %arg16[%broadcast_in_dim3A, %add3A_13] : memref<128x128xf32, #tpu.memory_space<vmem>>[vector<16xi32>, vector<16xi32>], vector<16xf32>,
          %swap3A_772 = arith.constant 0 : i32
          %swap3A_773 = arith.constant 0 : i32
          %swap3A_774 = tpu.memref_slice %arg15[%swap3A_772, %swap3A_773] : memref<16x128xf32, #tpu.memory_space<vmem>> -> memref<1x128xf32, #tpu.memory_space<vmem>>
          %swap3A_775 = tpu.memref_squeeze %swap3A_774 : memref<1x128xf32, #tpu.memory_space<vmem>> -> memref<128xf32, #tpu.memory_space<vmem>>
          %swap3A_776 = arith.constant 32 : index
          %swap3A_777 = tpu.vector_load %swap3A_775[%swap3A_776] {strides = array<i32>} : memref<128xf32, #tpu.memory_space<vmem>>, vector<16xf32>,
          tpu.vector_store %swap3A_775[%swap3A_776], %gather3A_771 {strides = array<i32>} : memref<128xf32, #tpu.memory_space<vmem>>, vector<16xf32>,
          %gather3A_778 = tpu.vector_load_idx %arg16[%broadcast_in_dim3A, %add3A_17] : memref<128x128xf32, #tpu.memory_space<vmem>>[vector<16xi32>, vector<16xi32>], vector<16xf32>,
          %swap3A_779 = arith.constant 0 : i32
          %swap3A_780 = arith.constant 0 : i32
          %swap3A_781 = tpu.memref_slice %arg15[%swap3A_779, %swap3A_780] : memref<16x128xf32, #tpu.memory_space<vmem>> -> memref<1x128xf32, #tpu.memory_space<vmem>>
          %swap3A_782 = tpu.memref_squeeze %swap3A_781 : memref<1x128xf32, #tpu.memory_space<vmem>> -> memref<128xf32, #tpu.memory_space<vmem>>
          %swap3A_783 = arith.constant 48 : index
          %swap3A_784 = tpu.vector_load %swap3A_782[%swap3A_783] {strides = array<i32>} : memref<128xf32, #tpu.memory_space<vmem>>, vector<16xf32>,
          tpu.vector_store %swap3A_782[%swap3A_783], %gather3A_778 {strides = array<i32>} : memref<128xf32, #tpu.memory_space<vmem>>, vector<16xf32>,
          %mul3A_785 = arith.constant 16 : i32
          %mul3A_786 = arith.muli %scan3A_633, %mul3A_785 : i32
          %add3A_787 = arith.addi %mul3A_2, %mul3A_786 : i32
          %add3A_788 = arith.constant 0 : i32
          %add3A_789 = arith.addi %add3A_787, %add3A_788 : i32
          %dma_start3A = arith.constant 0 : i32
          %dma_start3A_790 = arith.constant 0 : i32
          %dma_start3A_791 = tpu.memref_slice %arg15[%dma_start3A, %dma_start3A_790] : memref<16x128xf32, #tpu.memory_space<vmem>> -> memref<1x128xf32, #tpu.memory_space<vmem>>
          %dma_start3A_792 = arith.constant 0 : i32
          %dma_start3A_793 = tpu.memref_slice %arg5[%add3A_789, %dma_start3A_792] : memref<16384x128xf32, #tpu.memory_space<hbm>> -> memref<1x128xf32, #tpu.memory_space<hbm>>
          %dma_start3A_794 = arith.constant 0 : i32
          %dma_start3A_795 = tpu.memref_slice %arg5[%add3A_789, %dma_start3A_794] : memref<16384x128xf32, #tpu.memory_space<hbm>> -> memref<1x128xf32, #tpu.memory_space<hbm>>
          %dma_start3A_796 = arith.constant 0 : i32
          %dma_start3A_797 = arith.constant 0 : i32
          %dma_start3A_798 = tpu.memref_slice %arg15[%dma_start3A_796, %dma_start3A_797] : memref<16x128xf32, #tpu.memory_space<vmem>> -> memref<1x128xf32, #tpu.memory_space<vmem>>
          tpu.enqueue_dma source(%dma_start3A_798 : memref<1x128xf32, #tpu.memory_space<vmem>>) target(%dma_start3A_795 : memref<1x128xf32, #tpu.memory_space<hbm>>) target_semaphore(%arg26 : memref<!tpu.dma_semaphore, #tpu.memory_space<semaphore_mem>>)
          %dma_wait3A_799 = arith.constant 0 : i32
          %dma_wait3A_800 = arith.constant 0 : i32
          %dma_wait3A_801 = tpu.memref_slice %arg15[%dma_wait3A_799, %dma_wait3A_800] : memref<16x128xf32, #tpu.memory_space<vmem>> -> memref<1x128xf32, #tpu.memory_space<vmem>>
          %dma_wait3A_802 = arith.constant 0 : i32
          %dma_wait3A_803 = arith.constant 0 : i32
          %dma_wait3A_804 = tpu.memref_slice %arg3[%dma_wait3A_802, %dma_wait3A_803] : memref<64x1000000xf32, #tpu.memory_space<hbm>> -> memref<1x128xf32, #tpu.memory_space<hbm>>
          %dma_wait3A_805 = arith.constant 0 : i32
          %dma_wait3A_806 = arith.constant 0 : i32
          %dma_wait3A_807 = tpu.memref_slice %arg15[%dma_wait3A_805, %dma_wait3A_806] : memref<16x128xf32, #tpu.memory_space<vmem>> -> memref<1x128xf32, #tpu.memory_space<vmem>>
          %dma_wait3A_808 = arith.constant 0 : i32
          %dma_wait3A_809 = arith.constant 0 : i32
          %dma_wait3A_810 = tpu.memref_slice %arg3[%dma_wait3A_808, %dma_wait3A_809] : memref<64x1000000xf32, #tpu.memory_space<hbm>> -> memref<1x128xf32, #tpu.memory_space<hbm>>
          tpu.wait_dma2 semaphore(%arg26 : memref<!tpu.dma_semaphore, #tpu.memory_space<semaphore_mem>>) src(%dma_wait3A_810 : memref<1x128xf32, #tpu.memory_space<hbm>>) dst(%dma_wait3A_807 : memref<1x128xf32, #tpu.memory_space<vmem>>)
        } else {
        }
        %slice3A_651 = vector.extract_strided_slice %get3A_638 {offsets = [1], sizes = [1], strides = [1]} : vector<16xi32> to vector<1xi32>
        %squeeze3A_652 = vector.extract %slice3A_651[0] : i32 from vector<1xi32>
        %ge3A_653 = arith.constant 999936 : i32
        %ge3A_654 = arith.cmpi sge, %squeeze3A_652, %ge3A_653 : i32
        %convert_element_type3A_655 = arith.extui %ge3A_654 : i1 to i32
        %cond3A_656 = arith.constant 0 : i32
        %cond3A_657 = arith.cmpi ne, %convert_element_type3A_655, %cond3A_656 : i32
        scf.if %cond3A_657 {
          %sub3A_756 = arith.constant 999936 : i32
          %sub3A_757 = arith.subi %squeeze3A_652, %sub3A_756 : i32
          %broadcast_in_dim3A = vector.broadcast %sub3A_757 : i32 to vector<16xi32>
          %gather3A = tpu.vector_load_idx %arg16[%broadcast_in_dim3A, %add3A_5] : memref<128x128xf32, #tpu.memory_space<vmem>>[vector<16xi32>, vector<16xi32>], vector<16xf32>,
          %swap3A_758 = arith.constant 0 : i32
          %swap3A_759 = arith.constant 0 : i32
          %swap3A_760 = tpu.memref_slice %arg15[%swap3A_758, %swap3A_759] : memref<16x128xf32, #tpu.memory_space<vmem>> -> memref<1x128xf32, #tpu.memory_space<vmem>>
          %swap3A_761 = tpu.memref_squeeze %swap3A_760 : memref<1x128xf32, #tpu.memory_space<vmem>> -> memref<128xf32, #tpu.memory_space<vmem>>
          %swap3A_762 = arith.constant 0 : index
          %swap3A_763 = tpu.vector_load %swap3A_761[%swap3A_762] {strides = array<i32>} : memref<128xf32, #tpu.memory_space<vmem>>, vector<16xf32>,
          tpu.vector_store %swap3A_761[%swap3A_762], %gather3A {strides = array<i32>} : memref<128xf32, #tpu.memory_space<vmem>>, vector<16xf32>,
          %gather3A_764 = tpu.vector_load_idx %arg16[%broadcast_in_dim3A, %add3A_9] : memref<128x128xf32, #tpu.memory_space<vmem>>[vector<16xi32>, vector<16xi32>], vector<16xf32>,
          %swap3A_765 = arith.constant 0 : i32
          %swap3A_766 = arith.constant 0 : i32
          %swap3A_767 = tpu.memref_slice %arg15[%swap3A_765, %swap3A_766] : memref<16x128xf32, #tpu.memory_space<vmem>> -> memref<1x128xf32, #tpu.memory_space<vmem>>
          %swap3A_768 = tpu.memref_squeeze %swap3A_767 : memref<1x128xf32, #tpu.memory_space<vmem>> -> memref<128xf32, #tpu.memory_space<vmem>>
          %swap3A_769 = arith.constant 16 : index
          %swap3A_770 = tpu.vector_load %swap3A_768[%swap3A_769] {strides = array<i32>} : memref<128xf32, #tpu.memory_space<vmem>>, vector<16xf32>,
          tpu.vector_store %swap3A_768[%swap3A_769], %gather3A_764 {strides = array<i32>} : memref<128xf32, #tpu.memory_space<vmem>>, vector<16xf32>,
          %gather3A_771 = tpu.vector_load_idx %arg16[%broadcast_in_dim3A, %add3A_13] : memref<128x128xf32, #tpu.memory_space<vmem>>[vector<16xi32>, vector<16xi32>], vector<16xf32>,
          %swap3A_772 = arith.constant 0 : i32
          %swap3A_773 = arith.constant 0 : i32
          %swap3A_774 = tpu.memref_slice %arg15[%swap3A_772, %swap3A_773] : memref<16x128xf32, #tpu.memory_space<vmem>> -> memref<1x128xf32, #tpu.memory_space<vmem>>
          %swap3A_775 = tpu.memref_squeeze %swap3A_774 : memref<1x128xf32, #tpu.memory_space<vmem>> -> memref<128xf32, #tpu.memory_space<vmem>>
          %swap3A_776 = arith.constant 32 : index
          %swap3A_777 = tpu.vector_load %swap3A_775[%swap3A_776] {strides = array<i32>} : memref<128xf32, #tpu.memory_space<vmem>>, vector<16xf32>,
          tpu.vector_store %swap3A_775[%swap3A_776], %gather3A_771 {strides = array<i32>} : memref<128xf32, #tpu.memory_space<vmem>>, vector<16xf32>,
          %gather3A_778 = tpu.vector_load_idx %arg16[%broadcast_in_dim3A, %add3A_17] : memref<128x128xf32, #tpu.memory_space<vmem>>[vector<16xi32>, vector<16xi32>], vector<16xf32>,
          %swap3A_779 = arith.constant 0 : i32
          %swap3A_780 = arith.constant 0 : i32
          %swap3A_781 = tpu.memref_slice %arg15[%swap3A_779, %swap3A_780] : memref<16x128xf32, #tpu.memory_space<vmem>> -> memref<1x128xf32, #tpu.memory_space<vmem>>
          %swap3A_782 = tpu.memref_squeeze %swap3A_781 : memref<1x128xf32, #tpu.memory_space<vmem>> -> memref<128xf32, #tpu.memory_space<vmem>>
          %swap3A_783 = arith.constant 48 : index
          %swap3A_784 = tpu.vector_load %swap3A_782[%swap3A_783] {strides = array<i32>} : memref<128xf32, #tpu.memory_space<vmem>>, vector<16xf32>,
          tpu.vector_store %swap3A_782[%swap3A_783], %gather3A_778 {strides = array<i32>} : memref<128xf32, #tpu.memory_space<vmem>>, vector<16xf32>,
          %mul3A_785 = arith.constant 16 : i32
          %mul3A_786 = arith.muli %scan3A_633, %mul3A_785 : i32
          %add3A_787 = arith.addi %mul3A_2, %mul3A_786 : i32
          %add3A_788 = arith.constant 1 : i32
          %add3A_789 = arith.addi %add3A_787, %add3A_788 : i32
          %dma_start3A = arith.constant 0 : i32
          %dma_start3A_790 = arith.constant 0 : i32
          %dma_start3A_791 = tpu.memref_slice %arg15[%dma_start3A, %dma_start3A_790] : memref<16x128xf32, #tpu.memory_space<vmem>> -> memref<1x128xf32, #tpu.memory_space<vmem>>
          %dma_start3A_792 = arith.constant 0 : i32
          %dma_start3A_793 = tpu.memref_slice %arg5[%add3A_789, %dma_start3A_792] : memref<16384x128xf32, #tpu.memory_space<hbm>> -> memref<1x128xf32, #tpu.memory_space<hbm>>
          %dma_start3A_794 = arith.constant 0 : i32
          %dma_start3A_795 = tpu.memref_slice %arg5[%add3A_789, %dma_start3A_794] : memref<16384x128xf32, #tpu.memory_space<hbm>> -> memref<1x128xf32, #tpu.memory_space<hbm>>
          %dma_start3A_796 = arith.constant 0 : i32
          %dma_start3A_797 = arith.constant 0 : i32
          %dma_start3A_798 = tpu.memref_slice %arg15[%dma_start3A_796, %dma_start3A_797] : memref<16x128xf32, #tpu.memory_space<vmem>> -> memref<1x128xf32, #tpu.memory_space<vmem>>
          tpu.enqueue_dma source(%dma_start3A_798 : memref<1x128xf32, #tpu.memory_space<vmem>>) target(%dma_start3A_795 : memref<1x128xf32, #tpu.memory_space<hbm>>) target_semaphore(%arg26 : memref<!tpu.dma_semaphore, #tpu.memory_space<semaphore_mem>>)
          %dma_wait3A_799 = arith.constant 0 : i32
          %dma_wait3A_800 = arith.constant 0 : i32
          %dma_wait3A_801 = tpu.memref_slice %arg15[%dma_wait3A_799, %dma_wait3A_800] : memref<16x128xf32, #tpu.memory_space<vmem>> -> memref<1x128xf32, #tpu.memory_space<vmem>>
          %dma_wait3A_802 = arith.constant 0 : i32
          %dma_wait3A_803 = arith.constant 0 : i32
          %dma_wait3A_804 = tpu.memref_slice %arg3[%dma_wait3A_802, %dma_wait3A_803] : memref<64x1000000xf32, #tpu.memory_space<hbm>> -> memref<1x128xf32, #tpu.memory_space<hbm>>
          %dma_wait3A_805 = arith.constant 0 : i32
          %dma_wait3A_806 = arith.constant 0 : i32
          %dma_wait3A_807 = tpu.memref_slice %arg15[%dma_wait3A_805, %dma_wait3A_806] : memref<16x128xf32, #tpu.memory_space<vmem>> -> memref<1x128xf32, #tpu.memory_space<vmem>>
          %dma_wait3A_808 = arith.constant 0 : i32
          %dma_wait3A_809 = arith.constant 0 : i32
          %dma_wait3A_810 = tpu.memref_slice %arg3[%dma_wait3A_808, %dma_wait3A_809] : memref<64x1000000xf32, #tpu.memory_space<hbm>> -> memref<1x128xf32, #tpu.memory_space<hbm>>
          tpu.wait_dma2 semaphore(%arg26 : memref<!tpu.dma_semaphore, #tpu.memory_space<semaphore_mem>>) src(%dma_wait3A_810 : memref<1x128xf32, #tpu.memory_space<hbm>>) dst(%dma_wait3A_807 : memref<1x128xf32, #tpu.memory_space<vmem>>)
        } else {
        }
        %slice3A_658 = vector.extract_strided_slice %get3A_638 {offsets = [2], sizes = [1], strides = [1]} : vector<16xi32> to vector<1xi32>
        %squeeze3A_659 = vector.extract %slice3A_658[0] : i32 from vector<1xi32>
        %ge3A_660 = arith.constant 999936 : i32
        %ge3A_661 = arith.cmpi sge, %squeeze3A_659, %ge3A_660 : i32
        %convert_element_type3A_662 = arith.extui %ge3A_661 : i1 to i32
        %cond3A_663 = arith.constant 0 : i32
        %cond3A_664 = arith.cmpi ne, %convert_element_type3A_662, %cond3A_663 : i32
        scf.if %cond3A_664 {
          %sub3A_756 = arith.constant 999936 : i32
          %sub3A_757 = arith.subi %squeeze3A_659, %sub3A_756 : i32
          %broadcast_in_dim3A = vector.broadcast %sub3A_757 : i32 to vector<16xi32>
          %gather3A = tpu.vector_load_idx %arg16[%broadcast_in_dim3A, %add3A_5] : memref<128x128xf32, #tpu.memory_space<vmem>>[vector<16xi32>, vector<16xi32>], vector<16xf32>,
          %swap3A_758 = arith.constant 0 : i32
          %swap3A_759 = arith.constant 0 : i32
          %swap3A_760 = tpu.memref_slice %arg15[%swap3A_758, %swap3A_759] : memref<16x128xf32, #tpu.memory_space<vmem>> -> memref<1x128xf32, #tpu.memory_space<vmem>>
          %swap3A_761 = tpu.memref_squeeze %swap3A_760 : memref<1x128xf32, #tpu.memory_space<vmem>> -> memref<128xf32, #tpu.memory_space<vmem>>
          %swap3A_762 = arith.constant 0 : index
          %swap3A_763 = tpu.vector_load %swap3A_761[%swap3A_762] {strides = array<i32>} : memref<128xf32, #tpu.memory_space<vmem>>, vector<16xf32>,
          tpu.vector_store %swap3A_761[%swap3A_762], %gather3A {strides = array<i32>} : memref<128xf32, #tpu.memory_space<vmem>>, vector<16xf32>,
          %gather3A_764 = tpu.vector_load_idx %arg16[%broadcast_in_dim3A, %add3A_9] : memref<128x128xf32, #tpu.memory_space<vmem>>[vector<16xi32>, vector<16xi32>], vector<16xf32>,
          %swap3A_765 = arith.constant 0 : i32
          %swap3A_766 = arith.constant 0 : i32
          %swap3A_767 = tpu.memref_slice %arg15[%swap3A_765, %swap3A_766] : memref<16x128xf32, #tpu.memory_space<vmem>> -> memref<1x128xf32, #tpu.memory_space<vmem>>
          %swap3A_768 = tpu.memref_squeeze %swap3A_767 : memref<1x128xf32, #tpu.memory_space<vmem>> -> memref<128xf32, #tpu.memory_space<vmem>>
          %swap3A_769 = arith.constant 16 : index
          %swap3A_770 = tpu.vector_load %swap3A_768[%swap3A_769] {strides = array<i32>} : memref<128xf32, #tpu.memory_space<vmem>>, vector<16xf32>,
          tpu.vector_store %swap3A_768[%swap3A_769], %gather3A_764 {strides = array<i32>} : memref<128xf32, #tpu.memory_space<vmem>>, vector<16xf32>,
          %gather3A_771 = tpu.vector_load_idx %arg16[%broadcast_in_dim3A, %add3A_13] : memref<128x128xf32, #tpu.memory_space<vmem>>[vector<16xi32>, vector<16xi32>], vector<16xf32>,
          %swap3A_772 = arith.constant 0 : i32
          %swap3A_773 = arith.constant 0 : i32
          %swap3A_774 = tpu.memref_slice %arg15[%swap3A_772, %swap3A_773] : memref<16x128xf32, #tpu.memory_space<vmem>> -> memref<1x128xf32, #tpu.memory_space<vmem>>
          %swap3A_775 = tpu.memref_squeeze %swap3A_774 : memref<1x128xf32, #tpu.memory_space<vmem>> -> memref<128xf32, #tpu.memory_space<vmem>>
          %swap3A_776 = arith.constant 32 : index
          %swap3A_777 = tpu.vector_load %swap3A_775[%swap3A_776] {strides = array<i32>} : memref<128xf32, #tpu.memory_space<vmem>>, vector<16xf32>,
          tpu.vector_store %swap3A_775[%swap3A_776], %gather3A_771 {strides = array<i32>} : memref<128xf32, #tpu.memory_space<vmem>>, vector<16xf32>,
          %gather3A_778 = tpu.vector_load_idx %arg16[%broadcast_in_dim3A, %add3A_17] : memref<128x128xf32, #tpu.memory_space<vmem>>[vector<16xi32>, vector<16xi32>], vector<16xf32>,
          %swap3A_779 = arith.constant 0 : i32
          %swap3A_780 = arith.constant 0 : i32
          %swap3A_781 = tpu.memref_slice %arg15[%swap3A_779, %swap3A_780] : memref<16x128xf32, #tpu.memory_space<vmem>> -> memref<1x128xf32, #tpu.memory_space<vmem>>
          %swap3A_782 = tpu.memref_squeeze %swap3A_781 : memref<1x128xf32, #tpu.memory_space<vmem>> -> memref<128xf32, #tpu.memory_space<vmem>>
          %swap3A_783 = arith.constant 48 : index
          %swap3A_784 = tpu.vector_load %swap3A_782[%swap3A_783] {strides = array<i32>} : memref<128xf32, #tpu.memory_space<vmem>>, vector<16xf32>,
          tpu.vector_store %swap3A_782[%swap3A_783], %gather3A_778 {strides = array<i32>} : memref<128xf32, #tpu.memory_space<vmem>>, vector<16xf32>,
          %mul3A_785 = arith.constant 16 : i32
          %mul3A_786 = arith.muli %scan3A_633, %mul3A_785 : i32
          %add3A_787 = arith.addi %mul3A_2, %mul3A_786 : i32
          %add3A_788 = arith.constant 2 : i32
          %add3A_789 = arith.addi %add3A_787, %add3A_788 : i32
          %dma_start3A = arith.constant 0 : i32
          %dma_start3A_790 = arith.constant 0 : i32
          %dma_start3A_791 = tpu.memref_slice %arg15[%dma_start3A, %dma_start3A_790] : memref<16x128xf32, #tpu.memory_space<vmem>> -> memref<1x128xf32, #tpu.memory_space<vmem>>
          %dma_start3A_792 = arith.constant 0 : i32
          %dma_start3A_793 = tpu.memref_slice %arg5[%add3A_789, %dma_start3A_792] : memref<16384x128xf32, #tpu.memory_space<hbm>> -> memref<1x128xf32, #tpu.memory_space<hbm>>
          %dma_start3A_794 = arith.constant 0 : i32
          %dma_start3A_795 = tpu.memref_slice %arg5[%add3A_789, %dma_start3A_794] : memref<16384x128xf32, #tpu.memory_space<hbm>> -> memref<1x128xf32, #tpu.memory_space<hbm>>
          %dma_start3A_796 = arith.constant 0 : i32
          %dma_start3A_797 = arith.constant 0 : i32
          %dma_start3A_798 = tpu.memref_slice %arg15[%dma_start3A_796, %dma_start3A_797] : memref<16x128xf32, #tpu.memory_space<vmem>> -> memref<1x128xf32, #tpu.memory_space<vmem>>
          tpu.enqueue_dma source(%dma_start3A_798 : memref<1x128xf32, #tpu.memory_space<vmem>>) target(%dma_start3A_795 : memref<1x128xf32, #tpu.memory_space<hbm>>) target_semaphore(%arg26 : memref<!tpu.dma_semaphore, #tpu.memory_space<semaphore_mem>>)
          %dma_wait3A_799 = arith.constant 0 : i32
          %dma_wait3A_800 = arith.constant 0 : i32
          %dma_wait3A_801 = tpu.memref_slice %arg15[%dma_wait3A_799, %dma_wait3A_800] : memref<16x128xf32, #tpu.memory_space<vmem>> -> memref<1x128xf32, #tpu.memory_space<vmem>>
          %dma_wait3A_802 = arith.constant 0 : i32
          %dma_wait3A_803 = arith.constant 0 : i32
          %dma_wait3A_804 = tpu.memref_slice %arg3[%dma_wait3A_802, %dma_wait3A_803] : memref<64x1000000xf32, #tpu.memory_space<hbm>> -> memref<1x128xf32, #tpu.memory_space<hbm>>
          %dma_wait3A_805 = arith.constant 0 : i32
          %dma_wait3A_806 = arith.constant 0 : i32
          %dma_wait3A_807 = tpu.memref_slice %arg15[%dma_wait3A_805, %dma_wait3A_806] : memref<16x128xf32, #tpu.memory_space<vmem>> -> memref<1x128xf32, #tpu.memory_space<vmem>>
          %dma_wait3A_808 = arith.constant 0 : i32
          %dma_wait3A_809 = arith.constant 0 : i32
          %dma_wait3A_810 = tpu.memref_slice %arg3[%dma_wait3A_808, %dma_wait3A_809] : memref<64x1000000xf32, #tpu.memory_space<hbm>> -> memref<1x128xf32, #tpu.memory_space<hbm>>
          tpu.wait_dma2 semaphore(%arg26 : memref<!tpu.dma_semaphore, #tpu.memory_space<semaphore_mem>>) src(%dma_wait3A_810 : memref<1x128xf32, #tpu.memory_space<hbm>>) dst(%dma_wait3A_807 : memref<1x128xf32, #tpu.memory_space<vmem>>)
        } else {
        }
        %slice3A_665 = vector.extract_strided_slice %get3A_638 {offsets = [3], sizes = [1], strides = [1]} : vector<16xi32> to vector<1xi32>
        %squeeze3A_666 = vector.extract %slice3A_665[0] : i32 from vector<1xi32>
        %ge3A_667 = arith.constant 999936 : i32
        %ge3A_668 = arith.cmpi sge, %squeeze3A_666, %ge3A_667 : i32
        %convert_element_type3A_669 = arith.extui %ge3A_668 : i1 to i32
        %cond3A_670 = arith.constant 0 : i32
        %cond3A_671 = arith.cmpi ne, %convert_element_type3A_669, %cond3A_670 : i32
        scf.if %cond3A_671 {
          %sub3A_756 = arith.constant 999936 : i32
          %sub3A_757 = arith.subi %squeeze3A_666, %sub3A_756 : i32
          %broadcast_in_dim3A = vector.broadcast %sub3A_757 : i32 to vector<16xi32>
          %gather3A = tpu.vector_load_idx %arg16[%broadcast_in_dim3A, %add3A_5] : memref<128x128xf32, #tpu.memory_space<vmem>>[vector<16xi32>, vector<16xi32>], vector<16xf32>,
          %swap3A_758 = arith.constant 0 : i32
          %swap3A_759 = arith.constant 0 : i32
          %swap3A_760 = tpu.memref_slice %arg15[%swap3A_758, %swap3A_759] : memref<16x128xf32, #tpu.memory_space<vmem>> -> memref<1x128xf32, #tpu.memory_space<vmem>>
          %swap3A_761 = tpu.memref_squeeze %swap3A_760 : memref<1x128xf32, #tpu.memory_space<vmem>> -> memref<128xf32, #tpu.memory_space<vmem>>
          %swap3A_762 = arith.constant 0 : index
          %swap3A_763 = tpu.vector_load %swap3A_761[%swap3A_762] {strides = array<i32>} : memref<128xf32, #tpu.memory_space<vmem>>, vector<16xf32>,
          tpu.vector_store %swap3A_761[%swap3A_762], %gather3A {strides = array<i32>} : memref<128xf32, #tpu.memory_space<vmem>>, vector<16xf32>,
          %gather3A_764 = tpu.vector_load_idx %arg16[%broadcast_in_dim3A, %add3A_9] : memref<128x128xf32, #tpu.memory_space<vmem>>[vector<16xi32>, vector<16xi32>], vector<16xf32>,
          %swap3A_765 = arith.constant 0 : i32
          %swap3A_766 = arith.constant 0 : i32
          %swap3A_767 = tpu.memref_slice %arg15[%swap3A_765, %swap3A_766] : memref<16x128xf32, #tpu.memory_space<vmem>> -> memref<1x128xf32, #tpu.memory_space<vmem>>
          %swap3A_768 = tpu.memref_squeeze %swap3A_767 : memref<1x128xf32, #tpu.memory_space<vmem>> -> memref<128xf32, #tpu.memory_space<vmem>>
          %swap3A_769 = arith.constant 16 : index
          %swap3A_770 = tpu.vector_load %swap3A_768[%swap3A_769] {strides = array<i32>} : memref<128xf32, #tpu.memory_space<vmem>>, vector<16xf32>,
          tpu.vector_store %swap3A_768[%swap3A_769], %gather3A_764 {strides = array<i32>} : memref<128xf32, #tpu.memory_space<vmem>>, vector<16xf32>,
          %gather3A_771 = tpu.vector_load_idx %arg16[%broadcast_in_dim3A, %add3A_13] : memref<128x128xf32, #tpu.memory_space<vmem>>[vector<16xi32>, vector<16xi32>], vector<16xf32>,
          %swap3A_772 = arith.constant 0 : i32
          %swap3A_773 = arith.constant 0 : i32
          %swap3A_774 = tpu.memref_slice %arg15[%swap3A_772, %swap3A_773] : memref<16x128xf32, #tpu.memory_space<vmem>> -> memref<1x128xf32, #tpu.memory_space<vmem>>
          %swap3A_775 = tpu.memref_squeeze %swap3A_774 : memref<1x128xf32, #tpu.memory_space<vmem>> -> memref<128xf32, #tpu.memory_space<vmem>>
          %swap3A_776 = arith.constant 32 : index
          %swap3A_777 = tpu.vector_load %swap3A_775[%swap3A_776] {strides = array<i32>} : memref<128xf32, #tpu.memory_space<vmem>>, vector<16xf32>,
          tpu.vector_store %swap3A_775[%swap3A_776], %gather3A_771 {strides = array<i32>} : memref<128xf32, #tpu.memory_space<vmem>>, vector<16xf32>,
          %gather3A_778 = tpu.vector_load_idx %arg16[%broadcast_in_dim3A, %add3A_17] : memref<128x128xf32, #tpu.memory_space<vmem>>[vector<16xi32>, vector<16xi32>], vector<16xf32>,
          %swap3A_779 = arith.constant 0 : i32
          %swap3A_780 = arith.constant 0 : i32
          %swap3A_781 = tpu.memref_slice %arg15[%swap3A_779, %swap3A_780] : memref<16x128xf32, #tpu.memory_space<vmem>> -> memref<1x128xf32, #tpu.memory_space<vmem>>
          %swap3A_782 = tpu.memref_squeeze %swap3A_781 : memref<1x128xf32, #tpu.memory_space<vmem>> -> memref<128xf32, #tpu.memory_space<vmem>>
          %swap3A_783 = arith.constant 48 : index
          %swap3A_784 = tpu.vector_load %swap3A_782[%swap3A_783] {strides = array<i32>} : memref<128xf32, #tpu.memory_space<vmem>>, vector<16xf32>,
          tpu.vector_store %swap3A_782[%swap3A_783], %gather3A_778 {strides = array<i32>} : memref<128xf32, #tpu.memory_space<vmem>>, vector<16xf32>,
          %mul3A_785 = arith.constant 16 : i32
          %mul3A_786 = arith.muli %scan3A_633, %mul3A_785 : i32
          %add3A_787 = arith.addi %mul3A_2, %mul3A_786 : i32
          %add3A_788 = arith.constant 3 : i32
          %add3A_789 = arith.addi %add3A_787, %add3A_788 : i32
          %dma_start3A = arith.constant 0 : i32
          %dma_start3A_790 = arith.constant 0 : i32
          %dma_start3A_791 = tpu.memref_slice %arg15[%dma_start3A, %dma_start3A_790] : memref<16x128xf32, #tpu.memory_space<vmem>> -> memref<1x128xf32, #tpu.memory_space<vmem>>
          %dma_start3A_792 = arith.constant 0 : i32
          %dma_start3A_793 = tpu.memref_slice %arg5[%add3A_789, %dma_start3A_792] : memref<16384x128xf32, #tpu.memory_space<hbm>> -> memref<1x128xf32, #tpu.memory_space<hbm>>
          %dma_start3A_794 = arith.constant 0 : i32
          %dma_start3A_795 = tpu.memref_slice %arg5[%add3A_789, %dma_start3A_794] : memref<16384x128xf32, #tpu.memory_space<hbm>> -> memref<1x128xf32, #tpu.memory_space<hbm>>
          %dma_start3A_796 = arith.constant 0 : i32
          %dma_start3A_797 = arith.constant 0 : i32
          %dma_start3A_798 = tpu.memref_slice %arg15[%dma_start3A_796, %dma_start3A_797] : memref<16x128xf32, #tpu.memory_space<vmem>> -> memref<1x128xf32, #tpu.memory_space<vmem>>
          tpu.enqueue_dma source(%dma_start3A_798 : memref<1x128xf32, #tpu.memory_space<vmem>>) target(%dma_start3A_795 : memref<1x128xf32, #tpu.memory_space<hbm>>) target_semaphore(%arg26 : memref<!tpu.dma_semaphore, #tpu.memory_space<semaphore_mem>>)
          %dma_wait3A_799 = arith.constant 0 : i32
          %dma_wait3A_800 = arith.constant 0 : i32
          %dma_wait3A_801 = tpu.memref_slice %arg15[%dma_wait3A_799, %dma_wait3A_800] : memref<16x128xf32, #tpu.memory_space<vmem>> -> memref<1x128xf32, #tpu.memory_space<vmem>>
          %dma_wait3A_802 = arith.constant 0 : i32
          %dma_wait3A_803 = arith.constant 0 : i32
          %dma_wait3A_804 = tpu.memref_slice %arg3[%dma_wait3A_802, %dma_wait3A_803] : memref<64x1000000xf32, #tpu.memory_space<hbm>> -> memref<1x128xf32, #tpu.memory_space<hbm>>
          %dma_wait3A_805 = arith.constant 0 : i32
          %dma_wait3A_806 = arith.constant 0 : i32
          %dma_wait3A_807 = tpu.memref_slice %arg15[%dma_wait3A_805, %dma_wait3A_806] : memref<16x128xf32, #tpu.memory_space<vmem>> -> memref<1x128xf32, #tpu.memory_space<vmem>>
          %dma_wait3A_808 = arith.constant 0 : i32
          %dma_wait3A_809 = arith.constant 0 : i32
          %dma_wait3A_810 = tpu.memref_slice %arg3[%dma_wait3A_808, %dma_wait3A_809] : memref<64x1000000xf32, #tpu.memory_space<hbm>> -> memref<1x128xf32, #tpu.memory_space<hbm>>
          tpu.wait_dma2 semaphore(%arg26 : memref<!tpu.dma_semaphore, #tpu.memory_space<semaphore_mem>>) src(%dma_wait3A_810 : memref<1x128xf32, #tpu.memory_space<hbm>>) dst(%dma_wait3A_807 : memref<1x128xf32, #tpu.memory_space<vmem>>)
        } else {
        }
        %slice3A_672 = vector.extract_strided_slice %get3A_638 {offsets = [4], sizes = [1], strides = [1]} : vector<16xi32> to vector<1xi32>
        %squeeze3A_673 = vector.extract %slice3A_672[0] : i32 from vector<1xi32>
        %ge3A_674 = arith.constant 999936 : i32
        %ge3A_675 = arith.cmpi sge, %squeeze3A_673, %ge3A_674 : i32
        %convert_element_type3A_676 = arith.extui %ge3A_675 : i1 to i32
        %cond3A_677 = arith.constant 0 : i32
        %cond3A_678 = arith.cmpi ne, %convert_element_type3A_676, %cond3A_677 : i32
        scf.if %cond3A_678 {
          %sub3A_756 = arith.constant 999936 : i32
          %sub3A_757 = arith.subi %squeeze3A_673, %sub3A_756 : i32
          %broadcast_in_dim3A = vector.broadcast %sub3A_757 : i32 to vector<16xi32>
          %gather3A = tpu.vector_load_idx %arg16[%broadcast_in_dim3A, %add3A_5] : memref<128x128xf32, #tpu.memory_space<vmem>>[vector<16xi32>, vector<16xi32>], vector<16xf32>,
          %swap3A_758 = arith.constant 0 : i32
          %swap3A_759 = arith.constant 0 : i32
          %swap3A_760 = tpu.memref_slice %arg15[%swap3A_758, %swap3A_759] : memref<16x128xf32, #tpu.memory_space<vmem>> -> memref<1x128xf32, #tpu.memory_space<vmem>>
          %swap3A_761 = tpu.memref_squeeze %swap3A_760 : memref<1x128xf32, #tpu.memory_space<vmem>> -> memref<128xf32, #tpu.memory_space<vmem>>
          %swap3A_762 = arith.constant 0 : index
          %swap3A_763 = tpu.vector_load %swap3A_761[%swap3A_762] {strides = array<i32>} : memref<128xf32, #tpu.memory_space<vmem>>, vector<16xf32>,
          tpu.vector_store %swap3A_761[%swap3A_762], %gather3A {strides = array<i32>} : memref<128xf32, #tpu.memory_space<vmem>>, vector<16xf32>,
          %gather3A_764 = tpu.vector_load_idx %arg16[%broadcast_in_dim3A, %add3A_9] : memref<128x128xf32, #tpu.memory_space<vmem>>[vector<16xi32>, vector<16xi32>], vector<16xf32>,
          %swap3A_765 = arith.constant 0 : i32
          %swap3A_766 = arith.constant 0 : i32
          %swap3A_767 = tpu.memref_slice %arg15[%swap3A_765, %swap3A_766] : memref<16x128xf32, #tpu.memory_space<vmem>> -> memref<1x128xf32, #tpu.memory_space<vmem>>
          %swap3A_768 = tpu.memref_squeeze %swap3A_767 : memref<1x128xf32, #tpu.memory_space<vmem>> -> memref<128xf32, #tpu.memory_space<vmem>>
          %swap3A_769 = arith.constant 16 : index
          %swap3A_770 = tpu.vector_load %swap3A_768[%swap3A_769] {strides = array<i32>} : memref<128xf32, #tpu.memory_space<vmem>>, vector<16xf32>,
          tpu.vector_store %swap3A_768[%swap3A_769], %gather3A_764 {strides = array<i32>} : memref<128xf32, #tpu.memory_space<vmem>>, vector<16xf32>,
          %gather3A_771 = tpu.vector_load_idx %arg16[%broadcast_in_dim3A, %add3A_13] : memref<128x128xf32, #tpu.memory_space<vmem>>[vector<16xi32>, vector<16xi32>], vector<16xf32>,
          %swap3A_772 = arith.constant 0 : i32
          %swap3A_773 = arith.constant 0 : i32
          %swap3A_774 = tpu.memref_slice %arg15[%swap3A_772, %swap3A_773] : memref<16x128xf32, #tpu.memory_space<vmem>> -> memref<1x128xf32, #tpu.memory_space<vmem>>
          %swap3A_775 = tpu.memref_squeeze %swap3A_774 : memref<1x128xf32, #tpu.memory_space<vmem>> -> memref<128xf32, #tpu.memory_space<vmem>>
          %swap3A_776 = arith.constant 32 : index
          %swap3A_777 = tpu.vector_load %swap3A_775[%swap3A_776] {strides = array<i32>} : memref<128xf32, #tpu.memory_space<vmem>>, vector<16xf32>,
          tpu.vector_store %swap3A_775[%swap3A_776], %gather3A_771 {strides = array<i32>} : memref<128xf32, #tpu.memory_space<vmem>>, vector<16xf32>,
          %gather3A_778 = tpu.vector_load_idx %arg16[%broadcast_in_dim3A, %add3A_17] : memref<128x128xf32, #tpu.memory_space<vmem>>[vector<16xi32>, vector<16xi32>], vector<16xf32>,
          %swap3A_779 = arith.constant 0 : i32
          %swap3A_780 = arith.constant 0 : i32
          %swap3A_781 = tpu.memref_slice %arg15[%swap3A_779, %swap3A_780] : memref<16x128xf32, #tpu.memory_space<vmem>> -> memref<1x128xf32, #tpu.memory_space<vmem>>
          %swap3A_782 = tpu.memref_squeeze %swap3A_781 : memref<1x128xf32, #tpu.memory_space<vmem>> -> memref<128xf32, #tpu.memory_space<vmem>>
          %swap3A_783 = arith.constant 48 : index
          %swap3A_784 = tpu.vector_load %swap3A_782[%swap3A_783] {strides = array<i32>} : memref<128xf32, #tpu.memory_space<vmem>>, vector<16xf32>,
          tpu.vector_store %swap3A_782[%swap3A_783], %gather3A_778 {strides = array<i32>} : memref<128xf32, #tpu.memory_space<vmem>>, vector<16xf32>,
          %mul3A_785 = arith.constant 16 : i32
          %mul3A_786 = arith.muli %scan3A_633, %mul3A_785 : i32
          %add3A_787 = arith.addi %mul3A_2, %mul3A_786 : i32
          %add3A_788 = arith.constant 4 : i32
          %add3A_789 = arith.addi %add3A_787, %add3A_788 : i32
          %dma_start3A = arith.constant 0 : i32
          %dma_start3A_790 = arith.constant 0 : i32
          %dma_start3A_791 = tpu.memref_slice %arg15[%dma_start3A, %dma_start3A_790] : memref<16x128xf32, #tpu.memory_space<vmem>> -> memref<1x128xf32, #tpu.memory_space<vmem>>
          %dma_start3A_792 = arith.constant 0 : i32
          %dma_start3A_793 = tpu.memref_slice %arg5[%add3A_789, %dma_start3A_792] : memref<16384x128xf32, #tpu.memory_space<hbm>> -> memref<1x128xf32, #tpu.memory_space<hbm>>
          %dma_start3A_794 = arith.constant 0 : i32
          %dma_start3A_795 = tpu.memref_slice %arg5[%add3A_789, %dma_start3A_794] : memref<16384x128xf32, #tpu.memory_space<hbm>> -> memref<1x128xf32, #tpu.memory_space<hbm>>
          %dma_start3A_796 = arith.constant 0 : i32
          %dma_start3A_797 = arith.constant 0 : i32
          %dma_start3A_798 = tpu.memref_slice %arg15[%dma_start3A_796, %dma_start3A_797] : memref<16x128xf32, #tpu.memory_space<vmem>> -> memref<1x128xf32, #tpu.memory_space<vmem>>
          tpu.enqueue_dma source(%dma_start3A_798 : memref<1x128xf32, #tpu.memory_space<vmem>>) target(%dma_start3A_795 : memref<1x128xf32, #tpu.memory_space<hbm>>) target_semaphore(%arg26 : memref<!tpu.dma_semaphore, #tpu.memory_space<semaphore_mem>>)
          %dma_wait3A_799 = arith.constant 0 : i32
          %dma_wait3A_800 = arith.constant 0 : i32
          %dma_wait3A_801 = tpu.memref_slice %arg15[%dma_wait3A_799, %dma_wait3A_800] : memref<16x128xf32, #tpu.memory_space<vmem>> -> memref<1x128xf32, #tpu.memory_space<vmem>>
          %dma_wait3A_802 = arith.constant 0 : i32
          %dma_wait3A_803 = arith.constant 0 : i32
          %dma_wait3A_804 = tpu.memref_slice %arg3[%dma_wait3A_802, %dma_wait3A_803] : memref<64x1000000xf32, #tpu.memory_space<hbm>> -> memref<1x128xf32, #tpu.memory_space<hbm>>
          %dma_wait3A_805 = arith.constant 0 : i32
          %dma_wait3A_806 = arith.constant 0 : i32
          %dma_wait3A_807 = tpu.memref_slice %arg15[%dma_wait3A_805, %dma_wait3A_806] : memref<16x128xf32, #tpu.memory_space<vmem>> -> memref<1x128xf32, #tpu.memory_space<vmem>>
          %dma_wait3A_808 = arith.constant 0 : i32
          %dma_wait3A_809 = arith.constant 0 : i32
          %dma_wait3A_810 = tpu.memref_slice %arg3[%dma_wait3A_808, %dma_wait3A_809] : memref<64x1000000xf32, #tpu.memory_space<hbm>> -> memref<1x128xf32, #tpu.memory_space<hbm>>
          tpu.wait_dma2 semaphore(%arg26 : memref<!tpu.dma_semaphore, #tpu.memory_space<semaphore_mem>>) src(%dma_wait3A_810 : memref<1x128xf32, #tpu.memory_space<hbm>>) dst(%dma_wait3A_807 : memref<1x128xf32, #tpu.memory_space<vmem>>)
        } else {
        }
        %slice3A_679 = vector.extract_strided_slice %get3A_638 {offsets = [5], sizes = [1], strides = [1]} : vector<16xi32> to vector<1xi32>
        %squeeze3A_680 = vector.extract %slice3A_679[0] : i32 from vector<1xi32>
        %ge3A_681 = arith.constant 999936 : i32
        %ge3A_682 = arith.cmpi sge, %squeeze3A_680, %ge3A_681 : i32
        %convert_element_type3A_683 = arith.extui %ge3A_682 : i1 to i32
        %cond3A_684 = arith.constant 0 : i32
        %cond3A_685 = arith.cmpi ne, %convert_element_type3A_683, %cond3A_684 : i32
        scf.if %cond3A_685 {
          %sub3A_756 = arith.constant 999936 : i32
          %sub3A_757 = arith.subi %squeeze3A_680, %sub3A_756 : i32
          %broadcast_in_dim3A = vector.broadcast %sub3A_757 : i32 to vector<16xi32>
          %gather3A = tpu.vector_load_idx %arg16[%broadcast_in_dim3A, %add3A_5] : memref<128x128xf32, #tpu.memory_space<vmem>>[vector<16xi32>, vector<16xi32>], vector<16xf32>,
          %swap3A_758 = arith.constant 0 : i32
          %swap3A_759 = arith.constant 0 : i32
          %swap3A_760 = tpu.memref_slice %arg15[%swap3A_758, %swap3A_759] : memref<16x128xf32, #tpu.memory_space<vmem>> -> memref<1x128xf32, #tpu.memory_space<vmem>>
          %swap3A_761 = tpu.memref_squeeze %swap3A_760 : memref<1x128xf32, #tpu.memory_space<vmem>> -> memref<128xf32, #tpu.memory_space<vmem>>
          %swap3A_762 = arith.constant 0 : index
          %swap3A_763 = tpu.vector_load %swap3A_761[%swap3A_762] {strides = array<i32>} : memref<128xf32, #tpu.memory_space<vmem>>, vector<16xf32>,
          tpu.vector_store %swap3A_761[%swap3A_762], %gather3A {strides = array<i32>} : memref<128xf32, #tpu.memory_space<vmem>>, vector<16xf32>,
          %gather3A_764 = tpu.vector_load_idx %arg16[%broadcast_in_dim3A, %add3A_9] : memref<128x128xf32, #tpu.memory_space<vmem>>[vector<16xi32>, vector<16xi32>], vector<16xf32>,
          %swap3A_765 = arith.constant 0 : i32
          %swap3A_766 = arith.constant 0 : i32
          %swap3A_767 = tpu.memref_slice %arg15[%swap3A_765, %swap3A_766] : memref<16x128xf32, #tpu.memory_space<vmem>> -> memref<1x128xf32, #tpu.memory_space<vmem>>
          %swap3A_768 = tpu.memref_squeeze %swap3A_767 : memref<1x128xf32, #tpu.memory_space<vmem>> -> memref<128xf32, #tpu.memory_space<vmem>>
          %swap3A_769 = arith.constant 16 : index
          %swap3A_770 = tpu.vector_load %swap3A_768[%swap3A_769] {strides = array<i32>} : memref<128xf32, #tpu.memory_space<vmem>>, vector<16xf32>,
          tpu.vector_store %swap3A_768[%swap3A_769], %gather3A_764 {strides = array<i32>} : memref<128xf32, #tpu.memory_space<vmem>>, vector<16xf32>,
          %gather3A_771 = tpu.vector_load_idx %arg16[%broadcast_in_dim3A, %add3A_13] : memref<128x128xf32, #tpu.memory_space<vmem>>[vector<16xi32>, vector<16xi32>], vector<16xf32>,
          %swap3A_772 = arith.constant 0 : i32
          %swap3A_773 = arith.constant 0 : i32
          %swap3A_774 = tpu.memref_slice %arg15[%swap3A_772, %swap3A_773] : memref<16x128xf32, #tpu.memory_space<vmem>> -> memref<1x128xf32, #tpu.memory_space<vmem>>
          %swap3A_775 = tpu.memref_squeeze %swap3A_774 : memref<1x128xf32, #tpu.memory_space<vmem>> -> memref<128xf32, #tpu.memory_space<vmem>>
          %swap3A_776 = arith.constant 32 : index
          %swap3A_777 = tpu.vector_load %swap3A_775[%swap3A_776] {strides = array<i32>} : memref<128xf32, #tpu.memory_space<vmem>>, vector<16xf32>,
          tpu.vector_store %swap3A_775[%swap3A_776], %gather3A_771 {strides = array<i32>} : memref<128xf32, #tpu.memory_space<vmem>>, vector<16xf32>,
          %gather3A_778 = tpu.vector_load_idx %arg16[%broadcast_in_dim3A, %add3A_17] : memref<128x128xf32, #tpu.memory_space<vmem>>[vector<16xi32>, vector<16xi32>], vector<16xf32>,
          %swap3A_779 = arith.constant 0 : i32
          %swap3A_780 = arith.constant 0 : i32
          %swap3A_781 = tpu.memref_slice %arg15[%swap3A_779, %swap3A_780] : memref<16x128xf32, #tpu.memory_space<vmem>> -> memref<1x128xf32, #tpu.memory_space<vmem>>
          %swap3A_782 = tpu.memref_squeeze %swap3A_781 : memref<1x128xf32, #tpu.memory_space<vmem>> -> memref<128xf32, #tpu.memory_space<vmem>>
          %swap3A_783 = arith.constant 48 : index
          %swap3A_784 = tpu.vector_load %swap3A_782[%swap3A_783] {strides = array<i32>} : memref<128xf32, #tpu.memory_space<vmem>>, vector<16xf32>,
          tpu.vector_store %swap3A_782[%swap3A_783], %gather3A_778 {strides = array<i32>} : memref<128xf32, #tpu.memory_space<vmem>>, vector<16xf32>,
          %mul3A_785 = arith.constant 16 : i32
          %mul3A_786 = arith.muli %scan3A_633, %mul3A_785 : i32
          %add3A_787 = arith.addi %mul3A_2, %mul3A_786 : i32
          %add3A_788 = arith.constant 5 : i32
          %add3A_789 = arith.addi %add3A_787, %add3A_788 : i32
          %dma_start3A = arith.constant 0 : i32
          %dma_start3A_790 = arith.constant 0 : i32
          %dma_start3A_791 = tpu.memref_slice %arg15[%dma_start3A, %dma_start3A_790] : memref<16x128xf32, #tpu.memory_space<vmem>> -> memref<1x128xf32, #tpu.memory_space<vmem>>
          %dma_start3A_792 = arith.constant 0 : i32
          %dma_start3A_793 = tpu.memref_slice %arg5[%add3A_789, %dma_start3A_792] : memref<16384x128xf32, #tpu.memory_space<hbm>> -> memref<1x128xf32, #tpu.memory_space<hbm>>
          %dma_start3A_794 = arith.constant 0 : i32
          %dma_start3A_795 = tpu.memref_slice %arg5[%add3A_789, %dma_start3A_794] : memref<16384x128xf32, #tpu.memory_space<hbm>> -> memref<1x128xf32, #tpu.memory_space<hbm>>
          %dma_start3A_796 = arith.constant 0 : i32
          %dma_start3A_797 = arith.constant 0 : i32
          %dma_start3A_798 = tpu.memref_slice %arg15[%dma_start3A_796, %dma_start3A_797] : memref<16x128xf32, #tpu.memory_space<vmem>> -> memref<1x128xf32, #tpu.memory_space<vmem>>
          tpu.enqueue_dma source(%dma_start3A_798 : memref<1x128xf32, #tpu.memory_space<vmem>>) target(%dma_start3A_795 : memref<1x128xf32, #tpu.memory_space<hbm>>) target_semaphore(%arg26 : memref<!tpu.dma_semaphore, #tpu.memory_space<semaphore_mem>>)
          %dma_wait3A_799 = arith.constant 0 : i32
          %dma_wait3A_800 = arith.constant 0 : i32
          %dma_wait3A_801 = tpu.memref_slice %arg15[%dma_wait3A_799, %dma_wait3A_800] : memref<16x128xf32, #tpu.memory_space<vmem>> -> memref<1x128xf32, #tpu.memory_space<vmem>>
          %dma_wait3A_802 = arith.constant 0 : i32
          %dma_wait3A_803 = arith.constant 0 : i32
          %dma_wait3A_804 = tpu.memref_slice %arg3[%dma_wait3A_802, %dma_wait3A_803] : memref<64x1000000xf32, #tpu.memory_space<hbm>> -> memref<1x128xf32, #tpu.memory_space<hbm>>
          %dma_wait3A_805 = arith.constant 0 : i32
          %dma_wait3A_806 = arith.constant 0 : i32
          %dma_wait3A_807 = tpu.memref_slice %arg15[%dma_wait3A_805, %dma_wait3A_806] : memref<16x128xf32, #tpu.memory_space<vmem>> -> memref<1x128xf32, #tpu.memory_space<vmem>>
          %dma_wait3A_808 = arith.constant 0 : i32
          %dma_wait3A_809 = arith.constant 0 : i32
          %dma_wait3A_810 = tpu.memref_slice %arg3[%dma_wait3A_808, %dma_wait3A_809] : memref<64x1000000xf32, #tpu.memory_space<hbm>> -> memref<1x128xf32, #tpu.memory_space<hbm>>
          tpu.wait_dma2 semaphore(%arg26 : memref<!tpu.dma_semaphore, #tpu.memory_space<semaphore_mem>>) src(%dma_wait3A_810 : memref<1x128xf32, #tpu.memory_space<hbm>>) dst(%dma_wait3A_807 : memref<1x128xf32, #tpu.memory_space<vmem>>)
        } else {
        }
        %slice3A_686 = vector.extract_strided_slice %get3A_638 {offsets = [6], sizes = [1], strides = [1]} : vector<16xi32> to vector<1xi32>
        %squeeze3A_687 = vector.extract %slice3A_686[0] : i32 from vector<1xi32>
        %ge3A_688 = arith.constant 999936 : i32
        %ge3A_689 = arith.cmpi sge, %squeeze3A_687, %ge3A_688 : i32
        %convert_element_type3A_690 = arith.extui %ge3A_689 : i1 to i32
        %cond3A_691 = arith.constant 0 : i32
        %cond3A_692 = arith.cmpi ne, %convert_element_type3A_690, %cond3A_691 : i32
        scf.if %cond3A_692 {
          %sub3A_756 = arith.constant 999936 : i32
          %sub3A_757 = arith.subi %squeeze3A_687, %sub3A_756 : i32
          %broadcast_in_dim3A = vector.broadcast %sub3A_757 : i32 to vector<16xi32>
          %gather3A = tpu.vector_load_idx %arg16[%broadcast_in_dim3A, %add3A_5] : memref<128x128xf32, #tpu.memory_space<vmem>>[vector<16xi32>, vector<16xi32>], vector<16xf32>,
          %swap3A_758 = arith.constant 0 : i32
          %swap3A_759 = arith.constant 0 : i32
          %swap3A_760 = tpu.memref_slice %arg15[%swap3A_758, %swap3A_759] : memref<16x128xf32, #tpu.memory_space<vmem>> -> memref<1x128xf32, #tpu.memory_space<vmem>>
          %swap3A_761 = tpu.memref_squeeze %swap3A_760 : memref<1x128xf32, #tpu.memory_space<vmem>> -> memref<128xf32, #tpu.memory_space<vmem>>
          %swap3A_762 = arith.constant 0 : index
          %swap3A_763 = tpu.vector_load %swap3A_761[%swap3A_762] {strides = array<i32>} : memref<128xf32, #tpu.memory_space<vmem>>, vector<16xf32>,
          tpu.vector_store %swap3A_761[%swap3A_762], %gather3A {strides = array<i32>} : memref<128xf32, #tpu.memory_space<vmem>>, vector<16xf32>,
          %gather3A_764 = tpu.vector_load_idx %arg16[%broadcast_in_dim3A, %add3A_9] : memref<128x128xf32, #tpu.memory_space<vmem>>[vector<16xi32>, vector<16xi32>], vector<16xf32>,
          %swap3A_765 = arith.constant 0 : i32
          %swap3A_766 = arith.constant 0 : i32
          %swap3A_767 = tpu.memref_slice %arg15[%swap3A_765, %swap3A_766] : memref<16x128xf32, #tpu.memory_space<vmem>> -> memref<1x128xf32, #tpu.memory_space<vmem>>
          %swap3A_768 = tpu.memref_squeeze %swap3A_767 : memref<1x128xf32, #tpu.memory_space<vmem>> -> memref<128xf32, #tpu.memory_space<vmem>>
          %swap3A_769 = arith.constant 16 : index
          %swap3A_770 = tpu.vector_load %swap3A_768[%swap3A_769] {strides = array<i32>} : memref<128xf32, #tpu.memory_space<vmem>>, vector<16xf32>,
          tpu.vector_store %swap3A_768[%swap3A_769], %gather3A_764 {strides = array<i32>} : memref<128xf32, #tpu.memory_space<vmem>>, vector<16xf32>,
          %gather3A_771 = tpu.vector_load_idx %arg16[%broadcast_in_dim3A, %add3A_13] : memref<128x128xf32, #tpu.memory_space<vmem>>[vector<16xi32>, vector<16xi32>], vector<16xf32>,
          %swap3A_772 = arith.constant 0 : i32
          %swap3A_773 = arith.constant 0 : i32
          %swap3A_774 = tpu.memref_slice %arg15[%swap3A_772, %swap3A_773] : memref<16x128xf32, #tpu.memory_space<vmem>> -> memref<1x128xf32, #tpu.memory_space<vmem>>
          %swap3A_775 = tpu.memref_squeeze %swap3A_774 : memref<1x128xf32, #tpu.memory_space<vmem>> -> memref<128xf32, #tpu.memory_space<vmem>>
          %swap3A_776 = arith.constant 32 : index
          %swap3A_777 = tpu.vector_load %swap3A_775[%swap3A_776] {strides = array<i32>} : memref<128xf32, #tpu.memory_space<vmem>>, vector<16xf32>,
          tpu.vector_store %swap3A_775[%swap3A_776], %gather3A_771 {strides = array<i32>} : memref<128xf32, #tpu.memory_space<vmem>>, vector<16xf32>,
          %gather3A_778 = tpu.vector_load_idx %arg16[%broadcast_in_dim3A, %add3A_17] : memref<128x128xf32, #tpu.memory_space<vmem>>[vector<16xi32>, vector<16xi32>], vector<16xf32>,
          %swap3A_779 = arith.constant 0 : i32
          %swap3A_780 = arith.constant 0 : i32
          %swap3A_781 = tpu.memref_slice %arg15[%swap3A_779, %swap3A_780] : memref<16x128xf32, #tpu.memory_space<vmem>> -> memref<1x128xf32, #tpu.memory_space<vmem>>
          %swap3A_782 = tpu.memref_squeeze %swap3A_781 : memref<1x128xf32, #tpu.memory_space<vmem>> -> memref<128xf32, #tpu.memory_space<vmem>>
          %swap3A_783 = arith.constant 48 : index
          %swap3A_784 = tpu.vector_load %swap3A_782[%swap3A_783] {strides = array<i32>} : memref<128xf32, #tpu.memory_space<vmem>>, vector<16xf32>,
          tpu.vector_store %swap3A_782[%swap3A_783], %gather3A_778 {strides = array<i32>} : memref<128xf32, #tpu.memory_space<vmem>>, vector<16xf32>,
          %mul3A_785 = arith.constant 16 : i32
          %mul3A_786 = arith.muli %scan3A_633, %mul3A_785 : i32
          %add3A_787 = arith.addi %mul3A_2, %mul3A_786 : i32
          %add3A_788 = arith.constant 6 : i32
          %add3A_789 = arith.addi %add3A_787, %add3A_788 : i32
          %dma_start3A = arith.constant 0 : i32
          %dma_start3A_790 = arith.constant 0 : i32
          %dma_start3A_791 = tpu.memref_slice %arg15[%dma_start3A, %dma_start3A_790] : memref<16x128xf32, #tpu.memory_space<vmem>> -> memref<1x128xf32, #tpu.memory_space<vmem>>
          %dma_start3A_792 = arith.constant 0 : i32
          %dma_start3A_793 = tpu.memref_slice %arg5[%add3A_789, %dma_start3A_792] : memref<16384x128xf32, #tpu.memory_space<hbm>> -> memref<1x128xf32, #tpu.memory_space<hbm>>
          %dma_start3A_794 = arith.constant 0 : i32
          %dma_start3A_795 = tpu.memref_slice %arg5[%add3A_789, %dma_start3A_794] : memref<16384x128xf32, #tpu.memory_space<hbm>> -> memref<1x128xf32, #tpu.memory_space<hbm>>
          %dma_start3A_796 = arith.constant 0 : i32
          %dma_start3A_797 = arith.constant 0 : i32
          %dma_start3A_798 = tpu.memref_slice %arg15[%dma_start3A_796, %dma_start3A_797] : memref<16x128xf32, #tpu.memory_space<vmem>> -> memref<1x128xf32, #tpu.memory_space<vmem>>
          tpu.enqueue_dma source(%dma_start3A_798 : memref<1x128xf32, #tpu.memory_space<vmem>>) target(%dma_start3A_795 : memref<1x128xf32, #tpu.memory_space<hbm>>) target_semaphore(%arg26 : memref<!tpu.dma_semaphore, #tpu.memory_space<semaphore_mem>>)
          %dma_wait3A_799 = arith.constant 0 : i32
          %dma_wait3A_800 = arith.constant 0 : i32
          %dma_wait3A_801 = tpu.memref_slice %arg15[%dma_wait3A_799, %dma_wait3A_800] : memref<16x128xf32, #tpu.memory_space<vmem>> -> memref<1x128xf32, #tpu.memory_space<vmem>>
          %dma_wait3A_802 = arith.constant 0 : i32
          %dma_wait3A_803 = arith.constant 0 : i32
          %dma_wait3A_804 = tpu.memref_slice %arg3[%dma_wait3A_802, %dma_wait3A_803] : memref<64x1000000xf32, #tpu.memory_space<hbm>> -> memref<1x128xf32, #tpu.memory_space<hbm>>
          %dma_wait3A_805 = arith.constant 0 : i32
          %dma_wait3A_806 = arith.constant 0 : i32
          %dma_wait3A_807 = tpu.memref_slice %arg15[%dma_wait3A_805, %dma_wait3A_806] : memref<16x128xf32, #tpu.memory_space<vmem>> -> memref<1x128xf32, #tpu.memory_space<vmem>>
          %dma_wait3A_808 = arith.constant 0 : i32
          %dma_wait3A_809 = arith.constant 0 : i32
          %dma_wait3A_810 = tpu.memref_slice %arg3[%dma_wait3A_808, %dma_wait3A_809] : memref<64x1000000xf32, #tpu.memory_space<hbm>> -> memref<1x128xf32, #tpu.memory_space<hbm>>
          tpu.wait_dma2 semaphore(%arg26 : memref<!tpu.dma_semaphore, #tpu.memory_space<semaphore_mem>>) src(%dma_wait3A_810 : memref<1x128xf32, #tpu.memory_space<hbm>>) dst(%dma_wait3A_807 : memref<1x128xf32, #tpu.memory_space<vmem>>)
        } else {
        }
        %slice3A_693 = vector.extract_strided_slice %get3A_638 {offsets = [7], sizes = [1], strides = [1]} : vector<16xi32> to vector<1xi32>
        %squeeze3A_694 = vector.extract %slice3A_693[0] : i32 from vector<1xi32>
        %ge3A_695 = arith.constant 999936 : i32
        %ge3A_696 = arith.cmpi sge, %squeeze3A_694, %ge3A_695 : i32
        %convert_element_type3A_697 = arith.extui %ge3A_696 : i1 to i32
        %cond3A_698 = arith.constant 0 : i32
        %cond3A_699 = arith.cmpi ne, %convert_element_type3A_697, %cond3A_698 : i32
        scf.if %cond3A_699 {
          %sub3A_756 = arith.constant 999936 : i32
          %sub3A_757 = arith.subi %squeeze3A_694, %sub3A_756 : i32
          %broadcast_in_dim3A = vector.broadcast %sub3A_757 : i32 to vector<16xi32>
          %gather3A = tpu.vector_load_idx %arg16[%broadcast_in_dim3A, %add3A_5] : memref<128x128xf32, #tpu.memory_space<vmem>>[vector<16xi32>, vector<16xi32>], vector<16xf32>,
          %swap3A_758 = arith.constant 0 : i32
          %swap3A_759 = arith.constant 0 : i32
          %swap3A_760 = tpu.memref_slice %arg15[%swap3A_758, %swap3A_759] : memref<16x128xf32, #tpu.memory_space<vmem>> -> memref<1x128xf32, #tpu.memory_space<vmem>>
          %swap3A_761 = tpu.memref_squeeze %swap3A_760 : memref<1x128xf32, #tpu.memory_space<vmem>> -> memref<128xf32, #tpu.memory_space<vmem>>
          %swap3A_762 = arith.constant 0 : index
          %swap3A_763 = tpu.vector_load %swap3A_761[%swap3A_762] {strides = array<i32>} : memref<128xf32, #tpu.memory_space<vmem>>, vector<16xf32>,
          tpu.vector_store %swap3A_761[%swap3A_762], %gather3A {strides = array<i32>} : memref<128xf32, #tpu.memory_space<vmem>>, vector<16xf32>,
          %gather3A_764 = tpu.vector_load_idx %arg16[%broadcast_in_dim3A, %add3A_9] : memref<128x128xf32, #tpu.memory_space<vmem>>[vector<16xi32>, vector<16xi32>], vector<16xf32>,
          %swap3A_765 = arith.constant 0 : i32
          %swap3A_766 = arith.constant 0 : i32
          %swap3A_767 = tpu.memref_slice %arg15[%swap3A_765, %swap3A_766] : memref<16x128xf32, #tpu.memory_space<vmem>> -> memref<1x128xf32, #tpu.memory_space<vmem>>
          %swap3A_768 = tpu.memref_squeeze %swap3A_767 : memref<1x128xf32, #tpu.memory_space<vmem>> -> memref<128xf32, #tpu.memory_space<vmem>>
          %swap3A_769 = arith.constant 16 : index
          %swap3A_770 = tpu.vector_load %swap3A_768[%swap3A_769] {strides = array<i32>} : memref<128xf32, #tpu.memory_space<vmem>>, vector<16xf32>,
          tpu.vector_store %swap3A_768[%swap3A_769], %gather3A_764 {strides = array<i32>} : memref<128xf32, #tpu.memory_space<vmem>>, vector<16xf32>,
          %gather3A_771 = tpu.vector_load_idx %arg16[%broadcast_in_dim3A, %add3A_13] : memref<128x128xf32, #tpu.memory_space<vmem>>[vector<16xi32>, vector<16xi32>], vector<16xf32>,
          %swap3A_772 = arith.constant 0 : i32
          %swap3A_773 = arith.constant 0 : i32
          %swap3A_774 = tpu.memref_slice %arg15[%swap3A_772, %swap3A_773] : memref<16x128xf32, #tpu.memory_space<vmem>> -> memref<1x128xf32, #tpu.memory_space<vmem>>
          %swap3A_775 = tpu.memref_squeeze %swap3A_774 : memref<1x128xf32, #tpu.memory_space<vmem>> -> memref<128xf32, #tpu.memory_space<vmem>>
          %swap3A_776 = arith.constant 32 : index
          %swap3A_777 = tpu.vector_load %swap3A_775[%swap3A_776] {strides = array<i32>} : memref<128xf32, #tpu.memory_space<vmem>>, vector<16xf32>,
          tpu.vector_store %swap3A_775[%swap3A_776], %gather3A_771 {strides = array<i32>} : memref<128xf32, #tpu.memory_space<vmem>>, vector<16xf32>,
          %gather3A_778 = tpu.vector_load_idx %arg16[%broadcast_in_dim3A, %add3A_17] : memref<128x128xf32, #tpu.memory_space<vmem>>[vector<16xi32>, vector<16xi32>], vector<16xf32>,
          %swap3A_779 = arith.constant 0 : i32
          %swap3A_780 = arith.constant 0 : i32
          %swap3A_781 = tpu.memref_slice %arg15[%swap3A_779, %swap3A_780] : memref<16x128xf32, #tpu.memory_space<vmem>> -> memref<1x128xf32, #tpu.memory_space<vmem>>
          %swap3A_782 = tpu.memref_squeeze %swap3A_781 : memref<1x128xf32, #tpu.memory_space<vmem>> -> memref<128xf32, #tpu.memory_space<vmem>>
          %swap3A_783 = arith.constant 48 : index
          %swap3A_784 = tpu.vector_load %swap3A_782[%swap3A_783] {strides = array<i32>} : memref<128xf32, #tpu.memory_space<vmem>>, vector<16xf32>,
          tpu.vector_store %swap3A_782[%swap3A_783], %gather3A_778 {strides = array<i32>} : memref<128xf32, #tpu.memory_space<vmem>>, vector<16xf32>,
          %mul3A_785 = arith.constant 16 : i32
          %mul3A_786 = arith.muli %scan3A_633, %mul3A_785 : i32
          %add3A_787 = arith.addi %mul3A_2, %mul3A_786 : i32
          %add3A_788 = arith.constant 7 : i32
          %add3A_789 = arith.addi %add3A_787, %add3A_788 : i32
          %dma_start3A = arith.constant 0 : i32
          %dma_start3A_790 = arith.constant 0 : i32
          %dma_start3A_791 = tpu.memref_slice %arg15[%dma_start3A, %dma_start3A_790] : memref<16x128xf32, #tpu.memory_space<vmem>> -> memref<1x128xf32, #tpu.memory_space<vmem>>
          %dma_start3A_792 = arith.constant 0 : i32
          %dma_start3A_793 = tpu.memref_slice %arg5[%add3A_789, %dma_start3A_792] : memref<16384x128xf32, #tpu.memory_space<hbm>> -> memref<1x128xf32, #tpu.memory_space<hbm>>
          %dma_start3A_794 = arith.constant 0 : i32
          %dma_start3A_795 = tpu.memref_slice %arg5[%add3A_789, %dma_start3A_794] : memref<16384x128xf32, #tpu.memory_space<hbm>> -> memref<1x128xf32, #tpu.memory_space<hbm>>
          %dma_start3A_796 = arith.constant 0 : i32
          %dma_start3A_797 = arith.constant 0 : i32
          %dma_start3A_798 = tpu.memref_slice %arg15[%dma_start3A_796, %dma_start3A_797] : memref<16x128xf32, #tpu.memory_space<vmem>> -> memref<1x128xf32, #tpu.memory_space<vmem>>
          tpu.enqueue_dma source(%dma_start3A_798 : memref<1x128xf32, #tpu.memory_space<vmem>>) target(%dma_start3A_795 : memref<1x128xf32, #tpu.memory_space<hbm>>) target_semaphore(%arg26 : memref<!tpu.dma_semaphore, #tpu.memory_space<semaphore_mem>>)
          %dma_wait3A_799 = arith.constant 0 : i32
          %dma_wait3A_800 = arith.constant 0 : i32
          %dma_wait3A_801 = tpu.memref_slice %arg15[%dma_wait3A_799, %dma_wait3A_800] : memref<16x128xf32, #tpu.memory_space<vmem>> -> memref<1x128xf32, #tpu.memory_space<vmem>>
          %dma_wait3A_802 = arith.constant 0 : i32
          %dma_wait3A_803 = arith.constant 0 : i32
          %dma_wait3A_804 = tpu.memref_slice %arg3[%dma_wait3A_802, %dma_wait3A_803] : memref<64x1000000xf32, #tpu.memory_space<hbm>> -> memref<1x128xf32, #tpu.memory_space<hbm>>
          %dma_wait3A_805 = arith.constant 0 : i32
          %dma_wait3A_806 = arith.constant 0 : i32
          %dma_wait3A_807 = tpu.memref_slice %arg15[%dma_wait3A_805, %dma_wait3A_806] : memref<16x128xf32, #tpu.memory_space<vmem>> -> memref<1x128xf32, #tpu.memory_space<vmem>>
          %dma_wait3A_808 = arith.constant 0 : i32
          %dma_wait3A_809 = arith.constant 0 : i32
          %dma_wait3A_810 = tpu.memref_slice %arg3[%dma_wait3A_808, %dma_wait3A_809] : memref<64x1000000xf32, #tpu.memory_space<hbm>> -> memref<1x128xf32, #tpu.memory_space<hbm>>
          tpu.wait_dma2 semaphore(%arg26 : memref<!tpu.dma_semaphore, #tpu.memory_space<semaphore_mem>>) src(%dma_wait3A_810 : memref<1x128xf32, #tpu.memory_space<hbm>>) dst(%dma_wait3A_807 : memref<1x128xf32, #tpu.memory_space<vmem>>)
        } else {
        }
        %slice3A_700 = vector.extract_strided_slice %get3A_638 {offsets = [8], sizes = [1], strides = [1]} : vector<16xi32> to vector<1xi32>
        %squeeze3A_701 = vector.extract %slice3A_700[0] : i32 from vector<1xi32>
        %ge3A_702 = arith.constant 999936 : i32
        %ge3A_703 = arith.cmpi sge, %squeeze3A_701, %ge3A_702 : i32
        %convert_element_type3A_704 = arith.extui %ge3A_703 : i1 to i32
        %cond3A_705 = arith.constant 0 : i32
        %cond3A_706 = arith.cmpi ne, %convert_element_type3A_704, %cond3A_705 : i32
        scf.if %cond3A_706 {
          %sub3A_756 = arith.constant 999936 : i32
          %sub3A_757 = arith.subi %squeeze3A_701, %sub3A_756 : i32
          %broadcast_in_dim3A = vector.broadcast %sub3A_757 : i32 to vector<16xi32>
          %gather3A = tpu.vector_load_idx %arg16[%broadcast_in_dim3A, %add3A_5] : memref<128x128xf32, #tpu.memory_space<vmem>>[vector<16xi32>, vector<16xi32>], vector<16xf32>,
          %swap3A_758 = arith.constant 0 : i32
          %swap3A_759 = arith.constant 0 : i32
          %swap3A_760 = tpu.memref_slice %arg15[%swap3A_758, %swap3A_759] : memref<16x128xf32, #tpu.memory_space<vmem>> -> memref<1x128xf32, #tpu.memory_space<vmem>>
          %swap3A_761 = tpu.memref_squeeze %swap3A_760 : memref<1x128xf32, #tpu.memory_space<vmem>> -> memref<128xf32, #tpu.memory_space<vmem>>
          %swap3A_762 = arith.constant 0 : index
          %swap3A_763 = tpu.vector_load %swap3A_761[%swap3A_762] {strides = array<i32>} : memref<128xf32, #tpu.memory_space<vmem>>, vector<16xf32>,
          tpu.vector_store %swap3A_761[%swap3A_762], %gather3A {strides = array<i32>} : memref<128xf32, #tpu.memory_space<vmem>>, vector<16xf32>,
          %gather3A_764 = tpu.vector_load_idx %arg16[%broadcast_in_dim3A, %add3A_9] : memref<128x128xf32, #tpu.memory_space<vmem>>[vector<16xi32>, vector<16xi32>], vector<16xf32>,
          %swap3A_765 = arith.constant 0 : i32
          %swap3A_766 = arith.constant 0 : i32
          %swap3A_767 = tpu.memref_slice %arg15[%swap3A_765, %swap3A_766] : memref<16x128xf32, #tpu.memory_space<vmem>> -> memref<1x128xf32, #tpu.memory_space<vmem>>
          %swap3A_768 = tpu.memref_squeeze %swap3A_767 : memref<1x128xf32, #tpu.memory_space<vmem>> -> memref<128xf32, #tpu.memory_space<vmem>>
          %swap3A_769 = arith.constant 16 : index
          %swap3A_770 = tpu.vector_load %swap3A_768[%swap3A_769] {strides = array<i32>} : memref<128xf32, #tpu.memory_space<vmem>>, vector<16xf32>,
          tpu.vector_store %swap3A_768[%swap3A_769], %gather3A_764 {strides = array<i32>} : memref<128xf32, #tpu.memory_space<vmem>>, vector<16xf32>,
          %gather3A_771 = tpu.vector_load_idx %arg16[%broadcast_in_dim3A, %add3A_13] : memref<128x128xf32, #tpu.memory_space<vmem>>[vector<16xi32>, vector<16xi32>], vector<16xf32>,
          %swap3A_772 = arith.constant 0 : i32
          %swap3A_773 = arith.constant 0 : i32
          %swap3A_774 = tpu.memref_slice %arg15[%swap3A_772, %swap3A_773] : memref<16x128xf32, #tpu.memory_space<vmem>> -> memref<1x128xf32, #tpu.memory_space<vmem>>
          %swap3A_775 = tpu.memref_squeeze %swap3A_774 : memref<1x128xf32, #tpu.memory_space<vmem>> -> memref<128xf32, #tpu.memory_space<vmem>>
          %swap3A_776 = arith.constant 32 : index
          %swap3A_777 = tpu.vector_load %swap3A_775[%swap3A_776] {strides = array<i32>} : memref<128xf32, #tpu.memory_space<vmem>>, vector<16xf32>,
          tpu.vector_store %swap3A_775[%swap3A_776], %gather3A_771 {strides = array<i32>} : memref<128xf32, #tpu.memory_space<vmem>>, vector<16xf32>,
          %gather3A_778 = tpu.vector_load_idx %arg16[%broadcast_in_dim3A, %add3A_17] : memref<128x128xf32, #tpu.memory_space<vmem>>[vector<16xi32>, vector<16xi32>], vector<16xf32>,
          %swap3A_779 = arith.constant 0 : i32
          %swap3A_780 = arith.constant 0 : i32
          %swap3A_781 = tpu.memref_slice %arg15[%swap3A_779, %swap3A_780] : memref<16x128xf32, #tpu.memory_space<vmem>> -> memref<1x128xf32, #tpu.memory_space<vmem>>
          %swap3A_782 = tpu.memref_squeeze %swap3A_781 : memref<1x128xf32, #tpu.memory_space<vmem>> -> memref<128xf32, #tpu.memory_space<vmem>>
          %swap3A_783 = arith.constant 48 : index
          %swap3A_784 = tpu.vector_load %swap3A_782[%swap3A_783] {strides = array<i32>} : memref<128xf32, #tpu.memory_space<vmem>>, vector<16xf32>,
          tpu.vector_store %swap3A_782[%swap3A_783], %gather3A_778 {strides = array<i32>} : memref<128xf32, #tpu.memory_space<vmem>>, vector<16xf32>,
          %mul3A_785 = arith.constant 16 : i32
          %mul3A_786 = arith.muli %scan3A_633, %mul3A_785 : i32
          %add3A_787 = arith.addi %mul3A_2, %mul3A_786 : i32
          %add3A_788 = arith.constant 8 : i32
          %add3A_789 = arith.addi %add3A_787, %add3A_788 : i32
          %dma_start3A = arith.constant 0 : i32
          %dma_start3A_790 = arith.constant 0 : i32
          %dma_start3A_791 = tpu.memref_slice %arg15[%dma_start3A, %dma_start3A_790] : memref<16x128xf32, #tpu.memory_space<vmem>> -> memref<1x128xf32, #tpu.memory_space<vmem>>
          %dma_start3A_792 = arith.constant 0 : i32
          %dma_start3A_793 = tpu.memref_slice %arg5[%add3A_789, %dma_start3A_792] : memref<16384x128xf32, #tpu.memory_space<hbm>> -> memref<1x128xf32, #tpu.memory_space<hbm>>
          %dma_start3A_794 = arith.constant 0 : i32
          %dma_start3A_795 = tpu.memref_slice %arg5[%add3A_789, %dma_start3A_794] : memref<16384x128xf32, #tpu.memory_space<hbm>> -> memref<1x128xf32, #tpu.memory_space<hbm>>
          %dma_start3A_796 = arith.constant 0 : i32
          %dma_start3A_797 = arith.constant 0 : i32
          %dma_start3A_798 = tpu.memref_slice %arg15[%dma_start3A_796, %dma_start3A_797] : memref<16x128xf32, #tpu.memory_space<vmem>> -> memref<1x128xf32, #tpu.memory_space<vmem>>
          tpu.enqueue_dma source(%dma_start3A_798 : memref<1x128xf32, #tpu.memory_space<vmem>>) target(%dma_start3A_795 : memref<1x128xf32, #tpu.memory_space<hbm>>) target_semaphore(%arg26 : memref<!tpu.dma_semaphore, #tpu.memory_space<semaphore_mem>>)
          %dma_wait3A_799 = arith.constant 0 : i32
          %dma_wait3A_800 = arith.constant 0 : i32
          %dma_wait3A_801 = tpu.memref_slice %arg15[%dma_wait3A_799, %dma_wait3A_800] : memref<16x128xf32, #tpu.memory_space<vmem>> -> memref<1x128xf32, #tpu.memory_space<vmem>>
          %dma_wait3A_802 = arith.constant 0 : i32
          %dma_wait3A_803 = arith.constant 0 : i32
          %dma_wait3A_804 = tpu.memref_slice %arg3[%dma_wait3A_802, %dma_wait3A_803] : memref<64x1000000xf32, #tpu.memory_space<hbm>> -> memref<1x128xf32, #tpu.memory_space<hbm>>
          %dma_wait3A_805 = arith.constant 0 : i32
          %dma_wait3A_806 = arith.constant 0 : i32
          %dma_wait3A_807 = tpu.memref_slice %arg15[%dma_wait3A_805, %dma_wait3A_806] : memref<16x128xf32, #tpu.memory_space<vmem>> -> memref<1x128xf32, #tpu.memory_space<vmem>>
          %dma_wait3A_808 = arith.constant 0 : i32
          %dma_wait3A_809 = arith.constant 0 : i32
          %dma_wait3A_810 = tpu.memref_slice %arg3[%dma_wait3A_808, %dma_wait3A_809] : memref<64x1000000xf32, #tpu.memory_space<hbm>> -> memref<1x128xf32, #tpu.memory_space<hbm>>
          tpu.wait_dma2 semaphore(%arg26 : memref<!tpu.dma_semaphore, #tpu.memory_space<semaphore_mem>>) src(%dma_wait3A_810 : memref<1x128xf32, #tpu.memory_space<hbm>>) dst(%dma_wait3A_807 : memref<1x128xf32, #tpu.memory_space<vmem>>)
        } else {
        }
        %slice3A_707 = vector.extract_strided_slice %get3A_638 {offsets = [9], sizes = [1], strides = [1]} : vector<16xi32> to vector<1xi32>
        %squeeze3A_708 = vector.extract %slice3A_707[0] : i32 from vector<1xi32>
        %ge3A_709 = arith.constant 999936 : i32
        %ge3A_710 = arith.cmpi sge, %squeeze3A_708, %ge3A_709 : i32
        %convert_element_type3A_711 = arith.extui %ge3A_710 : i1 to i32
        %cond3A_712 = arith.constant 0 : i32
        %cond3A_713 = arith.cmpi ne, %convert_element_type3A_711, %cond3A_712 : i32
        scf.if %cond3A_713 {
          %sub3A_756 = arith.constant 999936 : i32
          %sub3A_757 = arith.subi %squeeze3A_708, %sub3A_756 : i32
          %broadcast_in_dim3A = vector.broadcast %sub3A_757 : i32 to vector<16xi32>
          %gather3A = tpu.vector_load_idx %arg16[%broadcast_in_dim3A, %add3A_5] : memref<128x128xf32, #tpu.memory_space<vmem>>[vector<16xi32>, vector<16xi32>], vector<16xf32>,
          %swap3A_758 = arith.constant 0 : i32
          %swap3A_759 = arith.constant 0 : i32
          %swap3A_760 = tpu.memref_slice %arg15[%swap3A_758, %swap3A_759] : memref<16x128xf32, #tpu.memory_space<vmem>> -> memref<1x128xf32, #tpu.memory_space<vmem>>
          %swap3A_761 = tpu.memref_squeeze %swap3A_760 : memref<1x128xf32, #tpu.memory_space<vmem>> -> memref<128xf32, #tpu.memory_space<vmem>>
          %swap3A_762 = arith.constant 0 : index
          %swap3A_763 = tpu.vector_load %swap3A_761[%swap3A_762] {strides = array<i32>} : memref<128xf32, #tpu.memory_space<vmem>>, vector<16xf32>,
          tpu.vector_store %swap3A_761[%swap3A_762], %gather3A {strides = array<i32>} : memref<128xf32, #tpu.memory_space<vmem>>, vector<16xf32>,
          %gather3A_764 = tpu.vector_load_idx %arg16[%broadcast_in_dim3A, %add3A_9] : memref<128x128xf32, #tpu.memory_space<vmem>>[vector<16xi32>, vector<16xi32>], vector<16xf32>,
          %swap3A_765 = arith.constant 0 : i32
          %swap3A_766 = arith.constant 0 : i32
          %swap3A_767 = tpu.memref_slice %arg15[%swap3A_765, %swap3A_766] : memref<16x128xf32, #tpu.memory_space<vmem>> -> memref<1x128xf32, #tpu.memory_space<vmem>>
          %swap3A_768 = tpu.memref_squeeze %swap3A_767 : memref<1x128xf32, #tpu.memory_space<vmem>> -> memref<128xf32, #tpu.memory_space<vmem>>
          %swap3A_769 = arith.constant 16 : index
          %swap3A_770 = tpu.vector_load %swap3A_768[%swap3A_769] {strides = array<i32>} : memref<128xf32, #tpu.memory_space<vmem>>, vector<16xf32>,
          tpu.vector_store %swap3A_768[%swap3A_769], %gather3A_764 {strides = array<i32>} : memref<128xf32, #tpu.memory_space<vmem>>, vector<16xf32>,
          %gather3A_771 = tpu.vector_load_idx %arg16[%broadcast_in_dim3A, %add3A_13] : memref<128x128xf32, #tpu.memory_space<vmem>>[vector<16xi32>, vector<16xi32>], vector<16xf32>,
          %swap3A_772 = arith.constant 0 : i32
          %swap3A_773 = arith.constant 0 : i32
          %swap3A_774 = tpu.memref_slice %arg15[%swap3A_772, %swap3A_773] : memref<16x128xf32, #tpu.memory_space<vmem>> -> memref<1x128xf32, #tpu.memory_space<vmem>>
          %swap3A_775 = tpu.memref_squeeze %swap3A_774 : memref<1x128xf32, #tpu.memory_space<vmem>> -> memref<128xf32, #tpu.memory_space<vmem>>
          %swap3A_776 = arith.constant 32 : index
          %swap3A_777 = tpu.vector_load %swap3A_775[%swap3A_776] {strides = array<i32>} : memref<128xf32, #tpu.memory_space<vmem>>, vector<16xf32>,
          tpu.vector_store %swap3A_775[%swap3A_776], %gather3A_771 {strides = array<i32>} : memref<128xf32, #tpu.memory_space<vmem>>, vector<16xf32>,
          %gather3A_778 = tpu.vector_load_idx %arg16[%broadcast_in_dim3A, %add3A_17] : memref<128x128xf32, #tpu.memory_space<vmem>>[vector<16xi32>, vector<16xi32>], vector<16xf32>,
          %swap3A_779 = arith.constant 0 : i32
          %swap3A_780 = arith.constant 0 : i32
          %swap3A_781 = tpu.memref_slice %arg15[%swap3A_779, %swap3A_780] : memref<16x128xf32, #tpu.memory_space<vmem>> -> memref<1x128xf32, #tpu.memory_space<vmem>>
          %swap3A_782 = tpu.memref_squeeze %swap3A_781 : memref<1x128xf32, #tpu.memory_space<vmem>> -> memref<128xf32, #tpu.memory_space<vmem>>
          %swap3A_783 = arith.constant 48 : index
          %swap3A_784 = tpu.vector_load %swap3A_782[%swap3A_783] {strides = array<i32>} : memref<128xf32, #tpu.memory_space<vmem>>, vector<16xf32>,
          tpu.vector_store %swap3A_782[%swap3A_783], %gather3A_778 {strides = array<i32>} : memref<128xf32, #tpu.memory_space<vmem>>, vector<16xf32>,
          %mul3A_785 = arith.constant 16 : i32
          %mul3A_786 = arith.muli %scan3A_633, %mul3A_785 : i32
          %add3A_787 = arith.addi %mul3A_2, %mul3A_786 : i32
          %add3A_788 = arith.constant 9 : i32
          %add3A_789 = arith.addi %add3A_787, %add3A_788 : i32
          %dma_start3A = arith.constant 0 : i32
          %dma_start3A_790 = arith.constant 0 : i32
          %dma_start3A_791 = tpu.memref_slice %arg15[%dma_start3A, %dma_start3A_790] : memref<16x128xf32, #tpu.memory_space<vmem>> -> memref<1x128xf32, #tpu.memory_space<vmem>>
          %dma_start3A_792 = arith.constant 0 : i32
          %dma_start3A_793 = tpu.memref_slice %arg5[%add3A_789, %dma_start3A_792] : memref<16384x128xf32, #tpu.memory_space<hbm>> -> memref<1x128xf32, #tpu.memory_space<hbm>>
          %dma_start3A_794 = arith.constant 0 : i32
          %dma_start3A_795 = tpu.memref_slice %arg5[%add3A_789, %dma_start3A_794] : memref<16384x128xf32, #tpu.memory_space<hbm>> -> memref<1x128xf32, #tpu.memory_space<hbm>>
          %dma_start3A_796 = arith.constant 0 : i32
          %dma_start3A_797 = arith.constant 0 : i32
          %dma_start3A_798 = tpu.memref_slice %arg15[%dma_start3A_796, %dma_start3A_797] : memref<16x128xf32, #tpu.memory_space<vmem>> -> memref<1x128xf32, #tpu.memory_space<vmem>>
          tpu.enqueue_dma source(%dma_start3A_798 : memref<1x128xf32, #tpu.memory_space<vmem>>) target(%dma_start3A_795 : memref<1x128xf32, #tpu.memory_space<hbm>>) target_semaphore(%arg26 : memref<!tpu.dma_semaphore, #tpu.memory_space<semaphore_mem>>)
          %dma_wait3A_799 = arith.constant 0 : i32
          %dma_wait3A_800 = arith.constant 0 : i32
          %dma_wait3A_801 = tpu.memref_slice %arg15[%dma_wait3A_799, %dma_wait3A_800] : memref<16x128xf32, #tpu.memory_space<vmem>> -> memref<1x128xf32, #tpu.memory_space<vmem>>
          %dma_wait3A_802 = arith.constant 0 : i32
          %dma_wait3A_803 = arith.constant 0 : i32
          %dma_wait3A_804 = tpu.memref_slice %arg3[%dma_wait3A_802, %dma_wait3A_803] : memref<64x1000000xf32, #tpu.memory_space<hbm>> -> memref<1x128xf32, #tpu.memory_space<hbm>>
          %dma_wait3A_805 = arith.constant 0 : i32
          %dma_wait3A_806 = arith.constant 0 : i32
          %dma_wait3A_807 = tpu.memref_slice %arg15[%dma_wait3A_805, %dma_wait3A_806] : memref<16x128xf32, #tpu.memory_space<vmem>> -> memref<1x128xf32, #tpu.memory_space<vmem>>
          %dma_wait3A_808 = arith.constant 0 : i32
          %dma_wait3A_809 = arith.constant 0 : i32
          %dma_wait3A_810 = tpu.memref_slice %arg3[%dma_wait3A_808, %dma_wait3A_809] : memref<64x1000000xf32, #tpu.memory_space<hbm>> -> memref<1x128xf32, #tpu.memory_space<hbm>>
          tpu.wait_dma2 semaphore(%arg26 : memref<!tpu.dma_semaphore, #tpu.memory_space<semaphore_mem>>) src(%dma_wait3A_810 : memref<1x128xf32, #tpu.memory_space<hbm>>) dst(%dma_wait3A_807 : memref<1x128xf32, #tpu.memory_space<vmem>>)
        } else {
        }
        %slice3A_714 = vector.extract_strided_slice %get3A_638 {offsets = [10], sizes = [1], strides = [1]} : vector<16xi32> to vector<1xi32>
        %squeeze3A_715 = vector.extract %slice3A_714[0] : i32 from vector<1xi32>
        %ge3A_716 = arith.constant 999936 : i32
        %ge3A_717 = arith.cmpi sge, %squeeze3A_715, %ge3A_716 : i32
        %convert_element_type3A_718 = arith.extui %ge3A_717 : i1 to i32
        %cond3A_719 = arith.constant 0 : i32
        %cond3A_720 = arith.cmpi ne, %convert_element_type3A_718, %cond3A_719 : i32
        scf.if %cond3A_720 {
          %sub3A_756 = arith.constant 999936 : i32
          %sub3A_757 = arith.subi %squeeze3A_715, %sub3A_756 : i32
          %broadcast_in_dim3A = vector.broadcast %sub3A_757 : i32 to vector<16xi32>
          %gather3A = tpu.vector_load_idx %arg16[%broadcast_in_dim3A, %add3A_5] : memref<128x128xf32, #tpu.memory_space<vmem>>[vector<16xi32>, vector<16xi32>], vector<16xf32>,
          %swap3A_758 = arith.constant 0 : i32
          %swap3A_759 = arith.constant 0 : i32
          %swap3A_760 = tpu.memref_slice %arg15[%swap3A_758, %swap3A_759] : memref<16x128xf32, #tpu.memory_space<vmem>> -> memref<1x128xf32, #tpu.memory_space<vmem>>
          %swap3A_761 = tpu.memref_squeeze %swap3A_760 : memref<1x128xf32, #tpu.memory_space<vmem>> -> memref<128xf32, #tpu.memory_space<vmem>>
          %swap3A_762 = arith.constant 0 : index
          %swap3A_763 = tpu.vector_load %swap3A_761[%swap3A_762] {strides = array<i32>} : memref<128xf32, #tpu.memory_space<vmem>>, vector<16xf32>,
          tpu.vector_store %swap3A_761[%swap3A_762], %gather3A {strides = array<i32>} : memref<128xf32, #tpu.memory_space<vmem>>, vector<16xf32>,
          %gather3A_764 = tpu.vector_load_idx %arg16[%broadcast_in_dim3A, %add3A_9] : memref<128x128xf32, #tpu.memory_space<vmem>>[vector<16xi32>, vector<16xi32>], vector<16xf32>,
          %swap3A_765 = arith.constant 0 : i32
          %swap3A_766 = arith.constant 0 : i32
          %swap3A_767 = tpu.memref_slice %arg15[%swap3A_765, %swap3A_766] : memref<16x128xf32, #tpu.memory_space<vmem>> -> memref<1x128xf32, #tpu.memory_space<vmem>>
          %swap3A_768 = tpu.memref_squeeze %swap3A_767 : memref<1x128xf32, #tpu.memory_space<vmem>> -> memref<128xf32, #tpu.memory_space<vmem>>
          %swap3A_769 = arith.constant 16 : index
          %swap3A_770 = tpu.vector_load %swap3A_768[%swap3A_769] {strides = array<i32>} : memref<128xf32, #tpu.memory_space<vmem>>, vector<16xf32>,
          tpu.vector_store %swap3A_768[%swap3A_769], %gather3A_764 {strides = array<i32>} : memref<128xf32, #tpu.memory_space<vmem>>, vector<16xf32>,
          %gather3A_771 = tpu.vector_load_idx %arg16[%broadcast_in_dim3A, %add3A_13] : memref<128x128xf32, #tpu.memory_space<vmem>>[vector<16xi32>, vector<16xi32>], vector<16xf32>,
          %swap3A_772 = arith.constant 0 : i32
          %swap3A_773 = arith.constant 0 : i32
          %swap3A_774 = tpu.memref_slice %arg15[%swap3A_772, %swap3A_773] : memref<16x128xf32, #tpu.memory_space<vmem>> -> memref<1x128xf32, #tpu.memory_space<vmem>>
          %swap3A_775 = tpu.memref_squeeze %swap3A_774 : memref<1x128xf32, #tpu.memory_space<vmem>> -> memref<128xf32, #tpu.memory_space<vmem>>
          %swap3A_776 = arith.constant 32 : index
          %swap3A_777 = tpu.vector_load %swap3A_775[%swap3A_776] {strides = array<i32>} : memref<128xf32, #tpu.memory_space<vmem>>, vector<16xf32>,
          tpu.vector_store %swap3A_775[%swap3A_776], %gather3A_771 {strides = array<i32>} : memref<128xf32, #tpu.memory_space<vmem>>, vector<16xf32>,
          %gather3A_778 = tpu.vector_load_idx %arg16[%broadcast_in_dim3A, %add3A_17] : memref<128x128xf32, #tpu.memory_space<vmem>>[vector<16xi32>, vector<16xi32>], vector<16xf32>,
          %swap3A_779 = arith.constant 0 : i32
          %swap3A_780 = arith.constant 0 : i32
          %swap3A_781 = tpu.memref_slice %arg15[%swap3A_779, %swap3A_780] : memref<16x128xf32, #tpu.memory_space<vmem>> -> memref<1x128xf32, #tpu.memory_space<vmem>>
          %swap3A_782 = tpu.memref_squeeze %swap3A_781 : memref<1x128xf32, #tpu.memory_space<vmem>> -> memref<128xf32, #tpu.memory_space<vmem>>
          %swap3A_783 = arith.constant 48 : index
          %swap3A_784 = tpu.vector_load %swap3A_782[%swap3A_783] {strides = array<i32>} : memref<128xf32, #tpu.memory_space<vmem>>, vector<16xf32>,
          tpu.vector_store %swap3A_782[%swap3A_783], %gather3A_778 {strides = array<i32>} : memref<128xf32, #tpu.memory_space<vmem>>, vector<16xf32>,
          %mul3A_785 = arith.constant 16 : i32
          %mul3A_786 = arith.muli %scan3A_633, %mul3A_785 : i32
          %add3A_787 = arith.addi %mul3A_2, %mul3A_786 : i32
          %add3A_788 = arith.constant 10 : i32
          %add3A_789 = arith.addi %add3A_787, %add3A_788 : i32
          %dma_start3A = arith.constant 0 : i32
          %dma_start3A_790 = arith.constant 0 : i32
          %dma_start3A_791 = tpu.memref_slice %arg15[%dma_start3A, %dma_start3A_790] : memref<16x128xf32, #tpu.memory_space<vmem>> -> memref<1x128xf32, #tpu.memory_space<vmem>>
          %dma_start3A_792 = arith.constant 0 : i32
          %dma_start3A_793 = tpu.memref_slice %arg5[%add3A_789, %dma_start3A_792] : memref<16384x128xf32, #tpu.memory_space<hbm>> -> memref<1x128xf32, #tpu.memory_space<hbm>>
          %dma_start3A_794 = arith.constant 0 : i32
          %dma_start3A_795 = tpu.memref_slice %arg5[%add3A_789, %dma_start3A_794] : memref<16384x128xf32, #tpu.memory_space<hbm>> -> memref<1x128xf32, #tpu.memory_space<hbm>>
          %dma_start3A_796 = arith.constant 0 : i32
          %dma_start3A_797 = arith.constant 0 : i32
          %dma_start3A_798 = tpu.memref_slice %arg15[%dma_start3A_796, %dma_start3A_797] : memref<16x128xf32, #tpu.memory_space<vmem>> -> memref<1x128xf32, #tpu.memory_space<vmem>>
          tpu.enqueue_dma source(%dma_start3A_798 : memref<1x128xf32, #tpu.memory_space<vmem>>) target(%dma_start3A_795 : memref<1x128xf32, #tpu.memory_space<hbm>>) target_semaphore(%arg26 : memref<!tpu.dma_semaphore, #tpu.memory_space<semaphore_mem>>)
          %dma_wait3A_799 = arith.constant 0 : i32
          %dma_wait3A_800 = arith.constant 0 : i32
          %dma_wait3A_801 = tpu.memref_slice %arg15[%dma_wait3A_799, %dma_wait3A_800] : memref<16x128xf32, #tpu.memory_space<vmem>> -> memref<1x128xf32, #tpu.memory_space<vmem>>
          %dma_wait3A_802 = arith.constant 0 : i32
          %dma_wait3A_803 = arith.constant 0 : i32
          %dma_wait3A_804 = tpu.memref_slice %arg3[%dma_wait3A_802, %dma_wait3A_803] : memref<64x1000000xf32, #tpu.memory_space<hbm>> -> memref<1x128xf32, #tpu.memory_space<hbm>>
          %dma_wait3A_805 = arith.constant 0 : i32
          %dma_wait3A_806 = arith.constant 0 : i32
          %dma_wait3A_807 = tpu.memref_slice %arg15[%dma_wait3A_805, %dma_wait3A_806] : memref<16x128xf32, #tpu.memory_space<vmem>> -> memref<1x128xf32, #tpu.memory_space<vmem>>
          %dma_wait3A_808 = arith.constant 0 : i32
          %dma_wait3A_809 = arith.constant 0 : i32
          %dma_wait3A_810 = tpu.memref_slice %arg3[%dma_wait3A_808, %dma_wait3A_809] : memref<64x1000000xf32, #tpu.memory_space<hbm>> -> memref<1x128xf32, #tpu.memory_space<hbm>>
          tpu.wait_dma2 semaphore(%arg26 : memref<!tpu.dma_semaphore, #tpu.memory_space<semaphore_mem>>) src(%dma_wait3A_810 : memref<1x128xf32, #tpu.memory_space<hbm>>) dst(%dma_wait3A_807 : memref<1x128xf32, #tpu.memory_space<vmem>>)
        } else {
        }
        %slice3A_721 = vector.extract_strided_slice %get3A_638 {offsets = [11], sizes = [1], strides = [1]} : vector<16xi32> to vector<1xi32>
        %squeeze3A_722 = vector.extract %slice3A_721[0] : i32 from vector<1xi32>
        %ge3A_723 = arith.constant 999936 : i32
        %ge3A_724 = arith.cmpi sge, %squeeze3A_722, %ge3A_723 : i32
        %convert_element_type3A_725 = arith.extui %ge3A_724 : i1 to i32
        %cond3A_726 = arith.constant 0 : i32
        %cond3A_727 = arith.cmpi ne, %convert_element_type3A_725, %cond3A_726 : i32
        scf.if %cond3A_727 {
          %sub3A_756 = arith.constant 999936 : i32
          %sub3A_757 = arith.subi %squeeze3A_722, %sub3A_756 : i32
          %broadcast_in_dim3A = vector.broadcast %sub3A_757 : i32 to vector<16xi32>
          %gather3A = tpu.vector_load_idx %arg16[%broadcast_in_dim3A, %add3A_5] : memref<128x128xf32, #tpu.memory_space<vmem>>[vector<16xi32>, vector<16xi32>], vector<16xf32>,
          %swap3A_758 = arith.constant 0 : i32
          %swap3A_759 = arith.constant 0 : i32
          %swap3A_760 = tpu.memref_slice %arg15[%swap3A_758, %swap3A_759] : memref<16x128xf32, #tpu.memory_space<vmem>> -> memref<1x128xf32, #tpu.memory_space<vmem>>
          %swap3A_761 = tpu.memref_squeeze %swap3A_760 : memref<1x128xf32, #tpu.memory_space<vmem>> -> memref<128xf32, #tpu.memory_space<vmem>>
          %swap3A_762 = arith.constant 0 : index
          %swap3A_763 = tpu.vector_load %swap3A_761[%swap3A_762] {strides = array<i32>} : memref<128xf32, #tpu.memory_space<vmem>>, vector<16xf32>,
          tpu.vector_store %swap3A_761[%swap3A_762], %gather3A {strides = array<i32>} : memref<128xf32, #tpu.memory_space<vmem>>, vector<16xf32>,
          %gather3A_764 = tpu.vector_load_idx %arg16[%broadcast_in_dim3A, %add3A_9] : memref<128x128xf32, #tpu.memory_space<vmem>>[vector<16xi32>, vector<16xi32>], vector<16xf32>,
          %swap3A_765 = arith.constant 0 : i32
          %swap3A_766 = arith.constant 0 : i32
          %swap3A_767 = tpu.memref_slice %arg15[%swap3A_765, %swap3A_766] : memref<16x128xf32, #tpu.memory_space<vmem>> -> memref<1x128xf32, #tpu.memory_space<vmem>>
          %swap3A_768 = tpu.memref_squeeze %swap3A_767 : memref<1x128xf32, #tpu.memory_space<vmem>> -> memref<128xf32, #tpu.memory_space<vmem>>
          %swap3A_769 = arith.constant 16 : index
          %swap3A_770 = tpu.vector_load %swap3A_768[%swap3A_769] {strides = array<i32>} : memref<128xf32, #tpu.memory_space<vmem>>, vector<16xf32>,
          tpu.vector_store %swap3A_768[%swap3A_769], %gather3A_764 {strides = array<i32>} : memref<128xf32, #tpu.memory_space<vmem>>, vector<16xf32>,
          %gather3A_771 = tpu.vector_load_idx %arg16[%broadcast_in_dim3A, %add3A_13] : memref<128x128xf32, #tpu.memory_space<vmem>>[vector<16xi32>, vector<16xi32>], vector<16xf32>,
          %swap3A_772 = arith.constant 0 : i32
          %swap3A_773 = arith.constant 0 : i32
          %swap3A_774 = tpu.memref_slice %arg15[%swap3A_772, %swap3A_773] : memref<16x128xf32, #tpu.memory_space<vmem>> -> memref<1x128xf32, #tpu.memory_space<vmem>>
          %swap3A_775 = tpu.memref_squeeze %swap3A_774 : memref<1x128xf32, #tpu.memory_space<vmem>> -> memref<128xf32, #tpu.memory_space<vmem>>
          %swap3A_776 = arith.constant 32 : index
          %swap3A_777 = tpu.vector_load %swap3A_775[%swap3A_776] {strides = array<i32>} : memref<128xf32, #tpu.memory_space<vmem>>, vector<16xf32>,
          tpu.vector_store %swap3A_775[%swap3A_776], %gather3A_771 {strides = array<i32>} : memref<128xf32, #tpu.memory_space<vmem>>, vector<16xf32>,
          %gather3A_778 = tpu.vector_load_idx %arg16[%broadcast_in_dim3A, %add3A_17] : memref<128x128xf32, #tpu.memory_space<vmem>>[vector<16xi32>, vector<16xi32>], vector<16xf32>,
          %swap3A_779 = arith.constant 0 : i32
          %swap3A_780 = arith.constant 0 : i32
          %swap3A_781 = tpu.memref_slice %arg15[%swap3A_779, %swap3A_780] : memref<16x128xf32, #tpu.memory_space<vmem>> -> memref<1x128xf32, #tpu.memory_space<vmem>>
          %swap3A_782 = tpu.memref_squeeze %swap3A_781 : memref<1x128xf32, #tpu.memory_space<vmem>> -> memref<128xf32, #tpu.memory_space<vmem>>
          %swap3A_783 = arith.constant 48 : index
          %swap3A_784 = tpu.vector_load %swap3A_782[%swap3A_783] {strides = array<i32>} : memref<128xf32, #tpu.memory_space<vmem>>, vector<16xf32>,
          tpu.vector_store %swap3A_782[%swap3A_783], %gather3A_778 {strides = array<i32>} : memref<128xf32, #tpu.memory_space<vmem>>, vector<16xf32>,
          %mul3A_785 = arith.constant 16 : i32
          %mul3A_786 = arith.muli %scan3A_633, %mul3A_785 : i32
          %add3A_787 = arith.addi %mul3A_2, %mul3A_786 : i32
          %add3A_788 = arith.constant 11 : i32
          %add3A_789 = arith.addi %add3A_787, %add3A_788 : i32
          %dma_start3A = arith.constant 0 : i32
          %dma_start3A_790 = arith.constant 0 : i32
          %dma_start3A_791 = tpu.memref_slice %arg15[%dma_start3A, %dma_start3A_790] : memref<16x128xf32, #tpu.memory_space<vmem>> -> memref<1x128xf32, #tpu.memory_space<vmem>>
          %dma_start3A_792 = arith.constant 0 : i32
          %dma_start3A_793 = tpu.memref_slice %arg5[%add3A_789, %dma_start3A_792] : memref<16384x128xf32, #tpu.memory_space<hbm>> -> memref<1x128xf32, #tpu.memory_space<hbm>>
          %dma_start3A_794 = arith.constant 0 : i32
          %dma_start3A_795 = tpu.memref_slice %arg5[%add3A_789, %dma_start3A_794] : memref<16384x128xf32, #tpu.memory_space<hbm>> -> memref<1x128xf32, #tpu.memory_space<hbm>>
          %dma_start3A_796 = arith.constant 0 : i32
          %dma_start3A_797 = arith.constant 0 : i32
          %dma_start3A_798 = tpu.memref_slice %arg15[%dma_start3A_796, %dma_start3A_797] : memref<16x128xf32, #tpu.memory_space<vmem>> -> memref<1x128xf32, #tpu.memory_space<vmem>>
          tpu.enqueue_dma source(%dma_start3A_798 : memref<1x128xf32, #tpu.memory_space<vmem>>) target(%dma_start3A_795 : memref<1x128xf32, #tpu.memory_space<hbm>>) target_semaphore(%arg26 : memref<!tpu.dma_semaphore, #tpu.memory_space<semaphore_mem>>)
          %dma_wait3A_799 = arith.constant 0 : i32
          %dma_wait3A_800 = arith.constant 0 : i32
          %dma_wait3A_801 = tpu.memref_slice %arg15[%dma_wait3A_799, %dma_wait3A_800] : memref<16x128xf32, #tpu.memory_space<vmem>> -> memref<1x128xf32, #tpu.memory_space<vmem>>
          %dma_wait3A_802 = arith.constant 0 : i32
          %dma_wait3A_803 = arith.constant 0 : i32
          %dma_wait3A_804 = tpu.memref_slice %arg3[%dma_wait3A_802, %dma_wait3A_803] : memref<64x1000000xf32, #tpu.memory_space<hbm>> -> memref<1x128xf32, #tpu.memory_space<hbm>>
          %dma_wait3A_805 = arith.constant 0 : i32
          %dma_wait3A_806 = arith.constant 0 : i32
          %dma_wait3A_807 = tpu.memref_slice %arg15[%dma_wait3A_805, %dma_wait3A_806] : memref<16x128xf32, #tpu.memory_space<vmem>> -> memref<1x128xf32, #tpu.memory_space<vmem>>
          %dma_wait3A_808 = arith.constant 0 : i32
          %dma_wait3A_809 = arith.constant 0 : i32
          %dma_wait3A_810 = tpu.memref_slice %arg3[%dma_wait3A_808, %dma_wait3A_809] : memref<64x1000000xf32, #tpu.memory_space<hbm>> -> memref<1x128xf32, #tpu.memory_space<hbm>>
          tpu.wait_dma2 semaphore(%arg26 : memref<!tpu.dma_semaphore, #tpu.memory_space<semaphore_mem>>) src(%dma_wait3A_810 : memref<1x128xf32, #tpu.memory_space<hbm>>) dst(%dma_wait3A_807 : memref<1x128xf32, #tpu.memory_space<vmem>>)
        } else {
        }
        %slice3A_728 = vector.extract_strided_slice %get3A_638 {offsets = [12], sizes = [1], strides = [1]} : vector<16xi32> to vector<1xi32>
        %squeeze3A_729 = vector.extract %slice3A_728[0] : i32 from vector<1xi32>
        %ge3A_730 = arith.constant 999936 : i32
        %ge3A_731 = arith.cmpi sge, %squeeze3A_729, %ge3A_730 : i32
        %convert_element_type3A_732 = arith.extui %ge3A_731 : i1 to i32
        %cond3A_733 = arith.constant 0 : i32
        %cond3A_734 = arith.cmpi ne, %convert_element_type3A_732, %cond3A_733 : i32
        scf.if %cond3A_734 {
          %sub3A_756 = arith.constant 999936 : i32
          %sub3A_757 = arith.subi %squeeze3A_729, %sub3A_756 : i32
          %broadcast_in_dim3A = vector.broadcast %sub3A_757 : i32 to vector<16xi32>
          %gather3A = tpu.vector_load_idx %arg16[%broadcast_in_dim3A, %add3A_5] : memref<128x128xf32, #tpu.memory_space<vmem>>[vector<16xi32>, vector<16xi32>], vector<16xf32>,
          %swap3A_758 = arith.constant 0 : i32
          %swap3A_759 = arith.constant 0 : i32
          %swap3A_760 = tpu.memref_slice %arg15[%swap3A_758, %swap3A_759] : memref<16x128xf32, #tpu.memory_space<vmem>> -> memref<1x128xf32, #tpu.memory_space<vmem>>
          %swap3A_761 = tpu.memref_squeeze %swap3A_760 : memref<1x128xf32, #tpu.memory_space<vmem>> -> memref<128xf32, #tpu.memory_space<vmem>>
          %swap3A_762 = arith.constant 0 : index
          %swap3A_763 = tpu.vector_load %swap3A_761[%swap3A_762] {strides = array<i32>} : memref<128xf32, #tpu.memory_space<vmem>>, vector<16xf32>,
          tpu.vector_store %swap3A_761[%swap3A_762], %gather3A {strides = array<i32>} : memref<128xf32, #tpu.memory_space<vmem>>, vector<16xf32>,
          %gather3A_764 = tpu.vector_load_idx %arg16[%broadcast_in_dim3A, %add3A_9] : memref<128x128xf32, #tpu.memory_space<vmem>>[vector<16xi32>, vector<16xi32>], vector<16xf32>,
          %swap3A_765 = arith.constant 0 : i32
          %swap3A_766 = arith.constant 0 : i32
          %swap3A_767 = tpu.memref_slice %arg15[%swap3A_765, %swap3A_766] : memref<16x128xf32, #tpu.memory_space<vmem>> -> memref<1x128xf32, #tpu.memory_space<vmem>>
          %swap3A_768 = tpu.memref_squeeze %swap3A_767 : memref<1x128xf32, #tpu.memory_space<vmem>> -> memref<128xf32, #tpu.memory_space<vmem>>
          %swap3A_769 = arith.constant 16 : index
          %swap3A_770 = tpu.vector_load %swap3A_768[%swap3A_769] {strides = array<i32>} : memref<128xf32, #tpu.memory_space<vmem>>, vector<16xf32>,
          tpu.vector_store %swap3A_768[%swap3A_769], %gather3A_764 {strides = array<i32>} : memref<128xf32, #tpu.memory_space<vmem>>, vector<16xf32>,
          %gather3A_771 = tpu.vector_load_idx %arg16[%broadcast_in_dim3A, %add3A_13] : memref<128x128xf32, #tpu.memory_space<vmem>>[vector<16xi32>, vector<16xi32>], vector<16xf32>,
          %swap3A_772 = arith.constant 0 : i32
          %swap3A_773 = arith.constant 0 : i32
          %swap3A_774 = tpu.memref_slice %arg15[%swap3A_772, %swap3A_773] : memref<16x128xf32, #tpu.memory_space<vmem>> -> memref<1x128xf32, #tpu.memory_space<vmem>>
          %swap3A_775 = tpu.memref_squeeze %swap3A_774 : memref<1x128xf32, #tpu.memory_space<vmem>> -> memref<128xf32, #tpu.memory_space<vmem>>
          %swap3A_776 = arith.constant 32 : index
          %swap3A_777 = tpu.vector_load %swap3A_775[%swap3A_776] {strides = array<i32>} : memref<128xf32, #tpu.memory_space<vmem>>, vector<16xf32>,
          tpu.vector_store %swap3A_775[%swap3A_776], %gather3A_771 {strides = array<i32>} : memref<128xf32, #tpu.memory_space<vmem>>, vector<16xf32>,
          %gather3A_778 = tpu.vector_load_idx %arg16[%broadcast_in_dim3A, %add3A_17] : memref<128x128xf32, #tpu.memory_space<vmem>>[vector<16xi32>, vector<16xi32>], vector<16xf32>,
          %swap3A_779 = arith.constant 0 : i32
          %swap3A_780 = arith.constant 0 : i32
          %swap3A_781 = tpu.memref_slice %arg15[%swap3A_779, %swap3A_780] : memref<16x128xf32, #tpu.memory_space<vmem>> -> memref<1x128xf32, #tpu.memory_space<vmem>>
          %swap3A_782 = tpu.memref_squeeze %swap3A_781 : memref<1x128xf32, #tpu.memory_space<vmem>> -> memref<128xf32, #tpu.memory_space<vmem>>
          %swap3A_783 = arith.constant 48 : index
          %swap3A_784 = tpu.vector_load %swap3A_782[%swap3A_783] {strides = array<i32>} : memref<128xf32, #tpu.memory_space<vmem>>, vector<16xf32>,
          tpu.vector_store %swap3A_782[%swap3A_783], %gather3A_778 {strides = array<i32>} : memref<128xf32, #tpu.memory_space<vmem>>, vector<16xf32>,
          %mul3A_785 = arith.constant 16 : i32
          %mul3A_786 = arith.muli %scan3A_633, %mul3A_785 : i32
          %add3A_787 = arith.addi %mul3A_2, %mul3A_786 : i32
          %add3A_788 = arith.constant 12 : i32
          %add3A_789 = arith.addi %add3A_787, %add3A_788 : i32
          %dma_start3A = arith.constant 0 : i32
          %dma_start3A_790 = arith.constant 0 : i32
          %dma_start3A_791 = tpu.memref_slice %arg15[%dma_start3A, %dma_start3A_790] : memref<16x128xf32, #tpu.memory_space<vmem>> -> memref<1x128xf32, #tpu.memory_space<vmem>>
          %dma_start3A_792 = arith.constant 0 : i32
          %dma_start3A_793 = tpu.memref_slice %arg5[%add3A_789, %dma_start3A_792] : memref<16384x128xf32, #tpu.memory_space<hbm>> -> memref<1x128xf32, #tpu.memory_space<hbm>>
          %dma_start3A_794 = arith.constant 0 : i32
          %dma_start3A_795 = tpu.memref_slice %arg5[%add3A_789, %dma_start3A_794] : memref<16384x128xf32, #tpu.memory_space<hbm>> -> memref<1x128xf32, #tpu.memory_space<hbm>>
          %dma_start3A_796 = arith.constant 0 : i32
          %dma_start3A_797 = arith.constant 0 : i32
          %dma_start3A_798 = tpu.memref_slice %arg15[%dma_start3A_796, %dma_start3A_797] : memref<16x128xf32, #tpu.memory_space<vmem>> -> memref<1x128xf32, #tpu.memory_space<vmem>>
          tpu.enqueue_dma source(%dma_start3A_798 : memref<1x128xf32, #tpu.memory_space<vmem>>) target(%dma_start3A_795 : memref<1x128xf32, #tpu.memory_space<hbm>>) target_semaphore(%arg26 : memref<!tpu.dma_semaphore, #tpu.memory_space<semaphore_mem>>)
          %dma_wait3A_799 = arith.constant 0 : i32
          %dma_wait3A_800 = arith.constant 0 : i32
          %dma_wait3A_801 = tpu.memref_slice %arg15[%dma_wait3A_799, %dma_wait3A_800] : memref<16x128xf32, #tpu.memory_space<vmem>> -> memref<1x128xf32, #tpu.memory_space<vmem>>
          %dma_wait3A_802 = arith.constant 0 : i32
          %dma_wait3A_803 = arith.constant 0 : i32
          %dma_wait3A_804 = tpu.memref_slice %arg3[%dma_wait3A_802, %dma_wait3A_803] : memref<64x1000000xf32, #tpu.memory_space<hbm>> -> memref<1x128xf32, #tpu.memory_space<hbm>>
          %dma_wait3A_805 = arith.constant 0 : i32
          %dma_wait3A_806 = arith.constant 0 : i32
          %dma_wait3A_807 = tpu.memref_slice %arg15[%dma_wait3A_805, %dma_wait3A_806] : memref<16x128xf32, #tpu.memory_space<vmem>> -> memref<1x128xf32, #tpu.memory_space<vmem>>
          %dma_wait3A_808 = arith.constant 0 : i32
          %dma_wait3A_809 = arith.constant 0 : i32
          %dma_wait3A_810 = tpu.memref_slice %arg3[%dma_wait3A_808, %dma_wait3A_809] : memref<64x1000000xf32, #tpu.memory_space<hbm>> -> memref<1x128xf32, #tpu.memory_space<hbm>>
          tpu.wait_dma2 semaphore(%arg26 : memref<!tpu.dma_semaphore, #tpu.memory_space<semaphore_mem>>) src(%dma_wait3A_810 : memref<1x128xf32, #tpu.memory_space<hbm>>) dst(%dma_wait3A_807 : memref<1x128xf32, #tpu.memory_space<vmem>>)
        } else {
        }
        %slice3A_735 = vector.extract_strided_slice %get3A_638 {offsets = [13], sizes = [1], strides = [1]} : vector<16xi32> to vector<1xi32>
        %squeeze3A_736 = vector.extract %slice3A_735[0] : i32 from vector<1xi32>
        %ge3A_737 = arith.constant 999936 : i32
        %ge3A_738 = arith.cmpi sge, %squeeze3A_736, %ge3A_737 : i32
        %convert_element_type3A_739 = arith.extui %ge3A_738 : i1 to i32
        %cond3A_740 = arith.constant 0 : i32
        %cond3A_741 = arith.cmpi ne, %convert_element_type3A_739, %cond3A_740 : i32
        scf.if %cond3A_741 {
          %sub3A_756 = arith.constant 999936 : i32
          %sub3A_757 = arith.subi %squeeze3A_736, %sub3A_756 : i32
          %broadcast_in_dim3A = vector.broadcast %sub3A_757 : i32 to vector<16xi32>
          %gather3A = tpu.vector_load_idx %arg16[%broadcast_in_dim3A, %add3A_5] : memref<128x128xf32, #tpu.memory_space<vmem>>[vector<16xi32>, vector<16xi32>], vector<16xf32>,
          %swap3A_758 = arith.constant 0 : i32
          %swap3A_759 = arith.constant 0 : i32
          %swap3A_760 = tpu.memref_slice %arg15[%swap3A_758, %swap3A_759] : memref<16x128xf32, #tpu.memory_space<vmem>> -> memref<1x128xf32, #tpu.memory_space<vmem>>
          %swap3A_761 = tpu.memref_squeeze %swap3A_760 : memref<1x128xf32, #tpu.memory_space<vmem>> -> memref<128xf32, #tpu.memory_space<vmem>>
          %swap3A_762 = arith.constant 0 : index
          %swap3A_763 = tpu.vector_load %swap3A_761[%swap3A_762] {strides = array<i32>} : memref<128xf32, #tpu.memory_space<vmem>>, vector<16xf32>,
          tpu.vector_store %swap3A_761[%swap3A_762], %gather3A {strides = array<i32>} : memref<128xf32, #tpu.memory_space<vmem>>, vector<16xf32>,
          %gather3A_764 = tpu.vector_load_idx %arg16[%broadcast_in_dim3A, %add3A_9] : memref<128x128xf32, #tpu.memory_space<vmem>>[vector<16xi32>, vector<16xi32>], vector<16xf32>,
          %swap3A_765 = arith.constant 0 : i32
          %swap3A_766 = arith.constant 0 : i32
          %swap3A_767 = tpu.memref_slice %arg15[%swap3A_765, %swap3A_766] : memref<16x128xf32, #tpu.memory_space<vmem>> -> memref<1x128xf32, #tpu.memory_space<vmem>>
          %swap3A_768 = tpu.memref_squeeze %swap3A_767 : memref<1x128xf32, #tpu.memory_space<vmem>> -> memref<128xf32, #tpu.memory_space<vmem>>
          %swap3A_769 = arith.constant 16 : index
          %swap3A_770 = tpu.vector_load %swap3A_768[%swap3A_769] {strides = array<i32>} : memref<128xf32, #tpu.memory_space<vmem>>, vector<16xf32>,
          tpu.vector_store %swap3A_768[%swap3A_769], %gather3A_764 {strides = array<i32>} : memref<128xf32, #tpu.memory_space<vmem>>, vector<16xf32>,
          %gather3A_771 = tpu.vector_load_idx %arg16[%broadcast_in_dim3A, %add3A_13] : memref<128x128xf32, #tpu.memory_space<vmem>>[vector<16xi32>, vector<16xi32>], vector<16xf32>,
          %swap3A_772 = arith.constant 0 : i32
          %swap3A_773 = arith.constant 0 : i32
          %swap3A_774 = tpu.memref_slice %arg15[%swap3A_772, %swap3A_773] : memref<16x128xf32, #tpu.memory_space<vmem>> -> memref<1x128xf32, #tpu.memory_space<vmem>>
          %swap3A_775 = tpu.memref_squeeze %swap3A_774 : memref<1x128xf32, #tpu.memory_space<vmem>> -> memref<128xf32, #tpu.memory_space<vmem>>
          %swap3A_776 = arith.constant 32 : index
          %swap3A_777 = tpu.vector_load %swap3A_775[%swap3A_776] {strides = array<i32>} : memref<128xf32, #tpu.memory_space<vmem>>, vector<16xf32>,
          tpu.vector_store %swap3A_775[%swap3A_776], %gather3A_771 {strides = array<i32>} : memref<128xf32, #tpu.memory_space<vmem>>, vector<16xf32>,
          %gather3A_778 = tpu.vector_load_idx %arg16[%broadcast_in_dim3A, %add3A_17] : memref<128x128xf32, #tpu.memory_space<vmem>>[vector<16xi32>, vector<16xi32>], vector<16xf32>,
          %swap3A_779 = arith.constant 0 : i32
          %swap3A_780 = arith.constant 0 : i32
          %swap3A_781 = tpu.memref_slice %arg15[%swap3A_779, %swap3A_780] : memref<16x128xf32, #tpu.memory_space<vmem>> -> memref<1x128xf32, #tpu.memory_space<vmem>>
          %swap3A_782 = tpu.memref_squeeze %swap3A_781 : memref<1x128xf32, #tpu.memory_space<vmem>> -> memref<128xf32, #tpu.memory_space<vmem>>
          %swap3A_783 = arith.constant 48 : index
          %swap3A_784 = tpu.vector_load %swap3A_782[%swap3A_783] {strides = array<i32>} : memref<128xf32, #tpu.memory_space<vmem>>, vector<16xf32>,
          tpu.vector_store %swap3A_782[%swap3A_783], %gather3A_778 {strides = array<i32>} : memref<128xf32, #tpu.memory_space<vmem>>, vector<16xf32>,
          %mul3A_785 = arith.constant 16 : i32
          %mul3A_786 = arith.muli %scan3A_633, %mul3A_785 : i32
          %add3A_787 = arith.addi %mul3A_2, %mul3A_786 : i32
          %add3A_788 = arith.constant 13 : i32
          %add3A_789 = arith.addi %add3A_787, %add3A_788 : i32
          %dma_start3A = arith.constant 0 : i32
          %dma_start3A_790 = arith.constant 0 : i32
          %dma_start3A_791 = tpu.memref_slice %arg15[%dma_start3A, %dma_start3A_790] : memref<16x128xf32, #tpu.memory_space<vmem>> -> memref<1x128xf32, #tpu.memory_space<vmem>>
          %dma_start3A_792 = arith.constant 0 : i32
          %dma_start3A_793 = tpu.memref_slice %arg5[%add3A_789, %dma_start3A_792] : memref<16384x128xf32, #tpu.memory_space<hbm>> -> memref<1x128xf32, #tpu.memory_space<hbm>>
          %dma_start3A_794 = arith.constant 0 : i32
          %dma_start3A_795 = tpu.memref_slice %arg5[%add3A_789, %dma_start3A_794] : memref<16384x128xf32, #tpu.memory_space<hbm>> -> memref<1x128xf32, #tpu.memory_space<hbm>>
          %dma_start3A_796 = arith.constant 0 : i32
          %dma_start3A_797 = arith.constant 0 : i32
          %dma_start3A_798 = tpu.memref_slice %arg15[%dma_start3A_796, %dma_start3A_797] : memref<16x128xf32, #tpu.memory_space<vmem>> -> memref<1x128xf32, #tpu.memory_space<vmem>>
          tpu.enqueue_dma source(%dma_start3A_798 : memref<1x128xf32, #tpu.memory_space<vmem>>) target(%dma_start3A_795 : memref<1x128xf32, #tpu.memory_space<hbm>>) target_semaphore(%arg26 : memref<!tpu.dma_semaphore, #tpu.memory_space<semaphore_mem>>)
          %dma_wait3A_799 = arith.constant 0 : i32
          %dma_wait3A_800 = arith.constant 0 : i32
          %dma_wait3A_801 = tpu.memref_slice %arg15[%dma_wait3A_799, %dma_wait3A_800] : memref<16x128xf32, #tpu.memory_space<vmem>> -> memref<1x128xf32, #tpu.memory_space<vmem>>
          %dma_wait3A_802 = arith.constant 0 : i32
          %dma_wait3A_803 = arith.constant 0 : i32
          %dma_wait3A_804 = tpu.memref_slice %arg3[%dma_wait3A_802, %dma_wait3A_803] : memref<64x1000000xf32, #tpu.memory_space<hbm>> -> memref<1x128xf32, #tpu.memory_space<hbm>>
          %dma_wait3A_805 = arith.constant 0 : i32
          %dma_wait3A_806 = arith.constant 0 : i32
          %dma_wait3A_807 = tpu.memref_slice %arg15[%dma_wait3A_805, %dma_wait3A_806] : memref<16x128xf32, #tpu.memory_space<vmem>> -> memref<1x128xf32, #tpu.memory_space<vmem>>
          %dma_wait3A_808 = arith.constant 0 : i32
          %dma_wait3A_809 = arith.constant 0 : i32
          %dma_wait3A_810 = tpu.memref_slice %arg3[%dma_wait3A_808, %dma_wait3A_809] : memref<64x1000000xf32, #tpu.memory_space<hbm>> -> memref<1x128xf32, #tpu.memory_space<hbm>>
          tpu.wait_dma2 semaphore(%arg26 : memref<!tpu.dma_semaphore, #tpu.memory_space<semaphore_mem>>) src(%dma_wait3A_810 : memref<1x128xf32, #tpu.memory_space<hbm>>) dst(%dma_wait3A_807 : memref<1x128xf32, #tpu.memory_space<vmem>>)
        } else {
        }
        %slice3A_742 = vector.extract_strided_slice %get3A_638 {offsets = [14], sizes = [1], strides = [1]} : vector<16xi32> to vector<1xi32>
        %squeeze3A_743 = vector.extract %slice3A_742[0] : i32 from vector<1xi32>
        %ge3A_744 = arith.constant 999936 : i32
        %ge3A_745 = arith.cmpi sge, %squeeze3A_743, %ge3A_744 : i32
        %convert_element_type3A_746 = arith.extui %ge3A_745 : i1 to i32
        %cond3A_747 = arith.constant 0 : i32
        %cond3A_748 = arith.cmpi ne, %convert_element_type3A_746, %cond3A_747 : i32
        scf.if %cond3A_748 {
          %sub3A_756 = arith.constant 999936 : i32
          %sub3A_757 = arith.subi %squeeze3A_743, %sub3A_756 : i32
          %broadcast_in_dim3A = vector.broadcast %sub3A_757 : i32 to vector<16xi32>
          %gather3A = tpu.vector_load_idx %arg16[%broadcast_in_dim3A, %add3A_5] : memref<128x128xf32, #tpu.memory_space<vmem>>[vector<16xi32>, vector<16xi32>], vector<16xf32>,
          %swap3A_758 = arith.constant 0 : i32
          %swap3A_759 = arith.constant 0 : i32
          %swap3A_760 = tpu.memref_slice %arg15[%swap3A_758, %swap3A_759] : memref<16x128xf32, #tpu.memory_space<vmem>> -> memref<1x128xf32, #tpu.memory_space<vmem>>
          %swap3A_761 = tpu.memref_squeeze %swap3A_760 : memref<1x128xf32, #tpu.memory_space<vmem>> -> memref<128xf32, #tpu.memory_space<vmem>>
          %swap3A_762 = arith.constant 0 : index
          %swap3A_763 = tpu.vector_load %swap3A_761[%swap3A_762] {strides = array<i32>} : memref<128xf32, #tpu.memory_space<vmem>>, vector<16xf32>,
          tpu.vector_store %swap3A_761[%swap3A_762], %gather3A {strides = array<i32>} : memref<128xf32, #tpu.memory_space<vmem>>, vector<16xf32>,
          %gather3A_764 = tpu.vector_load_idx %arg16[%broadcast_in_dim3A, %add3A_9] : memref<128x128xf32, #tpu.memory_space<vmem>>[vector<16xi32>, vector<16xi32>], vector<16xf32>,
          %swap3A_765 = arith.constant 0 : i32
          %swap3A_766 = arith.constant 0 : i32
          %swap3A_767 = tpu.memref_slice %arg15[%swap3A_765, %swap3A_766] : memref<16x128xf32, #tpu.memory_space<vmem>> -> memref<1x128xf32, #tpu.memory_space<vmem>>
          %swap3A_768 = tpu.memref_squeeze %swap3A_767 : memref<1x128xf32, #tpu.memory_space<vmem>> -> memref<128xf32, #tpu.memory_space<vmem>>
          %swap3A_769 = arith.constant 16 : index
          %swap3A_770 = tpu.vector_load %swap3A_768[%swap3A_769] {strides = array<i32>} : memref<128xf32, #tpu.memory_space<vmem>>, vector<16xf32>,
          tpu.vector_store %swap3A_768[%swap3A_769], %gather3A_764 {strides = array<i32>} : memref<128xf32, #tpu.memory_space<vmem>>, vector<16xf32>,
          %gather3A_771 = tpu.vector_load_idx %arg16[%broadcast_in_dim3A, %add3A_13] : memref<128x128xf32, #tpu.memory_space<vmem>>[vector<16xi32>, vector<16xi32>], vector<16xf32>,
          %swap3A_772 = arith.constant 0 : i32
          %swap3A_773 = arith.constant 0 : i32
          %swap3A_774 = tpu.memref_slice %arg15[%swap3A_772, %swap3A_773] : memref<16x128xf32, #tpu.memory_space<vmem>> -> memref<1x128xf32, #tpu.memory_space<vmem>>
          %swap3A_775 = tpu.memref_squeeze %swap3A_774 : memref<1x128xf32, #tpu.memory_space<vmem>> -> memref<128xf32, #tpu.memory_space<vmem>>
          %swap3A_776 = arith.constant 32 : index
          %swap3A_777 = tpu.vector_load %swap3A_775[%swap3A_776] {strides = array<i32>} : memref<128xf32, #tpu.memory_space<vmem>>, vector<16xf32>,
          tpu.vector_store %swap3A_775[%swap3A_776], %gather3A_771 {strides = array<i32>} : memref<128xf32, #tpu.memory_space<vmem>>, vector<16xf32>,
          %gather3A_778 = tpu.vector_load_idx %arg16[%broadcast_in_dim3A, %add3A_17] : memref<128x128xf32, #tpu.memory_space<vmem>>[vector<16xi32>, vector<16xi32>], vector<16xf32>,
          %swap3A_779 = arith.constant 0 : i32
          %swap3A_780 = arith.constant 0 : i32
          %swap3A_781 = tpu.memref_slice %arg15[%swap3A_779, %swap3A_780] : memref<16x128xf32, #tpu.memory_space<vmem>> -> memref<1x128xf32, #tpu.memory_space<vmem>>
          %swap3A_782 = tpu.memref_squeeze %swap3A_781 : memref<1x128xf32, #tpu.memory_space<vmem>> -> memref<128xf32, #tpu.memory_space<vmem>>
          %swap3A_783 = arith.constant 48 : index
          %swap3A_784 = tpu.vector_load %swap3A_782[%swap3A_783] {strides = array<i32>} : memref<128xf32, #tpu.memory_space<vmem>>, vector<16xf32>,
          tpu.vector_store %swap3A_782[%swap3A_783], %gather3A_778 {strides = array<i32>} : memref<128xf32, #tpu.memory_space<vmem>>, vector<16xf32>,
          %mul3A_785 = arith.constant 16 : i32
          %mul3A_786 = arith.muli %scan3A_633, %mul3A_785 : i32
          %add3A_787 = arith.addi %mul3A_2, %mul3A_786 : i32
          %add3A_788 = arith.constant 14 : i32
          %add3A_789 = arith.addi %add3A_787, %add3A_788 : i32
          %dma_start3A = arith.constant 0 : i32
          %dma_start3A_790 = arith.constant 0 : i32
          %dma_start3A_791 = tpu.memref_slice %arg15[%dma_start3A, %dma_start3A_790] : memref<16x128xf32, #tpu.memory_space<vmem>> -> memref<1x128xf32, #tpu.memory_space<vmem>>
          %dma_start3A_792 = arith.constant 0 : i32
          %dma_start3A_793 = tpu.memref_slice %arg5[%add3A_789, %dma_start3A_792] : memref<16384x128xf32, #tpu.memory_space<hbm>> -> memref<1x128xf32, #tpu.memory_space<hbm>>
          %dma_start3A_794 = arith.constant 0 : i32
          %dma_start3A_795 = tpu.memref_slice %arg5[%add3A_789, %dma_start3A_794] : memref<16384x128xf32, #tpu.memory_space<hbm>> -> memref<1x128xf32, #tpu.memory_space<hbm>>
          %dma_start3A_796 = arith.constant 0 : i32
          %dma_start3A_797 = arith.constant 0 : i32
          %dma_start3A_798 = tpu.memref_slice %arg15[%dma_start3A_796, %dma_start3A_797] : memref<16x128xf32, #tpu.memory_space<vmem>> -> memref<1x128xf32, #tpu.memory_space<vmem>>
          tpu.enqueue_dma source(%dma_start3A_798 : memref<1x128xf32, #tpu.memory_space<vmem>>) target(%dma_start3A_795 : memref<1x128xf32, #tpu.memory_space<hbm>>) target_semaphore(%arg26 : memref<!tpu.dma_semaphore, #tpu.memory_space<semaphore_mem>>)
          %dma_wait3A_799 = arith.constant 0 : i32
          %dma_wait3A_800 = arith.constant 0 : i32
          %dma_wait3A_801 = tpu.memref_slice %arg15[%dma_wait3A_799, %dma_wait3A_800] : memref<16x128xf32, #tpu.memory_space<vmem>> -> memref<1x128xf32, #tpu.memory_space<vmem>>
          %dma_wait3A_802 = arith.constant 0 : i32
          %dma_wait3A_803 = arith.constant 0 : i32
          %dma_wait3A_804 = tpu.memref_slice %arg3[%dma_wait3A_802, %dma_wait3A_803] : memref<64x1000000xf32, #tpu.memory_space<hbm>> -> memref<1x128xf32, #tpu.memory_space<hbm>>
          %dma_wait3A_805 = arith.constant 0 : i32
          %dma_wait3A_806 = arith.constant 0 : i32
          %dma_wait3A_807 = tpu.memref_slice %arg15[%dma_wait3A_805, %dma_wait3A_806] : memref<16x128xf32, #tpu.memory_space<vmem>> -> memref<1x128xf32, #tpu.memory_space<vmem>>
          %dma_wait3A_808 = arith.constant 0 : i32
          %dma_wait3A_809 = arith.constant 0 : i32
          %dma_wait3A_810 = tpu.memref_slice %arg3[%dma_wait3A_808, %dma_wait3A_809] : memref<64x1000000xf32, #tpu.memory_space<hbm>> -> memref<1x128xf32, #tpu.memory_space<hbm>>
          tpu.wait_dma2 semaphore(%arg26 : memref<!tpu.dma_semaphore, #tpu.memory_space<semaphore_mem>>) src(%dma_wait3A_810 : memref<1x128xf32, #tpu.memory_space<hbm>>) dst(%dma_wait3A_807 : memref<1x128xf32, #tpu.memory_space<vmem>>)
        } else {
        }
        %slice3A_749 = vector.extract_strided_slice %get3A_638 {offsets = [15], sizes = [1], strides = [1]} : vector<16xi32> to vector<1xi32>
        %squeeze3A_750 = vector.extract %slice3A_749[0] : i32 from vector<1xi32>
        %ge3A_751 = arith.constant 999936 : i32
        %ge3A_752 = arith.cmpi sge, %squeeze3A_750, %ge3A_751 : i32
        %convert_element_type3A_753 = arith.extui %ge3A_752 : i1 to i32
        %cond3A_754 = arith.constant 0 : i32
        %cond3A_755 = arith.cmpi ne, %convert_element_type3A_753, %cond3A_754 : i32
        scf.if %cond3A_755 {
          %sub3A_756 = arith.constant 999936 : i32
          %sub3A_757 = arith.subi %squeeze3A_750, %sub3A_756 : i32
          %broadcast_in_dim3A = vector.broadcast %sub3A_757 : i32 to vector<16xi32>
          %gather3A = tpu.vector_load_idx %arg16[%broadcast_in_dim3A, %add3A_5] : memref<128x128xf32, #tpu.memory_space<vmem>>[vector<16xi32>, vector<16xi32>], vector<16xf32>,
          %swap3A_758 = arith.constant 0 : i32
          %swap3A_759 = arith.constant 0 : i32
          %swap3A_760 = tpu.memref_slice %arg15[%swap3A_758, %swap3A_759] : memref<16x128xf32, #tpu.memory_space<vmem>> -> memref<1x128xf32, #tpu.memory_space<vmem>>
          %swap3A_761 = tpu.memref_squeeze %swap3A_760 : memref<1x128xf32, #tpu.memory_space<vmem>> -> memref<128xf32, #tpu.memory_space<vmem>>
          %swap3A_762 = arith.constant 0 : index
          %swap3A_763 = tpu.vector_load %swap3A_761[%swap3A_762] {strides = array<i32>} : memref<128xf32, #tpu.memory_space<vmem>>, vector<16xf32>,
          tpu.vector_store %swap3A_761[%swap3A_762], %gather3A {strides = array<i32>} : memref<128xf32, #tpu.memory_space<vmem>>, vector<16xf32>,
          %gather3A_764 = tpu.vector_load_idx %arg16[%broadcast_in_dim3A, %add3A_9] : memref<128x128xf32, #tpu.memory_space<vmem>>[vector<16xi32>, vector<16xi32>], vector<16xf32>,
          %swap3A_765 = arith.constant 0 : i32
          %swap3A_766 = arith.constant 0 : i32
          %swap3A_767 = tpu.memref_slice %arg15[%swap3A_765, %swap3A_766] : memref<16x128xf32, #tpu.memory_space<vmem>> -> memref<1x128xf32, #tpu.memory_space<vmem>>
          %swap3A_768 = tpu.memref_squeeze %swap3A_767 : memref<1x128xf32, #tpu.memory_space<vmem>> -> memref<128xf32, #tpu.memory_space<vmem>>
          %swap3A_769 = arith.constant 16 : index
          %swap3A_770 = tpu.vector_load %swap3A_768[%swap3A_769] {strides = array<i32>} : memref<128xf32, #tpu.memory_space<vmem>>, vector<16xf32>,
          tpu.vector_store %swap3A_768[%swap3A_769], %gather3A_764 {strides = array<i32>} : memref<128xf32, #tpu.memory_space<vmem>>, vector<16xf32>,
          %gather3A_771 = tpu.vector_load_idx %arg16[%broadcast_in_dim3A, %add3A_13] : memref<128x128xf32, #tpu.memory_space<vmem>>[vector<16xi32>, vector<16xi32>], vector<16xf32>,
          %swap3A_772 = arith.constant 0 : i32
          %swap3A_773 = arith.constant 0 : i32
          %swap3A_774 = tpu.memref_slice %arg15[%swap3A_772, %swap3A_773] : memref<16x128xf32, #tpu.memory_space<vmem>> -> memref<1x128xf32, #tpu.memory_space<vmem>>
          %swap3A_775 = tpu.memref_squeeze %swap3A_774 : memref<1x128xf32, #tpu.memory_space<vmem>> -> memref<128xf32, #tpu.memory_space<vmem>>
          %swap3A_776 = arith.constant 32 : index
          %swap3A_777 = tpu.vector_load %swap3A_775[%swap3A_776] {strides = array<i32>} : memref<128xf32, #tpu.memory_space<vmem>>, vector<16xf32>,
          tpu.vector_store %swap3A_775[%swap3A_776], %gather3A_771 {strides = array<i32>} : memref<128xf32, #tpu.memory_space<vmem>>, vector<16xf32>,
          %gather3A_778 = tpu.vector_load_idx %arg16[%broadcast_in_dim3A, %add3A_17] : memref<128x128xf32, #tpu.memory_space<vmem>>[vector<16xi32>, vector<16xi32>], vector<16xf32>,
          %swap3A_779 = arith.constant 0 : i32
          %swap3A_780 = arith.constant 0 : i32
          %swap3A_781 = tpu.memref_slice %arg15[%swap3A_779, %swap3A_780] : memref<16x128xf32, #tpu.memory_space<vmem>> -> memref<1x128xf32, #tpu.memory_space<vmem>>
          %swap3A_782 = tpu.memref_squeeze %swap3A_781 : memref<1x128xf32, #tpu.memory_space<vmem>> -> memref<128xf32, #tpu.memory_space<vmem>>
          %swap3A_783 = arith.constant 48 : index
          %swap3A_784 = tpu.vector_load %swap3A_782[%swap3A_783] {strides = array<i32>} : memref<128xf32, #tpu.memory_space<vmem>>, vector<16xf32>,
          tpu.vector_store %swap3A_782[%swap3A_783], %gather3A_778 {strides = array<i32>} : memref<128xf32, #tpu.memory_space<vmem>>, vector<16xf32>,
          %mul3A_785 = arith.constant 16 : i32
          %mul3A_786 = arith.muli %scan3A_633, %mul3A_785 : i32
          %add3A_787 = arith.addi %mul3A_2, %mul3A_786 : i32
          %add3A_788 = arith.constant 15 : i32
          %add3A_789 = arith.addi %add3A_787, %add3A_788 : i32
          %dma_start3A = arith.constant 0 : i32
          %dma_start3A_790 = arith.constant 0 : i32
          %dma_start3A_791 = tpu.memref_slice %arg15[%dma_start3A, %dma_start3A_790] : memref<16x128xf32, #tpu.memory_space<vmem>> -> memref<1x128xf32, #tpu.memory_space<vmem>>
          %dma_start3A_792 = arith.constant 0 : i32
          %dma_start3A_793 = tpu.memref_slice %arg5[%add3A_789, %dma_start3A_792] : memref<16384x128xf32, #tpu.memory_space<hbm>> -> memref<1x128xf32, #tpu.memory_space<hbm>>
          %dma_start3A_794 = arith.constant 0 : i32
          %dma_start3A_795 = tpu.memref_slice %arg5[%add3A_789, %dma_start3A_794] : memref<16384x128xf32, #tpu.memory_space<hbm>> -> memref<1x128xf32, #tpu.memory_space<hbm>>
          %dma_start3A_796 = arith.constant 0 : i32
          %dma_start3A_797 = arith.constant 0 : i32
          %dma_start3A_798 = tpu.memref_slice %arg15[%dma_start3A_796, %dma_start3A_797] : memref<16x128xf32, #tpu.memory_space<vmem>> -> memref<1x128xf32, #tpu.memory_space<vmem>>
          tpu.enqueue_dma source(%dma_start3A_798 : memref<1x128xf32, #tpu.memory_space<vmem>>) target(%dma_start3A_795 : memref<1x128xf32, #tpu.memory_space<hbm>>) target_semaphore(%arg26 : memref<!tpu.dma_semaphore, #tpu.memory_space<semaphore_mem>>)
          %dma_wait3A_799 = arith.constant 0 : i32
          %dma_wait3A_800 = arith.constant 0 : i32
          %dma_wait3A_801 = tpu.memref_slice %arg15[%dma_wait3A_799, %dma_wait3A_800] : memref<16x128xf32, #tpu.memory_space<vmem>> -> memref<1x128xf32, #tpu.memory_space<vmem>>
          %dma_wait3A_802 = arith.constant 0 : i32
          %dma_wait3A_803 = arith.constant 0 : i32
          %dma_wait3A_804 = tpu.memref_slice %arg3[%dma_wait3A_802, %dma_wait3A_803] : memref<64x1000000xf32, #tpu.memory_space<hbm>> -> memref<1x128xf32, #tpu.memory_space<hbm>>
          %dma_wait3A_805 = arith.constant 0 : i32
          %dma_wait3A_806 = arith.constant 0 : i32
          %dma_wait3A_807 = tpu.memref_slice %arg15[%dma_wait3A_805, %dma_wait3A_806] : memref<16x128xf32, #tpu.memory_space<vmem>> -> memref<1x128xf32, #tpu.memory_space<vmem>>
          %dma_wait3A_808 = arith.constant 0 : i32
          %dma_wait3A_809 = arith.constant 0 : i32
          %dma_wait3A_810 = tpu.memref_slice %arg3[%dma_wait3A_808, %dma_wait3A_809] : memref<64x1000000xf32, #tpu.memory_space<hbm>> -> memref<1x128xf32, #tpu.memory_space<hbm>>
          tpu.wait_dma2 semaphore(%arg26 : memref<!tpu.dma_semaphore, #tpu.memory_space<semaphore_mem>>) src(%dma_wait3A_810 : memref<1x128xf32, #tpu.memory_space<hbm>>) dst(%dma_wait3A_807 : memref<1x128xf32, #tpu.memory_space<vmem>>)
        } else {
        }
      } else {
      }
      %scan3A_643 = arith.constant 0 : i32
      scf.yield %scan3A_643 : i32
    }
    %scan3A_632 = arith.constant 32 : i32
    return
  }
}

</mosaic_0001>

<sc_bundles>
// kernel: kernel.3.cloned.1.call-start
scs
__scs_entry_jumppad:
0x0: {  	(pc) =	sbr.rel $0x88, $3  }
0x1: {  	(tag) =	ssettag $0x0;
	lr =	simm.s32 $0x1  }
0x2: {  	[smem:$0x3F9F] =	sst lr;
	_ =	strace $0xD0000000  }
0x3: {  	_ = 	snop  }
0x4: {  	_ = 	snop  }
0x5: {  	_ = 	snop  }
0x6: {  	_ = 	snop  }
0x7: {  	_ = 	snop  }
__scs_overlays_trampoline_lowered:
0x8: {  	[smem:$0x3FAE] =	sst s0  }
0x9: {  	[smem:$0x3FAF] =	sst s1  }
0xa: {  	[smem:$0x3FB0] =	sst s2  }
0xb: {  	[smem:$0x3FB1] =	sst s3  }
0xc: {  	[smem:$0x3FB2] =	sst s4  }
0xd: {  	[smem:$0x3FB3] =	sst s5  }
0xe: {  	[smem:$0x3FB4] =	sst s6  }
0xf: {  	[smem:$0x3FB5] =	sst s7  }
0x10: {  	[smem:$0x3FB6] =	sst s8  }
0x11: {  	[smem:$0x3FB7] =	sst s9;
	s0 =	simm.s32 @!p0 $0x0  }
0x12: {  	s1 =	sld [smem:$0x3F9D];
	s0 =	simm.s32 @p0 $0x1  }
0x13: {  	[smem:$0x3FB8] =	sst s0;
	s0 =	simm.s32 @!p1 $0x0  }
0x14: {  	s2 =	sld [smem:$0x3F9C];
	s0 =	simm.s32 @p1 $0x1  }
0x15: {  	[smem:$0x3FB9] =	sst s0;
	s0 =	simm.s32 @!p2 $0x0  }
0x16: {  	s3 =	sld [smem:$0x3FDB];
	s0 =	simm.s32 @p2 $0x1  }
0x17: {  	s4 =	simm.s32 $0x1BF5;
	[smem:$0x3FBB] =	sst s0  }
0x18: {  	s0 =	sld [smem:$0x3F9E];
	_ =	swait.ge [sflag:s4], $0x0  }
0x19: {  	s7 =	sld [smem:$0x3F9F]  }
0x1a: {  	s8 =	sadd.s32 $0xFFFFE003, lr  }
0x1b: {  	s9 =	sadd.s32 $0xFFFFFEF7, lr;
	s5 =	simm.s32 $0xFFFFFFFF;
	p2 =	slt.u32 s8, $0xFFFFF086  }
0x1c: {  	p1 =	slt.u32 s9, $0xF7A;
	s5 =	simm.s32 @!p2 $0x0  }
0x1d: {  	s5 =	simm.s32 @p1 $0x1;
	p0 =	seq.s32 s7, s2  }
0x1e: {  	s7 =	smul.u32 @!p0 $0xF7A, s2;
	p2 =	seq.s32 @!p0 s5, $0x0  }
0x1f: {  	s9 =	smul.u32 $0xF7A, s1;
	s8 =	simm.s32 @!p0 $0x1BF5;
	p2 =	por !p2, p0  }
0x20: {  	[sflag:s8] =	ssyncset.s32 @!p0 $0xFFFFF086;
	s6 =	sadd.s32 @!p0 s3, s7;
	s7 =	simm.s32 @!p0 $0x108  }
0x21: {  	s3 =	sadd.s32 s3, s9;
	s6 =	sadd.s32 @!p0 $0x88, s6;
	s7 =	simm.s32 @p2 $0x1082  }
0x22: {  	[simem:s7], [sflag:s8] =	dma.local @!p0 [hbm:s6], $0xF7A  }
0x23: {  	s9 =	sor.u32 $0xD0000000, s2;
	s6 =	simm.s32 $0x108;
	_ =	swait.ge @!p0 [sflag:s8], $0x0  }
0x24: {  	s3 =	sadd.s32 $0x88, s3;
	s6 =	simm.s32 @!p1 $0x1082;
	[sflag:s4] =	ssyncset.s32 $0xFFFFF086  }
0x25: {  	[simem:s6], [sflag:s4] =	dma.local [hbm:s3], $0xF7A  }
0x26: {  	[smem:$0x3F9F] =	sst s1;
	(tag) =	ssettag s2;
	_ =	strace s9  }
0x27: {  	s1 =	sld [smem:$0x3FAF]  }
0x28: {  	s2 =	sld [smem:$0x3FB0]  }
0x29: {  	s4 =	sld [smem:$0x3FB2]  }
0x2a: {  	p0 =	seq.s32 s5, $0x0;
	s5 =	sld [smem:$0x3FB3]  }
0x2b: {  	s6 =	sld [smem:$0x3FB4]  }
0x2c: {  	s7 =	sld [smem:$0x3FB5]  }
0x2d: {  	s3 =	simm.s32 $0x108;
	s8 =	sld [smem:$0x3FB6]  }
0x2e: {  	s3 =	simm.s32 @!p0 $0x1082;
	s9 =	sld [smem:$0x3FB7]  }
0x2f: {  	lr =	sadd.s32 s0, s3;
	s0 =	sld [smem:$0x3FAE]  }
0x30: {  	s3 =	sld [smem:$0x3FB1]  }
0x31: {  	[smem:$0x3FBA] =	sst s10  }
0x32: {  	s10 =	sld [smem:$0x3FB8];
	_ =	sdelay $0x3  }
0x33: {  	p0 =	seq.s32 s10, $0x1;
	s10 =	sld [smem:$0x3FBA];
	_ =	sdelay $0x3  }
0x34: {  	[smem:$0x3FBA] =	sst s10  }
0x35: {  	s10 =	sld [smem:$0x3FB9];
	_ =	sdelay $0x3  }
0x36: {  	p1 =	seq.s32 s10, $0x1;
	s10 =	sld [smem:$0x3FBA];
	_ =	sdelay $0x3  }
0x37: {  	[smem:$0x3FBA] =	sst s10  }
0x38: {  	s10 =	sld [smem:$0x3FBB]  }
0x39: {  	_ = 	snop;
	(pc) =	sbr.ind lr, $3  }
0x3a: {  	_ = 	snop  }
0x3b: {  	_ = 	snop  }
0x3c: {  	p2 =	seq.s32 s10, $0x1;
	s10 =	sld [smem:$0x3FBA]  }
0x3d: {  	_ =	shalt  }
0x3e: {  	_ =	shalt  }
0x3f: {  	_ =	shalt  }
0x40: {  	_ =	shalt  }
0x41: {  	_ =	shalt  }
0x42: {  	_ =	shalt  }
0x43: {  	_ =	shalt  }
0x44: {  	_ =	shalt  }
0x45: {  	_ =	shalt  }
0x46: {  	_ =	shalt  }
0x47: {  	_ =	shalt  }
0x48: {  	_ =	shalt  }
0x49: {  	_ =	shalt  }
0x4a: {  	_ =	shalt  }
0x4b: {  	_ =	shalt  }
0x4c: {  	_ =	shalt  }
0x4d: {  	_ =	shalt  }
0x4e: {  	_ =	shalt  }
0x4f: {  	_ =	shalt  }
0x50: {  	_ =	shalt  }
0x51: {  	_ =	shalt  }
0x52: {  	_ =	shalt  }
0x53: {  	_ =	shalt  }
0x54: {  	_ =	shalt  }
0x55: {  	_ =	shalt  }
0x56: {  	_ =	shalt  }
0x57: {  	_ =	shalt  }
0x58: {  	_ =	shalt  }
0x59: {  	_ =	shalt  }
0x5a: {  	_ =	shalt  }
0x5b: {  	_ =	shalt  }
0x5c: {  	_ =	shalt  }
0x5d: {  	_ =	shalt  }
0x5e: {  	_ =	shalt  }
0x5f: {  	_ =	shalt  }
0x60: {  	_ =	shalt  }
0x61: {  	_ =	shalt  }
0x62: {  	_ =	shalt  }
0x63: {  	_ =	shalt  }
0x64: {  	_ =	shalt  }
0x65: {  	_ =	shalt  }
0x66: {  	_ =	shalt  }
0x67: {  	_ =	shalt  }
0x68: {  	_ =	shalt  }
0x69: {  	_ =	shalt  }
0x6a: {  	_ =	shalt  }
0x6b: {  	_ =	shalt  }
0x6c: {  	_ =	shalt  }
0x6d: {  	_ =	shalt  }
0x6e: {  	_ =	shalt  }
0x6f: {  	_ =	shalt  }
0x70: {  	_ =	shalt  }
0x71: {  	_ =	shalt  }
0x72: {  	_ =	shalt  }
0x73: {  	_ =	shalt  }
0x74: {  	_ =	shalt  }
0x75: {  	_ =	shalt  }
0x76: {  	_ =	shalt  }
0x77: {  	_ =	shalt  }
0x78: {  	_ =	shalt  }
0x79: {  	_ =	shalt  }
0x7a: {  	_ =	shalt  }
0x7b: {  	_ =	shalt  }
0x7c: {  	_ =	shalt  }
0x7d: {  	_ =	shalt  }
0x7e: {  	_ =	shalt  }
0x7f: {  	_ =	shalt  }
0x80: {  	_ =	shalt  }
0x81: {  	_ =	shalt  }
0x82: {  	_ =	shalt  }
0x83: {  	_ =	shalt  }
0x84: {  	_ =	shalt  }
0x85: {  	_ =	shalt  }
0x86: {  	_ =	shalt  }
0x87: {  	_ =	shalt  }
.Lfunc_end0:
.L_simem_size_0:
called_computation_lowered:
.L_overlay_start_0:
0x88: {  	s2 =	sld [smem:$0x3FD9]  }
0x89: {  	s3 =	sld [smem:$0x3FFE];
	_ =	sdelay $0x1  }
0x8a: {  	s1 =	srdreg.scid  }
0x8b: {  	s0 =	sand.u32 $0x1, s1  }
0x8c: {  	s14 =	sshll.u32 s0, $0xA;
	s2 =	sadd.s32 s3, s2  }
0x8d: {  	s2 =	sadd.s32 s2, s14  }
0x8e: {  	[smem:$0x3FC6] =	sst s2  }
0x8f: {  	_ = 	snop  }
0x90: {  	s2 =	sld [smem:$0x3FD0];
	_ =	sdelay $0x1  }
0x91: {  	s15 =	sld [smem:$0x3FC9]  }
0x92: {  	s5 =	simm.s32 $0xA;
	s6 =	simm.s32 $0x10;
	s4 =	sld [smem:$0x3FC8]  }
0x93: {  	[smem:s6], [sflag:s5] =	dma.local [hbm:s2], $0x1  }
0x94: {  	_ =	swait.eq [sflag:s5], $0x1  }
0x95: {  	[sflag:s5] =	ssyncset.done $0x0  }
0x96: {  	[sflag:s5] =	ssyncadd.s32 $0xFFFFFFFF  }
0x97: {  	s16 =	sld [smem:$0x11];
	(tm) =	ssettm $0x1  }
0x98: {  	s17 =	sld [smem:$0x3FFB];
	_ =	sdelay $0x3  }
0x99: {  	_ =	strace s17  }
0x9a: {  	s5 =	sld [smem:$0x3FFC];
	_ =	sdelay $0x3  }
0x9b: {  	_ =	strace s5  }
0x9c: {  	s5 =	sld [smem:$0x3FFD];
	_ =	sdelay $0x3  }
0x9d: {  	_ =	strace s5  }
0x9e: {  	_ =	strace $0x8FFFFFFF  }
0x9f: {  	s18 =	sld [smem:$0x3FDB];
	_ =	sdelay $0x1  }
0xa0: {  	s19 =	simm.s32 $_scs_section_size  }
0xa1: {  	s7 =	simm.s32 $_size__tile_overlayer_lowered;
	s8 =	simm.s32 $_tile_overlayer_lowered  }
0xa2: {  	s22 =	simm.s32 $0x1BFF;
	s21 =	sshll.u32 s8, $0x1;
	s5 =	sadd.s32 s19, s18  }
0xa3: {  	s9 =	simm.s32 $0x0;
	s20 =	sshll.u32 s7, $0x1;
	s7 =	sadd.s32 s21, s5  }
0xa4: {  	[timem:s9], [sflag:s22] =	dma.local [hbm:s7], s20  }
0xa5: {  	_ =	swait.ge [sflag:s22], s20  }
0xa6: {  	s6 =	ssub.s32 $0x0, s20;
	[sflag:s22] =	ssyncset.done $0x0  }
0xa7: {  	[sflag:s22] =	ssyncadd.s32 s6;
	_ =	sdelay $0x1  }
0xa8: {  	s23 =	simm.s32 $0x1B8B  }
0xa9: {  	_ =	swait.ge [sflag:s23], $0x1  }
0xaa: {  	[sflag:s23] =	ssyncset.done $0x0  }
0xab: {  	s25 =	simm.s32 $0x1B8E;
	s24 =	sld [smem:$0x3FFE];
	[sflag:s23] =	ssyncadd.s32 $0xFFFFFFFF  }
0xac: {  	s26 =	simm.s32 $execute0_lowered;
	[smem:$0x3FD2] =	sst s25  }
0xad: {  	s7 =	sshll.u32 s26, $0x1;
	_ =	strace $0x80000046;
	[dreg:$0x1] =	wrdreg $0xFFFFFFFF  }
0xae: {  	s28 =	simm.s32 $_size_execute0_lowered;
	s5 =	sadd.s32 s5, s7;
	[dreg:$0x0] =	wrdreg $0x0  }
0xaf: {  	s7 =	sshll.u32 s28, $0x1;
	[dreg:$0x2] =	wrdreg s5  }
0xb0: {  	[dreg:$0x3] =	wrdreg s7  }
0xb1: {  	[dreg:$0x4] =	wrdreg $0xC0  }
0xb2: {  	_ =	task [dreg:s9], $0x5FFFF  }
0xb3: {  	[dreg:$0x1] =	wrdreg $0xFFFFFFFF  }
0xb4: {  	[dreg:$0x0] =	wrdreg $0x60  }
0xb5: {  	[dreg:$0x2] =	wrdreg s15  }
0xb6: {  	[dreg:$0x3] =	wrdreg s4  }
0xb7: {  	[dreg:$0x4] =	wrdreg s16  }
0xb8: {  	[dreg:$0x5] =	wrdreg s24  }
0xb9: {  	[dreg:$0x6] =	wrdreg $0x9  }
0xba: {  	_ =	task.clear_ibuf [dreg:s9], $0x7FFFF;
	_ =	strace $0x90000046  }
0xbb: {  	s29 =	simm.s32 $0x9;
	_ =	strace $0x80000048  }
0xbc: {  	_ =	swait.ge [sflag:s29], $0x1  }
0xbd: {  	[sflag:s29] =	ssyncadd.s32 $0xFFFFFFFF  }
0xbe: {  	_ =	strace $0x90000048  }
0xbf: {  	_ =	sfence  }
0xc0: {  	s30 =	sld [smem:$0x0];
	_ =	sdelay $0x2  }
0xc1: {  	s31 =	sshll.u32 s1, $0xD;
	s1 =	sshrl.u32 s1, $0x2  }
0xc2: {  	s3 =	sand.u32 $0x4000, s31;
	s1 =	sadd.s32 s1, s30  }
0xc3: {  	s0 =	sor.u32 s3, s0;
	s1 =	sshll.u32 s1, $0x11  }
0xc4: {  	s0 =	sor.u32 s1, s0  }
0xc5: {  	s0 =	sadd.s32 $0x8F2B, s0  }
0xc6: {  	[sflag:s0] =	ssyncadd.remote.s32 $0x1  }
0xc7: {  	_ =	sfence.sel $0xFFFF  }
0xc8: {  	[dreg:$0x0] =	wrdreg $0xFFFFFFFF;
	(pc) =	sbr.abs _section_cstart, $3  }
0xc9: {  	[dreg:$0x1] =	wrdreg $0xFFFFFFFF  }
0xca: {  	_ =	task.clear_ibuf [dreg:s9], $0x2FFFF;
	_ =	strace $0x9FFFFFFF  }
0xcb: {  	(tm) =	ssettm $0x7FFFFFFF  }
tec
execute0_lowered:
.L_overlay_start_1:
0x0: {  	(tag) =	ssettag $0x1  }
0x1: {  	s0 =	rddreg [dreg:$0x0]  }
0x2: {  	s1 =	rddreg [dreg:$0x1]  }
0x3: {  	s2 =	rddreg [dreg:$0x3];
	s9 =	simm.s32 $0x0  }
0x4: {  	s15 =	simm.s32 $0x10200;
	[smem:$0x7FF] =	sst s9  }
0x5: {  	s16 =	simm.s32 $0x10280;
	_ =	strace $0x80000047;
	[dreg:$0x5] =	wrdreg s15  }
0x6: {  	s17 =	simm.s32 $0x10300;
	[dreg:$0x6] =	wrdreg s16  }
0x7: {  	s18 =	simm.s32 $0x10380;
	[dreg:$0x7] =	wrdreg s17  }
0x8: {  	s19 =	simm.s32 $0x10400;
	[dreg:$0x8] =	wrdreg s18  }
0x9: {  	s20 =	simm.s32 $0x10480;
	[dreg:$0x9] =	wrdreg s19  }
0xa: {  	s21 =	simm.s32 $0x10500;
	[dreg:$0xa] =	wrdreg s20  }
0xb: {  	s3 =	srdreg.scid;
	s22 =	simm.s32 $0x10580;
	[dreg:$0xb] =	wrdreg s21  }
0xc: {  	s6 =	stileid.u32;
	s23 =	simm.s32 $0x10600;
	[dreg:$0xc] =	wrdreg s22  }
0xd: {  	s8 =	simm.s32 $0x200;
	s24 =	simm.s32 $0x10680;
	[dreg:$0xd] =	wrdreg s23  }
0xe: {  	s4 =	simm.s32 $0x2200;
	s25 =	simm.s32 $0x10700;
	[dreg:$0xe] =	wrdreg s24  }
0xf: {  	s26 =	simm.s32 $0x10780;
	s28 =	simm.s32 $0x10800;
	[dreg:$0xf] =	wrdreg s25  }
0x10: {  	s29 =	simm.s32 $0x10880;
	s30 =	simm.s32 $0x10900;
	[dreg:$0x10] =	wrdreg s26  }
0x11: {  	s31 =	simm.s32 $0x10980;
	s3 =	sand.u32 $0x1, s3;
	[dreg:$0x11] =	wrdreg s28  }
0x12: {  	s5 =	sshll.u32 s6, $0xE;
	s6 =	sshll.u32 s6, $0xA;
	[dreg:$0x12] =	wrdreg s29  }
0x13: {  	s7 =	sshll.u32 s3, $0x9;
	s2 =	sadd.s32 s5, s2;
	[dreg:$0x13] =	wrdreg s30  }
0x14: {  	s10 =	ssub.s32 $0x2, s3;
	s3 =	sshll.u32 s3, $0xD;
	[dreg:$0x14] =	wrdreg s31  }
0x15: {  	s19 =	simm.s32 $0x400;
	s17 =	simm.s32 $0x6200;
	s18 =	simm.s32 $0xE200  }
.Ltmp0:
0x16: {  	s6 =	sor.u32 s7, s6;
	s12 =	sadd.s32 s3, s2;
	(pc) =	sbr.rel .LBB2_1-.Ltmp0, $4  }
0x17: {  	v0 =	vlaneseq.u32;
	s11 =	sshrl.u32 s10, $0x1;
	s6 =	sshrl.u32 s6, $0x3;
	s14 =	sadd.s32 $0x400, s12  }
0x18: {  	v0 =	vmul.u32 $0x80, v0;
	s5 =	ssub.s32 s10, s11;
	s0 =	sadd.s32 s0, s6;
	[dreg:$0x18] =	wrdreg s14  }
0x19: {  	s2 =	simm.s32 $0x0;
	s13 =	smax.u32 s5, $0x1;
	[dreg:$0x15] =	wrdreg s0  }
0x1a: {  	v1 =	vor.u32 $0x800, v0;
	v2 =	vor.u32 $0x1000, v0;
	v3 =	vor.u32 $0x1800, v0;
	s10 =	simm.s32 $0x0;
	[dreg:$0x16] =	wrdreg s13;
	s13 =	simm.s32 $0x4200  }
.LBB2_7:
0x1b: {  	s2 =	rddreg [dreg:$0x17]  }
0x1c: {  	s0 =	rddreg [dreg:$0x16];
	s2 =	sadd.s32 $0x1, s2  }
0x1d: {  	p0 =	sne.s32 s2, s0  }
.Ltmp1:
0x1e: {  	_ = 	snop;
	(pc) =	sbr.rel @!p0 .LBB2_8-.Ltmp1, $1  }
0x1f: {  	_ =	sdelay $0x3  }
.LBB2_1:
0x20: {  	[dreg:$0x17] =	wrdreg s2  }
0x21: {  	s0 =	rddreg [dreg:$0x15];
	s30 =	simm.s32 $0xB  }
0x22: {  	[tilespmem:s9], [sflag:$0xB] =	stream.linear.gather [hbm4b:s0+s9], $0x200, $0x38;
	[tilespmem:$0x14A00] =	vst v63  }
0x23: {  	_ =	swait.ge [sflag:s30], $0x200  }
0x24: {  	[sflag:s30] =	ssyncset.done $0x0  }
0x25: {  	[sflag:s30] =	ssyncadd.s32 $0xFFFFFE00  }
0x26: {  	s31 =	simm.s32 $0x10A00;
	s0 =	rddreg [dreg:$0x2]  }
0x27: {  	[tilespmem:s31], [sflag:$0xA] =	stream.linear.gather [hbm4b:s0+s9], $0x4000, $0x38;
	[tilespmem:$0x14A00] =	vst v63  }
0x28: {  	v4 =	vld [tilespmem:$0x0]  }
0x29: {  	v5 =	vld [tilespmem:$0x10]  }
0x2a: {  	v6 =	vld [tilespmem:$0x20]  }
0x2b: {  	v7 =	vld [tilespmem:$0x30]  }
0x2c: {  	v8 =	vld [tilespmem:$0x40]  }
0x2d: {  	v9 =	vld [tilespmem:$0x50];
	vm0 =	vgt.s32 v4, $0x0  }
0x2e: {  	v10 =	vld [tilespmem:$0x60];
	vm9 =	vgt.s32 v5, $0x0;
	v4 =	vnsel vm0, $0x0, v4  }
0x2f: {  	v11 =	vld [tilespmem:$0x70];
	vm10 =	vgt.s32 v6, $0x0;
	v5 =	vnsel vm9, $0x0, v5;
	v4 =	vmin.u32 v4, $0xF423F  }
0x30: {  	v40 =	vld [tilespmem:$0x80];
	vm11 =	vgt.s32 v7, $0x0;
	[tilespmem:$0x0] =	vst v4;
	v4 =	vmin.u32 v5, $0xF423F;
	v5 =	vnsel vm10, $0x0, v6  }
0x31: {  	v41 =	vld [tilespmem:$0x90];
	vm12 =	vgt.s32 v8, $0x0;
	[tilespmem:$0x10] =	vst v4;
	v4 =	vmin.u32 v5, $0xF423F;
	v5 =	vnsel vm11, $0x0, v7  }
0x32: {  	v42 =	vld [tilespmem:$0xA0];
	vm13 =	vgt.s32 v9, $0x0;
	[tilespmem:$0x20] =	vst v4;
	v4 =	vmin.u32 v5, $0xF423F;
	v5 =	vnsel vm12, $0x0, v8  }
0x33: {  	v43 =	vld [tilespmem:$0xB0];
	vm14 =	vgt.s32 v10, $0x0;
	[tilespmem:$0x30] =	vst v4;
	v4 =	vmin.u32 v5, $0xF423F;
	v5 =	vnsel vm13, $0x0, v9  }
0x34: {  	v44 =	vld [tilespmem:$0xC0];
	vm15 =	vgt.s32 v11, $0x0;
	[tilespmem:$0x40] =	vst v4;
	v4 =	vmin.u32 v5, $0xF423F;
	v5 =	vnsel vm14, $0x0, v10  }
0x35: {  	v45 =	vld [tilespmem:$0xD0];
	vm4 =	vgt.s32 v40, $0x0;
	[tilespmem:$0x50] =	vst v4;
	v4 =	vmin.u32 v5, $0xF423F;
	v5 =	vnsel vm15, $0x0, v11  }
0x36: {  	v46 =	vld [tilespmem:$0xE0];
	vm5 =	vgt.s32 v41, $0x0;
	[tilespmem:$0x60] =	vst v4;
	v4 =	vmin.u32 v5, $0xF423F;
	v5 =	vnsel vm4, $0x0, v40  }
0x37: {  	v47 =	vld [tilespmem:$0xF0];
	vm6 =	vgt.s32 v42, $0x0;
	[tilespmem:$0x70] =	vst v4;
	v4 =	vmin.u32 v5, $0xF423F;
	v5 =	vnsel vm5, $0x0, v41  }
0x38: {  	v48 =	vld [tilespmem:$0x100];
	vm7 =	vgt.s32 v43, $0x0;
	[tilespmem:$0x80] =	vst v4;
	v4 =	vmin.u32 v5, $0xF423F;
	v5 =	vnsel vm6, $0x0, v42  }
0x39: {  	v49 =	vld [tilespmem:$0x110];
	vm8 =	vgt.s32 v44, $0x0;
	[tilespmem:$0x90] =	vst v4;
	v4 =	vmin.u32 v5, $0xF423F;
	v5 =	vnsel vm7, $0x0, v43  }
0x3a: {  	v50 =	vld [tilespmem:$0x120];
	vm9 =	vgt.s32 v45, $0x0;
	[tilespmem:$0xA0] =	vst v4;
	v4 =	vmin.u32 v5, $0xF423F;
	v5 =	vnsel vm8, $0x0, v44  }
0x3b: {  	v51 =	vld [tilespmem:$0x130];
	vm10 =	vgt.s32 v46, $0x0;
	[tilespmem:$0xB0] =	vst v4;
	v4 =	vmin.u32 v5, $0xF423F;
	v5 =	vnsel vm9, $0x0, v45  }
0x3c: {  	v52 =	vld [tilespmem:$0x140];
	vm11 =	vgt.s32 v47, $0x0;
	[tilespmem:$0xC0] =	vst v4;
	v4 =	vmin.u32 v5, $0xF423F;
	v5 =	vnsel vm10, $0x0, v46  }
0x3d: {  	v53 =	vld [tilespmem:$0x150];
	vm12 =	vgt.s32 v48, $0x0;
	[tilespmem:$0xD0] =	vst v4;
	v4 =	vmin.u32 v5, $0xF423F;
	v5 =	vnsel vm11, $0x0, v47  }
0x3e: {  	v54 =	vld [tilespmem:$0x160];
	vm13 =	vgt.s32 v49, $0x0;
	[tilespmem:$0xE0] =	vst v4;
	v4 =	vmin.u32 v5, $0xF423F;
	v5 =	vnsel vm12, $0x0, v48  }
0x3f: {  	v55 =	vld [tilespmem:$0x170];
	vm14 =	vgt.s32 v50, $0x0;
	[tilespmem:$0xF0] =	vst v4;
	v4 =	vmin.u32 v5, $0xF423F;
	v5 =	vnsel vm13, $0x0, v49  }
0x40: {  	v56 =	vld [tilespmem:$0x180];
	vm15 =	vgt.s32 v51, $0x0;
	[tilespmem:$0x100] =	vst v4;
	v4 =	vmin.u32 v5, $0xF423F;
	v5 =	vnsel vm14, $0x0, v50  }
0x41: {  	v57 =	vld [tilespmem:$0x190];
	vm4 =	vgt.s32 v52, $0x0;
	[tilespmem:$0x110] =	vst v4;
	v4 =	vmin.u32 v5, $0xF423F;
	v5 =	vnsel vm15, $0x0, v51  }
0x42: {  	v58 =	vld [tilespmem:$0x1A0];
	vm5 =	vgt.s32 v53, $0x0;
	[tilespmem:$0x120] =	vst v4;
	v4 =	vmin.u32 v5, $0xF423F;
	v5 =	vnsel vm4, $0x0, v52  }
0x43: {  	v59 =	vld [tilespmem:$0x1B0];
	vm6 =	vgt.s32 v54, $0x0;
	[tilespmem:$0x130] =	vst v4;
	v4 =	vmin.u32 v5, $0xF423F;
	v5 =	vnsel vm5, $0x0, v53  }
0x44: {  	v60 =	vld [tilespmem:$0x1C0];
	vm7 =	vgt.s32 v55, $0x0;
	[tilespmem:$0x140] =	vst v4;
	v4 =	vmin.u32 v5, $0xF423F;
	v5 =	vnsel vm6, $0x0, v54  }
0x45: {  	v61 =	vld [tilespmem:$0x1D0];
	vm8 =	vgt.s32 v56, $0x0;
	[tilespmem:$0x150] =	vst v4;
	v4 =	vmin.u32 v5, $0xF423F;
	v5 =	vnsel vm7, $0x0, v55  }
0x46: {  	v62 =	vld [tilespmem:$0x1E0];
	vm9 =	vgt.s32 v57, $0x0;
	[tilespmem:$0x160] =	vst v4;
	v4 =	vmin.u32 v5, $0xF423F;
	v5 =	vnsel vm8, $0x0, v56  }
0x47: {  	v63 =	vld [tilespmem:$0x1F0];
	vm10 =	vgt.s32 v58, $0x0;
	[tilespmem:$0x170] =	vst v4;
	v4 =	vmin.u32 v5, $0xF423F;
	v5 =	vnsel vm9, $0x0, v57  }
0x48: {  	vm11 =	vgt.s32 v59, $0x0;
	[tilespmem:$0x180] =	vst v4;
	v4 =	vmin.u32 v5, $0xF423F;
	v5 =	vnsel vm10, $0x0, v58  }
0x49: {  	vm12 =	vgt.s32 v60, $0x0;
	[tilespmem:$0x190] =	vst v4;
	v4 =	vmin.u32 v5, $0xF423F;
	v5 =	vnsel vm11, $0x0, v59  }
0x4a: {  	vm13 =	vgt.s32 v61, $0x0;
	[tilespmem:$0x1A0] =	vst v4;
	v4 =	vmin.u32 v5, $0xF423F;
	v5 =	vnsel vm12, $0x0, v60  }
0x4b: {  	vm14 =	vgt.s32 v62, $0x0;
	[tilespmem:$0x1B0] =	vst v4;
	v4 =	vmin.u32 v5, $0xF423F;
	v5 =	vnsel vm13, $0x0, v61  }
0x4c: {  	vm15 =	vgt.s32 v63, $0x0;
	[tilespmem:$0x1C0] =	vst v4;
	v4 =	vmin.u32 v5, $0xF423F;
	v5 =	vnsel vm14, $0x0, v62  }
0x4d: {  	[tilespmem:$0x1D0] =	vst v4;
	v4 =	vnsel vm15, $0x0, v63;
	v5 =	vmin.u32 v5, $0xF423F  }
0x4e: {  	[tilespmem:$0x1E0] =	vst v5;
	v4 =	vmin.u32 v4, $0xF423F  }
0x4f: {  	s3 =	simm.s32 $0x0;
	s7 =	simm.s32 $0x7A1400;
	s0 =	simm.s32 $0x0;
	[tilespmem:$0x1F0] =	vst v4  }
.LBB2_2:
0x50: {  	p0 =	seq.s32 s3, $0x0  }
0x51: {  	[dreg:$0x19] =	wrdreg s0;
	s2 =	simm.s32 @!p0 $0x9  }
0x52: {  	_ =	swait.ge @!p0 [sflag:s2], $0x80  }
0x53: {  	[sflag:s2] =	ssyncset.done @!p0 $0x0  }
0x54: {  	[sflag:s2] =	ssyncadd.s32 @!p0 $0xFFFFFF80  }
0x55: {  	_ =	swait.ge @!p0 [sflag:s2], $0x80  }
0x56: {  	[sflag:s2] =	ssyncset.done @!p0 $0x0  }
0x57: {  	[sflag:s2] =	ssyncadd.s32 @!p0 $0xFFFFFF80  }
0x58: {  	_ =	swait.ge @!p0 [sflag:s2], $0x80  }
0x59: {  	[sflag:s2] =	ssyncset.done @!p0 $0x0  }
0x5a: {  	[sflag:s2] =	ssyncadd.s32 @!p0 $0xFFFFFF80  }
0x5b: {  	_ =	swait.ge @!p0 [sflag:s2], $0x80  }
0x5c: {  	[sflag:s2] =	ssyncset.done @!p0 $0x0  }
0x5d: {  	[sflag:s2] =	ssyncadd.s32 @!p0 $0xFFFFFF80  }
0x5e: {  	_ =	swait.ge @!p0 [sflag:s2], $0x80  }
0x5f: {  	[sflag:s2] =	ssyncset.done @!p0 $0x0  }
0x60: {  	[sflag:s2] =	ssyncadd.s32 @!p0 $0xFFFFFF80  }
0x61: {  	_ =	swait.ge @!p0 [sflag:s2], $0x80  }
0x62: {  	[sflag:s2] =	ssyncset.done @!p0 $0x0  }
0x63: {  	[sflag:s2] =	ssyncadd.s32 @!p0 $0xFFFFFF80  }
0x64: {  	_ =	swait.ge @!p0 [sflag:s2], $0x80  }
0x65: {  	[sflag:s2] =	ssyncset.done @!p0 $0x0  }
0x66: {  	[sflag:s2] =	ssyncadd.s32 @!p0 $0xFFFFFF80  }
0x67: {  	_ =	swait.ge @!p0 [sflag:s2], $0x80  }
0x68: {  	[sflag:s2] =	ssyncset.done @!p0 $0x0  }
0x69: {  	[sflag:s2] =	ssyncadd.s32 @!p0 $0xFFFFFF80  }
0x6a: {  	_ =	swait.ge @!p0 [sflag:s2], $0x80  }
0x6b: {  	[sflag:s2] =	ssyncset.done @!p0 $0x0  }
0x6c: {  	[sflag:s2] =	ssyncadd.s32 @!p0 $0xFFFFFF80  }
0x6d: {  	_ =	swait.ge @!p0 [sflag:s2], $0x80  }
0x6e: {  	[sflag:s2] =	ssyncset.done @!p0 $0x0  }
0x6f: {  	[sflag:s2] =	ssyncadd.s32 @!p0 $0xFFFFFF80  }
0x70: {  	_ =	swait.ge @!p0 [sflag:s2], $0x80  }
0x71: {  	[sflag:s2] =	ssyncset.done @!p0 $0x0  }
0x72: {  	[sflag:s2] =	ssyncadd.s32 @!p0 $0xFFFFFF80  }
0x73: {  	_ =	swait.ge @!p0 [sflag:s2], $0x80  }
0x74: {  	[sflag:s2] =	ssyncset.done @!p0 $0x0  }
0x75: {  	[sflag:s2] =	ssyncadd.s32 @!p0 $0xFFFFFF80  }
0x76: {  	_ =	swait.ge @!p0 [sflag:s2], $0x80  }
0x77: {  	[sflag:s2] =	ssyncset.done @!p0 $0x0  }
0x78: {  	[sflag:s2] =	ssyncadd.s32 @!p0 $0xFFFFFF80  }
0x79: {  	_ =	swait.ge @!p0 [sflag:s2], $0x80  }
0x7a: {  	[sflag:s2] =	ssyncset.done @!p0 $0x0  }
0x7b: {  	[sflag:s2] =	ssyncadd.s32 @!p0 $0xFFFFFF80  }
0x7c: {  	_ =	swait.ge @!p0 [sflag:s2], $0x80  }
0x7d: {  	[sflag:s2] =	ssyncset.done @!p0 $0x0  }
0x7e: {  	[sflag:s2] =	ssyncadd.s32 @!p0 $0xFFFFFF80  }
0x7f: {  	_ =	swait.ge @!p0 [sflag:s2], $0x80  }
0x80: {  	[sflag:s2] =	ssyncset.done @!p0 $0x0  }
0x81: {  	[sflag:s2] =	ssyncadd.s32 @!p0 $0xFFFFFF80  }
0x82: {  	v4 =	vld [tilespmem:s0+$0x0];
	_ =	sdelay $0x4  }
0x83: {  	(v2sf) =	vpush v4, $0x0  }
0x84: {  	(v2sf) =	vpush v4, $0x1;
	_ =	sdelay $0x6  }
0x85: {  	(v2sf) =	vpush v4, $0x2;
	_ =	sdelay $0x6  }
0x86: {  	s2 =	spop (v2sf);
	(v2sf) =	vpush v4, $0x3  }
0x87: {  	s30 =	spop (v2sf);
	(v2sf) =	vpush v4, $0x4;
	_ =	sdelay $0x6  }
0x88: {  	s5 =	sand.u32 $0xFFFFFF80, s2;
	s20 =	spop (v2sf);
	(v2sf) =	vpush v4, $0x5  }
0x89: {  	p0 =	slt.s32 s5, $0xF4180;
	s31 =	sand.u32 $0xFFFFFF80, s30  }
0x8a: {  	s5 =	simm.s32 @!p0 $0xF4180;
	p0 =	slt.s32 s31, $0xF4180  }
0x8b: {  	s29 =	sand.u32 $0xFFFFFF80, s20;
	s6 =	sadd.s32 s1, s5;
	s31 =	simm.s32 @!p0 $0xF4180  }
0x8c: {  	[tilespmem:s8], [sflag:$0x1] =	stream.strided.gather [hbm4b:s6+s19], $0x2000, s7, s19, $0x38;
	[tilespmem:$0x14A00] =	vst v63  }
0x8d: {  	p0 =	slt.s32 s29, $0xF4180;
	s14 =	sadd.s32 s1, s31  }
0x8e: {  	[tilespmem:s4], [sflag:$0x2] =	stream.strided.gather [hbm4b:s14+s19], $0x2000, s7, s19, $0x38;
	[tilespmem:$0x14A00] =	vst v63  }
0x8f: {  	s29 =	simm.s32 @!p0 $0xF4180;
	s22 =	spop (v2sf);
	(v2sf) =	vpush v4, $0x6  }
0x90: {  	s16 =	simm.s32 $0x4200;
	s15 =	sadd.s32 s1, s29;
	s25 =	spop (v2sf);
	(v2sf) =	vpush v4, $0x7  }
0x91: {  	[tilespmem:s16], [sflag:$0x3] =	stream.strided.gather [hbm4b:s15+s19], $0x2000, s7, s19, $0x38;
	[tilespmem:$0x14A00] =	vst v63  }
0x92: {  	s23 =	sand.u32 $0xFFFFFF80, s22  }
0x93: {  	p0 =	slt.s32 s23, $0xF4180;
	s26 =	sand.u32 $0xFFFFFF80, s25  }
0x94: {  	s23 =	simm.s32 @!p0 $0xF4180;
	p0 =	slt.s32 s26, $0xF4180  }
0x95: {  	s21 =	sadd.s32 s1, s23;
	s26 =	simm.s32 @!p0 $0xF4180  }
0x96: {  	[tilespmem:s17], [sflag:$0x4] =	stream.strided.gather [hbm4b:s21+s19], $0x2000, s7, s19, $0x38;
	[tilespmem:$0x14A00] =	vst v63  }
0x97: {  	s28 =	simm.s32 $0x8200;
	s12 =	spop (v2sf);
	s24 =	sadd.s32 s1, s26  }
0x98: {  	[tilespmem:s28], [sflag:$0x5] =	stream.strided.gather [hbm4b:s24+s19], $0x2000, s7, s19, $0x38;
	[tilespmem:$0x14A00] =	vst v63  }
0x99: {  	s28 =	sand.u32 $0xFFFFFF80, s12  }
0x9a: {  	p0 =	slt.s32 s28, $0xF4180  }
0x9b: {  	s28 =	simm.s32 @!p0 $0xF4180  }
0x9c: {  	s9 =	simm.s32 $0xA200;
	s4 =	sadd.s32 s1, s28  }
0x9d: {  	[tilespmem:s9], [sflag:$0x6] =	stream.strided.gather [hbm4b:s4+s19], $0x2000, s7, s19, $0x38;
	[tilespmem:$0x14A00] =	vst v63  }
0x9e: {  	s21 =	spop (v2sf)  }
0x9f: {  	s2 =	ssub.s32 s2, s5;
	s24 =	sand.u32 $0xFFFFFF80, s21;
	s9 =	spop (v2sf)  }
0xa0: {  	p1 =	slt.s32 s2, $0x7F;
	p0 =	slt.s32 s24, $0xF4180;
	s6 =	sand.u32 $0xFFFFFF80, s9  }
0xa1: {  	s2 =	simm.s32 @!p1 $0x7F;
	s24 =	simm.s32 @!p0 $0xF4180;
	p0 =	slt.s32 s6, $0xF4180  }
0xa2: {  	s14 =	simm.s32 $0xC200;
	s11 =	sadd.s32 s1, s24;
	s6 =	simm.s32 @!p0 $0xF4180  }
0xa3: {  	[tilespmem:s14], [sflag:$0x7] =	stream.strided.gather [hbm4b:s11+s19], $0x2000, s7, s19, $0x38;
	[tilespmem:$0x14A00] =	vst v63  }
0xa4: {  	v5 =	vadd.s32 s2, v0;
	s16 =	simm.s32 $0xE200;
	s4 =	simm.s32 $0x1;
	s15 =	sadd.s32 s1, s6  }
0xa5: {  	[tilespmem:s16], [sflag:$0x8] =	stream.strided.gather [hbm4b:s15+s19], $0x2000, s7, s19, $0x38;
	[tilespmem:$0x14A00] =	vst v63  }
0xa6: {  	_ =	swait.ge [sflag:s4], $0x2000  }
0xa7: {  	[sflag:s4] =	ssyncset.done $0x0  }
0xa8: {  	[sflag:s4] =	ssyncadd.s32 $0xFFFFE000  }
0xa9: {  	v5 =	vld.idx.msk [tilespmem:v5+s8+$0x0], $0xffff  }
0xaa: {  	v6 =	vadd.s32 s2, v1;
	_ =	sdelay $0x3  }
0xab: {  	(v2sf) =	vpush v4, $0x8;
	[tilespmem:$0x10200] =	vst v5  }
0xac: {  	v5 =	vld.idx.msk [tilespmem:v6+s8+$0x0], $0xffff  }
0xad: {  	v42 =	vadd.s32 s2, v2;
	_ =	sdelay $0x3  }
0xae: {  	[tilespmem:$0x10210] =	vst v5  }
0xaf: {  	v5 =	vld.idx.msk [tilespmem:v42+s8+$0x0], $0xffff  }
0xb0: {  	v43 =	vadd.s32 s2, v3;
	_ =	sdelay $0x3  }
0xb1: {  	[tilespmem:$0x10220] =	vst v5  }
0xb2: {  	v5 =	vld.idx.msk [tilespmem:v43+s8+$0x0], $0xffff;
	_ =	sdelay $0x1  }
0xb3: {  	s5 =	spop (v2sf);
	s8 =	rddreg [dreg:$0x18]  }
0xb4: {  	s30 =	ssub.s32 s30, s31;
	s2 =	sadd.s32 s3, s8;
	s8 =	sand.u32 $0xFFFFFF80, s5  }
0xb5: {  	p1 =	slt.s32 s30, $0x7F;
	p0 =	slt.s32 s8, $0xF4180  }
0xb6: {  	s30 =	simm.s32 @!p1 $0x7F;
	s0 =	rddreg [dreg:$0x5];
	s8 =	simm.s32 @!p0 $0xF4180;
	[tilespmem:$0x10230] =	vst v5  }
0xb7: {  	[hbm4b:s2+s10] =	stream.linear.scatter [tilespmem:s0], [sflag:$0x9], $0x80, $0x38;
	[tilespmem:$0x14A00] =	vst v63  }
0xb8: {  	s16 =	simm.s32 $0x200;
	s15 =	simm.s32 $0x2;
	s11 =	sadd.s32 s1, s8;
	v5 =	vadd.s32 s30, v0  }
0xb9: {  	[tilespmem:s16], [sflag:$0x1] =	stream.strided.gather [hbm4b:s11+s19], $0x2000, s7, s19, $0x38;
	[tilespmem:$0x14A00] =	vst v63  }
0xba: {  	_ =	swait.ge [sflag:s15], $0x2000  }
0xbb: {  	[sflag:s15] =	ssyncset.done $0x0  }
0xbc: {  	s14 =	simm.s32 $0x2200;
	[sflag:s15] =	ssyncadd.s32 $0xFFFFE000  }
0xbd: {  	v5 =	vld.idx.msk [tilespmem:v5+s14+$0x0], $0xffff  }
0xbe: {  	v44 =	vadd.s32 s30, v1;
	_ =	sdelay $0x3  }
0xbf: {  	(v2sf) =	vpush v4, $0x9;
	[tilespmem:$0x10280] =	vst v5  }
0xc0: {  	v5 =	vld.idx.msk [tilespmem:v44+s14+$0x0], $0xffff  }
0xc1: {  	v45 =	vadd.s32 s30, v2;
	_ =	sdelay $0x3  }
0xc2: {  	[tilespmem:$0x10290] =	vst v5  }
0xc3: {  	v5 =	vld.idx.msk [tilespmem:v45+s14+$0x0], $0xffff  }
0xc4: {  	v46 =	vadd.s32 s30, v3;
	_ =	sdelay $0x3  }
0xc5: {  	[tilespmem:$0x102A0] =	vst v5  }
0xc6: {  	v5 =	vld.idx.msk [tilespmem:v46+s14+$0x0], $0xffff;
	_ =	sdelay $0x1  }
0xc7: {  	s30 =	spop (v2sf)  }
0xc8: {  	s20 =	ssub.s32 s20, s29;
	s31 =	sand.u32 $0xFFFFFF80, s30  }
0xc9: {  	p1 =	slt.s32 s20, $0x7F;
	p0 =	slt.s32 s31, $0xF4180  }
0xca: {  	s0 =	sadd.s32 $0x10, s2;
	s16 =	rddreg [dreg:$0x6];
	s31 =	simm.s32 @!p0 $0xF4180;
	[tilespmem:$0x102B0] =	vst v5  }
0xcb: {  	[hbm4b:s0+s10] =	stream.linear.scatter [tilespmem:s16], [sflag:$0x9], $0x80, $0x38;
	[tilespmem:$0x14A00] =	vst v63  }
0xcc: {  	s20 =	simm.s32 @!p1 $0x7F;
	s11 =	sadd.s32 s1, s31  }
0xcd: {  	v5 =	vadd.s32 s20, v0;
	[tilespmem:s14], [sflag:$0x2] =	stream.strided.gather [hbm4b:s11+s19], $0x2000, s7, s19, $0x38;
	[tilespmem:$0x14A00] =	vst v63  }
0xce: {  	s14 =	simm.s32 $0x3  }
0xcf: {  	_ =	swait.ge [sflag:s14], $0x2000  }
0xd0: {  	[sflag:s14] =	ssyncset.done $0x0  }
0xd1: {  	[sflag:s14] =	ssyncadd.s32 $0xFFFFE000  }
0xd2: {  	v5 =	vld.idx.msk [tilespmem:v5+s13+$0x0], $0xffff  }
0xd3: {  	v47 =	vadd.s32 s20, v1;
	_ =	sdelay $0x3  }
0xd4: {  	(v2sf) =	vpush v4, $0xA;
	[tilespmem:$0x10300] =	vst v5  }
0xd5: {  	v5 =	vld.idx.msk [tilespmem:v47+s13+$0x0], $0xffff  }
0xd6: {  	v48 =	vadd.s32 s20, v2;
	_ =	sdelay $0x3  }
0xd7: {  	[tilespmem:$0x10310] =	vst v5  }
0xd8: {  	v5 =	vld.idx.msk [tilespmem:v48+s13+$0x0], $0xffff  }
0xd9: {  	v49 =	vadd.s32 s20, v3;
	_ =	sdelay $0x3  }
0xda: {  	[tilespmem:$0x10320] =	vst v5  }
0xdb: {  	v5 =	vld.idx.msk [tilespmem:v49+s13+$0x0], $0xffff;
	_ =	sdelay $0x1  }
0xdc: {  	s22 =	ssub.s32 s22, s23;
	s20 =	spop (v2sf)  }
0xdd: {  	p1 =	slt.s32 s22, $0x7F;
	[dreg:$0x1a] =	wrdreg s20;
	s20 =	sand.u32 $0xFFFFFF80, s20  }
0xde: {  	s22 =	simm.s32 @!p1 $0x7F;
	p0 =	slt.s32 s20, $0xF4180  }
0xdf: {  	s16 =	sadd.s32 $0x20, s2;
	s15 =	rddreg [dreg:$0x7];
	s20 =	simm.s32 @!p0 $0xF4180;
	[tilespmem:$0x10330] =	vst v5  }
0xe0: {  	[hbm4b:s16+s10] =	stream.linear.scatter [tilespmem:s15], [sflag:$0x9], $0x80, $0x38;
	[tilespmem:$0x14A00] =	vst v63  }
0xe1: {  	s14 =	simm.s32 $0x4;
	s29 =	sadd.s32 s1, s20;
	v5 =	vadd.s32 s22, v0  }
0xe2: {  	[tilespmem:s13], [sflag:$0x3] =	stream.strided.gather [hbm4b:s29+s19], $0x2000, s7, s19, $0x38;
	[tilespmem:$0x14A00] =	vst v63  }
0xe3: {  	_ =	swait.ge [sflag:s14], $0x2000  }
0xe4: {  	[sflag:s14] =	ssyncset.done $0x0  }
0xe5: {  	[sflag:s14] =	ssyncadd.s32 $0xFFFFE000  }
0xe6: {  	v5 =	vld.idx.msk [tilespmem:v5+s17+$0x0], $0xffff  }
0xe7: {  	v50 =	vadd.s32 s22, v1;
	_ =	sdelay $0x3  }
0xe8: {  	(v2sf) =	vpush v4, $0xB;
	[tilespmem:$0x10380] =	vst v5  }
0xe9: {  	v5 =	vld.idx.msk [tilespmem:v50+s17+$0x0], $0xffff  }
0xea: {  	v51 =	vadd.s32 s22, v2;
	_ =	sdelay $0x3  }
0xeb: {  	[tilespmem:$0x10390] =	vst v5  }
0xec: {  	v5 =	vld.idx.msk [tilespmem:v51+s17+$0x0], $0xffff  }
0xed: {  	v52 =	vadd.s32 s22, v3;
	_ =	sdelay $0x3  }
0xee: {  	[tilespmem:$0x103A0] =	vst v5  }
0xef: {  	v5 =	vld.idx.msk [tilespmem:v52+s17+$0x0], $0xffff;
	_ =	sdelay $0x1  }
0xf0: {  	s25 =	ssub.s32 s25, s26;
	s22 =	spop (v2sf)  }
0xf1: {  	p1 =	slt.s32 s25, $0x7F;
	s23 =	sand.u32 $0xFFFFFF80, s22  }
0xf2: {  	s25 =	simm.s32 @!p1 $0x7F;
	p0 =	slt.s32 s23, $0xF4180  }
0xf3: {  	s11 =	sadd.s32 $0x30, s2;
	s0 =	rddreg [dreg:$0x8];
	s23 =	simm.s32 @!p0 $0xF4180;
	[tilespmem:$0x103B0] =	vst v5  }
0xf4: {  	[hbm4b:s11+s10] =	stream.linear.scatter [tilespmem:s0], [sflag:$0x9], $0x80, $0x38;
	[tilespmem:$0x14A00] =	vst v63  }
0xf5: {  	s15 =	sadd.s32 s1, s23;
	v5 =	vadd.s32 s25, v0;
	s0 =	simm.s32 $0x5  }
0xf6: {  	[tilespmem:s17], [sflag:$0x4] =	stream.strided.gather [hbm4b:s15+s19], $0x2000, s7, s19, $0x38;
	[tilespmem:$0x14A00] =	vst v63  }
0xf7: {  	_ =	swait.ge [sflag:s0], $0x2000  }
0xf8: {  	[sflag:s0] =	ssyncset.done $0x0  }
0xf9: {  	s11 =	simm.s32 $0x8200;
	[sflag:s0] =	ssyncadd.s32 $0xFFFFE000  }
0xfa: {  	v5 =	vld.idx.msk [tilespmem:v5+s11+$0x0], $0xffff  }
0xfb: {  	v53 =	vadd.s32 s25, v1;
	_ =	sdelay $0x3  }
0xfc: {  	[tilespmem:$0x10400] =	vst v5  }
0xfd: {  	v5 =	vld.idx.msk [tilespmem:v53+s11+$0x0], $0xffff  }
0xfe: {  	v54 =	vadd.s32 s25, v2  }
0xff: {  	(v2sf) =	vpush v4, $0xC;
	_ =	sdelay $0x2  }
0x100: {  	[tilespmem:$0x10410] =	vst v5  }
0x101: {  	v5 =	vld.idx.msk [tilespmem:v54+s11+$0x0], $0xffff  }
0x102: {  	v55 =	vadd.s32 s25, v3;
	_ =	sdelay $0x3  }
0x103: {  	[tilespmem:$0x10420] =	vst v5  }
0x104: {  	v5 =	vld.idx.msk [tilespmem:v55+s11+$0x0], $0xffff;
	_ =	sdelay $0x4  }
0x105: {  	s29 =	sadd.s32 $0x40, s2;
	s26 =	rddreg [dreg:$0x9];
	s25 =	spop (v2sf);
	[tilespmem:$0x10430] =	vst v5  }
0x106: {  	[hbm4b:s29+s10] =	stream.linear.scatter [tilespmem:s26], [sflag:$0x9], $0x80, $0x38;
	[tilespmem:$0x14A00] =	vst v63  }
0x107: {  	s12 =	ssub.s32 s12, s28;
	s26 =	sand.u32 $0xFFFFFF80, s25  }
0x108: {  	p1 =	slt.s32 s12, $0x7F;
	p0 =	slt.s32 s26, $0xF4180  }
0x109: {  	s12 =	simm.s32 @!p1 $0x7F;
	s26 =	simm.s32 @!p0 $0xF4180  }
0x10a: {  	s16 =	simm.s32 $0x8200;
	s11 =	simm.s32 $0x6;
	v5 =	vadd.s32 s12, v0;
	s15 =	sadd.s32 s1, s26  }
0x10b: {  	[tilespmem:s16], [sflag:$0x5] =	stream.strided.gather [hbm4b:s15+s19], $0x2000, s7, s19, $0x38;
	[tilespmem:$0x14A00] =	vst v63  }
0x10c: {  	_ =	swait.ge [sflag:s11], $0x2000  }
0x10d: {  	[sflag:s11] =	ssyncset.done $0x0  }
0x10e: {  	s15 =	simm.s32 $0xA200;
	[sflag:s11] =	ssyncadd.s32 $0xFFFFE000  }
0x10f: {  	v5 =	vld.idx.msk [tilespmem:v5+s15+$0x0], $0xffff  }
0x110: {  	v56 =	vadd.s32 s12, v1;
	_ =	sdelay $0x3  }
0x111: {  	(v2sf) =	vpush v4, $0xD;
	[tilespmem:$0x10480] =	vst v5  }
0x112: {  	v5 =	vld.idx.msk [tilespmem:v56+s15+$0x0], $0xffff  }
0x113: {  	v57 =	vadd.s32 s12, v2;
	_ =	sdelay $0x3  }
0x114: {  	[tilespmem:$0x10490] =	vst v5  }
0x115: {  	v5 =	vld.idx.msk [tilespmem:v57+s15+$0x0], $0xffff  }
0x116: {  	v58 =	vadd.s32 s12, v3;
	_ =	sdelay $0x3  }
0x117: {  	[tilespmem:$0x104A0] =	vst v5  }
0x118: {  	v5 =	vld.idx.msk [tilespmem:v58+s15+$0x0], $0xffff;
	_ =	sdelay $0x1  }
0x119: {  	s28 =	spop (v2sf)  }
0x11a: {  	s21 =	ssub.s32 s21, s24;
	s12 =	sand.u32 $0xFFFFFF80, s28  }
0x11b: {  	p1 =	slt.s32 s21, $0x7F;
	p0 =	slt.s32 s12, $0xF4180  }
0x11c: {  	s29 =	sadd.s32 $0x50, s2;
	s16 =	rddreg [dreg:$0xa];
	s12 =	simm.s32 @!p0 $0xF4180;
	[tilespmem:$0x104B0] =	vst v5  }
0x11d: {  	[hbm4b:s29+s10] =	stream.linear.scatter [tilespmem:s16], [sflag:$0x9], $0x80, $0x38;
	[tilespmem:$0x14A00] =	vst v63  }
0x11e: {  	s21 =	simm.s32 @!p1 $0x7F;
	s15 =	simm.s32 $0xA200;
	s16 =	sadd.s32 s1, s12  }
0x11f: {  	v5 =	vadd.s32 s21, v0;
	[tilespmem:s15], [sflag:$0x6] =	stream.strided.gather [hbm4b:s16+s19], $0x2000, s7, s19, $0x38;
	[tilespmem:$0x14A00] =	vst v63  }
0x120: {  	s15 =	simm.s32 $0x7  }
0x121: {  	_ =	swait.ge [sflag:s15], $0x2000  }
0x122: {  	[sflag:s15] =	ssyncset.done $0x0  }
0x123: {  	s29 =	simm.s32 $0xC200;
	[sflag:s15] =	ssyncadd.s32 $0xFFFFE000  }
0x124: {  	v5 =	vld.idx.msk [tilespmem:v5+s29+$0x0], $0xffff  }
0x125: {  	v59 =	vadd.s32 s21, v1;
	_ =	sdelay $0x3  }
0x126: {  	[tilespmem:$0x10500] =	vst v5  }
0x127: {  	v5 =	vld.idx.msk [tilespmem:v59+s29+$0x0], $0xffff  }
0x128: {  	v60 =	vadd.s32 s21, v2  }
0x129: {  	(v2sf) =	vpush v4, $0xE;
	_ =	sdelay $0x2  }
0x12a: {  	[tilespmem:$0x10510] =	vst v5  }
0x12b: {  	v5 =	vld.idx.msk [tilespmem:v60+s29+$0x0], $0xffff  }
0x12c: {  	v61 =	vadd.s32 s21, v3;
	_ =	sdelay $0x3  }
0x12d: {  	[tilespmem:$0x10520] =	vst v5  }
0x12e: {  	v5 =	vld.idx.msk [tilespmem:v61+s29+$0x0], $0xffff;
	_ =	sdelay $0x4  }
0x12f: {  	s16 =	sadd.s32 $0x60, s2;
	s24 =	rddreg [dreg:$0xb];
	s21 =	spop (v2sf);
	[tilespmem:$0x10530] =	vst v5  }
0x130: {  	[hbm4b:s16+s10] =	stream.linear.scatter [tilespmem:s24], [sflag:$0x9], $0x80, $0x38;
	[tilespmem:$0x14A00] =	vst v63  }
0x131: {  	s24 =	sand.u32 $0xFFFFFF80, s21  }
0x132: {  	s6 =	ssub.s32 s9, s6;
	p0 =	slt.s32 s24, $0xF4180  }
0x133: {  	p1 =	slt.s32 s6, $0x7F;
	s24 =	simm.s32 @!p0 $0xF4180  }
0x134: {  	s6 =	simm.s32 @!p1 $0x7F;
	s29 =	simm.s32 $0xC200;
	s16 =	sadd.s32 s1, s24  }
0x135: {  	v5 =	vadd.s32 s6, v0;
	[tilespmem:s29], [sflag:$0x7] =	stream.strided.gather [hbm4b:s16+s19], $0x2000, s7, s19, $0x38;
	[tilespmem:$0x14A00] =	vst v63  }
0x136: {  	s16 =	simm.s32 $0x8  }
0x137: {  	_ =	swait.ge [sflag:s16], $0x2000  }
0x138: {  	[sflag:s16] =	ssyncset.done $0x0  }
0x139: {  	s9 =	simm.s32 $0xE200;
	[sflag:s16] =	ssyncadd.s32 $0xFFFFE000  }
0x13a: {  	v5 =	vld.idx.msk [tilespmem:v5+s9+$0x0], $0xffff  }
0x13b: {  	v62 =	vadd.s32 s6, v1;
	_ =	sdelay $0x3  }
0x13c: {  	[tilespmem:$0x10580] =	vst v5  }
0x13d: {  	v5 =	vld.idx.msk [tilespmem:v62+s9+$0x0], $0xffff  }
0x13e: {  	v63 =	vadd.s32 s6, v2;
	_ =	sdelay $0x2  }
0x13f: {  	(v2sf) =	vpush v4, $0xF  }
0x140: {  	[tilespmem:$0x10590] =	vst v5  }
0x141: {  	v4 =	vld.idx.msk [tilespmem:v63+s9+$0x0], $0xffff  }
0x142: {  	v5 =	vadd.s32 s6, v3;
	_ =	sdelay $0x3  }
0x143: {  	[tilespmem:$0x105A0] =	vst v4  }
0x144: {  	v4 =	vld.idx.msk [tilespmem:v5+s9+$0x0], $0xffff;
	_ =	sdelay $0x4  }
0x145: {  	s6 =	rddreg [dreg:$0xc];
	s9 =	sadd.s32 $0x70, s2;
	[tilespmem:$0x105B0] =	vst v4  }
0x146: {  	[hbm4b:s9+s10] =	stream.linear.scatter [tilespmem:s6], [sflag:$0x9], $0x80, $0x38;
	[tilespmem:$0x14A00] =	vst v63  }
0x147: {  	s6 =	spop (v2sf)  }
0x148: {  	s5 =	ssub.s32 s5, s8;
	s9 =	sand.u32 $0xFFFFFF80, s6  }
0x149: {  	p1 =	slt.s32 s5, $0x7F;
	p0 =	slt.s32 s9, $0xF4180  }
0x14a: {  	s5 =	simm.s32 @!p1 $0x7F;
	s9 =	simm.s32 @!p0 $0xF4180  }
0x14b: {  	v4 =	vadd.s32 s5, v0;
	s8 =	sadd.s32 s1, s9  }
0x14c: {  	[tilespmem:s18], [sflag:$0x8] =	stream.strided.gather [hbm4b:s8+s19], $0x2000, s7, s19, $0x38;
	[tilespmem:$0x14A00] =	vst v63  }
0x14d: {  	_ =	swait.ge [sflag:s4], $0x2000  }
0x14e: {  	[sflag:s4] =	ssyncset.done $0x0  }
0x14f: {  	s8 =	simm.s32 $0x200;
	[sflag:s4] =	ssyncadd.s32 $0xFFFFE000  }
0x150: {  	v4 =	vld.idx.msk [tilespmem:v4+s8+$0x0], $0xffff  }
0x151: {  	v5 =	vadd.s32 s5, v1;
	_ =	sdelay $0x3  }
0x152: {  	s8 =	simm.s32 $0x200;
	[tilespmem:$0x10600] =	vst v4  }
0x153: {  	v4 =	vld.idx.msk [tilespmem:v5+s8+$0x0], $0xffff  }
0x154: {  	v5 =	vadd.s32 s5, v2;
	_ =	sdelay $0x3  }
0x155: {  	s8 =	simm.s32 $0x200;
	[tilespmem:$0x10610] =	vst v4  }
0x156: {  	v4 =	vld.idx.msk [tilespmem:v5+s8+$0x0], $0xffff  }
0x157: {  	v5 =	vadd.s32 s5, v3;
	_ =	sdelay $0x3  }
0x158: {  	s8 =	simm.s32 $0x200;
	[tilespmem:$0x10620] =	vst v4  }
0x159: {  	v4 =	vld.idx.msk [tilespmem:v5+s8+$0x0], $0xffff;
	_ =	sdelay $0x2  }
0x15a: {  	s5 =	ssub.s32 s30, s31  }
0x15b: {  	p0 =	slt.s32 s5, $0x7F  }
0x15c: {  	s31 =	sadd.s32 $0x80, s2;
	s5 =	simm.s32 @!p0 $0x7F;
	s8 =	rddreg [dreg:$0xd];
	[tilespmem:$0x10630] =	vst v4  }
0x15d: {  	v4 =	vadd.s32 s5, v0;
	[hbm4b:s31+s10] =	stream.linear.scatter [tilespmem:s8], [sflag:$0x9], $0x80, $0x38;
	[tilespmem:$0x14A00] =	vst v63  }
0x15e: {  	s31 =	simm.s32 $0x2  }
0x15f: {  	_ =	swait.ge [sflag:s31], $0x2000  }
0x160: {  	[sflag:s31] =	ssyncset.done $0x0  }
0x161: {  	s4 =	simm.s32 $0x2200;
	[sflag:s31] =	ssyncadd.s32 $0xFFFFE000  }
0x162: {  	v4 =	vld.idx.msk [tilespmem:v4+s4+$0x0], $0xffff  }
0x163: {  	v5 =	vadd.s32 s5, v1;
	_ =	sdelay $0x3  }
0x164: {  	[tilespmem:$0x10680] =	vst v4  }
0x165: {  	v4 =	vld.idx.msk [tilespmem:v5+s4+$0x0], $0xffff  }
0x166: {  	v5 =	vadd.s32 s5, v2;
	_ =	sdelay $0x3  }
0x167: {  	[tilespmem:$0x10690] =	vst v4  }
0x168: {  	v4 =	vld.idx.msk [tilespmem:v5+s4+$0x0], $0xffff  }
0x169: {  	v5 =	vadd.s32 s5, v3;
	_ =	sdelay $0x3  }
0x16a: {  	[tilespmem:$0x106A0] =	vst v4  }
0x16b: {  	v4 =	vld.idx.msk [tilespmem:v5+s4+$0x0], $0xffff  }
0x16c: {  	s8 =	rddreg [dreg:$0x1a]  }
0x16d: {  	s5 =	ssub.s32 s8, s20  }
0x16e: {  	p0 =	slt.s32 s5, $0x7F  }
0x16f: {  	s5 =	simm.s32 @!p0 $0x7F  }
0x170: {  	s30 =	rddreg [dreg:$0xe];
	s31 =	sadd.s32 $0x90, s2;
	s20 =	simm.s32 $0x3;
	[tilespmem:$0x106B0] =	vst v4;
	v4 =	vadd.s32 s5, v0  }
0x171: {  	[hbm4b:s31+s10] =	stream.linear.scatter [tilespmem:s30], [sflag:$0x9], $0x80, $0x38;
	[tilespmem:$0x14A00] =	vst v63  }
0x172: {  	_ =	swait.ge [sflag:s20], $0x2000  }
0x173: {  	[sflag:s20] =	ssyncset.done $0x0  }
0x174: {  	[sflag:s20] =	ssyncadd.s32 $0xFFFFE000  }
0x175: {  	v4 =	vld.idx.msk [tilespmem:v4+s13+$0x0], $0xffff  }
0x176: {  	v5 =	vadd.s32 s5, v1;
	_ =	sdelay $0x3  }
0x177: {  	[tilespmem:$0x10700] =	vst v4  }
0x178: {  	v4 =	vld.idx.msk [tilespmem:v5+s13+$0x0], $0xffff  }
0x179: {  	v5 =	vadd.s32 s5, v2;
	_ =	sdelay $0x3  }
0x17a: {  	[tilespmem:$0x10710] =	vst v4  }
0x17b: {  	v4 =	vld.idx.msk [tilespmem:v5+s13+$0x0], $0xffff  }
0x17c: {  	v5 =	vadd.s32 s5, v3;
	_ =	sdelay $0x3  }
0x17d: {  	[tilespmem:$0x10720] =	vst v4  }
0x17e: {  	v4 =	vld.idx.msk [tilespmem:v5+s13+$0x0], $0xffff;
	_ =	sdelay $0x1  }
0x17f: {  	s5 =	ssub.s32 s22, s23  }
0x180: {  	p0 =	slt.s32 s5, $0x7F  }
0x181: {  	s5 =	simm.s32 @!p0 $0x7F  }
0x182: {  	s22 =	rddreg [dreg:$0xf];
	s23 =	sadd.s32 $0xA0, s2;
	[tilespmem:$0x10730] =	vst v4;
	v4 =	vadd.s32 s5, v0  }
0x183: {  	[hbm4b:s23+s10] =	stream.linear.scatter [tilespmem:s22], [sflag:$0x9], $0x80, $0x38;
	[tilespmem:$0x14A00] =	vst v63  }
0x184: {  	_ =	swait.ge [sflag:s14], $0x2000  }
0x185: {  	[sflag:s14] =	ssyncset.done $0x0  }
0x186: {  	[sflag:s14] =	ssyncadd.s32 $0xFFFFE000  }
0x187: {  	v4 =	vld.idx.msk [tilespmem:v4+s17+$0x0], $0xffff  }
0x188: {  	v5 =	vadd.s32 s5, v1;
	_ =	sdelay $0x3  }
0x189: {  	[tilespmem:$0x10780] =	vst v4  }
0x18a: {  	v4 =	vld.idx.msk [tilespmem:v5+s17+$0x0], $0xffff  }
0x18b: {  	v5 =	vadd.s32 s5, v2;
	_ =	sdelay $0x3  }
0x18c: {  	[tilespmem:$0x10790] =	vst v4  }
0x18d: {  	v4 =	vld.idx.msk [tilespmem:v5+s17+$0x0], $0xffff  }
0x18e: {  	v5 =	vadd.s32 s5, v3;
	_ =	sdelay $0x3  }
0x18f: {  	[tilespmem:$0x107A0] =	vst v4  }
0x190: {  	v4 =	vld.idx.msk [tilespmem:v5+s17+$0x0], $0xffff;
	_ =	sdelay $0x1  }
0x191: {  	s5 =	ssub.s32 s25, s26  }
0x192: {  	p0 =	slt.s32 s5, $0x7F  }
0x193: {  	s5 =	simm.s32 @!p0 $0x7F  }
0x194: {  	s30 =	sadd.s32 $0xB0, s2;
	s26 =	rddreg [dreg:$0x10];
	[tilespmem:$0x107B0] =	vst v4;
	v4 =	vadd.s32 s5, v0  }
0x195: {  	[hbm4b:s30+s10] =	stream.linear.scatter [tilespmem:s26], [sflag:$0x9], $0x80, $0x38;
	[tilespmem:$0x14A00] =	vst v63  }
0x196: {  	_ =	swait.ge [sflag:s0], $0x2000  }
0x197: {  	[sflag:s0] =	ssyncset.done $0x0  }
0x198: {  	s31 =	simm.s32 $0x8200;
	[sflag:s0] =	ssyncadd.s32 $0xFFFFE000  }
0x199: {  	v4 =	vld.idx.msk [tilespmem:v4+s31+$0x0], $0xffff  }
0x19a: {  	v5 =	vadd.s32 s5, v1;
	_ =	sdelay $0x3  }
0x19b: {  	[tilespmem:$0x10800] =	vst v4  }
0x19c: {  	v4 =	vld.idx.msk [tilespmem:v5+s31+$0x0], $0xffff  }
0x19d: {  	v5 =	vadd.s32 s5, v2;
	_ =	sdelay $0x3  }
0x19e: {  	[tilespmem:$0x10810] =	vst v4  }
0x19f: {  	v4 =	vld.idx.msk [tilespmem:v5+s31+$0x0], $0xffff  }
0x1a0: {  	v5 =	vadd.s32 s5, v3;
	_ =	sdelay $0x3  }
0x1a1: {  	s8 =	simm.s32 $0x8200;
	[tilespmem:$0x10820] =	vst v4  }
0x1a2: {  	v4 =	vld.idx.msk [tilespmem:v5+s8+$0x0], $0xffff;
	_ =	sdelay $0x1  }
0x1a3: {  	s5 =	ssub.s32 s28, s12  }
0x1a4: {  	p0 =	slt.s32 s5, $0x7F  }
0x1a5: {  	s5 =	simm.s32 @!p0 $0x7F  }
0x1a6: {  	s20 =	sadd.s32 $0xC0, s2;
	s14 =	rddreg [dreg:$0x11];
	[tilespmem:$0x10830] =	vst v4;
	v4 =	vadd.s32 s5, v0  }
0x1a7: {  	[hbm4b:s20+s10] =	stream.linear.scatter [tilespmem:s14], [sflag:$0x9], $0x80, $0x38;
	[tilespmem:$0x14A00] =	vst v63  }
0x1a8: {  	_ =	swait.ge [sflag:s11], $0x2000  }
0x1a9: {  	[sflag:s11] =	ssyncset.done $0x0  }
0x1aa: {  	s22 =	simm.s32 $0xA200;
	[sflag:s11] =	ssyncadd.s32 $0xFFFFE000  }
0x1ab: {  	v4 =	vld.idx.msk [tilespmem:v4+s22+$0x0], $0xffff  }
0x1ac: {  	v5 =	vadd.s32 s5, v1;
	_ =	sdelay $0x3  }
0x1ad: {  	[tilespmem:$0x10880] =	vst v4  }
0x1ae: {  	v4 =	vld.idx.msk [tilespmem:v5+s22+$0x0], $0xffff  }
0x1af: {  	v5 =	vadd.s32 s5, v2;
	_ =	sdelay $0x3  }
0x1b0: {  	[tilespmem:$0x10890] =	vst v4  }
0x1b1: {  	v4 =	vld.idx.msk [tilespmem:v5+s22+$0x0], $0xffff  }
0x1b2: {  	v5 =	vadd.s32 s5, v3;
	_ =	sdelay $0x3  }
0x1b3: {  	s23 =	simm.s32 $0xA200;
	[tilespmem:$0x108A0] =	vst v4  }
0x1b4: {  	v4 =	vld.idx.msk [tilespmem:v5+s23+$0x0], $0xffff;
	_ =	sdelay $0x1  }
0x1b5: {  	s5 =	ssub.s32 s21, s24  }
0x1b6: {  	p0 =	slt.s32 s5, $0x7F  }
0x1b7: {  	s5 =	simm.s32 @!p0 $0x7F  }
0x1b8: {  	s26 =	sadd.s32 $0xD0, s2;
	s25 =	rddreg [dreg:$0x12];
	[tilespmem:$0x108B0] =	vst v4;
	v4 =	vadd.s32 s5, v0  }
0x1b9: {  	[hbm4b:s26+s10] =	stream.linear.scatter [tilespmem:s25], [sflag:$0x9], $0x80, $0x38;
	[tilespmem:$0x14A00] =	vst v63  }
0x1ba: {  	_ =	swait.ge [sflag:s15], $0x2000  }
0x1bb: {  	[sflag:s15] =	ssyncset.done $0x0  }
0x1bc: {  	[sflag:s15] =	ssyncadd.s32 $0xFFFFE000  }
0x1bd: {  	v4 =	vld.idx.msk [tilespmem:v4+s29+$0x0], $0xffff  }
0x1be: {  	v5 =	vadd.s32 s5, v1;
	_ =	sdelay $0x3  }
0x1bf: {  	[tilespmem:$0x10900] =	vst v4  }
0x1c0: {  	v4 =	vld.idx.msk [tilespmem:v5+s29+$0x0], $0xffff  }
0x1c1: {  	v5 =	vadd.s32 s5, v2;
	_ =	sdelay $0x3  }
0x1c2: {  	[tilespmem:$0x10910] =	vst v4  }
0x1c3: {  	v4 =	vld.idx.msk [tilespmem:v5+s29+$0x0], $0xffff  }
0x1c4: {  	v5 =	vadd.s32 s5, v3;
	_ =	sdelay $0x3  }
0x1c5: {  	[tilespmem:$0x10920] =	vst v4  }
0x1c6: {  	v4 =	vld.idx.msk [tilespmem:v5+s29+$0x0], $0xffff;
	_ =	sdelay $0x1  }
0x1c7: {  	s5 =	ssub.s32 s6, s9  }
0x1c8: {  	p0 =	slt.s32 s5, $0x7F  }
0x1c9: {  	s5 =	simm.s32 @!p0 $0x7F  }
0x1ca: {  	s28 =	rddreg [dreg:$0x13];
	s29 =	sadd.s32 $0xE0, s2;
	[tilespmem:$0x10930] =	vst v4;
	v4 =	vadd.s32 s5, v0  }
0x1cb: {  	[hbm4b:s29+s10] =	stream.linear.scatter [tilespmem:s28], [sflag:$0x9], $0x80, $0x38;
	[tilespmem:$0x14A00] =	vst v63  }
0x1cc: {  	_ =	swait.ge [sflag:s16], $0x2000  }
0x1cd: {  	[sflag:s16] =	ssyncset.done $0x0  }
0x1ce: {  	[sflag:s16] =	ssyncadd.s32 $0xFFFFE000  }
0x1cf: {  	v4 =	vld.idx.msk [tilespmem:v4+s18+$0x0], $0xffff  }
0x1d0: {  	v5 =	vadd.s32 s5, v1;
	_ =	sdelay $0x3  }
0x1d1: {  	[tilespmem:$0x10980] =	vst v4  }
0x1d2: {  	v4 =	vld.idx.msk [tilespmem:v5+s18+$0x0], $0xffff  }
0x1d3: {  	v5 =	vadd.s32 s5, v2;
	_ =	sdelay $0x3  }
0x1d4: {  	[tilespmem:$0x10990] =	vst v4  }
0x1d5: {  	v4 =	vld.idx.msk [tilespmem:v5+s18+$0x0], $0xffff  }
0x1d6: {  	v5 =	vadd.s32 s5, v3;
	_ =	sdelay $0x3  }
0x1d7: {  	[tilespmem:$0x109A0] =	vst v4  }
0x1d8: {  	s3 =	sadd.s32 $0x100, s3;
	v4 =	vld.idx.msk [tilespmem:v5+s18+$0x0], $0xffff  }
0x1d9: {  	p0 =	sne.s32 s3, $0x2000  }
.Ltmp2:
0x1da: {  	_ = 	snop;
	(pc) =	sbr.rel @p0 .LBB2_2-.Ltmp2, $4  }
0x1db: {  	_ = 	snop  }
0x1dc: {  	s8 =	simm.s32 $0x200;
	s30 =	rddreg [dreg:$0x19]  }
0x1dd: {  	s2 =	sadd.s32 $0xF0, s2;
	s31 =	rddreg [dreg:$0x14];
	s0 =	sadd.s32 $0x10, s30;
	[tilespmem:$0x109B0] =	vst v4  }
0x1de: {  	[hbm4b:s2+s10] =	stream.linear.scatter [tilespmem:s31], [sflag:$0x9], $0x80, $0x38;
	[tilespmem:$0x14A00] =	vst v63  }
0x1df: {  	s0 =	simm.s32 $0x9  }
0x1e0: {  	_ =	swait.ge [sflag:s0], $0x80  }
0x1e1: {  	[sflag:s0] =	ssyncset.done $0x0  }
0x1e2: {  	[sflag:s0] =	ssyncadd.s32 $0xFFFFFF80  }
0x1e3: {  	_ =	swait.ge [sflag:s0], $0x80  }
0x1e4: {  	[sflag:s0] =	ssyncset.done $0x0  }
0x1e5: {  	[sflag:s0] =	ssyncadd.s32 $0xFFFFFF80  }
0x1e6: {  	_ =	swait.ge [sflag:s0], $0x80  }
0x1e7: {  	[sflag:s0] =	ssyncset.done $0x0  }
0x1e8: {  	[sflag:s0] =	ssyncadd.s32 $0xFFFFFF80  }
0x1e9: {  	_ =	swait.ge [sflag:s0], $0x80  }
0x1ea: {  	[sflag:s0] =	ssyncset.done $0x0  }
0x1eb: {  	[sflag:s0] =	ssyncadd.s32 $0xFFFFFF80  }
0x1ec: {  	_ =	swait.ge [sflag:s0], $0x80  }
0x1ed: {  	[sflag:s0] =	ssyncset.done $0x0  }
0x1ee: {  	[sflag:s0] =	ssyncadd.s32 $0xFFFFFF80  }
0x1ef: {  	_ =	swait.ge [sflag:s0], $0x80  }
0x1f0: {  	[sflag:s0] =	ssyncset.done $0x0  }
0x1f1: {  	[sflag:s0] =	ssyncadd.s32 $0xFFFFFF80  }
0x1f2: {  	_ =	swait.ge [sflag:s0], $0x80  }
0x1f3: {  	[sflag:s0] =	ssyncset.done $0x0  }
0x1f4: {  	[sflag:s0] =	ssyncadd.s32 $0xFFFFFF80  }
0x1f5: {  	_ =	swait.ge [sflag:s0], $0x80  }
0x1f6: {  	[sflag:s0] =	ssyncset.done $0x0  }
0x1f7: {  	[sflag:s0] =	ssyncadd.s32 $0xFFFFFF80  }
0x1f8: {  	_ =	swait.ge [sflag:s0], $0x80  }
0x1f9: {  	[sflag:s0] =	ssyncset.done $0x0  }
0x1fa: {  	[sflag:s0] =	ssyncadd.s32 $0xFFFFFF80  }
0x1fb: {  	_ =	swait.ge [sflag:s0], $0x80  }
0x1fc: {  	[sflag:s0] =	ssyncset.done $0x0  }
0x1fd: {  	[sflag:s0] =	ssyncadd.s32 $0xFFFFFF80  }
0x1fe: {  	_ =	swait.ge [sflag:s0], $0x80  }
0x1ff: {  	[sflag:s0] =	ssyncset.done $0x0  }
0x200: {  	[sflag:s0] =	ssyncadd.s32 $0xFFFFFF80  }
0x201: {  	_ =	swait.ge [sflag:s0], $0x80  }
0x202: {  	[sflag:s0] =	ssyncset.done $0x0  }
0x203: {  	[sflag:s0] =	ssyncadd.s32 $0xFFFFFF80  }
0x204: {  	_ =	swait.ge [sflag:s0], $0x80  }
0x205: {  	[sflag:s0] =	ssyncset.done $0x0  }
0x206: {  	[sflag:s0] =	ssyncadd.s32 $0xFFFFFF80  }
0x207: {  	_ =	swait.ge [sflag:s0], $0x80  }
0x208: {  	[sflag:s0] =	ssyncset.done $0x0  }
0x209: {  	[sflag:s0] =	ssyncadd.s32 $0xFFFFFF80  }
0x20a: {  	_ =	swait.ge [sflag:s0], $0x80  }
0x20b: {  	[sflag:s0] =	ssyncset.done $0x0  }
0x20c: {  	[sflag:s0] =	ssyncadd.s32 $0xFFFFFF80  }
0x20d: {  	_ =	swait.ge [sflag:s0], $0x80  }
.Ltmp3:
0x20e: {  	[sflag:s0] =	ssyncset.done $0x0;
	(pc) =	sbr.rel .LBB2_4-.Ltmp3, $4  }
0x20f: {  	s31 =	simm.s32 $0xA;
	[sflag:s0] =	ssyncadd.s32 $0xFFFFFF80  }
0x210: {  	_ =	swait.ge [sflag:s31], $0x4000  }
0x211: {  	s3 =	simm.s32 $0x0;
	s9 =	simm.s32 $0x0;
	[sflag:s31] =	ssyncset.done $0x0  }
0x212: {  	s0 =	simm.s32 $0x0;
	s7 =	rddreg [dreg:$0x18];
	[sflag:s31] =	ssyncadd.s32 $0xFFFFC000  }
.LBB2_6:
0x213: {  	s3 =	sadd.s32 $0x100, s3  }
0x214: {  	p0 =	sne.s32 s3, $0x2000  }
.Ltmp4:
0x215: {  	_ = 	snop;
	(pc) =	sbr.rel @!p0 .LBB2_7-.Ltmp4, $2  }
0x216: {  	_ =	sdelay $0x2  }
0x217: {  	s0 =	sadd.s32 $0x10, s0  }
.LBB2_4:
0x218: {  	v4 =	vld [tilespmem:s0+$0x0];
	_ =	sdelay $0x4  }
0x219: {  	vm0 =	vgt.s32 v4, $0xF41FF  }
0x21a: {  	v5 =	vmpcnt.ones.xlane vm0;
	_ =	sdelay $0x1  }
0x21b: {  	(v2sf) =	vpush v5, $0x0;
	_ =	sdelay $0xe  }
0x21c: {  	s2 =	spop (v2sf)  }
0x21d: {  	p0 =	slt.s32 s2, $0x1  }
.Ltmp5:
0x21e: {  	_ = 	snop;
	(pc) =	sbr.rel @p0 .LBB2_6-.Ltmp5, $1  }
0x21f: {  	_ =	sdelay $0x3  }
0x220: {  	(v2sf) =	vpush v4, $0x0;
	_ =	sdelay $0xe  }
0x221: {  	s2 =	spop (v2sf)  }
0x222: {  	p1 =	slt.s32 s2, $0xF4200  }
0x223: {  	s2 =	sshll.u32 @!p1 s2, $0x7  }
0x224: {  	v5 =	vlaneseq.u32 @!p1;
	s2 =	sadd.s32 @!p1 $0xF85F0000, s2  }
0x225: {  	v6 =	vor.u32 @!p1 s2, v5;
	_ =	sdelay $0x3  }
0x226: {  	s5 =	simm.s32 @!p1 $0x10A00  }
0x227: {  	v7 =	vor.u32 @!p1 $0x10, v5;
	v6 =	vld.idx.msk @!p1 [tilespmem:v6+s5+$0x0], $0xffff  }
0x228: {  	v7 =	vor.u32 @!p1 s2, v7;
	_ =	sdelay $0x3  }
0x229: {  	[tilespmem:$0x10200] =	vst @!p1 v6  }
0x22a: {  	v6 =	vld.idx.msk @!p1 [tilespmem:v7+s5+$0x0], $0xffff;
	v7 =	vor.u32 @!p1 $0x20, v5  }
0x22b: {  	v7 =	vor.u32 @!p1 s2, v7;
	_ =	sdelay $0x3  }
0x22c: {  	[tilespmem:$0x10210] =	vst @!p1 v6  }
0x22d: {  	v5 =	vor.u32 @!p1 $0x30, v5;
	v6 =	vld.idx.msk @!p1 [tilespmem:v7+s5+$0x0], $0xffff  }
0x22e: {  	v5 =	vor.u32 @!p1 s2, v5;
	_ =	sdelay $0x3  }
0x22f: {  	[tilespmem:$0x10220] =	vst @!p1 v6  }
0x230: {  	v5 =	vld.idx.msk @!p1 [tilespmem:v5+s5+$0x0], $0xffff;
	_ =	sdelay $0x4  }
0x231: {  	s6 =	simm.s32 @!p1 $0x10200;
	s2 =	sadd.s32 @!p1 s3, s7;
	s5 =	simm.s32 @!p1 $0x0;
	[tilespmem:$0x10230] =	vst @!p1 v5  }
0x232: {  	[hbm4b:s2+s5] =	stream.linear.scatter @!p1 [tilespmem:s6], [sflag:$0xA], $0x80, $0x38;
	[tilespmem:$0x14A00] =	vst v63  }
0x233: {  	s2 =	simm.s32 @!p1 $0xA  }
0x234: {  	_ =	swait.ge @!p1 [sflag:s2], $0x80  }
0x235: {  	(v2sf) =	vpush v4, $0x1;
	_ =	sdelay $0xe  }
0x236: {  	s5 =	spop (v2sf)  }
0x237: {  	p0 =	slt.s32 s5, $0xF4200  }
0x238: {  	s5 =	sshll.u32 @!p0 s5, $0x7  }
0x239: {  	v5 =	vlaneseq.u32 @!p0;
	s5 =	sadd.s32 @!p0 $0xF85F0000, s5  }
0x23a: {  	v6 =	vor.u32 @!p0 s5, v5;
	_ =	sdelay $0x2  }
0x23b: {  	[sflag:s2] =	ssyncset.done @!p1 $0x0  }
0x23c: {  	[sflag:s2] =	ssyncadd.s32 @!p1 $0xFFFFFF80;
	s2 =	simm.s32 @!p0 $0x10A00  }
0x23d: {  	v7 =	vor.u32 @!p0 $0x10, v5;
	v6 =	vld.idx.msk @!p0 [tilespmem:v6+s2+$0x0], $0xffff  }
0x23e: {  	v7 =	vor.u32 @!p0 s5, v7;
	_ =	sdelay $0x3  }
0x23f: {  	[tilespmem:$0x10200] =	vst @!p0 v6  }
0x240: {  	v6 =	vld.idx.msk @!p0 [tilespmem:v7+s2+$0x0], $0xffff;
	v7 =	vor.u32 @!p0 $0x20, v5  }
0x241: {  	v7 =	vor.u32 @!p0 s5, v7;
	_ =	sdelay $0x3  }
0x242: {  	[tilespmem:$0x10210] =	vst @!p0 v6  }
0x243: {  	v5 =	vor.u32 @!p0 $0x30, v5;
	v6 =	vld.idx.msk @!p0 [tilespmem:v7+s2+$0x0], $0xffff  }
0x244: {  	v5 =	vor.u32 @!p0 s5, v5;
	_ =	sdelay $0x3  }
0x245: {  	[tilespmem:$0x10220] =	vst @!p0 v6  }
0x246: {  	v5 =	vld.idx.msk @!p0 [tilespmem:v5+s2+$0x0], $0xffff;
	_ =	sdelay $0x3  }
0x247: {  	s2 =	sadd.s32 @!p0 s3, s7  }
0x248: {  	s6 =	simm.s32 @!p0 $0x10200;
	s5 =	simm.s32 @!p0 $0x0;
	s2 =	sadd.s32 @!p0 $0x10, s2;
	[tilespmem:$0x10230] =	vst @!p0 v5  }
0x249: {  	[hbm4b:s2+s5] =	stream.linear.scatter @!p0 [tilespmem:s6], [sflag:$0xA], $0x80, $0x38;
	[tilespmem:$0x14A00] =	vst v63  }
0x24a: {  	s2 =	simm.s32 @!p0 $0xA  }
0x24b: {  	_ =	swait.ge @!p0 [sflag:s2], $0x80  }
0x24c: {  	(v2sf) =	vpush v4, $0x2;
	_ =	sdelay $0xe  }
0x24d: {  	s5 =	spop (v2sf)  }
0x24e: {  	p1 =	slt.s32 s5, $0xF4200  }
0x24f: {  	s5 =	sshll.u32 @!p1 s5, $0x7  }
0x250: {  	v5 =	vlaneseq.u32 @!p1;
	s5 =	sadd.s32 @!p1 $0xF85F0000, s5  }
0x251: {  	v6 =	vor.u32 @!p1 s5, v5;
	_ =	sdelay $0x2  }
0x252: {  	[sflag:s2] =	ssyncset.done @!p0 $0x0  }
0x253: {  	[sflag:s2] =	ssyncadd.s32 @!p0 $0xFFFFFF80;
	s2 =	simm.s32 @!p1 $0x10A00  }
0x254: {  	v7 =	vor.u32 @!p1 $0x10, v5;
	v6 =	vld.idx.msk @!p1 [tilespmem:v6+s2+$0x0], $0xffff  }
0x255: {  	v7 =	vor.u32 @!p1 s5, v7;
	_ =	sdelay $0x3  }
0x256: {  	[tilespmem:$0x10200] =	vst @!p1 v6  }
0x257: {  	v6 =	vld.idx.msk @!p1 [tilespmem:v7+s2+$0x0], $0xffff;
	v7 =	vor.u32 @!p1 $0x20, v5  }
0x258: {  	v7 =	vor.u32 @!p1 s5, v7;
	_ =	sdelay $0x3  }
0x259: {  	[tilespmem:$0x10210] =	vst @!p1 v6  }
0x25a: {  	v5 =	vor.u32 @!p1 $0x30, v5;
	v6 =	vld.idx.msk @!p1 [tilespmem:v7+s2+$0x0], $0xffff  }
0x25b: {  	v5 =	vor.u32 @!p1 s5, v5;
	_ =	sdelay $0x3  }
0x25c: {  	[tilespmem:$0x10220] =	vst @!p1 v6  }
0x25d: {  	v5 =	vld.idx.msk @!p1 [tilespmem:v5+s2+$0x0], $0xffff;
	_ =	sdelay $0x3  }
0x25e: {  	s2 =	sadd.s32 @!p1 s3, s7  }
0x25f: {  	s6 =	simm.s32 @!p1 $0x10200;
	s5 =	simm.s32 @!p1 $0x0;
	s2 =	sadd.s32 @!p1 $0x20, s2;
	[tilespmem:$0x10230] =	vst @!p1 v5  }
0x260: {  	[hbm4b:s2+s5] =	stream.linear.scatter @!p1 [tilespmem:s6], [sflag:$0xA], $0x80, $0x38;
	[tilespmem:$0x14A00] =	vst v63  }
0x261: {  	s2 =	simm.s32 @!p1 $0xA  }
0x262: {  	_ =	swait.ge @!p1 [sflag:s2], $0x80  }
0x263: {  	(v2sf) =	vpush v4, $0x3;
	_ =	sdelay $0xe  }
0x264: {  	s5 =	spop (v2sf)  }
0x265: {  	p0 =	slt.s32 s5, $0xF4200  }
0x266: {  	s5 =	sshll.u32 @!p0 s5, $0x7  }
0x267: {  	v5 =	vlaneseq.u32 @!p0;
	s5 =	sadd.s32 @!p0 $0xF85F0000, s5  }
0x268: {  	v6 =	vor.u32 @!p0 s5, v5;
	_ =	sdelay $0x2  }
0x269: {  	[sflag:s2] =	ssyncset.done @!p1 $0x0  }
0x26a: {  	[sflag:s2] =	ssyncadd.s32 @!p1 $0xFFFFFF80;
	s2 =	simm.s32 @!p0 $0x10A00  }
0x26b: {  	v7 =	vor.u32 @!p0 $0x10, v5;
	v6 =	vld.idx.msk @!p0 [tilespmem:v6+s2+$0x0], $0xffff  }
0x26c: {  	v7 =	vor.u32 @!p0 s5, v7;
	_ =	sdelay $0x3  }
0x26d: {  	[tilespmem:$0x10200] =	vst @!p0 v6  }
0x26e: {  	v6 =	vld.idx.msk @!p0 [tilespmem:v7+s2+$0x0], $0xffff;
	v7 =	vor.u32 @!p0 $0x20, v5  }
0x26f: {  	v7 =	vor.u32 @!p0 s5, v7;
	_ =	sdelay $0x3  }
0x270: {  	[tilespmem:$0x10210] =	vst @!p0 v6  }
0x271: {  	v5 =	vor.u32 @!p0 $0x30, v5;
	v6 =	vld.idx.msk @!p0 [tilespmem:v7+s2+$0x0], $0xffff  }
0x272: {  	v5 =	vor.u32 @!p0 s5, v5;
	_ =	sdelay $0x3  }
0x273: {  	[tilespmem:$0x10220] =	vst @!p0 v6  }
0x274: {  	v5 =	vld.idx.msk @!p0 [tilespmem:v5+s2+$0x0], $0xffff;
	_ =	sdelay $0x3  }
0x275: {  	s2 =	sadd.s32 @!p0 s3, s7  }
0x276: {  	s6 =	simm.s32 @!p0 $0x10200;
	s5 =	simm.s32 @!p0 $0x0;
	s2 =	sadd.s32 @!p0 $0x30, s2;
	[tilespmem:$0x10230] =	vst @!p0 v5  }
0x277: {  	[hbm4b:s2+s5] =	stream.linear.scatter @!p0 [tilespmem:s6], [sflag:$0xA], $0x80, $0x38;
	[tilespmem:$0x14A00] =	vst v63  }
0x278: {  	s2 =	simm.s32 @!p0 $0xA  }
0x279: {  	_ =	swait.ge @!p0 [sflag:s2], $0x80  }
0x27a: {  	(v2sf) =	vpush v4, $0x4;
	_ =	sdelay $0xe  }
0x27b: {  	s5 =	spop (v2sf)  }
0x27c: {  	p1 =	slt.s32 s5, $0xF4200  }
0x27d: {  	s5 =	sshll.u32 @!p1 s5, $0x7  }
0x27e: {  	v5 =	vlaneseq.u32 @!p1;
	s5 =	sadd.s32 @!p1 $0xF85F0000, s5  }
0x27f: {  	v6 =	vor.u32 @!p1 s5, v5;
	_ =	sdelay $0x2  }
0x280: {  	[sflag:s2] =	ssyncset.done @!p0 $0x0  }
0x281: {  	[sflag:s2] =	ssyncadd.s32 @!p0 $0xFFFFFF80;
	s2 =	simm.s32 @!p1 $0x10A00  }
0x282: {  	v7 =	vor.u32 @!p1 $0x10, v5;
	v6 =	vld.idx.msk @!p1 [tilespmem:v6+s2+$0x0], $0xffff  }
0x283: {  	v7 =	vor.u32 @!p1 s5, v7;
	_ =	sdelay $0x3  }
0x284: {  	[tilespmem:$0x10200] =	vst @!p1 v6  }
0x285: {  	v6 =	vld.idx.msk @!p1 [tilespmem:v7+s2+$0x0], $0xffff;
	v7 =	vor.u32 @!p1 $0x20, v5  }
0x286: {  	v7 =	vor.u32 @!p1 s5, v7;
	_ =	sdelay $0x3  }
0x287: {  	[tilespmem:$0x10210] =	vst @!p1 v6  }
0x288: {  	v5 =	vor.u32 @!p1 $0x30, v5;
	v6 =	vld.idx.msk @!p1 [tilespmem:v7+s2+$0x0], $0xffff  }
0x289: {  	v5 =	vor.u32 @!p1 s5, v5;
	_ =	sdelay $0x3  }
0x28a: {  	[tilespmem:$0x10220] =	vst @!p1 v6  }
0x28b: {  	v5 =	vld.idx.msk @!p1 [tilespmem:v5+s2+$0x0], $0xffff;
	_ =	sdelay $0x3  }
0x28c: {  	s2 =	sadd.s32 @!p1 s3, s7  }
0x28d: {  	s6 =	simm.s32 @!p1 $0x10200;
	s5 =	simm.s32 @!p1 $0x0;
	s2 =	sadd.s32 @!p1 $0x40, s2;
	[tilespmem:$0x10230] =	vst @!p1 v5  }
0x28e: {  	[hbm4b:s2+s5] =	stream.linear.scatter @!p1 [tilespmem:s6], [sflag:$0xA], $0x80, $0x38;
	[tilespmem:$0x14A00] =	vst v63  }
0x28f: {  	s2 =	simm.s32 @!p1 $0xA  }
0x290: {  	_ =	swait.ge @!p1 [sflag:s2], $0x80  }
0x291: {  	(v2sf) =	vpush v4, $0x5;
	_ =	sdelay $0xe  }
0x292: {  	s5 =	spop (v2sf)  }
0x293: {  	p0 =	slt.s32 s5, $0xF4200  }
0x294: {  	s5 =	sshll.u32 @!p0 s5, $0x7  }
0x295: {  	v5 =	vlaneseq.u32 @!p0;
	s5 =	sadd.s32 @!p0 $0xF85F0000, s5  }
0x296: {  	v6 =	vor.u32 @!p0 s5, v5;
	_ =	sdelay $0x2  }
0x297: {  	[sflag:s2] =	ssyncset.done @!p1 $0x0  }
0x298: {  	[sflag:s2] =	ssyncadd.s32 @!p1 $0xFFFFFF80;
	s2 =	simm.s32 @!p0 $0x10A00  }
0x299: {  	v7 =	vor.u32 @!p0 $0x10, v5;
	v6 =	vld.idx.msk @!p0 [tilespmem:v6+s2+$0x0], $0xffff  }
0x29a: {  	v7 =	vor.u32 @!p0 s5, v7;
	_ =	sdelay $0x3  }
0x29b: {  	[tilespmem:$0x10200] =	vst @!p0 v6  }
0x29c: {  	v6 =	vld.idx.msk @!p0 [tilespmem:v7+s2+$0x0], $0xffff;
	v7 =	vor.u32 @!p0 $0x20, v5  }
0x29d: {  	v7 =	vor.u32 @!p0 s5, v7;
	_ =	sdelay $0x3  }
0x29e: {  	[tilespmem:$0x10210] =	vst @!p0 v6  }
0x29f: {  	v5 =	vor.u32 @!p0 $0x30, v5;
	v6 =	vld.idx.msk @!p0 [tilespmem:v7+s2+$0x0], $0xffff  }
0x2a0: {  	v5 =	vor.u32 @!p0 s5, v5;
	_ =	sdelay $0x3  }
0x2a1: {  	[tilespmem:$0x10220] =	vst @!p0 v6  }
0x2a2: {  	v5 =	vld.idx.msk @!p0 [tilespmem:v5+s2+$0x0], $0xffff;
	_ =	sdelay $0x3  }
0x2a3: {  	s2 =	sadd.s32 @!p0 s3, s7  }
0x2a4: {  	s6 =	simm.s32 @!p0 $0x10200;
	s5 =	simm.s32 @!p0 $0x0;
	s2 =	sadd.s32 @!p0 $0x50, s2;
	[tilespmem:$0x10230] =	vst @!p0 v5  }
0x2a5: {  	[hbm4b:s2+s5] =	stream.linear.scatter @!p0 [tilespmem:s6], [sflag:$0xA], $0x80, $0x38;
	[tilespmem:$0x14A00] =	vst v63  }
0x2a6: {  	s2 =	simm.s32 @!p0 $0xA  }
0x2a7: {  	_ =	swait.ge @!p0 [sflag:s2], $0x80  }
0x2a8: {  	(v2sf) =	vpush v4, $0x6;
	_ =	sdelay $0xe  }
0x2a9: {  	s5 =	spop (v2sf)  }
0x2aa: {  	p1 =	slt.s32 s5, $0xF4200  }
0x2ab: {  	s5 =	sshll.u32 @!p1 s5, $0x7  }
0x2ac: {  	v5 =	vlaneseq.u32 @!p1;
	s5 =	sadd.s32 @!p1 $0xF85F0000, s5  }
0x2ad: {  	v6 =	vor.u32 @!p1 s5, v5;
	_ =	sdelay $0x2  }
0x2ae: {  	[sflag:s2] =	ssyncset.done @!p0 $0x0  }
0x2af: {  	[sflag:s2] =	ssyncadd.s32 @!p0 $0xFFFFFF80;
	s2 =	simm.s32 @!p1 $0x10A00  }
0x2b0: {  	v7 =	vor.u32 @!p1 $0x10, v5;
	v6 =	vld.idx.msk @!p1 [tilespmem:v6+s2+$0x0], $0xffff  }
0x2b1: {  	v7 =	vor.u32 @!p1 s5, v7;
	_ =	sdelay $0x3  }
0x2b2: {  	[tilespmem:$0x10200] =	vst @!p1 v6  }
0x2b3: {  	v6 =	vld.idx.msk @!p1 [tilespmem:v7+s2+$0x0], $0xffff;
	v7 =	vor.u32 @!p1 $0x20, v5  }
0x2b4: {  	v7 =	vor.u32 @!p1 s5, v7;
	_ =	sdelay $0x3  }
0x2b5: {  	[tilespmem:$0x10210] =	vst @!p1 v6  }
0x2b6: {  	v5 =	vor.u32 @!p1 $0x30, v5;
	v6 =	vld.idx.msk @!p1 [tilespmem:v7+s2+$0x0], $0xffff  }
0x2b7: {  	v5 =	vor.u32 @!p1 s5, v5;
	_ =	sdelay $0x3  }
0x2b8: {  	[tilespmem:$0x10220] =	vst @!p1 v6  }
0x2b9: {  	v5 =	vld.idx.msk @!p1 [tilespmem:v5+s2+$0x0], $0xffff;
	_ =	sdelay $0x3  }
0x2ba: {  	s2 =	sadd.s32 @!p1 s3, s7  }
0x2bb: {  	s6 =	simm.s32 @!p1 $0x10200;
	s5 =	simm.s32 @!p1 $0x0;
	s2 =	sadd.s32 @!p1 $0x60, s2;
	[tilespmem:$0x10230] =	vst @!p1 v5  }
0x2bc: {  	[hbm4b:s2+s5] =	stream.linear.scatter @!p1 [tilespmem:s6], [sflag:$0xA], $0x80, $0x38;
	[tilespmem:$0x14A00] =	vst v63  }
0x2bd: {  	s2 =	simm.s32 @!p1 $0xA  }
0x2be: {  	_ =	swait.ge @!p1 [sflag:s2], $0x80  }
0x2bf: {  	(v2sf) =	vpush v4, $0x7;
	_ =	sdelay $0xe  }
0x2c0: {  	s5 =	spop (v2sf)  }
0x2c1: {  	p0 =	slt.s32 s5, $0xF4200  }
0x2c2: {  	s5 =	sshll.u32 @!p0 s5, $0x7  }
0x2c3: {  	v5 =	vlaneseq.u32 @!p0;
	s5 =	sadd.s32 @!p0 $0xF85F0000, s5  }
0x2c4: {  	v6 =	vor.u32 @!p0 s5, v5;
	_ =	sdelay $0x2  }
0x2c5: {  	[sflag:s2] =	ssyncset.done @!p1 $0x0  }
0x2c6: {  	[sflag:s2] =	ssyncadd.s32 @!p1 $0xFFFFFF80;
	s2 =	simm.s32 @!p0 $0x10A00  }
0x2c7: {  	v7 =	vor.u32 @!p0 $0x10, v5;
	v6 =	vld.idx.msk @!p0 [tilespmem:v6+s2+$0x0], $0xffff  }
0x2c8: {  	v7 =	vor.u32 @!p0 s5, v7;
	_ =	sdelay $0x3  }
0x2c9: {  	[tilespmem:$0x10200] =	vst @!p0 v6  }
0x2ca: {  	v6 =	vld.idx.msk @!p0 [tilespmem:v7+s2+$0x0], $0xffff;
	v7 =	vor.u32 @!p0 $0x20, v5  }
0x2cb: {  	v7 =	vor.u32 @!p0 s5, v7;
	_ =	sdelay $0x3  }
0x2cc: {  	[tilespmem:$0x10210] =	vst @!p0 v6  }
0x2cd: {  	v5 =	vor.u32 @!p0 $0x30, v5;
	v6 =	vld.idx.msk @!p0 [tilespmem:v7+s2+$0x0], $0xffff  }
0x2ce: {  	v5 =	vor.u32 @!p0 s5, v5;
	_ =	sdelay $0x3  }
0x2cf: {  	[tilespmem:$0x10220] =	vst @!p0 v6  }
0x2d0: {  	v5 =	vld.idx.msk @!p0 [tilespmem:v5+s2+$0x0], $0xffff;
	_ =	sdelay $0x3  }
0x2d1: {  	s2 =	sadd.s32 @!p0 s3, s7  }
0x2d2: {  	s6 =	simm.s32 @!p0 $0x10200;
	s5 =	simm.s32 @!p0 $0x0;
	s2 =	sadd.s32 @!p0 $0x70, s2;
	[tilespmem:$0x10230] =	vst @!p0 v5  }
0x2d3: {  	[hbm4b:s2+s5] =	stream.linear.scatter @!p0 [tilespmem:s6], [sflag:$0xA], $0x80, $0x38;
	[tilespmem:$0x14A00] =	vst v63  }
0x2d4: {  	s2 =	simm.s32 @!p0 $0xA  }
0x2d5: {  	_ =	swait.ge @!p0 [sflag:s2], $0x80  }
0x2d6: {  	(v2sf) =	vpush v4, $0x8;
	_ =	sdelay $0xe  }
0x2d7: {  	s5 =	spop (v2sf)  }
0x2d8: {  	p1 =	slt.s32 s5, $0xF4200  }
0x2d9: {  	s5 =	sshll.u32 @!p1 s5, $0x7  }
0x2da: {  	v5 =	vlaneseq.u32 @!p1;
	s5 =	sadd.s32 @!p1 $0xF85F0000, s5  }
0x2db: {  	v6 =	vor.u32 @!p1 s5, v5;
	_ =	sdelay $0x2  }
0x2dc: {  	[sflag:s2] =	ssyncset.done @!p0 $0x0  }
0x2dd: {  	[sflag:s2] =	ssyncadd.s32 @!p0 $0xFFFFFF80;
	s2 =	simm.s32 @!p1 $0x10A00  }
0x2de: {  	v7 =	vor.u32 @!p1 $0x10, v5;
	v6 =	vld.idx.msk @!p1 [tilespmem:v6+s2+$0x0], $0xffff  }
0x2df: {  	v7 =	vor.u32 @!p1 s5, v7;
	_ =	sdelay $0x3  }
0x2e0: {  	[tilespmem:$0x10200] =	vst @!p1 v6  }
0x2e1: {  	v6 =	vld.idx.msk @!p1 [tilespmem:v7+s2+$0x0], $0xffff;
	v7 =	vor.u32 @!p1 $0x20, v5  }
0x2e2: {  	v7 =	vor.u32 @!p1 s5, v7;
	_ =	sdelay $0x3  }
0x2e3: {  	[tilespmem:$0x10210] =	vst @!p1 v6  }
0x2e4: {  	v5 =	vor.u32 @!p1 $0x30, v5;
	v6 =	vld.idx.msk @!p1 [tilespmem:v7+s2+$0x0], $0xffff  }
0x2e5: {  	v5 =	vor.u32 @!p1 s5, v5;
	_ =	sdelay $0x3  }
0x2e6: {  	[tilespmem:$0x10220] =	vst @!p1 v6  }
0x2e7: {  	v5 =	vld.idx.msk @!p1 [tilespmem:v5+s2+$0x0], $0xffff;
	_ =	sdelay $0x3  }
0x2e8: {  	s2 =	sadd.s32 @!p1 s3, s7  }
0x2e9: {  	s6 =	simm.s32 @!p1 $0x10200;
	s5 =	simm.s32 @!p1 $0x0;
	s2 =	sadd.s32 @!p1 $0x80, s2;
	[tilespmem:$0x10230] =	vst @!p1 v5  }
0x2ea: {  	[hbm4b:s2+s5] =	stream.linear.scatter @!p1 [tilespmem:s6], [sflag:$0xA], $0x80, $0x38;
	[tilespmem:$0x14A00] =	vst v63  }
0x2eb: {  	s2 =	simm.s32 @!p1 $0xA  }
0x2ec: {  	_ =	swait.ge @!p1 [sflag:s2], $0x80  }
0x2ed: {  	(v2sf) =	vpush v4, $0x9;
	_ =	sdelay $0xe  }
0x2ee: {  	s5 =	spop (v2sf)  }
0x2ef: {  	p0 =	slt.s32 s5, $0xF4200  }
0x2f0: {  	s5 =	sshll.u32 @!p0 s5, $0x7  }
0x2f1: {  	v5 =	vlaneseq.u32 @!p0;
	s5 =	sadd.s32 @!p0 $0xF85F0000, s5  }
0x2f2: {  	v6 =	vor.u32 @!p0 s5, v5;
	_ =	sdelay $0x2  }
0x2f3: {  	[sflag:s2] =	ssyncset.done @!p1 $0x0  }
0x2f4: {  	[sflag:s2] =	ssyncadd.s32 @!p1 $0xFFFFFF80;
	s2 =	simm.s32 @!p0 $0x10A00  }
0x2f5: {  	v7 =	vor.u32 @!p0 $0x10, v5;
	v6 =	vld.idx.msk @!p0 [tilespmem:v6+s2+$0x0], $0xffff  }
0x2f6: {  	v7 =	vor.u32 @!p0 s5, v7;
	_ =	sdelay $0x3  }
0x2f7: {  	[tilespmem:$0x10200] =	vst @!p0 v6  }
0x2f8: {  	v6 =	vld.idx.msk @!p0 [tilespmem:v7+s2+$0x0], $0xffff;
	v7 =	vor.u32 @!p0 $0x20, v5  }
0x2f9: {  	v7 =	vor.u32 @!p0 s5, v7;
	_ =	sdelay $0x3  }
0x2fa: {  	[tilespmem:$0x10210] =	vst @!p0 v6  }
0x2fb: {  	v5 =	vor.u32 @!p0 $0x30, v5;
	v6 =	vld.idx.msk @!p0 [tilespmem:v7+s2+$0x0], $0xffff  }
0x2fc: {  	v5 =	vor.u32 @!p0 s5, v5;
	_ =	sdelay $0x3  }
0x2fd: {  	[tilespmem:$0x10220] =	vst @!p0 v6  }
0x2fe: {  	v5 =	vld.idx.msk @!p0 [tilespmem:v5+s2+$0x0], $0xffff;
	_ =	sdelay $0x3  }
0x2ff: {  	s2 =	sadd.s32 @!p0 s3, s7  }
0x300: {  	s6 =	simm.s32 @!p0 $0x10200;
	s5 =	simm.s32 @!p0 $0x0;
	s2 =	sadd.s32 @!p0 $0x90, s2;
	[tilespmem:$0x10230] =	vst @!p0 v5  }
0x301: {  	[hbm4b:s2+s5] =	stream.linear.scatter @!p0 [tilespmem:s6], [sflag:$0xA], $0x80, $0x38;
	[tilespmem:$0x14A00] =	vst v63  }
0x302: {  	s2 =	simm.s32 @!p0 $0xA  }
0x303: {  	_ =	swait.ge @!p0 [sflag:s2], $0x80  }
0x304: {  	(v2sf) =	vpush v4, $0xA;
	_ =	sdelay $0xe  }
0x305: {  	s5 =	spop (v2sf)  }
0x306: {  	p1 =	slt.s32 s5, $0xF4200  }
0x307: {  	s5 =	sshll.u32 @!p1 s5, $0x7  }
0x308: {  	v5 =	vlaneseq.u32 @!p1;
	s5 =	sadd.s32 @!p1 $0xF85F0000, s5  }
0x309: {  	v6 =	vor.u32 @!p1 s5, v5;
	_ =	sdelay $0x2  }
0x30a: {  	[sflag:s2] =	ssyncset.done @!p0 $0x0  }
0x30b: {  	[sflag:s2] =	ssyncadd.s32 @!p0 $0xFFFFFF80;
	s2 =	simm.s32 @!p1 $0x10A00  }
0x30c: {  	v7 =	vor.u32 @!p1 $0x10, v5;
	v6 =	vld.idx.msk @!p1 [tilespmem:v6+s2+$0x0], $0xffff  }
0x30d: {  	v7 =	vor.u32 @!p1 s5, v7;
	_ =	sdelay $0x3  }
0x30e: {  	[tilespmem:$0x10200] =	vst @!p1 v6  }
0x30f: {  	v6 =	vld.idx.msk @!p1 [tilespmem:v7+s2+$0x0], $0xffff;
	v7 =	vor.u32 @!p1 $0x20, v5  }
0x310: {  	v7 =	vor.u32 @!p1 s5, v7;
	_ =	sdelay $0x3  }
0x311: {  	[tilespmem:$0x10210] =	vst @!p1 v6  }
0x312: {  	v5 =	vor.u32 @!p1 $0x30, v5;
	v6 =	vld.idx.msk @!p1 [tilespmem:v7+s2+$0x0], $0xffff  }
0x313: {  	v5 =	vor.u32 @!p1 s5, v5;
	_ =	sdelay $0x3  }
0x314: {  	[tilespmem:$0x10220] =	vst @!p1 v6  }
0x315: {  	v5 =	vld.idx.msk @!p1 [tilespmem:v5+s2+$0x0], $0xffff;
	_ =	sdelay $0x3  }
0x316: {  	s2 =	sadd.s32 @!p1 s3, s7  }
0x317: {  	s6 =	simm.s32 @!p1 $0x10200;
	s5 =	simm.s32 @!p1 $0x0;
	s2 =	sadd.s32 @!p1 $0xA0, s2;
	[tilespmem:$0x10230] =	vst @!p1 v5  }
0x318: {  	[hbm4b:s2+s5] =	stream.linear.scatter @!p1 [tilespmem:s6], [sflag:$0xA], $0x80, $0x38;
	[tilespmem:$0x14A00] =	vst v63  }
0x319: {  	s2 =	simm.s32 @!p1 $0xA  }
0x31a: {  	_ =	swait.ge @!p1 [sflag:s2], $0x80  }
0x31b: {  	(v2sf) =	vpush v4, $0xB;
	_ =	sdelay $0xe  }
0x31c: {  	s5 =	spop (v2sf)  }
0x31d: {  	p0 =	slt.s32 s5, $0xF4200  }
0x31e: {  	s5 =	sshll.u32 @!p0 s5, $0x7  }
0x31f: {  	v5 =	vlaneseq.u32 @!p0;
	s5 =	sadd.s32 @!p0 $0xF85F0000, s5  }
0x320: {  	v6 =	vor.u32 @!p0 s5, v5;
	_ =	sdelay $0x2  }
0x321: {  	[sflag:s2] =	ssyncset.done @!p1 $0x0  }
0x322: {  	[sflag:s2] =	ssyncadd.s32 @!p1 $0xFFFFFF80;
	s2 =	simm.s32 @!p0 $0x10A00  }
0x323: {  	v7 =	vor.u32 @!p0 $0x10, v5;
	v6 =	vld.idx.msk @!p0 [tilespmem:v6+s2+$0x0], $0xffff  }
0x324: {  	v7 =	vor.u32 @!p0 s5, v7;
	_ =	sdelay $0x3  }
0x325: {  	[tilespmem:$0x10200] =	vst @!p0 v6  }
0x326: {  	v6 =	vld.idx.msk @!p0 [tilespmem:v7+s2+$0x0], $0xffff;
	v7 =	vor.u32 @!p0 $0x20, v5  }
0x327: {  	v7 =	vor.u32 @!p0 s5, v7;
	_ =	sdelay $0x3  }
0x328: {  	[tilespmem:$0x10210] =	vst @!p0 v6  }
0x329: {  	v5 =	vor.u32 @!p0 $0x30, v5;
	v6 =	vld.idx.msk @!p0 [tilespmem:v7+s2+$0x0], $0xffff  }
0x32a: {  	v5 =	vor.u32 @!p0 s5, v5;
	_ =	sdelay $0x3  }
0x32b: {  	[tilespmem:$0x10220] =	vst @!p0 v6  }
0x32c: {  	v5 =	vld.idx.msk @!p0 [tilespmem:v5+s2+$0x0], $0xffff;
	_ =	sdelay $0x3  }
0x32d: {  	s2 =	sadd.s32 @!p0 s3, s7  }
0x32e: {  	s6 =	simm.s32 @!p0 $0x10200;
	s5 =	simm.s32 @!p0 $0x0;
	s2 =	sadd.s32 @!p0 $0xB0, s2;
	[tilespmem:$0x10230] =	vst @!p0 v5  }
0x32f: {  	[hbm4b:s2+s5] =	stream.linear.scatter @!p0 [tilespmem:s6], [sflag:$0xA], $0x80, $0x38;
	[tilespmem:$0x14A00] =	vst v63  }
0x330: {  	s2 =	simm.s32 @!p0 $0xA  }
0x331: {  	_ =	swait.ge @!p0 [sflag:s2], $0x80  }
0x332: {  	(v2sf) =	vpush v4, $0xC;
	_ =	sdelay $0xe  }
0x333: {  	s5 =	spop (v2sf)  }
0x334: {  	p1 =	slt.s32 s5, $0xF4200  }
0x335: {  	s5 =	sshll.u32 @!p1 s5, $0x7  }
0x336: {  	v5 =	vlaneseq.u32 @!p1;
	s5 =	sadd.s32 @!p1 $0xF85F0000, s5  }
0x337: {  	v6 =	vor.u32 @!p1 s5, v5;
	_ =	sdelay $0x2  }
0x338: {  	[sflag:s2] =	ssyncset.done @!p0 $0x0  }
0x339: {  	[sflag:s2] =	ssyncadd.s32 @!p0 $0xFFFFFF80;
	s2 =	simm.s32 @!p1 $0x10A00  }
0x33a: {  	v7 =	vor.u32 @!p1 $0x10, v5;
	v6 =	vld.idx.msk @!p1 [tilespmem:v6+s2+$0x0], $0xffff  }
0x33b: {  	v7 =	vor.u32 @!p1 s5, v7;
	_ =	sdelay $0x3  }
0x33c: {  	[tilespmem:$0x10200] =	vst @!p1 v6  }
0x33d: {  	v6 =	vld.idx.msk @!p1 [tilespmem:v7+s2+$0x0], $0xffff;
	v7 =	vor.u32 @!p1 $0x20, v5  }
0x33e: {  	v7 =	vor.u32 @!p1 s5, v7;
	_ =	sdelay $0x3  }
0x33f: {  	[tilespmem:$0x10210] =	vst @!p1 v6  }
0x340: {  	v5 =	vor.u32 @!p1 $0x30, v5;
	v6 =	vld.idx.msk @!p1 [tilespmem:v7+s2+$0x0], $0xffff  }
0x341: {  	v5 =	vor.u32 @!p1 s5, v5;
	_ =	sdelay $0x3  }
0x342: {  	[tilespmem:$0x10220] =	vst @!p1 v6  }
0x343: {  	v5 =	vld.idx.msk @!p1 [tilespmem:v5+s2+$0x0], $0xffff;
	_ =	sdelay $0x3  }
0x344: {  	s2 =	sadd.s32 @!p1 s3, s7  }
0x345: {  	s6 =	simm.s32 @!p1 $0x10200;
	s5 =	simm.s32 @!p1 $0x0;
	s2 =	sadd.s32 @!p1 $0xC0, s2;
	[tilespmem:$0x10230] =	vst @!p1 v5  }
0x346: {  	[hbm4b:s2+s5] =	stream.linear.scatter @!p1 [tilespmem:s6], [sflag:$0xA], $0x80, $0x38;
	[tilespmem:$0x14A00] =	vst v63  }
0x347: {  	s2 =	simm.s32 @!p1 $0xA  }
0x348: {  	_ =	swait.ge @!p1 [sflag:s2], $0x80  }
0x349: {  	(v2sf) =	vpush v4, $0xD;
	_ =	sdelay $0xe  }
0x34a: {  	s5 =	spop (v2sf)  }
0x34b: {  	p0 =	slt.s32 s5, $0xF4200  }
0x34c: {  	s5 =	sshll.u32 @!p0 s5, $0x7  }
0x34d: {  	v5 =	vlaneseq.u32 @!p0;
	s5 =	sadd.s32 @!p0 $0xF85F0000, s5  }
0x34e: {  	v6 =	vor.u32 @!p0 s5, v5;
	_ =	sdelay $0x2  }
0x34f: {  	[sflag:s2] =	ssyncset.done @!p1 $0x0  }
0x350: {  	[sflag:s2] =	ssyncadd.s32 @!p1 $0xFFFFFF80;
	s2 =	simm.s32 @!p0 $0x10A00  }
0x351: {  	v7 =	vor.u32 @!p0 $0x10, v5;
	v6 =	vld.idx.msk @!p0 [tilespmem:v6+s2+$0x0], $0xffff  }
0x352: {  	v7 =	vor.u32 @!p0 s5, v7;
	_ =	sdelay $0x3  }
0x353: {  	[tilespmem:$0x10200] =	vst @!p0 v6  }
0x354: {  	v6 =	vld.idx.msk @!p0 [tilespmem:v7+s2+$0x0], $0xffff;
	v7 =	vor.u32 @!p0 $0x20, v5  }
0x355: {  	v7 =	vor.u32 @!p0 s5, v7;
	_ =	sdelay $0x3  }
0x356: {  	[tilespmem:$0x10210] =	vst @!p0 v6  }
0x357: {  	v5 =	vor.u32 @!p0 $0x30, v5;
	v6 =	vld.idx.msk @!p0 [tilespmem:v7+s2+$0x0], $0xffff  }
0x358: {  	v5 =	vor.u32 @!p0 s5, v5;
	_ =	sdelay $0x3  }
0x359: {  	[tilespmem:$0x10220] =	vst @!p0 v6  }
0x35a: {  	v5 =	vld.idx.msk @!p0 [tilespmem:v5+s2+$0x0], $0xffff;
	_ =	sdelay $0x3  }
0x35b: {  	s2 =	sadd.s32 @!p0 s3, s7  }
0x35c: {  	s6 =	simm.s32 @!p0 $0x10200;
	s5 =	simm.s32 @!p0 $0x0;
	s2 =	sadd.s32 @!p0 $0xD0, s2;
	[tilespmem:$0x10230] =	vst @!p0 v5  }
0x35d: {  	[hbm4b:s2+s5] =	stream.linear.scatter @!p0 [tilespmem:s6], [sflag:$0xA], $0x80, $0x38;
	[tilespmem:$0x14A00] =	vst v63  }
0x35e: {  	s2 =	simm.s32 @!p0 $0xA  }
0x35f: {  	_ =	swait.ge @!p0 [sflag:s2], $0x80  }
0x360: {  	(v2sf) =	vpush v4, $0xE;
	_ =	sdelay $0xe  }
0x361: {  	s5 =	spop (v2sf)  }
0x362: {  	p1 =	slt.s32 s5, $0xF4200  }
0x363: {  	s5 =	sshll.u32 @!p1 s5, $0x7  }
0x364: {  	v5 =	vlaneseq.u32 @!p1;
	s5 =	sadd.s32 @!p1 $0xF85F0000, s5  }
0x365: {  	v6 =	vor.u32 @!p1 s5, v5;
	_ =	sdelay $0x2  }
0x366: {  	[sflag:s2] =	ssyncset.done @!p0 $0x0  }
0x367: {  	[sflag:s2] =	ssyncadd.s32 @!p0 $0xFFFFFF80;
	s2 =	simm.s32 @!p1 $0x10A00  }
0x368: {  	v7 =	vor.u32 @!p1 $0x10, v5;
	v6 =	vld.idx.msk @!p1 [tilespmem:v6+s2+$0x0], $0xffff  }
0x369: {  	v7 =	vor.u32 @!p1 s5, v7;
	_ =	sdelay $0x3  }
0x36a: {  	[tilespmem:$0x10200] =	vst @!p1 v6  }
0x36b: {  	v6 =	vld.idx.msk @!p1 [tilespmem:v7+s2+$0x0], $0xffff;
	v7 =	vor.u32 @!p1 $0x20, v5  }
0x36c: {  	v7 =	vor.u32 @!p1 s5, v7;
	_ =	sdelay $0x3  }
0x36d: {  	[tilespmem:$0x10210] =	vst @!p1 v6  }
0x36e: {  	v5 =	vor.u32 @!p1 $0x30, v5;
	v6 =	vld.idx.msk @!p1 [tilespmem:v7+s2+$0x0], $0xffff  }
0x36f: {  	v5 =	vor.u32 @!p1 s5, v5;
	_ =	sdelay $0x3  }
0x370: {  	[tilespmem:$0x10220] =	vst @!p1 v6  }
0x371: {  	v5 =	vld.idx.msk @!p1 [tilespmem:v5+s2+$0x0], $0xffff;
	_ =	sdelay $0x3  }
0x372: {  	s2 =	sadd.s32 @!p1 s3, s7  }
0x373: {  	s6 =	simm.s32 @!p1 $0x10200;
	s5 =	simm.s32 @!p1 $0x0;
	s2 =	sadd.s32 @!p1 $0xE0, s2;
	[tilespmem:$0x10230] =	vst @!p1 v5  }
0x374: {  	[hbm4b:s2+s5] =	stream.linear.scatter @!p1 [tilespmem:s6], [sflag:$0xA], $0x80, $0x38;
	[tilespmem:$0x14A00] =	vst v63  }
0x375: {  	s2 =	simm.s32 @!p1 $0xA  }
0x376: {  	_ =	swait.ge @!p1 [sflag:s2], $0x80  }
0x377: {  	(v2sf) =	vpush v4, $0xF;
	_ =	sdelay $0xe  }
0x378: {  	s5 =	spop (v2sf)  }
0x379: {  	p0 =	slt.s32 s5, $0xF4200  }
0x37a: {  	s5 =	sshll.u32 @!p0 s5, $0x7  }
0x37b: {  	v4 =	vlaneseq.u32 @!p0;
	s5 =	sadd.s32 @!p0 $0xF85F0000, s5  }
0x37c: {  	v5 =	vor.u32 @!p0 s5, v4;
	_ =	sdelay $0x2  }
0x37d: {  	[sflag:s2] =	ssyncset.done @!p1 $0x0  }
0x37e: {  	[sflag:s2] =	ssyncadd.s32 @!p1 $0xFFFFFF80;
	s2 =	simm.s32 @!p0 $0x10A00  }
0x37f: {  	v6 =	vor.u32 @!p0 $0x10, v4;
	v5 =	vld.idx.msk @!p0 [tilespmem:v5+s2+$0x0], $0xffff  }
0x380: {  	v6 =	vor.u32 @!p0 s5, v6;
	_ =	sdelay $0x3  }
0x381: {  	[tilespmem:$0x10200] =	vst @!p0 v5  }
0x382: {  	v5 =	vld.idx.msk @!p0 [tilespmem:v6+s2+$0x0], $0xffff;
	v6 =	vor.u32 @!p0 $0x20, v4  }
0x383: {  	v6 =	vor.u32 @!p0 s5, v6;
	_ =	sdelay $0x3  }
0x384: {  	[tilespmem:$0x10210] =	vst @!p0 v5  }
0x385: {  	v4 =	vor.u32 @!p0 $0x30, v4;
	v5 =	vld.idx.msk @!p0 [tilespmem:v6+s2+$0x0], $0xffff  }
0x386: {  	v4 =	vor.u32 @!p0 s5, v4;
	_ =	sdelay $0x3  }
0x387: {  	[tilespmem:$0x10220] =	vst @!p0 v5  }
0x388: {  	v4 =	vld.idx.msk @!p0 [tilespmem:v4+s2+$0x0], $0xffff;
	_ =	sdelay $0x3  }
0x389: {  	s2 =	sadd.s32 @!p0 s3, s7  }
0x38a: {  	s6 =	simm.s32 @!p0 $0x10200;
	s5 =	simm.s32 @!p0 $0x0;
	s2 =	sadd.s32 @!p0 $0xF0, s2;
	[tilespmem:$0x10230] =	vst @!p0 v4  }
0x38b: {  	[hbm4b:s2+s5] =	stream.linear.scatter @!p0 [tilespmem:s6], [sflag:$0xA], $0x80, $0x38;
	[tilespmem:$0x14A00] =	vst v63  }
.Ltmp6:
0x38c: {  	_ = 	snop;
	(pc) =	sbr.rel .LBB2_6-.Ltmp6, $4  }
0x38d: {  	s2 =	simm.s32 @!p0 $0xA  }
0x38e: {  	_ =	swait.ge @!p0 [sflag:s2], $0x80  }
0x38f: {  	[sflag:s2] =	ssyncset.done @!p0 $0x0  }
0x390: {  	[sflag:s2] =	ssyncadd.s32 @!p0 $0xFFFFFF80  }
.LBB2_8:
0x391: {  	_ =	sfence.sel $0x180000  }
0x392: {  	[bflag:$0x0] =	sbarrier.arrive $0xFFFF  }
0x393: {  	_ =	strace $0x90000047  }
0x394: {  	s0 =	stileid.u32;
	[bflag:$0x2] =	sbarrier.arrive $0xFFFF  }
0x395: {  	p0 =	sne.s32 s0, $0x0;
	s0 =	rddreg [dreg:$0x4]  }
0x396: {  	s0 =	sadd.s32 @!p0 $0x100000, s0  }
0x397: {  	[sflag:s0] =	ssyncadd.tile.s32 @!p0 $0x1;
	_ =	shalt  }
.Lfunc_end2:
_tile_overlayer_lowered:
.L_overlay_start_2:
0x398: {  	(tag) =	ssettag $0x2  }
0x399: {  	s0 =	rddreg [dreg:$0x0];
	s2 =	stileid.u32  }
0x39a: {  	s1 =	rddreg [dreg:$0x1];
	p0 =	sne.s32 s2, $0x0  }
0x39b: {  	s3 =	rddreg [dreg:$0x2];
	[bflag:$0x3] =	sbarrier.arrive $0xFFFF;
	s2 =	simm.s32 @!p0 $0x1C0B  }
0x39c: {  	[timem:s3], [sflag:s2] =	dma.local @!p0 [hbm:s0], s1  }
0x39d: {  	s0 =	simm.s32 @!p0 $0xB  }
0x39e: {  	_ =	swait.ge @!p0 [sflag:s0], s1  }
0x39f: {  	s1 =	ssub.s32 @!p0 $0x0, s1;
	[sflag:s0] =	ssyncset.done @!p0 $0x0  }
0x3a0: {  	[sflag:s0] =	ssyncadd.s32 @!p0 s1  }
0x3a1: {  	[bflag:$0x3] =	sbarrier.arrive $0xFFFF  }
0x3a2: {  	_ =	shalt  }

</sc_bundles>
